<compile_context>
chip_gen: v7x
topology: tpu7x:2x2x1
jax: 0.10.2.dev20260603
libtpu: 0.0.44.dev20260713+nightly
codegen_flags: <defaults>
</compile_context>

<pallas_src>
import functools

import jax
import jax.numpy as jnp
from jax import lax
from jax.experimental import pallas as pl
from jax.experimental.pallas import tpu as pltpu
from jax.experimental.pallas import tpu_sc as plsc

B, IN, HID, OUT = 256, 16384, 4096, 64
NNZ1, NNZ2 = 131072, 16384
NC, NS, L = 2, 16, 16
NB = B // L
MC = 1024
GB = 128


def _sc_sparse_layer(nnz, n_in, n_out):
    per_core = nnz // NC
    n_mchunks = per_core // MC
    mesh = plsc.VectorSubcoreMesh(core_axis_name="c", subcore_axis_name="s")

    @functools.partial(
        pl.kernel,
        out_type=jax.ShapeDtypeStruct((NC, NB, n_out, L), jnp.float32),
        mesh=mesh,
        compiler_params=pltpu.CompilerParams(use_tc_tiling_on_sc=False),
        scratch_types=[
            pltpu.VMEM((2, MC), jnp.int32),
            pltpu.VMEM((2, MC), jnp.int32),
            pltpu.VMEM((2, MC), jnp.float32),
            pltpu.VMEM((2, MC, L), jnp.float32),
            pltpu.VMEM((n_out, L), jnp.float32),
            pltpu.SemaphoreType.DMA,
            pltpu.SemaphoreType.DMA,
        ],
    )
    def layer(xb, out_idx, in_idx, w, out_hbm, mo_v, mi_v, mw_v, rows_v,
              acc_v, sem0, sem1):
        c = lax.axis_index("c")
        bb = lax.axis_index("s")
        sems = (sem0, sem1)

        def zrow(r, carry):
            acc_v[r, pl.ds(0, L)] = jnp.zeros((L,), jnp.float32)
            return carry
        lax.fori_loop(0, n_out, zrow, 0)

        base_row = bb * n_in

        def issue(m, p):
            e0 = c * per_core + m * MC
            pltpu.sync_copy(out_idx.at[pl.ds(e0, MC)], mo_v.at[p])
            pltpu.sync_copy(in_idx.at[pl.ds(e0, MC)], mi_v.at[p])
            pltpu.sync_copy(w.at[pl.ds(e0, MC)], mw_v.at[p])

            def bias_grp(g, carry2):
                sl = pl.ds(g * L, L)
                mi_v[p, sl] = mi_v[p, sl] + base_row
                return carry2
            lax.fori_loop(0, MC // L, bias_grp, 0)
            for gi in range(MC // GB):
                pltpu.async_copy(
                    xb.at[mi_v.at[p].at[pl.ds(gi * GB, GB)]],
                    rows_v.at[p].at[pl.ds(gi * GB, GB)], sems[p])

        def drain_acc(p):
            for gi in range(MC // GB):
                pltpu.make_async_copy(
                    xb.at[mi_v.at[p].at[pl.ds(gi * GB, GB)]],
                    rows_v.at[p].at[pl.ds(gi * GB, GB)], sems[p]).wait()

            def acc_grp(g, carry2):
                e0g = g * L
                o16 = mo_v[p, pl.ds(e0g, L)]
                w16 = mw_v[p, pl.ds(e0g, L)]
                for e16 in range(L):
                    o = o16[e16]
                    wv = w16[e16]
                    acc_v[o, pl.ds(0, L)] = (
                        acc_v[o, pl.ds(0, L)]
                        + rows_v[p, e0g + e16, pl.ds(0, L)] * wv)
                return carry2
            lax.fori_loop(0, MC // L, acc_grp, 0)

        issue(0, 0)

        def mchunk(m, carry):
            @pl.when(lax.rem(m, 2) == 0)
            def _():
                @pl.when(m + 1 < n_mchunks)
                def _():
                    issue(m + 1, 1)
                drain_acc(0)

            @pl.when(lax.rem(m, 2) == 1)
            def _():
                @pl.when(m + 1 < n_mchunks)
                def _():
                    issue(m + 1, 0)
                drain_acc(1)
            return carry
        lax.fori_loop(0, n_mchunks, mchunk, 0)

        pltpu.sync_copy(acc_v, out_hbm.at[c, bb])

    return layer


_layer1 = _sc_sparse_layer(NNZ1, IN, HID)
_layer2 = _sc_sparse_layer(NNZ2, HID, OUT)


def _combine_sigmoid(parts, b):
    n = parts.shape[2]
    blk = 512

    def body(p_ref, b_ref, o_ref):
        o_ref[...] = jax.nn.sigmoid(p_ref[0] + p_ref[1] + b_ref[0][..., None])

    return pl.pallas_call(
        body,
        grid=(NB, n // blk),
        in_specs=[
            pl.BlockSpec((2, 1, blk, L), lambda i, j: (0, i, j, 0)),
            pl.BlockSpec((1, blk), lambda i, j: (0, j)),
        ],
        out_specs=pl.BlockSpec((1, blk, L), lambda i, j: (i, j, 0)),
        out_shape=jax.ShapeDtypeStruct((NB, n, L), jnp.float32),
    )(parts, b.reshape(1, -1)).reshape(NB * n, L)


def _finish(parts, b):
    def body(p_ref, b_ref, o_ref):
        o_ref[...] = p_ref[0] + p_ref[1] + b_ref[0][None, :, None]

    return pl.pallas_call(
        body,
        out_shape=jax.ShapeDtypeStruct((NB, OUT, L), jnp.float32),
    )(parts, b.reshape(1, -1))


@jax.jit
def kernel(x, connections1, connections2, w1, b1, w2, b2):
    xb = x.reshape(NB, L, IN).transpose(0, 2, 1).reshape(NB * IN, L)
    h_parts = _layer1(xb, connections1[0], connections1[1], w1)
    hb = _combine_sigmoid(h_parts, b1)
    o_parts = _layer2(hb, connections2[0], connections2[1], w2)
    ob = _finish(o_parts, b2)
    return ob.transpose(0, 2, 1).reshape(B, OUT)

# --- scband reference (transcript-rebuilt; emitter-appended) ---
"""Pipeline reference for scband-gbag-25074019074664 (READ-ONLY COPY).

The authoritative reference and input builder live on the scoring server;
editing this copy changes nothing except your own understanding.
"""

import jax, jax.numpy as jnp
import numpy as np

B, IN, HID, OUT = 256, 16384, 4096, 64
NNZ1, NNZ2 = 131072, 16384

def setup_inputs(seed: int = 0) -> dict:
    key = jax.random.key(seed)
    ks = jax.random.split(key, 9)
    x = jax.random.normal(ks[0], (B, IN), dtype=jnp.float32)
    # connectivity: row 0 = output-neuron index, row 1 = input-neuron index
    out1 = jax.random.randint(ks[1], (NNZ1,), 0, HID, dtype=jnp.int32)
    in1 = jax.random.randint(ks[2], (NNZ1,), 0, IN, dtype=jnp.int32)
    connections1 = jnp.stack([out1, in1], axis=0)
    out2 = jax.random.randint(ks[3], (NNZ2,), 0, OUT, dtype=jnp.int32)
    in2 = jax.random.randint(ks[4], (NNZ2,), 0, HID, dtype=jnp.int32)
    connections2 = jnp.stack([out2, in2], axis=0)
    # learned parameters of the two SparseLinear layers (one weight per connection + bias)
    fan1 = max(NNZ1 // HID, 1)
    fan2 = max(NNZ2 // OUT, 1)
    w1 = jax.random.normal(ks[5], (NNZ1,), dtype=jnp.float32) / jnp.sqrt(fan1)
    b1 = jnp.zeros((HID,), dtype=jnp.float32)
    w2 = jax.random.normal(ks[6], (NNZ2,), dtype=jnp.float32) / jnp.sqrt(fan2)
    b2 = jnp.zeros((OUT,), dtype=jnp.float32)
    return {"x": x, "connections1": connections1, "connections2": connections2,
            "w1": w1, "b1": b1, "w2": w2, "b2": b2}

def _sparse_linear(x, conn, w, b, out_features):
    # y[:, o] = sum_{c: out[c]==o} w[c] * x[:, in[c]]  + b[o]
    out_idx = conn[0]
    in_idx = conn[1]
    gathered = jnp.take(x, in_idx, axis=1)           # [B, nnz] gather
    vals = gathered * w[None, :]                     # [B, nnz]
    y = jax.ops.segment_sum(vals.T, out_idx, num_segments=out_features)  # [out, B] scatter-add
    return y.T + b[None, :]

def reference(x, connections1, connections2, w1, b1, w2, b2):
    h = _sparse_linear(x, connections1, w1, b1, HID)
    h = jax.nn.sigmoid(h)
    out = _sparse_linear(h, connections2, w2, b2, OUT)
    # NOTE: original forward returns pre-softmax logits (self.output_layer is never applied)
    return out

if __name__ == "__main__":
    import jax
    _d = setup_inputs()
    print(jax.jit(kernel)(*tuple(_d.values())))

</pallas_src>

<mosaic_0001>
#map = affine_map<(d0, d1) -> (0, 0)>
#map1 = affine_map<(d0, d1) -> (0)>
#map2 = affine_map<(d0, d1) -> (0, 0, 0, 0)>
module attributes {stable_mosaic.version = 14 : i64} {
  func.func @layer(%arg0: i32, %arg1: i32, %arg2: memref<65536x16xf32, #tpu.memory_space<hbm>>, %arg3: memref<16384xi32, #tpu.memory_space<hbm>>, %arg4: memref<16384xi32, #tpu.memory_space<hbm>>, %arg5: memref<16384xf32, #tpu.memory_space<hbm>>, %arg6: memref<2x16x64x16xf32, #tpu.memory_space<hbm>>, %arg7: memref<2x1024xi32, #tpu.memory_space<vmem>>, %arg8: memref<2x1024xi32, #tpu.memory_space<vmem>>, %arg9: memref<2x1024xf32, #tpu.memory_space<vmem>>, %arg10: memref<2x1024x16xf32, #tpu.memory_space<vmem>>, %arg11: memref<64x16xf32, #tpu.memory_space<vmem>>, %arg12: memref<!tpu.dma_semaphore, #tpu.memory_space<semaphore_mem>>, %arg13: memref<!tpu.dma_semaphore, #tpu.memory_space<semaphore_mem>>) attributes {dimension_semantics = [#tpu.dimension_semantics<core_parallel>, #tpu.dimension_semantics<subcore_parallel>], iteration_bounds = array<i64: 2, 16>, scalar_prefetch = 0 : i64, scratch_operands = 7 : i64, tpu.core_type = #tpu.core_type<sc_vector_subcore>, window_params = [{transform_indices = #map}, {transform_indices = #map1}, {transform_indices = #map1}, {transform_indices = #map1}, {transform_indices = #map2}]} {
    %scan3A = arith.constant 0 : i32
    %scan3A_0 = arith.constant 0 : i32
    %scan3A_1 = arith.constant 64 : i32
    %scan3A_2 = arith.addi %scan3A_0, %scan3A_1 : i32
    %scan3A_3 = arith.constant 1 : i32
    scf.for %scan3A_158 = %scan3A_0 to %scan3A_2 step %scan3A_3  : i32 {
      %broadcast_in_dim3A = arith.constant 0.000000e+00 : f32
      %broadcast_in_dim3A_159 = vector.broadcast %broadcast_in_dim3A : f32 to vector<16xf32>
      %swap3A = arith.index_cast %scan3A_158 : i32 to index
      %swap3A_160 = arith.constant 0 : index
      %swap3A_161 = tpu.vector_load %arg11[%swap3A, %swap3A_160] {strides = array<i32>} : memref<64x16xf32, #tpu.memory_space<vmem>>, vector<1x16xf32>,
      %swap3A_162 = vector.shape_cast %swap3A_161 : vector<1x16xf32> to vector<16xf32>
      %swap3A_163 = vector.shape_cast %broadcast_in_dim3A_159 : vector<16xf32> to vector<1x16xf32>
      tpu.vector_store %arg11[%swap3A, %swap3A_160], %swap3A_163 {strides = array<i32>} : memref<64x16xf32, #tpu.memory_space<vmem>>, vector<1x16xf32>,
    }
    %scan3A_4 = arith.constant 64 : i32
    %mul3A = arith.constant 4096 : i32
    %mul3A_5 = arith.muli %arg1, %mul3A : i32
    %mul3A_6 = arith.constant 8192 : i32
    %mul3A_7 = arith.muli %arg0, %mul3A_6 : i32
    %add3A = arith.constant 0 : i32
    %add3A_8 = arith.addi %mul3A_7, %add3A : i32
    %run_scoped3A = arith.constant 0 : i32
    "tpu.region"() ({
      %run_scoped3A_158 = tpu.sem_alloc : memref<!tpu.dma_semaphore, #tpu.memory_space<semaphore_mem>>
      %dma_start3A_159 = arith.constant 0 : i32
      %dma_start3A_160 = tpu.memref_slice %arg7[%run_scoped3A, %dma_start3A_159] : memref<2x1024xi32, #tpu.memory_space<vmem>> -> memref<1x1024xi32, #tpu.memory_space<vmem>>
      %dma_start3A_161 = tpu.memref_squeeze %dma_start3A_160 : memref<1x1024xi32, #tpu.memory_space<vmem>> -> memref<1024xi32, #tpu.memory_space<vmem>>
      %dma_start3A_162 = tpu.memref_slice %arg3[%add3A_8] : memref<16384xi32, #tpu.memory_space<hbm>> -> memref<1024xi32, #tpu.memory_space<hbm>>
      %dma_start3A_163 = arith.constant 0 : i32
      %dma_start3A_164 = tpu.memref_slice %arg7[%run_scoped3A, %dma_start3A_163] : memref<2x1024xi32, #tpu.memory_space<vmem>> -> memref<1x1024xi32, #tpu.memory_space<vmem>>
      %dma_start3A_165 = tpu.memref_squeeze %dma_start3A_164 : memref<1x1024xi32, #tpu.memory_space<vmem>> -> memref<1024xi32, #tpu.memory_space<vmem>>
      %dma_start3A_166 = tpu.memref_slice %arg3[%add3A_8] : memref<16384xi32, #tpu.memory_space<hbm>> -> memref<1024xi32, #tpu.memory_space<hbm>>
      tpu.enqueue_dma source(%dma_start3A_166 : memref<1024xi32, #tpu.memory_space<hbm>>) target(%dma_start3A_165 : memref<1024xi32, #tpu.memory_space<vmem>>) target_semaphore(%run_scoped3A_158 : memref<!tpu.dma_semaphore, #tpu.memory_space<semaphore_mem>>)
      %dma_wait3A = arith.constant 0 : i32
      %dma_wait3A_167 = tpu.memref_slice %arg7[%run_scoped3A, %dma_wait3A] : memref<2x1024xi32, #tpu.memory_space<vmem>> -> memref<1x1024xi32, #tpu.memory_space<vmem>>
      %dma_wait3A_168 = tpu.memref_squeeze %dma_wait3A_167 : memref<1x1024xi32, #tpu.memory_space<vmem>> -> memref<1024xi32, #tpu.memory_space<vmem>>
      %dma_wait3A_169 = tpu.memref_slice %arg3[%add3A_8] : memref<16384xi32, #tpu.memory_space<hbm>> -> memref<1024xi32, #tpu.memory_space<hbm>>
      %dma_wait3A_170 = arith.constant 0 : i32
      %dma_wait3A_171 = tpu.memref_slice %arg7[%run_scoped3A, %dma_wait3A_170] : memref<2x1024xi32, #tpu.memory_space<vmem>> -> memref<1x1024xi32, #tpu.memory_space<vmem>>
      %dma_wait3A_172 = tpu.memref_squeeze %dma_wait3A_171 : memref<1x1024xi32, #tpu.memory_space<vmem>> -> memref<1024xi32, #tpu.memory_space<vmem>>
      %dma_wait3A_173 = tpu.memref_slice %arg3[%add3A_8] : memref<16384xi32, #tpu.memory_space<hbm>> -> memref<1024xi32, #tpu.memory_space<hbm>>
      tpu.wait_dma2 semaphore(%run_scoped3A_158 : memref<!tpu.dma_semaphore, #tpu.memory_space<semaphore_mem>>) src(%dma_wait3A_173 : memref<1024xi32, #tpu.memory_space<hbm>>) dst(%dma_wait3A_172 : memref<1024xi32, #tpu.memory_space<vmem>>)
      tpu.yield
    }) : () -> ()
    %run_scoped3A_9 = arith.constant 0 : i32
    "tpu.region"() ({
      %run_scoped3A_158 = tpu.sem_alloc : memref<!tpu.dma_semaphore, #tpu.memory_space<semaphore_mem>>
      %dma_start3A_159 = arith.constant 0 : i32
      %dma_start3A_160 = tpu.memref_slice %arg8[%run_scoped3A_9, %dma_start3A_159] : memref<2x1024xi32, #tpu.memory_space<vmem>> -> memref<1x1024xi32, #tpu.memory_space<vmem>>
      %dma_start3A_161 = tpu.memref_squeeze %dma_start3A_160 : memref<1x1024xi32, #tpu.memory_space<vmem>> -> memref<1024xi32, #tpu.memory_space<vmem>>
      %dma_start3A_162 = tpu.memref_slice %arg4[%add3A_8] : memref<16384xi32, #tpu.memory_space<hbm>> -> memref<1024xi32, #tpu.memory_space<hbm>>
      %dma_start3A_163 = arith.constant 0 : i32
      %dma_start3A_164 = tpu.memref_slice %arg8[%run_scoped3A_9, %dma_start3A_163] : memref<2x1024xi32, #tpu.memory_space<vmem>> -> memref<1x1024xi32, #tpu.memory_space<vmem>>
      %dma_start3A_165 = tpu.memref_squeeze %dma_start3A_164 : memref<1x1024xi32, #tpu.memory_space<vmem>> -> memref<1024xi32, #tpu.memory_space<vmem>>
      %dma_start3A_166 = tpu.memref_slice %arg4[%add3A_8] : memref<16384xi32, #tpu.memory_space<hbm>> -> memref<1024xi32, #tpu.memory_space<hbm>>
      tpu.enqueue_dma source(%dma_start3A_166 : memref<1024xi32, #tpu.memory_space<hbm>>) target(%dma_start3A_165 : memref<1024xi32, #tpu.memory_space<vmem>>) target_semaphore(%run_scoped3A_158 : memref<!tpu.dma_semaphore, #tpu.memory_space<semaphore_mem>>)
      %dma_wait3A = arith.constant 0 : i32
      %dma_wait3A_167 = tpu.memref_slice %arg8[%run_scoped3A_9, %dma_wait3A] : memref<2x1024xi32, #tpu.memory_space<vmem>> -> memref<1x1024xi32, #tpu.memory_space<vmem>>
      %dma_wait3A_168 = tpu.memref_squeeze %dma_wait3A_167 : memref<1x1024xi32, #tpu.memory_space<vmem>> -> memref<1024xi32, #tpu.memory_space<vmem>>
      %dma_wait3A_169 = tpu.memref_slice %arg4[%add3A_8] : memref<16384xi32, #tpu.memory_space<hbm>> -> memref<1024xi32, #tpu.memory_space<hbm>>
      %dma_wait3A_170 = arith.constant 0 : i32
      %dma_wait3A_171 = tpu.memref_slice %arg8[%run_scoped3A_9, %dma_wait3A_170] : memref<2x1024xi32, #tpu.memory_space<vmem>> -> memref<1x1024xi32, #tpu.memory_space<vmem>>
      %dma_wait3A_172 = tpu.memref_squeeze %dma_wait3A_171 : memref<1x1024xi32, #tpu.memory_space<vmem>> -> memref<1024xi32, #tpu.memory_space<vmem>>
      %dma_wait3A_173 = tpu.memref_slice %arg4[%add3A_8] : memref<16384xi32, #tpu.memory_space<hbm>> -> memref<1024xi32, #tpu.memory_space<hbm>>
      tpu.wait_dma2 semaphore(%run_scoped3A_158 : memref<!tpu.dma_semaphore, #tpu.memory_space<semaphore_mem>>) src(%dma_wait3A_173 : memref<1024xi32, #tpu.memory_space<hbm>>) dst(%dma_wait3A_172 : memref<1024xi32, #tpu.memory_space<vmem>>)
      tpu.yield
    }) : () -> ()
    %run_scoped3A_10 = arith.constant 0 : i32
    "tpu.region"() ({
      %run_scoped3A_158 = tpu.sem_alloc : memref<!tpu.dma_semaphore, #tpu.memory_space<semaphore_mem>>
      %dma_start3A_159 = arith.constant 0 : i32
      %dma_start3A_160 = tpu.memref_slice %arg9[%run_scoped3A_10, %dma_start3A_159] : memref<2x1024xf32, #tpu.memory_space<vmem>> -> memref<1x1024xf32, #tpu.memory_space<vmem>>
      %dma_start3A_161 = tpu.memref_squeeze %dma_start3A_160 : memref<1x1024xf32, #tpu.memory_space<vmem>> -> memref<1024xf32, #tpu.memory_space<vmem>>
      %dma_start3A_162 = tpu.memref_slice %arg5[%add3A_8] : memref<16384xf32, #tpu.memory_space<hbm>> -> memref<1024xf32, #tpu.memory_space<hbm>>
      %dma_start3A_163 = arith.constant 0 : i32
      %dma_start3A_164 = tpu.memref_slice %arg9[%run_scoped3A_10, %dma_start3A_163] : memref<2x1024xf32, #tpu.memory_space<vmem>> -> memref<1x1024xf32, #tpu.memory_space<vmem>>
      %dma_start3A_165 = tpu.memref_squeeze %dma_start3A_164 : memref<1x1024xf32, #tpu.memory_space<vmem>> -> memref<1024xf32, #tpu.memory_space<vmem>>
      %dma_start3A_166 = tpu.memref_slice %arg5[%add3A_8] : memref<16384xf32, #tpu.memory_space<hbm>> -> memref<1024xf32, #tpu.memory_space<hbm>>
      tpu.enqueue_dma source(%dma_start3A_166 : memref<1024xf32, #tpu.memory_space<hbm>>) target(%dma_start3A_165 : memref<1024xf32, #tpu.memory_space<vmem>>) target_semaphore(%run_scoped3A_158 : memref<!tpu.dma_semaphore, #tpu.memory_space<semaphore_mem>>)
      %dma_wait3A = arith.constant 0 : i32
      %dma_wait3A_167 = tpu.memref_slice %arg9[%run_scoped3A_10, %dma_wait3A] : memref<2x1024xf32, #tpu.memory_space<vmem>> -> memref<1x1024xf32, #tpu.memory_space<vmem>>
      %dma_wait3A_168 = tpu.memref_squeeze %dma_wait3A_167 : memref<1x1024xf32, #tpu.memory_space<vmem>> -> memref<1024xf32, #tpu.memory_space<vmem>>
      %dma_wait3A_169 = tpu.memref_slice %arg5[%add3A_8] : memref<16384xf32, #tpu.memory_space<hbm>> -> memref<1024xf32, #tpu.memory_space<hbm>>
      %dma_wait3A_170 = arith.constant 0 : i32
      %dma_wait3A_171 = tpu.memref_slice %arg9[%run_scoped3A_10, %dma_wait3A_170] : memref<2x1024xf32, #tpu.memory_space<vmem>> -> memref<1x1024xf32, #tpu.memory_space<vmem>>
      %dma_wait3A_172 = tpu.memref_squeeze %dma_wait3A_171 : memref<1x1024xf32, #tpu.memory_space<vmem>> -> memref<1024xf32, #tpu.memory_space<vmem>>
      %dma_wait3A_173 = tpu.memref_slice %arg5[%add3A_8] : memref<16384xf32, #tpu.memory_space<hbm>> -> memref<1024xf32, #tpu.memory_space<hbm>>
      tpu.wait_dma2 semaphore(%run_scoped3A_158 : memref<!tpu.dma_semaphore, #tpu.memory_space<semaphore_mem>>) src(%dma_wait3A_173 : memref<1024xf32, #tpu.memory_space<hbm>>) dst(%dma_wait3A_172 : memref<1024xf32, #tpu.memory_space<vmem>>)
      tpu.yield
    }) : () -> ()
    %scan3A_11 = arith.constant 0 : i32
    %scan3A_12 = arith.constant 0 : i32
    %scan3A_13 = arith.constant 64 : i32
    %scan3A_14 = arith.addi %scan3A_12, %scan3A_13 : i32
    %scan3A_15 = arith.constant 1 : i32
    scf.for %scan3A_158 = %scan3A_12 to %scan3A_14 step %scan3A_15  : i32 {
      %mul3A_159 = arith.constant 16 : i32
      %mul3A_160 = arith.muli %scan3A_158, %mul3A_159 : i32
      %get3A = arith.constant 0 : i32
      %get3A_161 = arith.index_cast %get3A : i32 to index
      %get3A_162 = arith.index_cast %mul3A_160 : i32 to index
      %get3A_163 = tpu.vector_load %arg8[%get3A_161, %get3A_162] {strides = array<i32>} : memref<2x1024xi32, #tpu.memory_space<vmem>>, vector<1x16xi32>,
      %get3A_164 = vector.shape_cast %get3A_163 : vector<1x16xi32> to vector<16xi32>
      %add3A_165 = vector.broadcast %mul3A_5 : i32 to vector<16xi32>
      %add3A_166 = arith.addi %get3A_164, %add3A_165 : vector<16xi32>
      %swap3A = arith.constant 0 : i32
      %swap3A_167 = arith.index_cast %swap3A : i32 to index
      %swap3A_168 = arith.index_cast %mul3A_160 : i32 to index
      %swap3A_169 = tpu.vector_load %arg8[%swap3A_167, %swap3A_168] {strides = array<i32>} : memref<2x1024xi32, #tpu.memory_space<vmem>>, vector<1x16xi32>,
      %swap3A_170 = vector.shape_cast %swap3A_169 : vector<1x16xi32> to vector<16xi32>
      %swap3A_171 = vector.shape_cast %add3A_166 : vector<16xi32> to vector<1x16xi32>
      tpu.vector_store %arg8[%swap3A_167, %swap3A_168], %swap3A_171 {strides = array<i32>} : memref<2x1024xi32, #tpu.memory_space<vmem>>, vector<1x16xi32>,
    }
    %scan3A_16 = arith.constant 64 : i32
    %dma_start3A = arith.constant 0 : i32
    %dma_start3A_17 = arith.constant 0 : i32
    %dma_start3A_18 = arith.constant 0 : i32
    %dma_start3A_19 = arith.constant 0 : i32
    %dma_start3A_20 = tpu.memref_slice %arg10[%dma_start3A_17, %dma_start3A_18, %dma_start3A_19] : memref<2x1024x16xf32, #tpu.memory_space<vmem>> -> memref<1x1024x16xf32, #tpu.memory_space<vmem>>
    %dma_start3A_21 = tpu.memref_squeeze %dma_start3A_20 : memref<1x1024x16xf32, #tpu.memory_space<vmem>> -> memref<1024x16xf32, #tpu.memory_space<vmem>>
    %dma_start3A_22 = arith.constant 0 : i32
    %dma_start3A_23 = arith.constant 0 : i32
    %dma_start3A_24 = tpu.memref_slice %dma_start3A_21[%dma_start3A_22, %dma_start3A_23] : memref<1024x16xf32, #tpu.memory_space<vmem>> -> memref<128x16xf32, #tpu.memory_space<vmem>>
    %dma_start3A_25 = arith.constant 0 : i32
    %dma_start3A_26 = tpu.memref_slice %arg8[%dma_start3A, %dma_start3A_25] : memref<2x1024xi32, #tpu.memory_space<vmem>> -> memref<1x1024xi32, #tpu.memory_space<vmem>>
    %dma_start3A_27 = tpu.memref_squeeze %dma_start3A_26 : memref<1x1024xi32, #tpu.memory_space<vmem>> -> memref<1024xi32, #tpu.memory_space<vmem>>
    %dma_start3A_28 = arith.constant 0 : i32
    %dma_start3A_29 = tpu.memref_slice %dma_start3A_27[%dma_start3A_28] : memref<1024xi32, #tpu.memory_space<vmem>> -> memref<128xi32, #tpu.memory_space<vmem>>
    %dma_start3A_30 = arith.constant 0 : i32
    %dma_start3A_31 = arith.constant 0 : i32
    %dma_start3A_32 = tpu.memref_slice %arg2[%dma_start3A_30, %dma_start3A_31] : memref<65536x16xf32, #tpu.memory_space<hbm>> -> memref<65536x16xf32, #tpu.memory_space<hbm>>
    tpu.enqueue_indirect_dma source(%dma_start3A_32 : memref<65536x16xf32, #tpu.memory_space<hbm>>) target(%dma_start3A_24 : memref<128x16xf32, #tpu.memory_space<vmem>>) offsets(%dma_start3A_29 : memref<128xi32, #tpu.memory_space<vmem>>) semaphore(%arg12 : memref<!tpu.dma_semaphore, #tpu.memory_space<semaphore_mem>>)
    %dma_start3A_33 = arith.constant 0 : i32
    %dma_start3A_34 = arith.constant 0 : i32
    %dma_start3A_35 = arith.constant 0 : i32
    %dma_start3A_36 = arith.constant 0 : i32
    %dma_start3A_37 = tpu.memref_slice %arg10[%dma_start3A_34, %dma_start3A_35, %dma_start3A_36] : memref<2x1024x16xf32, #tpu.memory_space<vmem>> -> memref<1x1024x16xf32, #tpu.memory_space<vmem>>
    %dma_start3A_38 = tpu.memref_squeeze %dma_start3A_37 : memref<1x1024x16xf32, #tpu.memory_space<vmem>> -> memref<1024x16xf32, #tpu.memory_space<vmem>>
    %dma_start3A_39 = arith.constant 128 : i32
    %dma_start3A_40 = arith.constant 0 : i32
    %dma_start3A_41 = tpu.memref_slice %dma_start3A_38[%dma_start3A_39, %dma_start3A_40] : memref<1024x16xf32, #tpu.memory_space<vmem>> -> memref<128x16xf32, #tpu.memory_space<vmem>>
    %dma_start3A_42 = arith.constant 0 : i32
    %dma_start3A_43 = tpu.memref_slice %arg8[%dma_start3A_33, %dma_start3A_42] : memref<2x1024xi32, #tpu.memory_space<vmem>> -> memref<1x1024xi32, #tpu.memory_space<vmem>>
    %dma_start3A_44 = tpu.memref_squeeze %dma_start3A_43 : memref<1x1024xi32, #tpu.memory_space<vmem>> -> memref<1024xi32, #tpu.memory_space<vmem>>
    %dma_start3A_45 = arith.constant 128 : i32
    %dma_start3A_46 = tpu.memref_slice %dma_start3A_44[%dma_start3A_45] : memref<1024xi32, #tpu.memory_space<vmem>> -> memref<128xi32, #tpu.memory_space<vmem>>
    %dma_start3A_47 = arith.constant 0 : i32
    %dma_start3A_48 = arith.constant 0 : i32
    %dma_start3A_49 = tpu.memref_slice %arg2[%dma_start3A_47, %dma_start3A_48] : memref<65536x16xf32, #tpu.memory_space<hbm>> -> memref<65536x16xf32, #tpu.memory_space<hbm>>
    tpu.enqueue_indirect_dma source(%dma_start3A_49 : memref<65536x16xf32, #tpu.memory_space<hbm>>) target(%dma_start3A_41 : memref<128x16xf32, #tpu.memory_space<vmem>>) offsets(%dma_start3A_46 : memref<128xi32, #tpu.memory_space<vmem>>) semaphore(%arg12 : memref<!tpu.dma_semaphore, #tpu.memory_space<semaphore_mem>>)
    %dma_start3A_50 = arith.constant 0 : i32
    %dma_start3A_51 = arith.constant 0 : i32
    %dma_start3A_52 = arith.constant 0 : i32
    %dma_start3A_53 = arith.constant 0 : i32
    %dma_start3A_54 = tpu.memref_slice %arg10[%dma_start3A_51, %dma_start3A_52, %dma_start3A_53] : memref<2x1024x16xf32, #tpu.memory_space<vmem>> -> memref<1x1024x16xf32, #tpu.memory_space<vmem>>
    %dma_start3A_55 = tpu.memref_squeeze %dma_start3A_54 : memref<1x1024x16xf32, #tpu.memory_space<vmem>> -> memref<1024x16xf32, #tpu.memory_space<vmem>>
    %dma_start3A_56 = arith.constant 256 : i32
    %dma_start3A_57 = arith.constant 0 : i32
    %dma_start3A_58 = tpu.memref_slice %dma_start3A_55[%dma_start3A_56, %dma_start3A_57] : memref<1024x16xf32, #tpu.memory_space<vmem>> -> memref<128x16xf32, #tpu.memory_space<vmem>>
    %dma_start3A_59 = arith.constant 0 : i32
    %dma_start3A_60 = tpu.memref_slice %arg8[%dma_start3A_50, %dma_start3A_59] : memref<2x1024xi32, #tpu.memory_space<vmem>> -> memref<1x1024xi32, #tpu.memory_space<vmem>>
    %dma_start3A_61 = tpu.memref_squeeze %dma_start3A_60 : memref<1x1024xi32, #tpu.memory_space<vmem>> -> memref<1024xi32, #tpu.memory_space<vmem>>
    %dma_start3A_62 = arith.constant 256 : i32
    %dma_start3A_63 = tpu.memref_slice %dma_start3A_61[%dma_start3A_62] : memref<1024xi32, #tpu.memory_space<vmem>> -> memref<128xi32, #tpu.memory_space<vmem>>
    %dma_start3A_64 = arith.constant 0 : i32
    %dma_start3A_65 = arith.constant 0 : i32
    %dma_start3A_66 = tpu.memref_slice %arg2[%dma_start3A_64, %dma_start3A_65] : memref<65536x16xf32, #tpu.memory_space<hbm>> -> memref<65536x16xf32, #tpu.memory_space<hbm>>
    tpu.enqueue_indirect_dma source(%dma_start3A_66 : memref<65536x16xf32, #tpu.memory_space<hbm>>) target(%dma_start3A_58 : memref<128x16xf32, #tpu.memory_space<vmem>>) offsets(%dma_start3A_63 : memref<128xi32, #tpu.memory_space<vmem>>) semaphore(%arg12 : memref<!tpu.dma_semaphore, #tpu.memory_space<semaphore_mem>>)
    %dma_start3A_67 = arith.constant 0 : i32
    %dma_start3A_68 = arith.constant 0 : i32
    %dma_start3A_69 = arith.constant 0 : i32
    %dma_start3A_70 = arith.constant 0 : i32
    %dma_start3A_71 = tpu.memref_slice %arg10[%dma_start3A_68, %dma_start3A_69, %dma_start3A_70] : memref<2x1024x16xf32, #tpu.memory_space<vmem>> -> memref<1x1024x16xf32, #tpu.memory_space<vmem>>
    %dma_start3A_72 = tpu.memref_squeeze %dma_start3A_71 : memref<1x1024x16xf32, #tpu.memory_space<vmem>> -> memref<1024x16xf32, #tpu.memory_space<vmem>>
    %dma_start3A_73 = arith.constant 384 : i32
    %dma_start3A_74 = arith.constant 0 : i32
    %dma_start3A_75 = tpu.memref_slice %dma_start3A_72[%dma_start3A_73, %dma_start3A_74] : memref<1024x16xf32, #tpu.memory_space<vmem>> -> memref<128x16xf32, #tpu.memory_space<vmem>>
    %dma_start3A_76 = arith.constant 0 : i32
    %dma_start3A_77 = tpu.memref_slice %arg8[%dma_start3A_67, %dma_start3A_76] : memref<2x1024xi32, #tpu.memory_space<vmem>> -> memref<1x1024xi32, #tpu.memory_space<vmem>>
    %dma_start3A_78 = tpu.memref_squeeze %dma_start3A_77 : memref<1x1024xi32, #tpu.memory_space<vmem>> -> memref<1024xi32, #tpu.memory_space<vmem>>
    %dma_start3A_79 = arith.constant 384 : i32
    %dma_start3A_80 = tpu.memref_slice %dma_start3A_78[%dma_start3A_79] : memref<1024xi32, #tpu.memory_space<vmem>> -> memref<128xi32, #tpu.memory_space<vmem>>
    %dma_start3A_81 = arith.constant 0 : i32
    %dma_start3A_82 = arith.constant 0 : i32
    %dma_start3A_83 = tpu.memref_slice %arg2[%dma_start3A_81, %dma_start3A_82] : memref<65536x16xf32, #tpu.memory_space<hbm>> -> memref<65536x16xf32, #tpu.memory_space<hbm>>
    tpu.enqueue_indirect_dma source(%dma_start3A_83 : memref<65536x16xf32, #tpu.memory_space<hbm>>) target(%dma_start3A_75 : memref<128x16xf32, #tpu.memory_space<vmem>>) offsets(%dma_start3A_80 : memref<128xi32, #tpu.memory_space<vmem>>) semaphore(%arg12 : memref<!tpu.dma_semaphore, #tpu.memory_space<semaphore_mem>>)
    %dma_start3A_84 = arith.constant 0 : i32
    %dma_start3A_85 = arith.constant 0 : i32
    %dma_start3A_86 = arith.constant 0 : i32
    %dma_start3A_87 = arith.constant 0 : i32
    %dma_start3A_88 = tpu.memref_slice %arg10[%dma_start3A_85, %dma_start3A_86, %dma_start3A_87] : memref<2x1024x16xf32, #tpu.memory_space<vmem>> -> memref<1x1024x16xf32, #tpu.memory_space<vmem>>
    %dma_start3A_89 = tpu.memref_squeeze %dma_start3A_88 : memref<1x1024x16xf32, #tpu.memory_space<vmem>> -> memref<1024x16xf32, #tpu.memory_space<vmem>>
    %dma_start3A_90 = arith.constant 512 : i32
    %dma_start3A_91 = arith.constant 0 : i32
    %dma_start3A_92 = tpu.memref_slice %dma_start3A_89[%dma_start3A_90, %dma_start3A_91] : memref<1024x16xf32, #tpu.memory_space<vmem>> -> memref<128x16xf32, #tpu.memory_space<vmem>>
    %dma_start3A_93 = arith.constant 0 : i32
    %dma_start3A_94 = tpu.memref_slice %arg8[%dma_start3A_84, %dma_start3A_93] : memref<2x1024xi32, #tpu.memory_space<vmem>> -> memref<1x1024xi32, #tpu.memory_space<vmem>>
    %dma_start3A_95 = tpu.memref_squeeze %dma_start3A_94 : memref<1x1024xi32, #tpu.memory_space<vmem>> -> memref<1024xi32, #tpu.memory_space<vmem>>
    %dma_start3A_96 = arith.constant 512 : i32
    %dma_start3A_97 = tpu.memref_slice %dma_start3A_95[%dma_start3A_96] : memref<1024xi32, #tpu.memory_space<vmem>> -> memref<128xi32, #tpu.memory_space<vmem>>
    %dma_start3A_98 = arith.constant 0 : i32
    %dma_start3A_99 = arith.constant 0 : i32
    %dma_start3A_100 = tpu.memref_slice %arg2[%dma_start3A_98, %dma_start3A_99] : memref<65536x16xf32, #tpu.memory_space<hbm>> -> memref<65536x16xf32, #tpu.memory_space<hbm>>
    tpu.enqueue_indirect_dma source(%dma_start3A_100 : memref<65536x16xf32, #tpu.memory_space<hbm>>) target(%dma_start3A_92 : memref<128x16xf32, #tpu.memory_space<vmem>>) offsets(%dma_start3A_97 : memref<128xi32, #tpu.memory_space<vmem>>) semaphore(%arg12 : memref<!tpu.dma_semaphore, #tpu.memory_space<semaphore_mem>>)
    %dma_start3A_101 = arith.constant 0 : i32
    %dma_start3A_102 = arith.constant 0 : i32
    %dma_start3A_103 = arith.constant 0 : i32
    %dma_start3A_104 = arith.constant 0 : i32
    %dma_start3A_105 = tpu.memref_slice %arg10[%dma_start3A_102, %dma_start3A_103, %dma_start3A_104] : memref<2x1024x16xf32, #tpu.memory_space<vmem>> -> memref<1x1024x16xf32, #tpu.memory_space<vmem>>
    %dma_start3A_106 = tpu.memref_squeeze %dma_start3A_105 : memref<1x1024x16xf32, #tpu.memory_space<vmem>> -> memref<1024x16xf32, #tpu.memory_space<vmem>>
    %dma_start3A_107 = arith.constant 640 : i32
    %dma_start3A_108 = arith.constant 0 : i32
    %dma_start3A_109 = tpu.memref_slice %dma_start3A_106[%dma_start3A_107, %dma_start3A_108] : memref<1024x16xf32, #tpu.memory_space<vmem>> -> memref<128x16xf32, #tpu.memory_space<vmem>>
    %dma_start3A_110 = arith.constant 0 : i32
    %dma_start3A_111 = tpu.memref_slice %arg8[%dma_start3A_101, %dma_start3A_110] : memref<2x1024xi32, #tpu.memory_space<vmem>> -> memref<1x1024xi32, #tpu.memory_space<vmem>>
    %dma_start3A_112 = tpu.memref_squeeze %dma_start3A_111 : memref<1x1024xi32, #tpu.memory_space<vmem>> -> memref<1024xi32, #tpu.memory_space<vmem>>
    %dma_start3A_113 = arith.constant 640 : i32
    %dma_start3A_114 = tpu.memref_slice %dma_start3A_112[%dma_start3A_113] : memref<1024xi32, #tpu.memory_space<vmem>> -> memref<128xi32, #tpu.memory_space<vmem>>
    %dma_start3A_115 = arith.constant 0 : i32
    %dma_start3A_116 = arith.constant 0 : i32
    %dma_start3A_117 = tpu.memref_slice %arg2[%dma_start3A_115, %dma_start3A_116] : memref<65536x16xf32, #tpu.memory_space<hbm>> -> memref<65536x16xf32, #tpu.memory_space<hbm>>
    tpu.enqueue_indirect_dma source(%dma_start3A_117 : memref<65536x16xf32, #tpu.memory_space<hbm>>) target(%dma_start3A_109 : memref<128x16xf32, #tpu.memory_space<vmem>>) offsets(%dma_start3A_114 : memref<128xi32, #tpu.memory_space<vmem>>) semaphore(%arg12 : memref<!tpu.dma_semaphore, #tpu.memory_space<semaphore_mem>>)
    %dma_start3A_118 = arith.constant 0 : i32
    %dma_start3A_119 = arith.constant 0 : i32
    %dma_start3A_120 = arith.constant 0 : i32
    %dma_start3A_121 = arith.constant 0 : i32
    %dma_start3A_122 = tpu.memref_slice %arg10[%dma_start3A_119, %dma_start3A_120, %dma_start3A_121] : memref<2x1024x16xf32, #tpu.memory_space<vmem>> -> memref<1x1024x16xf32, #tpu.memory_space<vmem>>
    %dma_start3A_123 = tpu.memref_squeeze %dma_start3A_122 : memref<1x1024x16xf32, #tpu.memory_space<vmem>> -> memref<1024x16xf32, #tpu.memory_space<vmem>>
    %dma_start3A_124 = arith.constant 768 : i32
    %dma_start3A_125 = arith.constant 0 : i32
    %dma_start3A_126 = tpu.memref_slice %dma_start3A_123[%dma_start3A_124, %dma_start3A_125] : memref<1024x16xf32, #tpu.memory_space<vmem>> -> memref<128x16xf32, #tpu.memory_space<vmem>>
    %dma_start3A_127 = arith.constant 0 : i32
    %dma_start3A_128 = tpu.memref_slice %arg8[%dma_start3A_118, %dma_start3A_127] : memref<2x1024xi32, #tpu.memory_space<vmem>> -> memref<1x1024xi32, #tpu.memory_space<vmem>>
    %dma_start3A_129 = tpu.memref_squeeze %dma_start3A_128 : memref<1x1024xi32, #tpu.memory_space<vmem>> -> memref<1024xi32, #tpu.memory_space<vmem>>
    %dma_start3A_130 = arith.constant 768 : i32
    %dma_start3A_131 = tpu.memref_slice %dma_start3A_129[%dma_start3A_130] : memref<1024xi32, #tpu.memory_space<vmem>> -> memref<128xi32, #tpu.memory_space<vmem>>
    %dma_start3A_132 = arith.constant 0 : i32
    %dma_start3A_133 = arith.constant 0 : i32
    %dma_start3A_134 = tpu.memref_slice %arg2[%dma_start3A_132, %dma_start3A_133] : memref<65536x16xf32, #tpu.memory_space<hbm>> -> memref<65536x16xf32, #tpu.memory_space<hbm>>
    tpu.enqueue_indirect_dma source(%dma_start3A_134 : memref<65536x16xf32, #tpu.memory_space<hbm>>) target(%dma_start3A_126 : memref<128x16xf32, #tpu.memory_space<vmem>>) offsets(%dma_start3A_131 : memref<128xi32, #tpu.memory_space<vmem>>) semaphore(%arg12 : memref<!tpu.dma_semaphore, #tpu.memory_space<semaphore_mem>>)
    %dma_start3A_135 = arith.constant 0 : i32
    %dma_start3A_136 = arith.constant 0 : i32
    %dma_start3A_137 = arith.constant 0 : i32
    %dma_start3A_138 = arith.constant 0 : i32
    %dma_start3A_139 = tpu.memref_slice %arg10[%dma_start3A_136, %dma_start3A_137, %dma_start3A_138] : memref<2x1024x16xf32, #tpu.memory_space<vmem>> -> memref<1x1024x16xf32, #tpu.memory_space<vmem>>
    %dma_start3A_140 = tpu.memref_squeeze %dma_start3A_139 : memref<1x1024x16xf32, #tpu.memory_space<vmem>> -> memref<1024x16xf32, #tpu.memory_space<vmem>>
    %dma_start3A_141 = arith.constant 896 : i32
    %dma_start3A_142 = arith.constant 0 : i32
    %dma_start3A_143 = tpu.memref_slice %dma_start3A_140[%dma_start3A_141, %dma_start3A_142] : memref<1024x16xf32, #tpu.memory_space<vmem>> -> memref<128x16xf32, #tpu.memory_space<vmem>>
    %dma_start3A_144 = arith.constant 0 : i32
    %dma_start3A_145 = tpu.memref_slice %arg8[%dma_start3A_135, %dma_start3A_144] : memref<2x1024xi32, #tpu.memory_space<vmem>> -> memref<1x1024xi32, #tpu.memory_space<vmem>>
    %dma_start3A_146 = tpu.memref_squeeze %dma_start3A_145 : memref<1x1024xi32, #tpu.memory_space<vmem>> -> memref<1024xi32, #tpu.memory_space<vmem>>
    %dma_start3A_147 = arith.constant 896 : i32
    %dma_start3A_148 = tpu.memref_slice %dma_start3A_146[%dma_start3A_147] : memref<1024xi32, #tpu.memory_space<vmem>> -> memref<128xi32, #tpu.memory_space<vmem>>
    %dma_start3A_149 = arith.constant 0 : i32
    %dma_start3A_150 = arith.constant 0 : i32
    %dma_start3A_151 = tpu.memref_slice %arg2[%dma_start3A_149, %dma_start3A_150] : memref<65536x16xf32, #tpu.memory_space<hbm>> -> memref<65536x16xf32, #tpu.memory_space<hbm>>
    tpu.enqueue_indirect_dma source(%dma_start3A_151 : memref<65536x16xf32, #tpu.memory_space<hbm>>) target(%dma_start3A_143 : memref<128x16xf32, #tpu.memory_space<vmem>>) offsets(%dma_start3A_148 : memref<128xi32, #tpu.memory_space<vmem>>) semaphore(%arg12 : memref<!tpu.dma_semaphore, #tpu.memory_space<semaphore_mem>>)
    %scan3A_152 = arith.constant 0 : i32
    %scan3A_153 = arith.constant 0 : i32
    %scan3A_154 = arith.constant 8 : i32
    %scan3A_155 = arith.addi %scan3A_153, %scan3A_154 : i32
    %scan3A_156 = arith.constant 1 : i32
    scf.for %scan3A_158 = %scan3A_153 to %scan3A_155 step %scan3A_156  : i32 {
      %rem3A = arith.constant 2 : i32
      %rem3A_159 = arith.remsi %scan3A_158, %rem3A : i32
      %eq3A = arith.constant 0 : i32
      %eq3A_160 = arith.cmpi eq, %rem3A_159, %eq3A : i32
      %convert_element_type3A = arith.extui %eq3A_160 : i1 to i32
      %cond3A = arith.constant 0 : i32
      %cond3A_161 = arith.cmpi ne, %convert_element_type3A, %cond3A : i32
      scf.if %cond3A_161 {
        %add3A_169 = arith.constant 1 : i32
        %add3A_170 = arith.addi %scan3A_158, %add3A_169 : i32
        %lt3A = arith.constant 8 : i32
        %lt3A_171 = arith.cmpi slt, %add3A_170, %lt3A : i32
        %convert_element_type3A_172 = arith.extui %lt3A_171 : i1 to i32
        %cond3A_173 = arith.constant 0 : i32
        %cond3A_174 = arith.cmpi ne, %convert_element_type3A_172, %cond3A_173 : i32
        scf.if %cond3A_174 {
          %add3A_316 = arith.constant 1 : i32
          %add3A_317 = arith.addi %scan3A_158, %add3A_316 : i32
          %mul3A_318 = arith.constant 8192 : i32
          %mul3A_319 = arith.muli %arg0, %mul3A_318 : i32
          %mul3A_320 = arith.constant 1024 : i32
          %mul3A_321 = arith.muli %add3A_317, %mul3A_320 : i32
          %add3A_322 = arith.addi %mul3A_319, %mul3A_321 : i32
          %run_scoped3A_323 = arith.constant 1 : i32
          "tpu.region"() ({
            %run_scoped3A_468 = tpu.sem_alloc : memref<!tpu.dma_semaphore, #tpu.memory_space<semaphore_mem>>
            %dma_start3A_469 = arith.constant 0 : i32
            %dma_start3A_470 = tpu.memref_slice %arg7[%run_scoped3A_323, %dma_start3A_469] : memref<2x1024xi32, #tpu.memory_space<vmem>> -> memref<1x1024xi32, #tpu.memory_space<vmem>>
            %dma_start3A_471 = tpu.memref_squeeze %dma_start3A_470 : memref<1x1024xi32, #tpu.memory_space<vmem>> -> memref<1024xi32, #tpu.memory_space<vmem>>
            %dma_start3A_472 = tpu.memref_slice %arg3[%add3A_322] : memref<16384xi32, #tpu.memory_space<hbm>> -> memref<1024xi32, #tpu.memory_space<hbm>>
            %dma_start3A_473 = arith.constant 0 : i32
            %dma_start3A_474 = tpu.memref_slice %arg7[%run_scoped3A_323, %dma_start3A_473] : memref<2x1024xi32, #tpu.memory_space<vmem>> -> memref<1x1024xi32, #tpu.memory_space<vmem>>
            %dma_start3A_475 = tpu.memref_squeeze %dma_start3A_474 : memref<1x1024xi32, #tpu.memory_space<vmem>> -> memref<1024xi32, #tpu.memory_space<vmem>>
            %dma_start3A_476 = tpu.memref_slice %arg3[%add3A_322] : memref<16384xi32, #tpu.memory_space<hbm>> -> memref<1024xi32, #tpu.memory_space<hbm>>
            tpu.enqueue_dma source(%dma_start3A_476 : memref<1024xi32, #tpu.memory_space<hbm>>) target(%dma_start3A_475 : memref<1024xi32, #tpu.memory_space<vmem>>) target_semaphore(%run_scoped3A_468 : memref<!tpu.dma_semaphore, #tpu.memory_space<semaphore_mem>>)
            %dma_wait3A_477 = arith.constant 0 : i32
            %dma_wait3A_478 = tpu.memref_slice %arg7[%run_scoped3A_323, %dma_wait3A_477] : memref<2x1024xi32, #tpu.memory_space<vmem>> -> memref<1x1024xi32, #tpu.memory_space<vmem>>
            %dma_wait3A_479 = tpu.memref_squeeze %dma_wait3A_478 : memref<1x1024xi32, #tpu.memory_space<vmem>> -> memref<1024xi32, #tpu.memory_space<vmem>>
            %dma_wait3A_480 = tpu.memref_slice %arg3[%add3A_322] : memref<16384xi32, #tpu.memory_space<hbm>> -> memref<1024xi32, #tpu.memory_space<hbm>>
            %dma_wait3A_481 = arith.constant 0 : i32
            %dma_wait3A_482 = tpu.memref_slice %arg7[%run_scoped3A_323, %dma_wait3A_481] : memref<2x1024xi32, #tpu.memory_space<vmem>> -> memref<1x1024xi32, #tpu.memory_space<vmem>>
            %dma_wait3A_483 = tpu.memref_squeeze %dma_wait3A_482 : memref<1x1024xi32, #tpu.memory_space<vmem>> -> memref<1024xi32, #tpu.memory_space<vmem>>
            %dma_wait3A_484 = tpu.memref_slice %arg3[%add3A_322] : memref<16384xi32, #tpu.memory_space<hbm>> -> memref<1024xi32, #tpu.memory_space<hbm>>
            tpu.wait_dma2 semaphore(%run_scoped3A_468 : memref<!tpu.dma_semaphore, #tpu.memory_space<semaphore_mem>>) src(%dma_wait3A_484 : memref<1024xi32, #tpu.memory_space<hbm>>) dst(%dma_wait3A_483 : memref<1024xi32, #tpu.memory_space<vmem>>)
            tpu.yield
          }) : () -> ()
          %run_scoped3A_324 = arith.constant 1 : i32
          "tpu.region"() ({
            %run_scoped3A_468 = tpu.sem_alloc : memref<!tpu.dma_semaphore, #tpu.memory_space<semaphore_mem>>
            %dma_start3A_469 = arith.constant 0 : i32
            %dma_start3A_470 = tpu.memref_slice %arg8[%run_scoped3A_324, %dma_start3A_469] : memref<2x1024xi32, #tpu.memory_space<vmem>> -> memref<1x1024xi32, #tpu.memory_space<vmem>>
            %dma_start3A_471 = tpu.memref_squeeze %dma_start3A_470 : memref<1x1024xi32, #tpu.memory_space<vmem>> -> memref<1024xi32, #tpu.memory_space<vmem>>
            %dma_start3A_472 = tpu.memref_slice %arg4[%add3A_322] : memref<16384xi32, #tpu.memory_space<hbm>> -> memref<1024xi32, #tpu.memory_space<hbm>>
            %dma_start3A_473 = arith.constant 0 : i32
            %dma_start3A_474 = tpu.memref_slice %arg8[%run_scoped3A_324, %dma_start3A_473] : memref<2x1024xi32, #tpu.memory_space<vmem>> -> memref<1x1024xi32, #tpu.memory_space<vmem>>
            %dma_start3A_475 = tpu.memref_squeeze %dma_start3A_474 : memref<1x1024xi32, #tpu.memory_space<vmem>> -> memref<1024xi32, #tpu.memory_space<vmem>>
            %dma_start3A_476 = tpu.memref_slice %arg4[%add3A_322] : memref<16384xi32, #tpu.memory_space<hbm>> -> memref<1024xi32, #tpu.memory_space<hbm>>
            tpu.enqueue_dma source(%dma_start3A_476 : memref<1024xi32, #tpu.memory_space<hbm>>) target(%dma_start3A_475 : memref<1024xi32, #tpu.memory_space<vmem>>) target_semaphore(%run_scoped3A_468 : memref<!tpu.dma_semaphore, #tpu.memory_space<semaphore_mem>>)
            %dma_wait3A_477 = arith.constant 0 : i32
            %dma_wait3A_478 = tpu.memref_slice %arg8[%run_scoped3A_324, %dma_wait3A_477] : memref<2x1024xi32, #tpu.memory_space<vmem>> -> memref<1x1024xi32, #tpu.memory_space<vmem>>
            %dma_wait3A_479 = tpu.memref_squeeze %dma_wait3A_478 : memref<1x1024xi32, #tpu.memory_space<vmem>> -> memref<1024xi32, #tpu.memory_space<vmem>>
            %dma_wait3A_480 = tpu.memref_slice %arg4[%add3A_322] : memref<16384xi32, #tpu.memory_space<hbm>> -> memref<1024xi32, #tpu.memory_space<hbm>>
            %dma_wait3A_481 = arith.constant 0 : i32
            %dma_wait3A_482 = tpu.memref_slice %arg8[%run_scoped3A_324, %dma_wait3A_481] : memref<2x1024xi32, #tpu.memory_space<vmem>> -> memref<1x1024xi32, #tpu.memory_space<vmem>>
            %dma_wait3A_483 = tpu.memref_squeeze %dma_wait3A_482 : memref<1x1024xi32, #tpu.memory_space<vmem>> -> memref<1024xi32, #tpu.memory_space<vmem>>
            %dma_wait3A_484 = tpu.memref_slice %arg4[%add3A_322] : memref<16384xi32, #tpu.memory_space<hbm>> -> memref<1024xi32, #tpu.memory_space<hbm>>
            tpu.wait_dma2 semaphore(%run_scoped3A_468 : memref<!tpu.dma_semaphore, #tpu.memory_space<semaphore_mem>>) src(%dma_wait3A_484 : memref<1024xi32, #tpu.memory_space<hbm>>) dst(%dma_wait3A_483 : memref<1024xi32, #tpu.memory_space<vmem>>)
            tpu.yield
          }) : () -> ()
          %run_scoped3A_325 = arith.constant 1 : i32
          "tpu.region"() ({
            %run_scoped3A_468 = tpu.sem_alloc : memref<!tpu.dma_semaphore, #tpu.memory_space<semaphore_mem>>
            %dma_start3A_469 = arith.constant 0 : i32
            %dma_start3A_470 = tpu.memref_slice %arg9[%run_scoped3A_325, %dma_start3A_469] : memref<2x1024xf32, #tpu.memory_space<vmem>> -> memref<1x1024xf32, #tpu.memory_space<vmem>>
            %dma_start3A_471 = tpu.memref_squeeze %dma_start3A_470 : memref<1x1024xf32, #tpu.memory_space<vmem>> -> memref<1024xf32, #tpu.memory_space<vmem>>
            %dma_start3A_472 = tpu.memref_slice %arg5[%add3A_322] : memref<16384xf32, #tpu.memory_space<hbm>> -> memref<1024xf32, #tpu.memory_space<hbm>>
            %dma_start3A_473 = arith.constant 0 : i32
            %dma_start3A_474 = tpu.memref_slice %arg9[%run_scoped3A_325, %dma_start3A_473] : memref<2x1024xf32, #tpu.memory_space<vmem>> -> memref<1x1024xf32, #tpu.memory_space<vmem>>
            %dma_start3A_475 = tpu.memref_squeeze %dma_start3A_474 : memref<1x1024xf32, #tpu.memory_space<vmem>> -> memref<1024xf32, #tpu.memory_space<vmem>>
            %dma_start3A_476 = tpu.memref_slice %arg5[%add3A_322] : memref<16384xf32, #tpu.memory_space<hbm>> -> memref<1024xf32, #tpu.memory_space<hbm>>
            tpu.enqueue_dma source(%dma_start3A_476 : memref<1024xf32, #tpu.memory_space<hbm>>) target(%dma_start3A_475 : memref<1024xf32, #tpu.memory_space<vmem>>) target_semaphore(%run_scoped3A_468 : memref<!tpu.dma_semaphore, #tpu.memory_space<semaphore_mem>>)
            %dma_wait3A_477 = arith.constant 0 : i32
            %dma_wait3A_478 = tpu.memref_slice %arg9[%run_scoped3A_325, %dma_wait3A_477] : memref<2x1024xf32, #tpu.memory_space<vmem>> -> memref<1x1024xf32, #tpu.memory_space<vmem>>
            %dma_wait3A_479 = tpu.memref_squeeze %dma_wait3A_478 : memref<1x1024xf32, #tpu.memory_space<vmem>> -> memref<1024xf32, #tpu.memory_space<vmem>>
            %dma_wait3A_480 = tpu.memref_slice %arg5[%add3A_322] : memref<16384xf32, #tpu.memory_space<hbm>> -> memref<1024xf32, #tpu.memory_space<hbm>>
            %dma_wait3A_481 = arith.constant 0 : i32
            %dma_wait3A_482 = tpu.memref_slice %arg9[%run_scoped3A_325, %dma_wait3A_481] : memref<2x1024xf32, #tpu.memory_space<vmem>> -> memref<1x1024xf32, #tpu.memory_space<vmem>>
            %dma_wait3A_483 = tpu.memref_squeeze %dma_wait3A_482 : memref<1x1024xf32, #tpu.memory_space<vmem>> -> memref<1024xf32, #tpu.memory_space<vmem>>
            %dma_wait3A_484 = tpu.memref_slice %arg5[%add3A_322] : memref<16384xf32, #tpu.memory_space<hbm>> -> memref<1024xf32, #tpu.memory_space<hbm>>
            tpu.wait_dma2 semaphore(%run_scoped3A_468 : memref<!tpu.dma_semaphore, #tpu.memory_space<semaphore_mem>>) src(%dma_wait3A_484 : memref<1024xf32, #tpu.memory_space<hbm>>) dst(%dma_wait3A_483 : memref<1024xf32, #tpu.memory_space<vmem>>)
            tpu.yield
          }) : () -> ()
          %scan3A_326 = arith.constant 0 : i32
          %scan3A_327 = arith.constant 0 : i32
          %scan3A_328 = arith.constant 64 : i32
          %scan3A_329 = arith.addi %scan3A_327, %scan3A_328 : i32
          %scan3A_330 = arith.constant 1 : i32
          scf.for %scan3A_468 = %scan3A_327 to %scan3A_329 step %scan3A_330  : i32 {
            %mul3A_469 = arith.constant 16 : i32
            %mul3A_470 = arith.muli %scan3A_468, %mul3A_469 : i32
            %get3A = arith.constant 1 : i32
            %get3A_471 = arith.index_cast %get3A : i32 to index
            %get3A_472 = arith.index_cast %mul3A_470 : i32 to index
            %get3A_473 = tpu.vector_load %arg8[%get3A_471, %get3A_472] {strides = array<i32>} : memref<2x1024xi32, #tpu.memory_space<vmem>>, vector<1x16xi32>,
            %get3A_474 = vector.shape_cast %get3A_473 : vector<1x16xi32> to vector<16xi32>
            %add3A_475 = vector.broadcast %mul3A_5 : i32 to vector<16xi32>
            %add3A_476 = arith.addi %get3A_474, %add3A_475 : vector<16xi32>
            %swap3A = arith.constant 1 : i32
            %swap3A_477 = arith.index_cast %swap3A : i32 to index
            %swap3A_478 = arith.index_cast %mul3A_470 : i32 to index
            %swap3A_479 = tpu.vector_load %arg8[%swap3A_477, %swap3A_478] {strides = array<i32>} : memref<2x1024xi32, #tpu.memory_space<vmem>>, vector<1x16xi32>,
            %swap3A_480 = vector.shape_cast %swap3A_479 : vector<1x16xi32> to vector<16xi32>
            %swap3A_481 = vector.shape_cast %add3A_476 : vector<16xi32> to vector<1x16xi32>
            tpu.vector_store %arg8[%swap3A_477, %swap3A_478], %swap3A_481 {strides = array<i32>} : memref<2x1024xi32, #tpu.memory_space<vmem>>, vector<1x16xi32>,
          }
          %scan3A_331 = arith.constant 64 : i32
          %dma_start3A_332 = arith.constant 1 : i32
          %dma_start3A_333 = arith.constant 1 : i32
          %dma_start3A_334 = arith.constant 0 : i32
          %dma_start3A_335 = arith.constant 0 : i32
          %dma_start3A_336 = tpu.memref_slice %arg10[%dma_start3A_333, %dma_start3A_334, %dma_start3A_335] : memref<2x1024x16xf32, #tpu.memory_space<vmem>> -> memref<1x1024x16xf32, #tpu.memory_space<vmem>>
          %dma_start3A_337 = tpu.memref_squeeze %dma_start3A_336 : memref<1x1024x16xf32, #tpu.memory_space<vmem>> -> memref<1024x16xf32, #tpu.memory_space<vmem>>
          %dma_start3A_338 = arith.constant 0 : i32
          %dma_start3A_339 = arith.constant 0 : i32
          %dma_start3A_340 = tpu.memref_slice %dma_start3A_337[%dma_start3A_338, %dma_start3A_339] : memref<1024x16xf32, #tpu.memory_space<vmem>> -> memref<128x16xf32, #tpu.memory_space<vmem>>
          %dma_start3A_341 = arith.constant 0 : i32
          %dma_start3A_342 = tpu.memref_slice %arg8[%dma_start3A_332, %dma_start3A_341] : memref<2x1024xi32, #tpu.memory_space<vmem>> -> memref<1x1024xi32, #tpu.memory_space<vmem>>
          %dma_start3A_343 = tpu.memref_squeeze %dma_start3A_342 : memref<1x1024xi32, #tpu.memory_space<vmem>> -> memref<1024xi32, #tpu.memory_space<vmem>>
          %dma_start3A_344 = arith.constant 0 : i32
          %dma_start3A_345 = tpu.memref_slice %dma_start3A_343[%dma_start3A_344] : memref<1024xi32, #tpu.memory_space<vmem>> -> memref<128xi32, #tpu.memory_space<vmem>>
          %dma_start3A_346 = arith.constant 0 : i32
          %dma_start3A_347 = arith.constant 0 : i32
          %dma_start3A_348 = tpu.memref_slice %arg2[%dma_start3A_346, %dma_start3A_347] : memref<65536x16xf32, #tpu.memory_space<hbm>> -> memref<65536x16xf32, #tpu.memory_space<hbm>>
          tpu.enqueue_indirect_dma source(%dma_start3A_348 : memref<65536x16xf32, #tpu.memory_space<hbm>>) target(%dma_start3A_340 : memref<128x16xf32, #tpu.memory_space<vmem>>) offsets(%dma_start3A_345 : memref<128xi32, #tpu.memory_space<vmem>>) semaphore(%arg13 : memref<!tpu.dma_semaphore, #tpu.memory_space<semaphore_mem>>)
          %dma_start3A_349 = arith.constant 1 : i32
          %dma_start3A_350 = arith.constant 1 : i32
          %dma_start3A_351 = arith.constant 0 : i32
          %dma_start3A_352 = arith.constant 0 : i32
          %dma_start3A_353 = tpu.memref_slice %arg10[%dma_start3A_350, %dma_start3A_351, %dma_start3A_352] : memref<2x1024x16xf32, #tpu.memory_space<vmem>> -> memref<1x1024x16xf32, #tpu.memory_space<vmem>>
          %dma_start3A_354 = tpu.memref_squeeze %dma_start3A_353 : memref<1x1024x16xf32, #tpu.memory_space<vmem>> -> memref<1024x16xf32, #tpu.memory_space<vmem>>
          %dma_start3A_355 = arith.constant 128 : i32
          %dma_start3A_356 = arith.constant 0 : i32
          %dma_start3A_357 = tpu.memref_slice %dma_start3A_354[%dma_start3A_355, %dma_start3A_356] : memref<1024x16xf32, #tpu.memory_space<vmem>> -> memref<128x16xf32, #tpu.memory_space<vmem>>
          %dma_start3A_358 = arith.constant 0 : i32
          %dma_start3A_359 = tpu.memref_slice %arg8[%dma_start3A_349, %dma_start3A_358] : memref<2x1024xi32, #tpu.memory_space<vmem>> -> memref<1x1024xi32, #tpu.memory_space<vmem>>
          %dma_start3A_360 = tpu.memref_squeeze %dma_start3A_359 : memref<1x1024xi32, #tpu.memory_space<vmem>> -> memref<1024xi32, #tpu.memory_space<vmem>>
          %dma_start3A_361 = arith.constant 128 : i32
          %dma_start3A_362 = tpu.memref_slice %dma_start3A_360[%dma_start3A_361] : memref<1024xi32, #tpu.memory_space<vmem>> -> memref<128xi32, #tpu.memory_space<vmem>>
          %dma_start3A_363 = arith.constant 0 : i32
          %dma_start3A_364 = arith.constant 0 : i32
          %dma_start3A_365 = tpu.memref_slice %arg2[%dma_start3A_363, %dma_start3A_364] : memref<65536x16xf32, #tpu.memory_space<hbm>> -> memref<65536x16xf32, #tpu.memory_space<hbm>>
          tpu.enqueue_indirect_dma source(%dma_start3A_365 : memref<65536x16xf32, #tpu.memory_space<hbm>>) target(%dma_start3A_357 : memref<128x16xf32, #tpu.memory_space<vmem>>) offsets(%dma_start3A_362 : memref<128xi32, #tpu.memory_space<vmem>>) semaphore(%arg13 : memref<!tpu.dma_semaphore, #tpu.memory_space<semaphore_mem>>)
          %dma_start3A_366 = arith.constant 1 : i32
          %dma_start3A_367 = arith.constant 1 : i32
          %dma_start3A_368 = arith.constant 0 : i32
          %dma_start3A_369 = arith.constant 0 : i32
          %dma_start3A_370 = tpu.memref_slice %arg10[%dma_start3A_367, %dma_start3A_368, %dma_start3A_369] : memref<2x1024x16xf32, #tpu.memory_space<vmem>> -> memref<1x1024x16xf32, #tpu.memory_space<vmem>>
          %dma_start3A_371 = tpu.memref_squeeze %dma_start3A_370 : memref<1x1024x16xf32, #tpu.memory_space<vmem>> -> memref<1024x16xf32, #tpu.memory_space<vmem>>
          %dma_start3A_372 = arith.constant 256 : i32
          %dma_start3A_373 = arith.constant 0 : i32
          %dma_start3A_374 = tpu.memref_slice %dma_start3A_371[%dma_start3A_372, %dma_start3A_373] : memref<1024x16xf32, #tpu.memory_space<vmem>> -> memref<128x16xf32, #tpu.memory_space<vmem>>
          %dma_start3A_375 = arith.constant 0 : i32
          %dma_start3A_376 = tpu.memref_slice %arg8[%dma_start3A_366, %dma_start3A_375] : memref<2x1024xi32, #tpu.memory_space<vmem>> -> memref<1x1024xi32, #tpu.memory_space<vmem>>
          %dma_start3A_377 = tpu.memref_squeeze %dma_start3A_376 : memref<1x1024xi32, #tpu.memory_space<vmem>> -> memref<1024xi32, #tpu.memory_space<vmem>>
          %dma_start3A_378 = arith.constant 256 : i32
          %dma_start3A_379 = tpu.memref_slice %dma_start3A_377[%dma_start3A_378] : memref<1024xi32, #tpu.memory_space<vmem>> -> memref<128xi32, #tpu.memory_space<vmem>>
          %dma_start3A_380 = arith.constant 0 : i32
          %dma_start3A_381 = arith.constant 0 : i32
          %dma_start3A_382 = tpu.memref_slice %arg2[%dma_start3A_380, %dma_start3A_381] : memref<65536x16xf32, #tpu.memory_space<hbm>> -> memref<65536x16xf32, #tpu.memory_space<hbm>>
          tpu.enqueue_indirect_dma source(%dma_start3A_382 : memref<65536x16xf32, #tpu.memory_space<hbm>>) target(%dma_start3A_374 : memref<128x16xf32, #tpu.memory_space<vmem>>) offsets(%dma_start3A_379 : memref<128xi32, #tpu.memory_space<vmem>>) semaphore(%arg13 : memref<!tpu.dma_semaphore, #tpu.memory_space<semaphore_mem>>)
          %dma_start3A_383 = arith.constant 1 : i32
          %dma_start3A_384 = arith.constant 1 : i32
          %dma_start3A_385 = arith.constant 0 : i32
          %dma_start3A_386 = arith.constant 0 : i32
          %dma_start3A_387 = tpu.memref_slice %arg10[%dma_start3A_384, %dma_start3A_385, %dma_start3A_386] : memref<2x1024x16xf32, #tpu.memory_space<vmem>> -> memref<1x1024x16xf32, #tpu.memory_space<vmem>>
          %dma_start3A_388 = tpu.memref_squeeze %dma_start3A_387 : memref<1x1024x16xf32, #tpu.memory_space<vmem>> -> memref<1024x16xf32, #tpu.memory_space<vmem>>
          %dma_start3A_389 = arith.constant 384 : i32
          %dma_start3A_390 = arith.constant 0 : i32
          %dma_start3A_391 = tpu.memref_slice %dma_start3A_388[%dma_start3A_389, %dma_start3A_390] : memref<1024x16xf32, #tpu.memory_space<vmem>> -> memref<128x16xf32, #tpu.memory_space<vmem>>
          %dma_start3A_392 = arith.constant 0 : i32
          %dma_start3A_393 = tpu.memref_slice %arg8[%dma_start3A_383, %dma_start3A_392] : memref<2x1024xi32, #tpu.memory_space<vmem>> -> memref<1x1024xi32, #tpu.memory_space<vmem>>
          %dma_start3A_394 = tpu.memref_squeeze %dma_start3A_393 : memref<1x1024xi32, #tpu.memory_space<vmem>> -> memref<1024xi32, #tpu.memory_space<vmem>>
          %dma_start3A_395 = arith.constant 384 : i32
          %dma_start3A_396 = tpu.memref_slice %dma_start3A_394[%dma_start3A_395] : memref<1024xi32, #tpu.memory_space<vmem>> -> memref<128xi32, #tpu.memory_space<vmem>>
          %dma_start3A_397 = arith.constant 0 : i32
          %dma_start3A_398 = arith.constant 0 : i32
          %dma_start3A_399 = tpu.memref_slice %arg2[%dma_start3A_397, %dma_start3A_398] : memref<65536x16xf32, #tpu.memory_space<hbm>> -> memref<65536x16xf32, #tpu.memory_space<hbm>>
          tpu.enqueue_indirect_dma source(%dma_start3A_399 : memref<65536x16xf32, #tpu.memory_space<hbm>>) target(%dma_start3A_391 : memref<128x16xf32, #tpu.memory_space<vmem>>) offsets(%dma_start3A_396 : memref<128xi32, #tpu.memory_space<vmem>>) semaphore(%arg13 : memref<!tpu.dma_semaphore, #tpu.memory_space<semaphore_mem>>)
          %dma_start3A_400 = arith.constant 1 : i32
          %dma_start3A_401 = arith.constant 1 : i32
          %dma_start3A_402 = arith.constant 0 : i32
          %dma_start3A_403 = arith.constant 0 : i32
          %dma_start3A_404 = tpu.memref_slice %arg10[%dma_start3A_401, %dma_start3A_402, %dma_start3A_403] : memref<2x1024x16xf32, #tpu.memory_space<vmem>> -> memref<1x1024x16xf32, #tpu.memory_space<vmem>>
          %dma_start3A_405 = tpu.memref_squeeze %dma_start3A_404 : memref<1x1024x16xf32, #tpu.memory_space<vmem>> -> memref<1024x16xf32, #tpu.memory_space<vmem>>
          %dma_start3A_406 = arith.constant 512 : i32
          %dma_start3A_407 = arith.constant 0 : i32
          %dma_start3A_408 = tpu.memref_slice %dma_start3A_405[%dma_start3A_406, %dma_start3A_407] : memref<1024x16xf32, #tpu.memory_space<vmem>> -> memref<128x16xf32, #tpu.memory_space<vmem>>
          %dma_start3A_409 = arith.constant 0 : i32
          %dma_start3A_410 = tpu.memref_slice %arg8[%dma_start3A_400, %dma_start3A_409] : memref<2x1024xi32, #tpu.memory_space<vmem>> -> memref<1x1024xi32, #tpu.memory_space<vmem>>
          %dma_start3A_411 = tpu.memref_squeeze %dma_start3A_410 : memref<1x1024xi32, #tpu.memory_space<vmem>> -> memref<1024xi32, #tpu.memory_space<vmem>>
          %dma_start3A_412 = arith.constant 512 : i32
          %dma_start3A_413 = tpu.memref_slice %dma_start3A_411[%dma_start3A_412] : memref<1024xi32, #tpu.memory_space<vmem>> -> memref<128xi32, #tpu.memory_space<vmem>>
          %dma_start3A_414 = arith.constant 0 : i32
          %dma_start3A_415 = arith.constant 0 : i32
          %dma_start3A_416 = tpu.memref_slice %arg2[%dma_start3A_414, %dma_start3A_415] : memref<65536x16xf32, #tpu.memory_space<hbm>> -> memref<65536x16xf32, #tpu.memory_space<hbm>>
          tpu.enqueue_indirect_dma source(%dma_start3A_416 : memref<65536x16xf32, #tpu.memory_space<hbm>>) target(%dma_start3A_408 : memref<128x16xf32, #tpu.memory_space<vmem>>) offsets(%dma_start3A_413 : memref<128xi32, #tpu.memory_space<vmem>>) semaphore(%arg13 : memref<!tpu.dma_semaphore, #tpu.memory_space<semaphore_mem>>)
          %dma_start3A_417 = arith.constant 1 : i32
          %dma_start3A_418 = arith.constant 1 : i32
          %dma_start3A_419 = arith.constant 0 : i32
          %dma_start3A_420 = arith.constant 0 : i32
          %dma_start3A_421 = tpu.memref_slice %arg10[%dma_start3A_418, %dma_start3A_419, %dma_start3A_420] : memref<2x1024x16xf32, #tpu.memory_space<vmem>> -> memref<1x1024x16xf32, #tpu.memory_space<vmem>>
          %dma_start3A_422 = tpu.memref_squeeze %dma_start3A_421 : memref<1x1024x16xf32, #tpu.memory_space<vmem>> -> memref<1024x16xf32, #tpu.memory_space<vmem>>
          %dma_start3A_423 = arith.constant 640 : i32
          %dma_start3A_424 = arith.constant 0 : i32
          %dma_start3A_425 = tpu.memref_slice %dma_start3A_422[%dma_start3A_423, %dma_start3A_424] : memref<1024x16xf32, #tpu.memory_space<vmem>> -> memref<128x16xf32, #tpu.memory_space<vmem>>
          %dma_start3A_426 = arith.constant 0 : i32
          %dma_start3A_427 = tpu.memref_slice %arg8[%dma_start3A_417, %dma_start3A_426] : memref<2x1024xi32, #tpu.memory_space<vmem>> -> memref<1x1024xi32, #tpu.memory_space<vmem>>
          %dma_start3A_428 = tpu.memref_squeeze %dma_start3A_427 : memref<1x1024xi32, #tpu.memory_space<vmem>> -> memref<1024xi32, #tpu.memory_space<vmem>>
          %dma_start3A_429 = arith.constant 640 : i32
          %dma_start3A_430 = tpu.memref_slice %dma_start3A_428[%dma_start3A_429] : memref<1024xi32, #tpu.memory_space<vmem>> -> memref<128xi32, #tpu.memory_space<vmem>>
          %dma_start3A_431 = arith.constant 0 : i32
          %dma_start3A_432 = arith.constant 0 : i32
          %dma_start3A_433 = tpu.memref_slice %arg2[%dma_start3A_431, %dma_start3A_432] : memref<65536x16xf32, #tpu.memory_space<hbm>> -> memref<65536x16xf32, #tpu.memory_space<hbm>>
          tpu.enqueue_indirect_dma source(%dma_start3A_433 : memref<65536x16xf32, #tpu.memory_space<hbm>>) target(%dma_start3A_425 : memref<128x16xf32, #tpu.memory_space<vmem>>) offsets(%dma_start3A_430 : memref<128xi32, #tpu.memory_space<vmem>>) semaphore(%arg13 : memref<!tpu.dma_semaphore, #tpu.memory_space<semaphore_mem>>)
          %dma_start3A_434 = arith.constant 1 : i32
          %dma_start3A_435 = arith.constant 1 : i32
          %dma_start3A_436 = arith.constant 0 : i32
          %dma_start3A_437 = arith.constant 0 : i32
          %dma_start3A_438 = tpu.memref_slice %arg10[%dma_start3A_435, %dma_start3A_436, %dma_start3A_437] : memref<2x1024x16xf32, #tpu.memory_space<vmem>> -> memref<1x1024x16xf32, #tpu.memory_space<vmem>>
          %dma_start3A_439 = tpu.memref_squeeze %dma_start3A_438 : memref<1x1024x16xf32, #tpu.memory_space<vmem>> -> memref<1024x16xf32, #tpu.memory_space<vmem>>
          %dma_start3A_440 = arith.constant 768 : i32
          %dma_start3A_441 = arith.constant 0 : i32
          %dma_start3A_442 = tpu.memref_slice %dma_start3A_439[%dma_start3A_440, %dma_start3A_441] : memref<1024x16xf32, #tpu.memory_space<vmem>> -> memref<128x16xf32, #tpu.memory_space<vmem>>
          %dma_start3A_443 = arith.constant 0 : i32
          %dma_start3A_444 = tpu.memref_slice %arg8[%dma_start3A_434, %dma_start3A_443] : memref<2x1024xi32, #tpu.memory_space<vmem>> -> memref<1x1024xi32, #tpu.memory_space<vmem>>
          %dma_start3A_445 = tpu.memref_squeeze %dma_start3A_444 : memref<1x1024xi32, #tpu.memory_space<vmem>> -> memref<1024xi32, #tpu.memory_space<vmem>>
          %dma_start3A_446 = arith.constant 768 : i32
          %dma_start3A_447 = tpu.memref_slice %dma_start3A_445[%dma_start3A_446] : memref<1024xi32, #tpu.memory_space<vmem>> -> memref<128xi32, #tpu.memory_space<vmem>>
          %dma_start3A_448 = arith.constant 0 : i32
          %dma_start3A_449 = arith.constant 0 : i32
          %dma_start3A_450 = tpu.memref_slice %arg2[%dma_start3A_448, %dma_start3A_449] : memref<65536x16xf32, #tpu.memory_space<hbm>> -> memref<65536x16xf32, #tpu.memory_space<hbm>>
          tpu.enqueue_indirect_dma source(%dma_start3A_450 : memref<65536x16xf32, #tpu.memory_space<hbm>>) target(%dma_start3A_442 : memref<128x16xf32, #tpu.memory_space<vmem>>) offsets(%dma_start3A_447 : memref<128xi32, #tpu.memory_space<vmem>>) semaphore(%arg13 : memref<!tpu.dma_semaphore, #tpu.memory_space<semaphore_mem>>)
          %dma_start3A_451 = arith.constant 1 : i32
          %dma_start3A_452 = arith.constant 1 : i32
          %dma_start3A_453 = arith.constant 0 : i32
          %dma_start3A_454 = arith.constant 0 : i32
          %dma_start3A_455 = tpu.memref_slice %arg10[%dma_start3A_452, %dma_start3A_453, %dma_start3A_454] : memref<2x1024x16xf32, #tpu.memory_space<vmem>> -> memref<1x1024x16xf32, #tpu.memory_space<vmem>>
          %dma_start3A_456 = tpu.memref_squeeze %dma_start3A_455 : memref<1x1024x16xf32, #tpu.memory_space<vmem>> -> memref<1024x16xf32, #tpu.memory_space<vmem>>
          %dma_start3A_457 = arith.constant 896 : i32
          %dma_start3A_458 = arith.constant 0 : i32
          %dma_start3A_459 = tpu.memref_slice %dma_start3A_456[%dma_start3A_457, %dma_start3A_458] : memref<1024x16xf32, #tpu.memory_space<vmem>> -> memref<128x16xf32, #tpu.memory_space<vmem>>
          %dma_start3A_460 = arith.constant 0 : i32
          %dma_start3A_461 = tpu.memref_slice %arg8[%dma_start3A_451, %dma_start3A_460] : memref<2x1024xi32, #tpu.memory_space<vmem>> -> memref<1x1024xi32, #tpu.memory_space<vmem>>
          %dma_start3A_462 = tpu.memref_squeeze %dma_start3A_461 : memref<1x1024xi32, #tpu.memory_space<vmem>> -> memref<1024xi32, #tpu.memory_space<vmem>>
          %dma_start3A_463 = arith.constant 896 : i32
          %dma_start3A_464 = tpu.memref_slice %dma_start3A_462[%dma_start3A_463] : memref<1024xi32, #tpu.memory_space<vmem>> -> memref<128xi32, #tpu.memory_space<vmem>>
          %dma_start3A_465 = arith.constant 0 : i32
          %dma_start3A_466 = arith.constant 0 : i32
          %dma_start3A_467 = tpu.memref_slice %arg2[%dma_start3A_465, %dma_start3A_466] : memref<65536x16xf32, #tpu.memory_space<hbm>> -> memref<65536x16xf32, #tpu.memory_space<hbm>>
          tpu.enqueue_indirect_dma source(%dma_start3A_467 : memref<65536x16xf32, #tpu.memory_space<hbm>>) target(%dma_start3A_459 : memref<128x16xf32, #tpu.memory_space<vmem>>) offsets(%dma_start3A_464 : memref<128xi32, #tpu.memory_space<vmem>>) semaphore(%arg13 : memref<!tpu.dma_semaphore, #tpu.memory_space<semaphore_mem>>)
        } else {
        }
        %dma_wait3A = arith.constant 0 : i32
        %dma_wait3A_175 = arith.constant 0 : i32
        %dma_wait3A_176 = arith.constant 0 : i32
        %dma_wait3A_177 = arith.constant 0 : i32
        %dma_wait3A_178 = tpu.memref_slice %arg10[%dma_wait3A_175, %dma_wait3A_176, %dma_wait3A_177] : memref<2x1024x16xf32, #tpu.memory_space<vmem>> -> memref<1x1024x16xf32, #tpu.memory_space<vmem>>
        %dma_wait3A_179 = tpu.memref_squeeze %dma_wait3A_178 : memref<1x1024x16xf32, #tpu.memory_space<vmem>> -> memref<1024x16xf32, #tpu.memory_space<vmem>>
        %dma_wait3A_180 = arith.constant 0 : i32
        %dma_wait3A_181 = arith.constant 0 : i32
        %dma_wait3A_182 = tpu.memref_slice %dma_wait3A_179[%dma_wait3A_180, %dma_wait3A_181] : memref<1024x16xf32, #tpu.memory_space<vmem>> -> memref<128x16xf32, #tpu.memory_space<vmem>>
        %dma_wait3A_183 = arith.constant 0 : i32
        %dma_wait3A_184 = tpu.memref_slice %arg8[%dma_wait3A, %dma_wait3A_183] : memref<2x1024xi32, #tpu.memory_space<vmem>> -> memref<1x1024xi32, #tpu.memory_space<vmem>>
        %dma_wait3A_185 = tpu.memref_squeeze %dma_wait3A_184 : memref<1x1024xi32, #tpu.memory_space<vmem>> -> memref<1024xi32, #tpu.memory_space<vmem>>
        %dma_wait3A_186 = arith.constant 0 : i32
        %dma_wait3A_187 = tpu.memref_slice %dma_wait3A_185[%dma_wait3A_186] : memref<1024xi32, #tpu.memory_space<vmem>> -> memref<128xi32, #tpu.memory_space<vmem>>
        %dma_wait3A_188 = arith.constant 0 : i32
        %dma_wait3A_189 = arith.constant 0 : i32
        %dma_wait3A_190 = tpu.memref_slice %arg2[%dma_wait3A_188, %dma_wait3A_189] : memref<65536x16xf32, #tpu.memory_space<hbm>> -> memref<65536x16xf32, #tpu.memory_space<hbm>>
        tpu.wait_indirect_dma semaphore(%arg12 : memref<!tpu.dma_semaphore, #tpu.memory_space<semaphore_mem>>) src(%dma_wait3A_190 : memref<65536x16xf32, #tpu.memory_space<hbm>>) dst(%dma_wait3A_182 : memref<128x16xf32, #tpu.memory_space<vmem>>)
        %dma_wait3A_191 = arith.constant 0 : i32
        %dma_wait3A_192 = arith.constant 0 : i32
        %dma_wait3A_193 = arith.constant 0 : i32
        %dma_wait3A_194 = arith.constant 0 : i32
        %dma_wait3A_195 = tpu.memref_slice %arg10[%dma_wait3A_192, %dma_wait3A_193, %dma_wait3A_194] : memref<2x1024x16xf32, #tpu.memory_space<vmem>> -> memref<1x1024x16xf32, #tpu.memory_space<vmem>>
        %dma_wait3A_196 = tpu.memref_squeeze %dma_wait3A_195 : memref<1x1024x16xf32, #tpu.memory_space<vmem>> -> memref<1024x16xf32, #tpu.memory_space<vmem>>
        %dma_wait3A_197 = arith.constant 128 : i32
        %dma_wait3A_198 = arith.constant 0 : i32
        %dma_wait3A_199 = tpu.memref_slice %dma_wait3A_196[%dma_wait3A_197, %dma_wait3A_198] : memref<1024x16xf32, #tpu.memory_space<vmem>> -> memref<128x16xf32, #tpu.memory_space<vmem>>
        %dma_wait3A_200 = arith.constant 0 : i32
        %dma_wait3A_201 = tpu.memref_slice %arg8[%dma_wait3A_191, %dma_wait3A_200] : memref<2x1024xi32, #tpu.memory_space<vmem>> -> memref<1x1024xi32, #tpu.memory_space<vmem>>
        %dma_wait3A_202 = tpu.memref_squeeze %dma_wait3A_201 : memref<1x1024xi32, #tpu.memory_space<vmem>> -> memref<1024xi32, #tpu.memory_space<vmem>>
        %dma_wait3A_203 = arith.constant 128 : i32
        %dma_wait3A_204 = tpu.memref_slice %dma_wait3A_202[%dma_wait3A_203] : memref<1024xi32, #tpu.memory_space<vmem>> -> memref<128xi32, #tpu.memory_space<vmem>>
        %dma_wait3A_205 = arith.constant 0 : i32
        %dma_wait3A_206 = arith.constant 0 : i32
        %dma_wait3A_207 = tpu.memref_slice %arg2[%dma_wait3A_205, %dma_wait3A_206] : memref<65536x16xf32, #tpu.memory_space<hbm>> -> memref<65536x16xf32, #tpu.memory_space<hbm>>
        tpu.wait_indirect_dma semaphore(%arg12 : memref<!tpu.dma_semaphore, #tpu.memory_space<semaphore_mem>>) src(%dma_wait3A_207 : memref<65536x16xf32, #tpu.memory_space<hbm>>) dst(%dma_wait3A_199 : memref<128x16xf32, #tpu.memory_space<vmem>>)
        %dma_wait3A_208 = arith.constant 0 : i32
        %dma_wait3A_209 = arith.constant 0 : i32
        %dma_wait3A_210 = arith.constant 0 : i32
        %dma_wait3A_211 = arith.constant 0 : i32
        %dma_wait3A_212 = tpu.memref_slice %arg10[%dma_wait3A_209, %dma_wait3A_210, %dma_wait3A_211] : memref<2x1024x16xf32, #tpu.memory_space<vmem>> -> memref<1x1024x16xf32, #tpu.memory_space<vmem>>
        %dma_wait3A_213 = tpu.memref_squeeze %dma_wait3A_212 : memref<1x1024x16xf32, #tpu.memory_space<vmem>> -> memref<1024x16xf32, #tpu.memory_space<vmem>>
        %dma_wait3A_214 = arith.constant 256 : i32
        %dma_wait3A_215 = arith.constant 0 : i32
        %dma_wait3A_216 = tpu.memref_slice %dma_wait3A_213[%dma_wait3A_214, %dma_wait3A_215] : memref<1024x16xf32, #tpu.memory_space<vmem>> -> memref<128x16xf32, #tpu.memory_space<vmem>>
        %dma_wait3A_217 = arith.constant 0 : i32
        %dma_wait3A_218 = tpu.memref_slice %arg8[%dma_wait3A_208, %dma_wait3A_217] : memref<2x1024xi32, #tpu.memory_space<vmem>> -> memref<1x1024xi32, #tpu.memory_space<vmem>>
        %dma_wait3A_219 = tpu.memref_squeeze %dma_wait3A_218 : memref<1x1024xi32, #tpu.memory_space<vmem>> -> memref<1024xi32, #tpu.memory_space<vmem>>
        %dma_wait3A_220 = arith.constant 256 : i32
        %dma_wait3A_221 = tpu.memref_slice %dma_wait3A_219[%dma_wait3A_220] : memref<1024xi32, #tpu.memory_space<vmem>> -> memref<128xi32, #tpu.memory_space<vmem>>
        %dma_wait3A_222 = arith.constant 0 : i32
        %dma_wait3A_223 = arith.constant 0 : i32
        %dma_wait3A_224 = tpu.memref_slice %arg2[%dma_wait3A_222, %dma_wait3A_223] : memref<65536x16xf32, #tpu.memory_space<hbm>> -> memref<65536x16xf32, #tpu.memory_space<hbm>>
        tpu.wait_indirect_dma semaphore(%arg12 : memref<!tpu.dma_semaphore, #tpu.memory_space<semaphore_mem>>) src(%dma_wait3A_224 : memref<65536x16xf32, #tpu.memory_space<hbm>>) dst(%dma_wait3A_216 : memref<128x16xf32, #tpu.memory_space<vmem>>)
        %dma_wait3A_225 = arith.constant 0 : i32
        %dma_wait3A_226 = arith.constant 0 : i32
        %dma_wait3A_227 = arith.constant 0 : i32
        %dma_wait3A_228 = arith.constant 0 : i32
        %dma_wait3A_229 = tpu.memref_slice %arg10[%dma_wait3A_226, %dma_wait3A_227, %dma_wait3A_228] : memref<2x1024x16xf32, #tpu.memory_space<vmem>> -> memref<1x1024x16xf32, #tpu.memory_space<vmem>>
        %dma_wait3A_230 = tpu.memref_squeeze %dma_wait3A_229 : memref<1x1024x16xf32, #tpu.memory_space<vmem>> -> memref<1024x16xf32, #tpu.memory_space<vmem>>
        %dma_wait3A_231 = arith.constant 384 : i32
        %dma_wait3A_232 = arith.constant 0 : i32
        %dma_wait3A_233 = tpu.memref_slice %dma_wait3A_230[%dma_wait3A_231, %dma_wait3A_232] : memref<1024x16xf32, #tpu.memory_space<vmem>> -> memref<128x16xf32, #tpu.memory_space<vmem>>
        %dma_wait3A_234 = arith.constant 0 : i32
        %dma_wait3A_235 = tpu.memref_slice %arg8[%dma_wait3A_225, %dma_wait3A_234] : memref<2x1024xi32, #tpu.memory_space<vmem>> -> memref<1x1024xi32, #tpu.memory_space<vmem>>
        %dma_wait3A_236 = tpu.memref_squeeze %dma_wait3A_235 : memref<1x1024xi32, #tpu.memory_space<vmem>> -> memref<1024xi32, #tpu.memory_space<vmem>>
        %dma_wait3A_237 = arith.constant 384 : i32
        %dma_wait3A_238 = tpu.memref_slice %dma_wait3A_236[%dma_wait3A_237] : memref<1024xi32, #tpu.memory_space<vmem>> -> memref<128xi32, #tpu.memory_space<vmem>>
        %dma_wait3A_239 = arith.constant 0 : i32
        %dma_wait3A_240 = arith.constant 0 : i32
        %dma_wait3A_241 = tpu.memref_slice %arg2[%dma_wait3A_239, %dma_wait3A_240] : memref<65536x16xf32, #tpu.memory_space<hbm>> -> memref<65536x16xf32, #tpu.memory_space<hbm>>
        tpu.wait_indirect_dma semaphore(%arg12 : memref<!tpu.dma_semaphore, #tpu.memory_space<semaphore_mem>>) src(%dma_wait3A_241 : memref<65536x16xf32, #tpu.memory_space<hbm>>) dst(%dma_wait3A_233 : memref<128x16xf32, #tpu.memory_space<vmem>>)
        %dma_wait3A_242 = arith.constant 0 : i32
        %dma_wait3A_243 = arith.constant 0 : i32
        %dma_wait3A_244 = arith.constant 0 : i32
        %dma_wait3A_245 = arith.constant 0 : i32
        %dma_wait3A_246 = tpu.memref_slice %arg10[%dma_wait3A_243, %dma_wait3A_244, %dma_wait3A_245] : memref<2x1024x16xf32, #tpu.memory_space<vmem>> -> memref<1x1024x16xf32, #tpu.memory_space<vmem>>
        %dma_wait3A_247 = tpu.memref_squeeze %dma_wait3A_246 : memref<1x1024x16xf32, #tpu.memory_space<vmem>> -> memref<1024x16xf32, #tpu.memory_space<vmem>>
        %dma_wait3A_248 = arith.constant 512 : i32
        %dma_wait3A_249 = arith.constant 0 : i32
        %dma_wait3A_250 = tpu.memref_slice %dma_wait3A_247[%dma_wait3A_248, %dma_wait3A_249] : memref<1024x16xf32, #tpu.memory_space<vmem>> -> memref<128x16xf32, #tpu.memory_space<vmem>>
        %dma_wait3A_251 = arith.constant 0 : i32
        %dma_wait3A_252 = tpu.memref_slice %arg8[%dma_wait3A_242, %dma_wait3A_251] : memref<2x1024xi32, #tpu.memory_space<vmem>> -> memref<1x1024xi32, #tpu.memory_space<vmem>>
        %dma_wait3A_253 = tpu.memref_squeeze %dma_wait3A_252 : memref<1x1024xi32, #tpu.memory_space<vmem>> -> memref<1024xi32, #tpu.memory_space<vmem>>
        %dma_wait3A_254 = arith.constant 512 : i32
        %dma_wait3A_255 = tpu.memref_slice %dma_wait3A_253[%dma_wait3A_254] : memref<1024xi32, #tpu.memory_space<vmem>> -> memref<128xi32, #tpu.memory_space<vmem>>
        %dma_wait3A_256 = arith.constant 0 : i32
        %dma_wait3A_257 = arith.constant 0 : i32
        %dma_wait3A_258 = tpu.memref_slice %arg2[%dma_wait3A_256, %dma_wait3A_257] : memref<65536x16xf32, #tpu.memory_space<hbm>> -> memref<65536x16xf32, #tpu.memory_space<hbm>>
        tpu.wait_indirect_dma semaphore(%arg12 : memref<!tpu.dma_semaphore, #tpu.memory_space<semaphore_mem>>) src(%dma_wait3A_258 : memref<65536x16xf32, #tpu.memory_space<hbm>>) dst(%dma_wait3A_250 : memref<128x16xf32, #tpu.memory_space<vmem>>)
        %dma_wait3A_259 = arith.constant 0 : i32
        %dma_wait3A_260 = arith.constant 0 : i32
        %dma_wait3A_261 = arith.constant 0 : i32
        %dma_wait3A_262 = arith.constant 0 : i32
        %dma_wait3A_263 = tpu.memref_slice %arg10[%dma_wait3A_260, %dma_wait3A_261, %dma_wait3A_262] : memref<2x1024x16xf32, #tpu.memory_space<vmem>> -> memref<1x1024x16xf32, #tpu.memory_space<vmem>>
        %dma_wait3A_264 = tpu.memref_squeeze %dma_wait3A_263 : memref<1x1024x16xf32, #tpu.memory_space<vmem>> -> memref<1024x16xf32, #tpu.memory_space<vmem>>
        %dma_wait3A_265 = arith.constant 640 : i32
        %dma_wait3A_266 = arith.constant 0 : i32
        %dma_wait3A_267 = tpu.memref_slice %dma_wait3A_264[%dma_wait3A_265, %dma_wait3A_266] : memref<1024x16xf32, #tpu.memory_space<vmem>> -> memref<128x16xf32, #tpu.memory_space<vmem>>
        %dma_wait3A_268 = arith.constant 0 : i32
        %dma_wait3A_269 = tpu.memref_slice %arg8[%dma_wait3A_259, %dma_wait3A_268] : memref<2x1024xi32, #tpu.memory_space<vmem>> -> memref<1x1024xi32, #tpu.memory_space<vmem>>
        %dma_wait3A_270 = tpu.memref_squeeze %dma_wait3A_269 : memref<1x1024xi32, #tpu.memory_space<vmem>> -> memref<1024xi32, #tpu.memory_space<vmem>>
        %dma_wait3A_271 = arith.constant 640 : i32
        %dma_wait3A_272 = tpu.memref_slice %dma_wait3A_270[%dma_wait3A_271] : memref<1024xi32, #tpu.memory_space<vmem>> -> memref<128xi32, #tpu.memory_space<vmem>>
        %dma_wait3A_273 = arith.constant 0 : i32
        %dma_wait3A_274 = arith.constant 0 : i32
        %dma_wait3A_275 = tpu.memref_slice %arg2[%dma_wait3A_273, %dma_wait3A_274] : memref<65536x16xf32, #tpu.memory_space<hbm>> -> memref<65536x16xf32, #tpu.memory_space<hbm>>
        tpu.wait_indirect_dma semaphore(%arg12 : memref<!tpu.dma_semaphore, #tpu.memory_space<semaphore_mem>>) src(%dma_wait3A_275 : memref<65536x16xf32, #tpu.memory_space<hbm>>) dst(%dma_wait3A_267 : memref<128x16xf32, #tpu.memory_space<vmem>>)
        %dma_wait3A_276 = arith.constant 0 : i32
        %dma_wait3A_277 = arith.constant 0 : i32
        %dma_wait3A_278 = arith.constant 0 : i32
        %dma_wait3A_279 = arith.constant 0 : i32
        %dma_wait3A_280 = tpu.memref_slice %arg10[%dma_wait3A_277, %dma_wait3A_278, %dma_wait3A_279] : memref<2x1024x16xf32, #tpu.memory_space<vmem>> -> memref<1x1024x16xf32, #tpu.memory_space<vmem>>
        %dma_wait3A_281 = tpu.memref_squeeze %dma_wait3A_280 : memref<1x1024x16xf32, #tpu.memory_space<vmem>> -> memref<1024x16xf32, #tpu.memory_space<vmem>>
        %dma_wait3A_282 = arith.constant 768 : i32
        %dma_wait3A_283 = arith.constant 0 : i32
        %dma_wait3A_284 = tpu.memref_slice %dma_wait3A_281[%dma_wait3A_282, %dma_wait3A_283] : memref<1024x16xf32, #tpu.memory_space<vmem>> -> memref<128x16xf32, #tpu.memory_space<vmem>>
        %dma_wait3A_285 = arith.constant 0 : i32
        %dma_wait3A_286 = tpu.memref_slice %arg8[%dma_wait3A_276, %dma_wait3A_285] : memref<2x1024xi32, #tpu.memory_space<vmem>> -> memref<1x1024xi32, #tpu.memory_space<vmem>>
        %dma_wait3A_287 = tpu.memref_squeeze %dma_wait3A_286 : memref<1x1024xi32, #tpu.memory_space<vmem>> -> memref<1024xi32, #tpu.memory_space<vmem>>
        %dma_wait3A_288 = arith.constant 768 : i32
        %dma_wait3A_289 = tpu.memref_slice %dma_wait3A_287[%dma_wait3A_288] : memref<1024xi32, #tpu.memory_space<vmem>> -> memref<128xi32, #tpu.memory_space<vmem>>
        %dma_wait3A_290 = arith.constant 0 : i32
        %dma_wait3A_291 = arith.constant 0 : i32
        %dma_wait3A_292 = tpu.memref_slice %arg2[%dma_wait3A_290, %dma_wait3A_291] : memref<65536x16xf32, #tpu.memory_space<hbm>> -> memref<65536x16xf32, #tpu.memory_space<hbm>>
        tpu.wait_indirect_dma semaphore(%arg12 : memref<!tpu.dma_semaphore, #tpu.memory_space<semaphore_mem>>) src(%dma_wait3A_292 : memref<65536x16xf32, #tpu.memory_space<hbm>>) dst(%dma_wait3A_284 : memref<128x16xf32, #tpu.memory_space<vmem>>)
        %dma_wait3A_293 = arith.constant 0 : i32
        %dma_wait3A_294 = arith.constant 0 : i32
        %dma_wait3A_295 = arith.constant 0 : i32
        %dma_wait3A_296 = arith.constant 0 : i32
        %dma_wait3A_297 = tpu.memref_slice %arg10[%dma_wait3A_294, %dma_wait3A_295, %dma_wait3A_296] : memref<2x1024x16xf32, #tpu.memory_space<vmem>> -> memref<1x1024x16xf32, #tpu.memory_space<vmem>>
        %dma_wait3A_298 = tpu.memref_squeeze %dma_wait3A_297 : memref<1x1024x16xf32, #tpu.memory_space<vmem>> -> memref<1024x16xf32, #tpu.memory_space<vmem>>
        %dma_wait3A_299 = arith.constant 896 : i32
        %dma_wait3A_300 = arith.constant 0 : i32
        %dma_wait3A_301 = tpu.memref_slice %dma_wait3A_298[%dma_wait3A_299, %dma_wait3A_300] : memref<1024x16xf32, #tpu.memory_space<vmem>> -> memref<128x16xf32, #tpu.memory_space<vmem>>
        %dma_wait3A_302 = arith.constant 0 : i32
        %dma_wait3A_303 = tpu.memref_slice %arg8[%dma_wait3A_293, %dma_wait3A_302] : memref<2x1024xi32, #tpu.memory_space<vmem>> -> memref<1x1024xi32, #tpu.memory_space<vmem>>
        %dma_wait3A_304 = tpu.memref_squeeze %dma_wait3A_303 : memref<1x1024xi32, #tpu.memory_space<vmem>> -> memref<1024xi32, #tpu.memory_space<vmem>>
        %dma_wait3A_305 = arith.constant 896 : i32
        %dma_wait3A_306 = tpu.memref_slice %dma_wait3A_304[%dma_wait3A_305] : memref<1024xi32, #tpu.memory_space<vmem>> -> memref<128xi32, #tpu.memory_space<vmem>>
        %dma_wait3A_307 = arith.constant 0 : i32
        %dma_wait3A_308 = arith.constant 0 : i32
        %dma_wait3A_309 = tpu.memref_slice %arg2[%dma_wait3A_307, %dma_wait3A_308] : memref<65536x16xf32, #tpu.memory_space<hbm>> -> memref<65536x16xf32, #tpu.memory_space<hbm>>
        tpu.wait_indirect_dma semaphore(%arg12 : memref<!tpu.dma_semaphore, #tpu.memory_space<semaphore_mem>>) src(%dma_wait3A_309 : memref<65536x16xf32, #tpu.memory_space<hbm>>) dst(%dma_wait3A_301 : memref<128x16xf32, #tpu.memory_space<vmem>>)
        %scan3A_310 = arith.constant 0 : i32
        %scan3A_311 = arith.constant 0 : i32
        %scan3A_312 = arith.constant 64 : i32
        %scan3A_313 = arith.addi %scan3A_311, %scan3A_312 : i32
        %scan3A_314 = arith.constant 1 : i32
        scf.for %scan3A_316 = %scan3A_311 to %scan3A_313 step %scan3A_314  : i32 {
          %mul3A_317 = arith.constant 16 : i32
          %mul3A_318 = arith.muli %scan3A_316, %mul3A_317 : i32
          %get3A = arith.constant 0 : i32
          %get3A_319 = arith.index_cast %get3A : i32 to index
          %get3A_320 = arith.index_cast %mul3A_318 : i32 to index
          %get3A_321 = tpu.vector_load %arg7[%get3A_319, %get3A_320] {strides = array<i32>} : memref<2x1024xi32, #tpu.memory_space<vmem>>, vector<1x16xi32>,
          %get3A_322 = vector.shape_cast %get3A_321 : vector<1x16xi32> to vector<16xi32>
          %get3A_323 = arith.constant 0 : i32
          %get3A_324 = arith.index_cast %get3A_323 : i32 to index
          %get3A_325 = arith.index_cast %mul3A_318 : i32 to index
          %get3A_326 = tpu.vector_load %arg9[%get3A_324, %get3A_325] {strides = array<i32>} : memref<2x1024xf32, #tpu.memory_space<vmem>>, vector<1x16xf32>,
          %get3A_327 = vector.shape_cast %get3A_326 : vector<1x16xf32> to vector<16xf32>
          %slice3A = vector.extract_strided_slice %get3A_322 {offsets = [0], sizes = [1], strides = [1]} : vector<16xi32> to vector<1xi32>
          %squeeze3A = vector.extract %slice3A[0] : i32 from vector<1xi32>
          %slice3A_328 = vector.extract_strided_slice %get3A_327 {offsets = [0], sizes = [1], strides = [1]} : vector<16xf32> to vector<1xf32>
          %squeeze3A_329 = vector.extract %slice3A_328[0] : f32 from vector<1xf32>
          %get3A_330 = arith.index_cast %squeeze3A : i32 to index
          %get3A_331 = arith.constant 0 : index
          %get3A_332 = tpu.vector_load %arg11[%get3A_330, %get3A_331] {strides = array<i32>} : memref<64x16xf32, #tpu.memory_space<vmem>>, vector<1x16xf32>,
          %get3A_333 = vector.shape_cast %get3A_332 : vector<1x16xf32> to vector<16xf32>
          %add3A_334 = arith.constant 0 : i32
          %add3A_335 = arith.addi %mul3A_318, %add3A_334 : i32
          %get3A_336 = arith.constant 0 : i32
          %get3A_337 = arith.index_cast %get3A_336 : i32 to index
          %get3A_338 = arith.index_cast %add3A_335 : i32 to index
          %get3A_339 = arith.constant 0 : index
          %get3A_340 = tpu.vector_load %arg10[%get3A_337, %get3A_338, %get3A_339] {strides = array<i32>} : memref<2x1024x16xf32, #tpu.memory_space<vmem>>, vector<1x1x16xf32>,
          %get3A_341 = vector.shape_cast %get3A_340 : vector<1x1x16xf32> to vector<16xf32>
          %mul3A_342 = vector.broadcast %squeeze3A_329 : f32 to vector<16xf32>
          %mul3A_343 = arith.mulf %get3A_341, %mul3A_342 : vector<16xf32>
          %add3A_344 = arith.addf %get3A_333, %mul3A_343 : vector<16xf32>
          %swap3A = arith.index_cast %squeeze3A : i32 to index
          %swap3A_345 = arith.constant 0 : index
          %swap3A_346 = tpu.vector_load %arg11[%swap3A, %swap3A_345] {strides = array<i32>} : memref<64x16xf32, #tpu.memory_space<vmem>>, vector<1x16xf32>,
          %swap3A_347 = vector.shape_cast %swap3A_346 : vector<1x16xf32> to vector<16xf32>
          %swap3A_348 = vector.shape_cast %add3A_344 : vector<16xf32> to vector<1x16xf32>
          tpu.vector_store %arg11[%swap3A, %swap3A_345], %swap3A_348 {strides = array<i32>} : memref<64x16xf32, #tpu.memory_space<vmem>>, vector<1x16xf32>,
          %slice3A_349 = vector.extract_strided_slice %get3A_322 {offsets = [1], sizes = [1], strides = [1]} : vector<16xi32> to vector<1xi32>
          %squeeze3A_350 = vector.extract %slice3A_349[0] : i32 from vector<1xi32>
          %slice3A_351 = vector.extract_strided_slice %get3A_327 {offsets = [1], sizes = [1], strides = [1]} : vector<16xf32> to vector<1xf32>
          %squeeze3A_352 = vector.extract %slice3A_351[0] : f32 from vector<1xf32>
          %get3A_353 = arith.index_cast %squeeze3A_350 : i32 to index
          %get3A_354 = arith.constant 0 : index
          %get3A_355 = tpu.vector_load %arg11[%get3A_353, %get3A_354] {strides = array<i32>} : memref<64x16xf32, #tpu.memory_space<vmem>>, vector<1x16xf32>,
          %get3A_356 = vector.shape_cast %get3A_355 : vector<1x16xf32> to vector<16xf32>
          %add3A_357 = arith.constant 1 : i32
          %add3A_358 = arith.addi %mul3A_318, %add3A_357 : i32
          %get3A_359 = arith.constant 0 : i32
          %get3A_360 = arith.index_cast %get3A_359 : i32 to index
          %get3A_361 = arith.index_cast %add3A_358 : i32 to index
          %get3A_362 = arith.constant 0 : index
          %get3A_363 = tpu.vector_load %arg10[%get3A_360, %get3A_361, %get3A_362] {strides = array<i32>} : memref<2x1024x16xf32, #tpu.memory_space<vmem>>, vector<1x1x16xf32>,
          %get3A_364 = vector.shape_cast %get3A_363 : vector<1x1x16xf32> to vector<16xf32>
          %mul3A_365 = vector.broadcast %squeeze3A_352 : f32 to vector<16xf32>
          %mul3A_366 = arith.mulf %get3A_364, %mul3A_365 : vector<16xf32>
          %add3A_367 = arith.addf %get3A_356, %mul3A_366 : vector<16xf32>
          %swap3A_368 = arith.index_cast %squeeze3A_350 : i32 to index
          %swap3A_369 = arith.constant 0 : index
          %swap3A_370 = tpu.vector_load %arg11[%swap3A_368, %swap3A_369] {strides = array<i32>} : memref<64x16xf32, #tpu.memory_space<vmem>>, vector<1x16xf32>,
          %swap3A_371 = vector.shape_cast %swap3A_370 : vector<1x16xf32> to vector<16xf32>
          %swap3A_372 = vector.shape_cast %add3A_367 : vector<16xf32> to vector<1x16xf32>
          tpu.vector_store %arg11[%swap3A_368, %swap3A_369], %swap3A_372 {strides = array<i32>} : memref<64x16xf32, #tpu.memory_space<vmem>>, vector<1x16xf32>,
          %slice3A_373 = vector.extract_strided_slice %get3A_322 {offsets = [2], sizes = [1], strides = [1]} : vector<16xi32> to vector<1xi32>
          %squeeze3A_374 = vector.extract %slice3A_373[0] : i32 from vector<1xi32>
          %slice3A_375 = vector.extract_strided_slice %get3A_327 {offsets = [2], sizes = [1], strides = [1]} : vector<16xf32> to vector<1xf32>
          %squeeze3A_376 = vector.extract %slice3A_375[0] : f32 from vector<1xf32>
          %get3A_377 = arith.index_cast %squeeze3A_374 : i32 to index
          %get3A_378 = arith.constant 0 : index
          %get3A_379 = tpu.vector_load %arg11[%get3A_377, %get3A_378] {strides = array<i32>} : memref<64x16xf32, #tpu.memory_space<vmem>>, vector<1x16xf32>,
          %get3A_380 = vector.shape_cast %get3A_379 : vector<1x16xf32> to vector<16xf32>
          %add3A_381 = arith.constant 2 : i32
          %add3A_382 = arith.addi %mul3A_318, %add3A_381 : i32
          %get3A_383 = arith.constant 0 : i32
          %get3A_384 = arith.index_cast %get3A_383 : i32 to index
          %get3A_385 = arith.index_cast %add3A_382 : i32 to index
          %get3A_386 = arith.constant 0 : index
          %get3A_387 = tpu.vector_load %arg10[%get3A_384, %get3A_385, %get3A_386] {strides = array<i32>} : memref<2x1024x16xf32, #tpu.memory_space<vmem>>, vector<1x1x16xf32>,
          %get3A_388 = vector.shape_cast %get3A_387 : vector<1x1x16xf32> to vector<16xf32>
          %mul3A_389 = vector.broadcast %squeeze3A_376 : f32 to vector<16xf32>
          %mul3A_390 = arith.mulf %get3A_388, %mul3A_389 : vector<16xf32>
          %add3A_391 = arith.addf %get3A_380, %mul3A_390 : vector<16xf32>
          %swap3A_392 = arith.index_cast %squeeze3A_374 : i32 to index
          %swap3A_393 = arith.constant 0 : index
          %swap3A_394 = tpu.vector_load %arg11[%swap3A_392, %swap3A_393] {strides = array<i32>} : memref<64x16xf32, #tpu.memory_space<vmem>>, vector<1x16xf32>,
          %swap3A_395 = vector.shape_cast %swap3A_394 : vector<1x16xf32> to vector<16xf32>
          %swap3A_396 = vector.shape_cast %add3A_391 : vector<16xf32> to vector<1x16xf32>
          tpu.vector_store %arg11[%swap3A_392, %swap3A_393], %swap3A_396 {strides = array<i32>} : memref<64x16xf32, #tpu.memory_space<vmem>>, vector<1x16xf32>,
          %slice3A_397 = vector.extract_strided_slice %get3A_322 {offsets = [3], sizes = [1], strides = [1]} : vector<16xi32> to vector<1xi32>
          %squeeze3A_398 = vector.extract %slice3A_397[0] : i32 from vector<1xi32>
          %slice3A_399 = vector.extract_strided_slice %get3A_327 {offsets = [3], sizes = [1], strides = [1]} : vector<16xf32> to vector<1xf32>
          %squeeze3A_400 = vector.extract %slice3A_399[0] : f32 from vector<1xf32>
          %get3A_401 = arith.index_cast %squeeze3A_398 : i32 to index
          %get3A_402 = arith.constant 0 : index
          %get3A_403 = tpu.vector_load %arg11[%get3A_401, %get3A_402] {strides = array<i32>} : memref<64x16xf32, #tpu.memory_space<vmem>>, vector<1x16xf32>,
          %get3A_404 = vector.shape_cast %get3A_403 : vector<1x16xf32> to vector<16xf32>
          %add3A_405 = arith.constant 3 : i32
          %add3A_406 = arith.addi %mul3A_318, %add3A_405 : i32
          %get3A_407 = arith.constant 0 : i32
          %get3A_408 = arith.index_cast %get3A_407 : i32 to index
          %get3A_409 = arith.index_cast %add3A_406 : i32 to index
          %get3A_410 = arith.constant 0 : index
          %get3A_411 = tpu.vector_load %arg10[%get3A_408, %get3A_409, %get3A_410] {strides = array<i32>} : memref<2x1024x16xf32, #tpu.memory_space<vmem>>, vector<1x1x16xf32>,
          %get3A_412 = vector.shape_cast %get3A_411 : vector<1x1x16xf32> to vector<16xf32>
          %mul3A_413 = vector.broadcast %squeeze3A_400 : f32 to vector<16xf32>
          %mul3A_414 = arith.mulf %get3A_412, %mul3A_413 : vector<16xf32>
          %add3A_415 = arith.addf %get3A_404, %mul3A_414 : vector<16xf32>
          %swap3A_416 = arith.index_cast %squeeze3A_398 : i32 to index
          %swap3A_417 = arith.constant 0 : index
          %swap3A_418 = tpu.vector_load %arg11[%swap3A_416, %swap3A_417] {strides = array<i32>} : memref<64x16xf32, #tpu.memory_space<vmem>>, vector<1x16xf32>,
          %swap3A_419 = vector.shape_cast %swap3A_418 : vector<1x16xf32> to vector<16xf32>
          %swap3A_420 = vector.shape_cast %add3A_415 : vector<16xf32> to vector<1x16xf32>
          tpu.vector_store %arg11[%swap3A_416, %swap3A_417], %swap3A_420 {strides = array<i32>} : memref<64x16xf32, #tpu.memory_space<vmem>>, vector<1x16xf32>,
          %slice3A_421 = vector.extract_strided_slice %get3A_322 {offsets = [4], sizes = [1], strides = [1]} : vector<16xi32> to vector<1xi32>
          %squeeze3A_422 = vector.extract %slice3A_421[0] : i32 from vector<1xi32>
          %slice3A_423 = vector.extract_strided_slice %get3A_327 {offsets = [4], sizes = [1], strides = [1]} : vector<16xf32> to vector<1xf32>
          %squeeze3A_424 = vector.extract %slice3A_423[0] : f32 from vector<1xf32>
          %get3A_425 = arith.index_cast %squeeze3A_422 : i32 to index
          %get3A_426 = arith.constant 0 : index
          %get3A_427 = tpu.vector_load %arg11[%get3A_425, %get3A_426] {strides = array<i32>} : memref<64x16xf32, #tpu.memory_space<vmem>>, vector<1x16xf32>,
          %get3A_428 = vector.shape_cast %get3A_427 : vector<1x16xf32> to vector<16xf32>
          %add3A_429 = arith.constant 4 : i32
          %add3A_430 = arith.addi %mul3A_318, %add3A_429 : i32
          %get3A_431 = arith.constant 0 : i32
          %get3A_432 = arith.index_cast %get3A_431 : i32 to index
          %get3A_433 = arith.index_cast %add3A_430 : i32 to index
          %get3A_434 = arith.constant 0 : index
          %get3A_435 = tpu.vector_load %arg10[%get3A_432, %get3A_433, %get3A_434] {strides = array<i32>} : memref<2x1024x16xf32, #tpu.memory_space<vmem>>, vector<1x1x16xf32>,
          %get3A_436 = vector.shape_cast %get3A_435 : vector<1x1x16xf32> to vector<16xf32>
          %mul3A_437 = vector.broadcast %squeeze3A_424 : f32 to vector<16xf32>
          %mul3A_438 = arith.mulf %get3A_436, %mul3A_437 : vector<16xf32>
          %add3A_439 = arith.addf %get3A_428, %mul3A_438 : vector<16xf32>
          %swap3A_440 = arith.index_cast %squeeze3A_422 : i32 to index
          %swap3A_441 = arith.constant 0 : index
          %swap3A_442 = tpu.vector_load %arg11[%swap3A_440, %swap3A_441] {strides = array<i32>} : memref<64x16xf32, #tpu.memory_space<vmem>>, vector<1x16xf32>,
          %swap3A_443 = vector.shape_cast %swap3A_442 : vector<1x16xf32> to vector<16xf32>
          %swap3A_444 = vector.shape_cast %add3A_439 : vector<16xf32> to vector<1x16xf32>
          tpu.vector_store %arg11[%swap3A_440, %swap3A_441], %swap3A_444 {strides = array<i32>} : memref<64x16xf32, #tpu.memory_space<vmem>>, vector<1x16xf32>,
          %slice3A_445 = vector.extract_strided_slice %get3A_322 {offsets = [5], sizes = [1], strides = [1]} : vector<16xi32> to vector<1xi32>
          %squeeze3A_446 = vector.extract %slice3A_445[0] : i32 from vector<1xi32>
          %slice3A_447 = vector.extract_strided_slice %get3A_327 {offsets = [5], sizes = [1], strides = [1]} : vector<16xf32> to vector<1xf32>
          %squeeze3A_448 = vector.extract %slice3A_447[0] : f32 from vector<1xf32>
          %get3A_449 = arith.index_cast %squeeze3A_446 : i32 to index
          %get3A_450 = arith.constant 0 : index
          %get3A_451 = tpu.vector_load %arg11[%get3A_449, %get3A_450] {strides = array<i32>} : memref<64x16xf32, #tpu.memory_space<vmem>>, vector<1x16xf32>,
          %get3A_452 = vector.shape_cast %get3A_451 : vector<1x16xf32> to vector<16xf32>
          %add3A_453 = arith.constant 5 : i32
          %add3A_454 = arith.addi %mul3A_318, %add3A_453 : i32
          %get3A_455 = arith.constant 0 : i32
          %get3A_456 = arith.index_cast %get3A_455 : i32 to index
          %get3A_457 = arith.index_cast %add3A_454 : i32 to index
          %get3A_458 = arith.constant 0 : index
          %get3A_459 = tpu.vector_load %arg10[%get3A_456, %get3A_457, %get3A_458] {strides = array<i32>} : memref<2x1024x16xf32, #tpu.memory_space<vmem>>, vector<1x1x16xf32>,
          %get3A_460 = vector.shape_cast %get3A_459 : vector<1x1x16xf32> to vector<16xf32>
          %mul3A_461 = vector.broadcast %squeeze3A_448 : f32 to vector<16xf32>
          %mul3A_462 = arith.mulf %get3A_460, %mul3A_461 : vector<16xf32>
          %add3A_463 = arith.addf %get3A_452, %mul3A_462 : vector<16xf32>
          %swap3A_464 = arith.index_cast %squeeze3A_446 : i32 to index
          %swap3A_465 = arith.constant 0 : index
          %swap3A_466 = tpu.vector_load %arg11[%swap3A_464, %swap3A_465] {strides = array<i32>} : memref<64x16xf32, #tpu.memory_space<vmem>>, vector<1x16xf32>,
          %swap3A_467 = vector.shape_cast %swap3A_466 : vector<1x16xf32> to vector<16xf32>
          %swap3A_468 = vector.shape_cast %add3A_463 : vector<16xf32> to vector<1x16xf32>
          tpu.vector_store %arg11[%swap3A_464, %swap3A_465], %swap3A_468 {strides = array<i32>} : memref<64x16xf32, #tpu.memory_space<vmem>>, vector<1x16xf32>,
          %slice3A_469 = vector.extract_strided_slice %get3A_322 {offsets = [6], sizes = [1], strides = [1]} : vector<16xi32> to vector<1xi32>
          %squeeze3A_470 = vector.extract %slice3A_469[0] : i32 from vector<1xi32>
          %slice3A_471 = vector.extract_strided_slice %get3A_327 {offsets = [6], sizes = [1], strides = [1]} : vector<16xf32> to vector<1xf32>
          %squeeze3A_472 = vector.extract %slice3A_471[0] : f32 from vector<1xf32>
          %get3A_473 = arith.index_cast %squeeze3A_470 : i32 to index
          %get3A_474 = arith.constant 0 : index
          %get3A_475 = tpu.vector_load %arg11[%get3A_473, %get3A_474] {strides = array<i32>} : memref<64x16xf32, #tpu.memory_space<vmem>>, vector<1x16xf32>,
          %get3A_476 = vector.shape_cast %get3A_475 : vector<1x16xf32> to vector<16xf32>
          %add3A_477 = arith.constant 6 : i32
          %add3A_478 = arith.addi %mul3A_318, %add3A_477 : i32
          %get3A_479 = arith.constant 0 : i32
          %get3A_480 = arith.index_cast %get3A_479 : i32 to index
          %get3A_481 = arith.index_cast %add3A_478 : i32 to index
          %get3A_482 = arith.constant 0 : index
          %get3A_483 = tpu.vector_load %arg10[%get3A_480, %get3A_481, %get3A_482] {strides = array<i32>} : memref<2x1024x16xf32, #tpu.memory_space<vmem>>, vector<1x1x16xf32>,
          %get3A_484 = vector.shape_cast %get3A_483 : vector<1x1x16xf32> to vector<16xf32>
          %mul3A_485 = vector.broadcast %squeeze3A_472 : f32 to vector<16xf32>
          %mul3A_486 = arith.mulf %get3A_484, %mul3A_485 : vector<16xf32>
          %add3A_487 = arith.addf %get3A_476, %mul3A_486 : vector<16xf32>
          %swap3A_488 = arith.index_cast %squeeze3A_470 : i32 to index
          %swap3A_489 = arith.constant 0 : index
          %swap3A_490 = tpu.vector_load %arg11[%swap3A_488, %swap3A_489] {strides = array<i32>} : memref<64x16xf32, #tpu.memory_space<vmem>>, vector<1x16xf32>,
          %swap3A_491 = vector.shape_cast %swap3A_490 : vector<1x16xf32> to vector<16xf32>
          %swap3A_492 = vector.shape_cast %add3A_487 : vector<16xf32> to vector<1x16xf32>
          tpu.vector_store %arg11[%swap3A_488, %swap3A_489], %swap3A_492 {strides = array<i32>} : memref<64x16xf32, #tpu.memory_space<vmem>>, vector<1x16xf32>,
          %slice3A_493 = vector.extract_strided_slice %get3A_322 {offsets = [7], sizes = [1], strides = [1]} : vector<16xi32> to vector<1xi32>
          %squeeze3A_494 = vector.extract %slice3A_493[0] : i32 from vector<1xi32>
          %slice3A_495 = vector.extract_strided_slice %get3A_327 {offsets = [7], sizes = [1], strides = [1]} : vector<16xf32> to vector<1xf32>
          %squeeze3A_496 = vector.extract %slice3A_495[0] : f32 from vector<1xf32>
          %get3A_497 = arith.index_cast %squeeze3A_494 : i32 to index
          %get3A_498 = arith.constant 0 : index
          %get3A_499 = tpu.vector_load %arg11[%get3A_497, %get3A_498] {strides = array<i32>} : memref<64x16xf32, #tpu.memory_space<vmem>>, vector<1x16xf32>,
          %get3A_500 = vector.shape_cast %get3A_499 : vector<1x16xf32> to vector<16xf32>
          %add3A_501 = arith.constant 7 : i32
          %add3A_502 = arith.addi %mul3A_318, %add3A_501 : i32
          %get3A_503 = arith.constant 0 : i32
          %get3A_504 = arith.index_cast %get3A_503 : i32 to index
          %get3A_505 = arith.index_cast %add3A_502 : i32 to index
          %get3A_506 = arith.constant 0 : index
          %get3A_507 = tpu.vector_load %arg10[%get3A_504, %get3A_505, %get3A_506] {strides = array<i32>} : memref<2x1024x16xf32, #tpu.memory_space<vmem>>, vector<1x1x16xf32>,
          %get3A_508 = vector.shape_cast %get3A_507 : vector<1x1x16xf32> to vector<16xf32>
          %mul3A_509 = vector.broadcast %squeeze3A_496 : f32 to vector<16xf32>
          %mul3A_510 = arith.mulf %get3A_508, %mul3A_509 : vector<16xf32>
          %add3A_511 = arith.addf %get3A_500, %mul3A_510 : vector<16xf32>
          %swap3A_512 = arith.index_cast %squeeze3A_494 : i32 to index
          %swap3A_513 = arith.constant 0 : index
          %swap3A_514 = tpu.vector_load %arg11[%swap3A_512, %swap3A_513] {strides = array<i32>} : memref<64x16xf32, #tpu.memory_space<vmem>>, vector<1x16xf32>,
          %swap3A_515 = vector.shape_cast %swap3A_514 : vector<1x16xf32> to vector<16xf32>
          %swap3A_516 = vector.shape_cast %add3A_511 : vector<16xf32> to vector<1x16xf32>
          tpu.vector_store %arg11[%swap3A_512, %swap3A_513], %swap3A_516 {strides = array<i32>} : memref<64x16xf32, #tpu.memory_space<vmem>>, vector<1x16xf32>,
          %slice3A_517 = vector.extract_strided_slice %get3A_322 {offsets = [8], sizes = [1], strides = [1]} : vector<16xi32> to vector<1xi32>
          %squeeze3A_518 = vector.extract %slice3A_517[0] : i32 from vector<1xi32>
          %slice3A_519 = vector.extract_strided_slice %get3A_327 {offsets = [8], sizes = [1], strides = [1]} : vector<16xf32> to vector<1xf32>
          %squeeze3A_520 = vector.extract %slice3A_519[0] : f32 from vector<1xf32>
          %get3A_521 = arith.index_cast %squeeze3A_518 : i32 to index
          %get3A_522 = arith.constant 0 : index
          %get3A_523 = tpu.vector_load %arg11[%get3A_521, %get3A_522] {strides = array<i32>} : memref<64x16xf32, #tpu.memory_space<vmem>>, vector<1x16xf32>,
          %get3A_524 = vector.shape_cast %get3A_523 : vector<1x16xf32> to vector<16xf32>
          %add3A_525 = arith.constant 8 : i32
          %add3A_526 = arith.addi %mul3A_318, %add3A_525 : i32
          %get3A_527 = arith.constant 0 : i32
          %get3A_528 = arith.index_cast %get3A_527 : i32 to index
          %get3A_529 = arith.index_cast %add3A_526 : i32 to index
          %get3A_530 = arith.constant 0 : index
          %get3A_531 = tpu.vector_load %arg10[%get3A_528, %get3A_529, %get3A_530] {strides = array<i32>} : memref<2x1024x16xf32, #tpu.memory_space<vmem>>, vector<1x1x16xf32>,
          %get3A_532 = vector.shape_cast %get3A_531 : vector<1x1x16xf32> to vector<16xf32>
          %mul3A_533 = vector.broadcast %squeeze3A_520 : f32 to vector<16xf32>
          %mul3A_534 = arith.mulf %get3A_532, %mul3A_533 : vector<16xf32>
          %add3A_535 = arith.addf %get3A_524, %mul3A_534 : vector<16xf32>
          %swap3A_536 = arith.index_cast %squeeze3A_518 : i32 to index
          %swap3A_537 = arith.constant 0 : index
          %swap3A_538 = tpu.vector_load %arg11[%swap3A_536, %swap3A_537] {strides = array<i32>} : memref<64x16xf32, #tpu.memory_space<vmem>>, vector<1x16xf32>,
          %swap3A_539 = vector.shape_cast %swap3A_538 : vector<1x16xf32> to vector<16xf32>
          %swap3A_540 = vector.shape_cast %add3A_535 : vector<16xf32> to vector<1x16xf32>
          tpu.vector_store %arg11[%swap3A_536, %swap3A_537], %swap3A_540 {strides = array<i32>} : memref<64x16xf32, #tpu.memory_space<vmem>>, vector<1x16xf32>,
          %slice3A_541 = vector.extract_strided_slice %get3A_322 {offsets = [9], sizes = [1], strides = [1]} : vector<16xi32> to vector<1xi32>
          %squeeze3A_542 = vector.extract %slice3A_541[0] : i32 from vector<1xi32>
          %slice3A_543 = vector.extract_strided_slice %get3A_327 {offsets = [9], sizes = [1], strides = [1]} : vector<16xf32> to vector<1xf32>
          %squeeze3A_544 = vector.extract %slice3A_543[0] : f32 from vector<1xf32>
          %get3A_545 = arith.index_cast %squeeze3A_542 : i32 to index
          %get3A_546 = arith.constant 0 : index
          %get3A_547 = tpu.vector_load %arg11[%get3A_545, %get3A_546] {strides = array<i32>} : memref<64x16xf32, #tpu.memory_space<vmem>>, vector<1x16xf32>,
          %get3A_548 = vector.shape_cast %get3A_547 : vector<1x16xf32> to vector<16xf32>
          %add3A_549 = arith.constant 9 : i32
          %add3A_550 = arith.addi %mul3A_318, %add3A_549 : i32
          %get3A_551 = arith.constant 0 : i32
          %get3A_552 = arith.index_cast %get3A_551 : i32 to index
          %get3A_553 = arith.index_cast %add3A_550 : i32 to index
          %get3A_554 = arith.constant 0 : index
          %get3A_555 = tpu.vector_load %arg10[%get3A_552, %get3A_553, %get3A_554] {strides = array<i32>} : memref<2x1024x16xf32, #tpu.memory_space<vmem>>, vector<1x1x16xf32>,
          %get3A_556 = vector.shape_cast %get3A_555 : vector<1x1x16xf32> to vector<16xf32>
          %mul3A_557 = vector.broadcast %squeeze3A_544 : f32 to vector<16xf32>
          %mul3A_558 = arith.mulf %get3A_556, %mul3A_557 : vector<16xf32>
          %add3A_559 = arith.addf %get3A_548, %mul3A_558 : vector<16xf32>
          %swap3A_560 = arith.index_cast %squeeze3A_542 : i32 to index
          %swap3A_561 = arith.constant 0 : index
          %swap3A_562 = tpu.vector_load %arg11[%swap3A_560, %swap3A_561] {strides = array<i32>} : memref<64x16xf32, #tpu.memory_space<vmem>>, vector<1x16xf32>,
          %swap3A_563 = vector.shape_cast %swap3A_562 : vector<1x16xf32> to vector<16xf32>
          %swap3A_564 = vector.shape_cast %add3A_559 : vector<16xf32> to vector<1x16xf32>
          tpu.vector_store %arg11[%swap3A_560, %swap3A_561], %swap3A_564 {strides = array<i32>} : memref<64x16xf32, #tpu.memory_space<vmem>>, vector<1x16xf32>,
          %slice3A_565 = vector.extract_strided_slice %get3A_322 {offsets = [10], sizes = [1], strides = [1]} : vector<16xi32> to vector<1xi32>
          %squeeze3A_566 = vector.extract %slice3A_565[0] : i32 from vector<1xi32>
          %slice3A_567 = vector.extract_strided_slice %get3A_327 {offsets = [10], sizes = [1], strides = [1]} : vector<16xf32> to vector<1xf32>
          %squeeze3A_568 = vector.extract %slice3A_567[0] : f32 from vector<1xf32>
          %get3A_569 = arith.index_cast %squeeze3A_566 : i32 to index
          %get3A_570 = arith.constant 0 : index
          %get3A_571 = tpu.vector_load %arg11[%get3A_569, %get3A_570] {strides = array<i32>} : memref<64x16xf32, #tpu.memory_space<vmem>>, vector<1x16xf32>,
          %get3A_572 = vector.shape_cast %get3A_571 : vector<1x16xf32> to vector<16xf32>
          %add3A_573 = arith.constant 10 : i32
          %add3A_574 = arith.addi %mul3A_318, %add3A_573 : i32
          %get3A_575 = arith.constant 0 : i32
          %get3A_576 = arith.index_cast %get3A_575 : i32 to index
          %get3A_577 = arith.index_cast %add3A_574 : i32 to index
          %get3A_578 = arith.constant 0 : index
          %get3A_579 = tpu.vector_load %arg10[%get3A_576, %get3A_577, %get3A_578] {strides = array<i32>} : memref<2x1024x16xf32, #tpu.memory_space<vmem>>, vector<1x1x16xf32>,
          %get3A_580 = vector.shape_cast %get3A_579 : vector<1x1x16xf32> to vector<16xf32>
          %mul3A_581 = vector.broadcast %squeeze3A_568 : f32 to vector<16xf32>
          %mul3A_582 = arith.mulf %get3A_580, %mul3A_581 : vector<16xf32>
          %add3A_583 = arith.addf %get3A_572, %mul3A_582 : vector<16xf32>
          %swap3A_584 = arith.index_cast %squeeze3A_566 : i32 to index
          %swap3A_585 = arith.constant 0 : index
          %swap3A_586 = tpu.vector_load %arg11[%swap3A_584, %swap3A_585] {strides = array<i32>} : memref<64x16xf32, #tpu.memory_space<vmem>>, vector<1x16xf32>,
          %swap3A_587 = vector.shape_cast %swap3A_586 : vector<1x16xf32> to vector<16xf32>
          %swap3A_588 = vector.shape_cast %add3A_583 : vector<16xf32> to vector<1x16xf32>
          tpu.vector_store %arg11[%swap3A_584, %swap3A_585], %swap3A_588 {strides = array<i32>} : memref<64x16xf32, #tpu.memory_space<vmem>>, vector<1x16xf32>,
          %slice3A_589 = vector.extract_strided_slice %get3A_322 {offsets = [11], sizes = [1], strides = [1]} : vector<16xi32> to vector<1xi32>
          %squeeze3A_590 = vector.extract %slice3A_589[0] : i32 from vector<1xi32>
          %slice3A_591 = vector.extract_strided_slice %get3A_327 {offsets = [11], sizes = [1], strides = [1]} : vector<16xf32> to vector<1xf32>
          %squeeze3A_592 = vector.extract %slice3A_591[0] : f32 from vector<1xf32>
          %get3A_593 = arith.index_cast %squeeze3A_590 : i32 to index
          %get3A_594 = arith.constant 0 : index
          %get3A_595 = tpu.vector_load %arg11[%get3A_593, %get3A_594] {strides = array<i32>} : memref<64x16xf32, #tpu.memory_space<vmem>>, vector<1x16xf32>,
          %get3A_596 = vector.shape_cast %get3A_595 : vector<1x16xf32> to vector<16xf32>
          %add3A_597 = arith.constant 11 : i32
          %add3A_598 = arith.addi %mul3A_318, %add3A_597 : i32
          %get3A_599 = arith.constant 0 : i32
          %get3A_600 = arith.index_cast %get3A_599 : i32 to index
          %get3A_601 = arith.index_cast %add3A_598 : i32 to index
          %get3A_602 = arith.constant 0 : index
          %get3A_603 = tpu.vector_load %arg10[%get3A_600, %get3A_601, %get3A_602] {strides = array<i32>} : memref<2x1024x16xf32, #tpu.memory_space<vmem>>, vector<1x1x16xf32>,
          %get3A_604 = vector.shape_cast %get3A_603 : vector<1x1x16xf32> to vector<16xf32>
          %mul3A_605 = vector.broadcast %squeeze3A_592 : f32 to vector<16xf32>
          %mul3A_606 = arith.mulf %get3A_604, %mul3A_605 : vector<16xf32>
          %add3A_607 = arith.addf %get3A_596, %mul3A_606 : vector<16xf32>
          %swap3A_608 = arith.index_cast %squeeze3A_590 : i32 to index
          %swap3A_609 = arith.constant 0 : index
          %swap3A_610 = tpu.vector_load %arg11[%swap3A_608, %swap3A_609] {strides = array<i32>} : memref<64x16xf32, #tpu.memory_space<vmem>>, vector<1x16xf32>,
          %swap3A_611 = vector.shape_cast %swap3A_610 : vector<1x16xf32> to vector<16xf32>
          %swap3A_612 = vector.shape_cast %add3A_607 : vector<16xf32> to vector<1x16xf32>
          tpu.vector_store %arg11[%swap3A_608, %swap3A_609], %swap3A_612 {strides = array<i32>} : memref<64x16xf32, #tpu.memory_space<vmem>>, vector<1x16xf32>,
          %slice3A_613 = vector.extract_strided_slice %get3A_322 {offsets = [12], sizes = [1], strides = [1]} : vector<16xi32> to vector<1xi32>
          %squeeze3A_614 = vector.extract %slice3A_613[0] : i32 from vector<1xi32>
          %slice3A_615 = vector.extract_strided_slice %get3A_327 {offsets = [12], sizes = [1], strides = [1]} : vector<16xf32> to vector<1xf32>
          %squeeze3A_616 = vector.extract %slice3A_615[0] : f32 from vector<1xf32>
          %get3A_617 = arith.index_cast %squeeze3A_614 : i32 to index
          %get3A_618 = arith.constant 0 : index
          %get3A_619 = tpu.vector_load %arg11[%get3A_617, %get3A_618] {strides = array<i32>} : memref<64x16xf32, #tpu.memory_space<vmem>>, vector<1x16xf32>,
          %get3A_620 = vector.shape_cast %get3A_619 : vector<1x16xf32> to vector<16xf32>
          %add3A_621 = arith.constant 12 : i32
          %add3A_622 = arith.addi %mul3A_318, %add3A_621 : i32
          %get3A_623 = arith.constant 0 : i32
          %get3A_624 = arith.index_cast %get3A_623 : i32 to index
          %get3A_625 = arith.index_cast %add3A_622 : i32 to index
          %get3A_626 = arith.constant 0 : index
          %get3A_627 = tpu.vector_load %arg10[%get3A_624, %get3A_625, %get3A_626] {strides = array<i32>} : memref<2x1024x16xf32, #tpu.memory_space<vmem>>, vector<1x1x16xf32>,
          %get3A_628 = vector.shape_cast %get3A_627 : vector<1x1x16xf32> to vector<16xf32>
          %mul3A_629 = vector.broadcast %squeeze3A_616 : f32 to vector<16xf32>
          %mul3A_630 = arith.mulf %get3A_628, %mul3A_629 : vector<16xf32>
          %add3A_631 = arith.addf %get3A_620, %mul3A_630 : vector<16xf32>
          %swap3A_632 = arith.index_cast %squeeze3A_614 : i32 to index
          %swap3A_633 = arith.constant 0 : index
          %swap3A_634 = tpu.vector_load %arg11[%swap3A_632, %swap3A_633] {strides = array<i32>} : memref<64x16xf32, #tpu.memory_space<vmem>>, vector<1x16xf32>,
          %swap3A_635 = vector.shape_cast %swap3A_634 : vector<1x16xf32> to vector<16xf32>
          %swap3A_636 = vector.shape_cast %add3A_631 : vector<16xf32> to vector<1x16xf32>
          tpu.vector_store %arg11[%swap3A_632, %swap3A_633], %swap3A_636 {strides = array<i32>} : memref<64x16xf32, #tpu.memory_space<vmem>>, vector<1x16xf32>,
          %slice3A_637 = vector.extract_strided_slice %get3A_322 {offsets = [13], sizes = [1], strides = [1]} : vector<16xi32> to vector<1xi32>
          %squeeze3A_638 = vector.extract %slice3A_637[0] : i32 from vector<1xi32>
          %slice3A_639 = vector.extract_strided_slice %get3A_327 {offsets = [13], sizes = [1], strides = [1]} : vector<16xf32> to vector<1xf32>
          %squeeze3A_640 = vector.extract %slice3A_639[0] : f32 from vector<1xf32>
          %get3A_641 = arith.index_cast %squeeze3A_638 : i32 to index
          %get3A_642 = arith.constant 0 : index
          %get3A_643 = tpu.vector_load %arg11[%get3A_641, %get3A_642] {strides = array<i32>} : memref<64x16xf32, #tpu.memory_space<vmem>>, vector<1x16xf32>,
          %get3A_644 = vector.shape_cast %get3A_643 : vector<1x16xf32> to vector<16xf32>
          %add3A_645 = arith.constant 13 : i32
          %add3A_646 = arith.addi %mul3A_318, %add3A_645 : i32
          %get3A_647 = arith.constant 0 : i32
          %get3A_648 = arith.index_cast %get3A_647 : i32 to index
          %get3A_649 = arith.index_cast %add3A_646 : i32 to index
          %get3A_650 = arith.constant 0 : index
          %get3A_651 = tpu.vector_load %arg10[%get3A_648, %get3A_649, %get3A_650] {strides = array<i32>} : memref<2x1024x16xf32, #tpu.memory_space<vmem>>, vector<1x1x16xf32>,
          %get3A_652 = vector.shape_cast %get3A_651 : vector<1x1x16xf32> to vector<16xf32>
          %mul3A_653 = vector.broadcast %squeeze3A_640 : f32 to vector<16xf32>
          %mul3A_654 = arith.mulf %get3A_652, %mul3A_653 : vector<16xf32>
          %add3A_655 = arith.addf %get3A_644, %mul3A_654 : vector<16xf32>
          %swap3A_656 = arith.index_cast %squeeze3A_638 : i32 to index
          %swap3A_657 = arith.constant 0 : index
          %swap3A_658 = tpu.vector_load %arg11[%swap3A_656, %swap3A_657] {strides = array<i32>} : memref<64x16xf32, #tpu.memory_space<vmem>>, vector<1x16xf32>,
          %swap3A_659 = vector.shape_cast %swap3A_658 : vector<1x16xf32> to vector<16xf32>
          %swap3A_660 = vector.shape_cast %add3A_655 : vector<16xf32> to vector<1x16xf32>
          tpu.vector_store %arg11[%swap3A_656, %swap3A_657], %swap3A_660 {strides = array<i32>} : memref<64x16xf32, #tpu.memory_space<vmem>>, vector<1x16xf32>,
          %slice3A_661 = vector.extract_strided_slice %get3A_322 {offsets = [14], sizes = [1], strides = [1]} : vector<16xi32> to vector<1xi32>
          %squeeze3A_662 = vector.extract %slice3A_661[0] : i32 from vector<1xi32>
          %slice3A_663 = vector.extract_strided_slice %get3A_327 {offsets = [14], sizes = [1], strides = [1]} : vector<16xf32> to vector<1xf32>
          %squeeze3A_664 = vector.extract %slice3A_663[0] : f32 from vector<1xf32>
          %get3A_665 = arith.index_cast %squeeze3A_662 : i32 to index
          %get3A_666 = arith.constant 0 : index
          %get3A_667 = tpu.vector_load %arg11[%get3A_665, %get3A_666] {strides = array<i32>} : memref<64x16xf32, #tpu.memory_space<vmem>>, vector<1x16xf32>,
          %get3A_668 = vector.shape_cast %get3A_667 : vector<1x16xf32> to vector<16xf32>
          %add3A_669 = arith.constant 14 : i32
          %add3A_670 = arith.addi %mul3A_318, %add3A_669 : i32
          %get3A_671 = arith.constant 0 : i32
          %get3A_672 = arith.index_cast %get3A_671 : i32 to index
          %get3A_673 = arith.index_cast %add3A_670 : i32 to index
          %get3A_674 = arith.constant 0 : index
          %get3A_675 = tpu.vector_load %arg10[%get3A_672, %get3A_673, %get3A_674] {strides = array<i32>} : memref<2x1024x16xf32, #tpu.memory_space<vmem>>, vector<1x1x16xf32>,
          %get3A_676 = vector.shape_cast %get3A_675 : vector<1x1x16xf32> to vector<16xf32>
          %mul3A_677 = vector.broadcast %squeeze3A_664 : f32 to vector<16xf32>
          %mul3A_678 = arith.mulf %get3A_676, %mul3A_677 : vector<16xf32>
          %add3A_679 = arith.addf %get3A_668, %mul3A_678 : vector<16xf32>
          %swap3A_680 = arith.index_cast %squeeze3A_662 : i32 to index
          %swap3A_681 = arith.constant 0 : index
          %swap3A_682 = tpu.vector_load %arg11[%swap3A_680, %swap3A_681] {strides = array<i32>} : memref<64x16xf32, #tpu.memory_space<vmem>>, vector<1x16xf32>,
          %swap3A_683 = vector.shape_cast %swap3A_682 : vector<1x16xf32> to vector<16xf32>
          %swap3A_684 = vector.shape_cast %add3A_679 : vector<16xf32> to vector<1x16xf32>
          tpu.vector_store %arg11[%swap3A_680, %swap3A_681], %swap3A_684 {strides = array<i32>} : memref<64x16xf32, #tpu.memory_space<vmem>>, vector<1x16xf32>,
          %slice3A_685 = vector.extract_strided_slice %get3A_322 {offsets = [15], sizes = [1], strides = [1]} : vector<16xi32> to vector<1xi32>
          %squeeze3A_686 = vector.extract %slice3A_685[0] : i32 from vector<1xi32>
          %slice3A_687 = vector.extract_strided_slice %get3A_327 {offsets = [15], sizes = [1], strides = [1]} : vector<16xf32> to vector<1xf32>
          %squeeze3A_688 = vector.extract %slice3A_687[0] : f32 from vector<1xf32>
          %get3A_689 = arith.index_cast %squeeze3A_686 : i32 to index
          %get3A_690 = arith.constant 0 : index
          %get3A_691 = tpu.vector_load %arg11[%get3A_689, %get3A_690] {strides = array<i32>} : memref<64x16xf32, #tpu.memory_space<vmem>>, vector<1x16xf32>,
          %get3A_692 = vector.shape_cast %get3A_691 : vector<1x16xf32> to vector<16xf32>
          %add3A_693 = arith.constant 15 : i32
          %add3A_694 = arith.addi %mul3A_318, %add3A_693 : i32
          %get3A_695 = arith.constant 0 : i32
          %get3A_696 = arith.index_cast %get3A_695 : i32 to index
          %get3A_697 = arith.index_cast %add3A_694 : i32 to index
          %get3A_698 = arith.constant 0 : index
          %get3A_699 = tpu.vector_load %arg10[%get3A_696, %get3A_697, %get3A_698] {strides = array<i32>} : memref<2x1024x16xf32, #tpu.memory_space<vmem>>, vector<1x1x16xf32>,
          %get3A_700 = vector.shape_cast %get3A_699 : vector<1x1x16xf32> to vector<16xf32>
          %mul3A_701 = vector.broadcast %squeeze3A_688 : f32 to vector<16xf32>
          %mul3A_702 = arith.mulf %get3A_700, %mul3A_701 : vector<16xf32>
          %add3A_703 = arith.addf %get3A_692, %mul3A_702 : vector<16xf32>
          %swap3A_704 = arith.index_cast %squeeze3A_686 : i32 to index
          %swap3A_705 = arith.constant 0 : index
          %swap3A_706 = tpu.vector_load %arg11[%swap3A_704, %swap3A_705] {strides = array<i32>} : memref<64x16xf32, #tpu.memory_space<vmem>>, vector<1x16xf32>,
          %swap3A_707 = vector.shape_cast %swap3A_706 : vector<1x16xf32> to vector<16xf32>
          %swap3A_708 = vector.shape_cast %add3A_703 : vector<16xf32> to vector<1x16xf32>
          tpu.vector_store %arg11[%swap3A_704, %swap3A_705], %swap3A_708 {strides = array<i32>} : memref<64x16xf32, #tpu.memory_space<vmem>>, vector<1x16xf32>,
        }
        %scan3A_315 = arith.constant 64 : i32
      } else {
      }
      %rem3A_162 = arith.constant 2 : i32
      %rem3A_163 = arith.remsi %scan3A_158, %rem3A_162 : i32
      %eq3A_164 = arith.constant 1 : i32
      %eq3A_165 = arith.cmpi eq, %rem3A_163, %eq3A_164 : i32
      %convert_element_type3A_166 = arith.extui %eq3A_165 : i1 to i32
      %cond3A_167 = arith.constant 0 : i32
      %cond3A_168 = arith.cmpi ne, %convert_element_type3A_166, %cond3A_167 : i32
      scf.if %cond3A_168 {
        %add3A_169 = arith.constant 1 : i32
        %add3A_170 = arith.addi %scan3A_158, %add3A_169 : i32
        %lt3A = arith.constant 8 : i32
        %lt3A_171 = arith.cmpi slt, %add3A_170, %lt3A : i32
        %convert_element_type3A_172 = arith.extui %lt3A_171 : i1 to i32
        %cond3A_173 = arith.constant 0 : i32
        %cond3A_174 = arith.cmpi ne, %convert_element_type3A_172, %cond3A_173 : i32
        scf.if %cond3A_174 {
          %add3A_316 = arith.constant 1 : i32
          %add3A_317 = arith.addi %scan3A_158, %add3A_316 : i32
          %mul3A_318 = arith.constant 8192 : i32
          %mul3A_319 = arith.muli %arg0, %mul3A_318 : i32
          %mul3A_320 = arith.constant 1024 : i32
          %mul3A_321 = arith.muli %add3A_317, %mul3A_320 : i32
          %add3A_322 = arith.addi %mul3A_319, %mul3A_321 : i32
          %run_scoped3A_323 = arith.constant 0 : i32
          "tpu.region"() ({
            %run_scoped3A_468 = tpu.sem_alloc : memref<!tpu.dma_semaphore, #tpu.memory_space<semaphore_mem>>
            %dma_start3A_469 = arith.constant 0 : i32
            %dma_start3A_470 = tpu.memref_slice %arg7[%run_scoped3A_323, %dma_start3A_469] : memref<2x1024xi32, #tpu.memory_space<vmem>> -> memref<1x1024xi32, #tpu.memory_space<vmem>>
            %dma_start3A_471 = tpu.memref_squeeze %dma_start3A_470 : memref<1x1024xi32, #tpu.memory_space<vmem>> -> memref<1024xi32, #tpu.memory_space<vmem>>
            %dma_start3A_472 = tpu.memref_slice %arg3[%add3A_322] : memref<16384xi32, #tpu.memory_space<hbm>> -> memref<1024xi32, #tpu.memory_space<hbm>>
            %dma_start3A_473 = arith.constant 0 : i32
            %dma_start3A_474 = tpu.memref_slice %arg7[%run_scoped3A_323, %dma_start3A_473] : memref<2x1024xi32, #tpu.memory_space<vmem>> -> memref<1x1024xi32, #tpu.memory_space<vmem>>
            %dma_start3A_475 = tpu.memref_squeeze %dma_start3A_474 : memref<1x1024xi32, #tpu.memory_space<vmem>> -> memref<1024xi32, #tpu.memory_space<vmem>>
            %dma_start3A_476 = tpu.memref_slice %arg3[%add3A_322] : memref<16384xi32, #tpu.memory_space<hbm>> -> memref<1024xi32, #tpu.memory_space<hbm>>
            tpu.enqueue_dma source(%dma_start3A_476 : memref<1024xi32, #tpu.memory_space<hbm>>) target(%dma_start3A_475 : memref<1024xi32, #tpu.memory_space<vmem>>) target_semaphore(%run_scoped3A_468 : memref<!tpu.dma_semaphore, #tpu.memory_space<semaphore_mem>>)
            %dma_wait3A_477 = arith.constant 0 : i32
            %dma_wait3A_478 = tpu.memref_slice %arg7[%run_scoped3A_323, %dma_wait3A_477] : memref<2x1024xi32, #tpu.memory_space<vmem>> -> memref<1x1024xi32, #tpu.memory_space<vmem>>
            %dma_wait3A_479 = tpu.memref_squeeze %dma_wait3A_478 : memref<1x1024xi32, #tpu.memory_space<vmem>> -> memref<1024xi32, #tpu.memory_space<vmem>>
            %dma_wait3A_480 = tpu.memref_slice %arg3[%add3A_322] : memref<16384xi32, #tpu.memory_space<hbm>> -> memref<1024xi32, #tpu.memory_space<hbm>>
            %dma_wait3A_481 = arith.constant 0 : i32
            %dma_wait3A_482 = tpu.memref_slice %arg7[%run_scoped3A_323, %dma_wait3A_481] : memref<2x1024xi32, #tpu.memory_space<vmem>> -> memref<1x1024xi32, #tpu.memory_space<vmem>>
            %dma_wait3A_483 = tpu.memref_squeeze %dma_wait3A_482 : memref<1x1024xi32, #tpu.memory_space<vmem>> -> memref<1024xi32, #tpu.memory_space<vmem>>
            %dma_wait3A_484 = tpu.memref_slice %arg3[%add3A_322] : memref<16384xi32, #tpu.memory_space<hbm>> -> memref<1024xi32, #tpu.memory_space<hbm>>
            tpu.wait_dma2 semaphore(%run_scoped3A_468 : memref<!tpu.dma_semaphore, #tpu.memory_space<semaphore_mem>>) src(%dma_wait3A_484 : memref<1024xi32, #tpu.memory_space<hbm>>) dst(%dma_wait3A_483 : memref<1024xi32, #tpu.memory_space<vmem>>)
            tpu.yield
          }) : () -> ()
          %run_scoped3A_324 = arith.constant 0 : i32
          "tpu.region"() ({
            %run_scoped3A_468 = tpu.sem_alloc : memref<!tpu.dma_semaphore, #tpu.memory_space<semaphore_mem>>
            %dma_start3A_469 = arith.constant 0 : i32
            %dma_start3A_470 = tpu.memref_slice %arg8[%run_scoped3A_324, %dma_start3A_469] : memref<2x1024xi32, #tpu.memory_space<vmem>> -> memref<1x1024xi32, #tpu.memory_space<vmem>>
            %dma_start3A_471 = tpu.memref_squeeze %dma_start3A_470 : memref<1x1024xi32, #tpu.memory_space<vmem>> -> memref<1024xi32, #tpu.memory_space<vmem>>
            %dma_start3A_472 = tpu.memref_slice %arg4[%add3A_322] : memref<16384xi32, #tpu.memory_space<hbm>> -> memref<1024xi32, #tpu.memory_space<hbm>>
            %dma_start3A_473 = arith.constant 0 : i32
            %dma_start3A_474 = tpu.memref_slice %arg8[%run_scoped3A_324, %dma_start3A_473] : memref<2x1024xi32, #tpu.memory_space<vmem>> -> memref<1x1024xi32, #tpu.memory_space<vmem>>
            %dma_start3A_475 = tpu.memref_squeeze %dma_start3A_474 : memref<1x1024xi32, #tpu.memory_space<vmem>> -> memref<1024xi32, #tpu.memory_space<vmem>>
            %dma_start3A_476 = tpu.memref_slice %arg4[%add3A_322] : memref<16384xi32, #tpu.memory_space<hbm>> -> memref<1024xi32, #tpu.memory_space<hbm>>
            tpu.enqueue_dma source(%dma_start3A_476 : memref<1024xi32, #tpu.memory_space<hbm>>) target(%dma_start3A_475 : memref<1024xi32, #tpu.memory_space<vmem>>) target_semaphore(%run_scoped3A_468 : memref<!tpu.dma_semaphore, #tpu.memory_space<semaphore_mem>>)
            %dma_wait3A_477 = arith.constant 0 : i32
            %dma_wait3A_478 = tpu.memref_slice %arg8[%run_scoped3A_324, %dma_wait3A_477] : memref<2x1024xi32, #tpu.memory_space<vmem>> -> memref<1x1024xi32, #tpu.memory_space<vmem>>
            %dma_wait3A_479 = tpu.memref_squeeze %dma_wait3A_478 : memref<1x1024xi32, #tpu.memory_space<vmem>> -> memref<1024xi32, #tpu.memory_space<vmem>>
            %dma_wait3A_480 = tpu.memref_slice %arg4[%add3A_322] : memref<16384xi32, #tpu.memory_space<hbm>> -> memref<1024xi32, #tpu.memory_space<hbm>>
            %dma_wait3A_481 = arith.constant 0 : i32
            %dma_wait3A_482 = tpu.memref_slice %arg8[%run_scoped3A_324, %dma_wait3A_481] : memref<2x1024xi32, #tpu.memory_space<vmem>> -> memref<1x1024xi32, #tpu.memory_space<vmem>>
            %dma_wait3A_483 = tpu.memref_squeeze %dma_wait3A_482 : memref<1x1024xi32, #tpu.memory_space<vmem>> -> memref<1024xi32, #tpu.memory_space<vmem>>
            %dma_wait3A_484 = tpu.memref_slice %arg4[%add3A_322] : memref<16384xi32, #tpu.memory_space<hbm>> -> memref<1024xi32, #tpu.memory_space<hbm>>
            tpu.wait_dma2 semaphore(%run_scoped3A_468 : memref<!tpu.dma_semaphore, #tpu.memory_space<semaphore_mem>>) src(%dma_wait3A_484 : memref<1024xi32, #tpu.memory_space<hbm>>) dst(%dma_wait3A_483 : memref<1024xi32, #tpu.memory_space<vmem>>)
            tpu.yield
          }) : () -> ()
          %run_scoped3A_325 = arith.constant 0 : i32
          "tpu.region"() ({
            %run_scoped3A_468 = tpu.sem_alloc : memref<!tpu.dma_semaphore, #tpu.memory_space<semaphore_mem>>
            %dma_start3A_469 = arith.constant 0 : i32
            %dma_start3A_470 = tpu.memref_slice %arg9[%run_scoped3A_325, %dma_start3A_469] : memref<2x1024xf32, #tpu.memory_space<vmem>> -> memref<1x1024xf32, #tpu.memory_space<vmem>>
            %dma_start3A_471 = tpu.memref_squeeze %dma_start3A_470 : memref<1x1024xf32, #tpu.memory_space<vmem>> -> memref<1024xf32, #tpu.memory_space<vmem>>
            %dma_start3A_472 = tpu.memref_slice %arg5[%add3A_322] : memref<16384xf32, #tpu.memory_space<hbm>> -> memref<1024xf32, #tpu.memory_space<hbm>>
            %dma_start3A_473 = arith.constant 0 : i32
            %dma_start3A_474 = tpu.memref_slice %arg9[%run_scoped3A_325, %dma_start3A_473] : memref<2x1024xf32, #tpu.memory_space<vmem>> -> memref<1x1024xf32, #tpu.memory_space<vmem>>
            %dma_start3A_475 = tpu.memref_squeeze %dma_start3A_474 : memref<1x1024xf32, #tpu.memory_space<vmem>> -> memref<1024xf32, #tpu.memory_space<vmem>>
            %dma_start3A_476 = tpu.memref_slice %arg5[%add3A_322] : memref<16384xf32, #tpu.memory_space<hbm>> -> memref<1024xf32, #tpu.memory_space<hbm>>
            tpu.enqueue_dma source(%dma_start3A_476 : memref<1024xf32, #tpu.memory_space<hbm>>) target(%dma_start3A_475 : memref<1024xf32, #tpu.memory_space<vmem>>) target_semaphore(%run_scoped3A_468 : memref<!tpu.dma_semaphore, #tpu.memory_space<semaphore_mem>>)
            %dma_wait3A_477 = arith.constant 0 : i32
            %dma_wait3A_478 = tpu.memref_slice %arg9[%run_scoped3A_325, %dma_wait3A_477] : memref<2x1024xf32, #tpu.memory_space<vmem>> -> memref<1x1024xf32, #tpu.memory_space<vmem>>
            %dma_wait3A_479 = tpu.memref_squeeze %dma_wait3A_478 : memref<1x1024xf32, #tpu.memory_space<vmem>> -> memref<1024xf32, #tpu.memory_space<vmem>>
            %dma_wait3A_480 = tpu.memref_slice %arg5[%add3A_322] : memref<16384xf32, #tpu.memory_space<hbm>> -> memref<1024xf32, #tpu.memory_space<hbm>>
            %dma_wait3A_481 = arith.constant 0 : i32
            %dma_wait3A_482 = tpu.memref_slice %arg9[%run_scoped3A_325, %dma_wait3A_481] : memref<2x1024xf32, #tpu.memory_space<vmem>> -> memref<1x1024xf32, #tpu.memory_space<vmem>>
            %dma_wait3A_483 = tpu.memref_squeeze %dma_wait3A_482 : memref<1x1024xf32, #tpu.memory_space<vmem>> -> memref<1024xf32, #tpu.memory_space<vmem>>
            %dma_wait3A_484 = tpu.memref_slice %arg5[%add3A_322] : memref<16384xf32, #tpu.memory_space<hbm>> -> memref<1024xf32, #tpu.memory_space<hbm>>
            tpu.wait_dma2 semaphore(%run_scoped3A_468 : memref<!tpu.dma_semaphore, #tpu.memory_space<semaphore_mem>>) src(%dma_wait3A_484 : memref<1024xf32, #tpu.memory_space<hbm>>) dst(%dma_wait3A_483 : memref<1024xf32, #tpu.memory_space<vmem>>)
            tpu.yield
          }) : () -> ()
          %scan3A_326 = arith.constant 0 : i32
          %scan3A_327 = arith.constant 0 : i32
          %scan3A_328 = arith.constant 64 : i32
          %scan3A_329 = arith.addi %scan3A_327, %scan3A_328 : i32
          %scan3A_330 = arith.constant 1 : i32
          scf.for %scan3A_468 = %scan3A_327 to %scan3A_329 step %scan3A_330  : i32 {
            %mul3A_469 = arith.constant 16 : i32
            %mul3A_470 = arith.muli %scan3A_468, %mul3A_469 : i32
            %get3A = arith.constant 0 : i32
            %get3A_471 = arith.index_cast %get3A : i32 to index
            %get3A_472 = arith.index_cast %mul3A_470 : i32 to index
            %get3A_473 = tpu.vector_load %arg8[%get3A_471, %get3A_472] {strides = array<i32>} : memref<2x1024xi32, #tpu.memory_space<vmem>>, vector<1x16xi32>,
            %get3A_474 = vector.shape_cast %get3A_473 : vector<1x16xi32> to vector<16xi32>
            %add3A_475 = vector.broadcast %mul3A_5 : i32 to vector<16xi32>
            %add3A_476 = arith.addi %get3A_474, %add3A_475 : vector<16xi32>
            %swap3A = arith.constant 0 : i32
            %swap3A_477 = arith.index_cast %swap3A : i32 to index
            %swap3A_478 = arith.index_cast %mul3A_470 : i32 to index
            %swap3A_479 = tpu.vector_load %arg8[%swap3A_477, %swap3A_478] {strides = array<i32>} : memref<2x1024xi32, #tpu.memory_space<vmem>>, vector<1x16xi32>,
            %swap3A_480 = vector.shape_cast %swap3A_479 : vector<1x16xi32> to vector<16xi32>
            %swap3A_481 = vector.shape_cast %add3A_476 : vector<16xi32> to vector<1x16xi32>
            tpu.vector_store %arg8[%swap3A_477, %swap3A_478], %swap3A_481 {strides = array<i32>} : memref<2x1024xi32, #tpu.memory_space<vmem>>, vector<1x16xi32>,
          }
          %scan3A_331 = arith.constant 64 : i32
          %dma_start3A_332 = arith.constant 0 : i32
          %dma_start3A_333 = arith.constant 0 : i32
          %dma_start3A_334 = arith.constant 0 : i32
          %dma_start3A_335 = arith.constant 0 : i32
          %dma_start3A_336 = tpu.memref_slice %arg10[%dma_start3A_333, %dma_start3A_334, %dma_start3A_335] : memref<2x1024x16xf32, #tpu.memory_space<vmem>> -> memref<1x1024x16xf32, #tpu.memory_space<vmem>>
          %dma_start3A_337 = tpu.memref_squeeze %dma_start3A_336 : memref<1x1024x16xf32, #tpu.memory_space<vmem>> -> memref<1024x16xf32, #tpu.memory_space<vmem>>
          %dma_start3A_338 = arith.constant 0 : i32
          %dma_start3A_339 = arith.constant 0 : i32
          %dma_start3A_340 = tpu.memref_slice %dma_start3A_337[%dma_start3A_338, %dma_start3A_339] : memref<1024x16xf32, #tpu.memory_space<vmem>> -> memref<128x16xf32, #tpu.memory_space<vmem>>
          %dma_start3A_341 = arith.constant 0 : i32
          %dma_start3A_342 = tpu.memref_slice %arg8[%dma_start3A_332, %dma_start3A_341] : memref<2x1024xi32, #tpu.memory_space<vmem>> -> memref<1x1024xi32, #tpu.memory_space<vmem>>
          %dma_start3A_343 = tpu.memref_squeeze %dma_start3A_342 : memref<1x1024xi32, #tpu.memory_space<vmem>> -> memref<1024xi32, #tpu.memory_space<vmem>>
          %dma_start3A_344 = arith.constant 0 : i32
          %dma_start3A_345 = tpu.memref_slice %dma_start3A_343[%dma_start3A_344] : memref<1024xi32, #tpu.memory_space<vmem>> -> memref<128xi32, #tpu.memory_space<vmem>>
          %dma_start3A_346 = arith.constant 0 : i32
          %dma_start3A_347 = arith.constant 0 : i32
          %dma_start3A_348 = tpu.memref_slice %arg2[%dma_start3A_346, %dma_start3A_347] : memref<65536x16xf32, #tpu.memory_space<hbm>> -> memref<65536x16xf32, #tpu.memory_space<hbm>>
          tpu.enqueue_indirect_dma source(%dma_start3A_348 : memref<65536x16xf32, #tpu.memory_space<hbm>>) target(%dma_start3A_340 : memref<128x16xf32, #tpu.memory_space<vmem>>) offsets(%dma_start3A_345 : memref<128xi32, #tpu.memory_space<vmem>>) semaphore(%arg12 : memref<!tpu.dma_semaphore, #tpu.memory_space<semaphore_mem>>)
          %dma_start3A_349 = arith.constant 0 : i32
          %dma_start3A_350 = arith.constant 0 : i32
          %dma_start3A_351 = arith.constant 0 : i32
          %dma_start3A_352 = arith.constant 0 : i32
          %dma_start3A_353 = tpu.memref_slice %arg10[%dma_start3A_350, %dma_start3A_351, %dma_start3A_352] : memref<2x1024x16xf32, #tpu.memory_space<vmem>> -> memref<1x1024x16xf32, #tpu.memory_space<vmem>>
          %dma_start3A_354 = tpu.memref_squeeze %dma_start3A_353 : memref<1x1024x16xf32, #tpu.memory_space<vmem>> -> memref<1024x16xf32, #tpu.memory_space<vmem>>
          %dma_start3A_355 = arith.constant 128 : i32
          %dma_start3A_356 = arith.constant 0 : i32
          %dma_start3A_357 = tpu.memref_slice %dma_start3A_354[%dma_start3A_355, %dma_start3A_356] : memref<1024x16xf32, #tpu.memory_space<vmem>> -> memref<128x16xf32, #tpu.memory_space<vmem>>
          %dma_start3A_358 = arith.constant 0 : i32
          %dma_start3A_359 = tpu.memref_slice %arg8[%dma_start3A_349, %dma_start3A_358] : memref<2x1024xi32, #tpu.memory_space<vmem>> -> memref<1x1024xi32, #tpu.memory_space<vmem>>
          %dma_start3A_360 = tpu.memref_squeeze %dma_start3A_359 : memref<1x1024xi32, #tpu.memory_space<vmem>> -> memref<1024xi32, #tpu.memory_space<vmem>>
          %dma_start3A_361 = arith.constant 128 : i32
          %dma_start3A_362 = tpu.memref_slice %dma_start3A_360[%dma_start3A_361] : memref<1024xi32, #tpu.memory_space<vmem>> -> memref<128xi32, #tpu.memory_space<vmem>>
          %dma_start3A_363 = arith.constant 0 : i32
          %dma_start3A_364 = arith.constant 0 : i32
          %dma_start3A_365 = tpu.memref_slice %arg2[%dma_start3A_363, %dma_start3A_364] : memref<65536x16xf32, #tpu.memory_space<hbm>> -> memref<65536x16xf32, #tpu.memory_space<hbm>>
          tpu.enqueue_indirect_dma source(%dma_start3A_365 : memref<65536x16xf32, #tpu.memory_space<hbm>>) target(%dma_start3A_357 : memref<128x16xf32, #tpu.memory_space<vmem>>) offsets(%dma_start3A_362 : memref<128xi32, #tpu.memory_space<vmem>>) semaphore(%arg12 : memref<!tpu.dma_semaphore, #tpu.memory_space<semaphore_mem>>)
          %dma_start3A_366 = arith.constant 0 : i32
          %dma_start3A_367 = arith.constant 0 : i32
          %dma_start3A_368 = arith.constant 0 : i32
          %dma_start3A_369 = arith.constant 0 : i32
          %dma_start3A_370 = tpu.memref_slice %arg10[%dma_start3A_367, %dma_start3A_368, %dma_start3A_369] : memref<2x1024x16xf32, #tpu.memory_space<vmem>> -> memref<1x1024x16xf32, #tpu.memory_space<vmem>>
          %dma_start3A_371 = tpu.memref_squeeze %dma_start3A_370 : memref<1x1024x16xf32, #tpu.memory_space<vmem>> -> memref<1024x16xf32, #tpu.memory_space<vmem>>
          %dma_start3A_372 = arith.constant 256 : i32
          %dma_start3A_373 = arith.constant 0 : i32
          %dma_start3A_374 = tpu.memref_slice %dma_start3A_371[%dma_start3A_372, %dma_start3A_373] : memref<1024x16xf32, #tpu.memory_space<vmem>> -> memref<128x16xf32, #tpu.memory_space<vmem>>
          %dma_start3A_375 = arith.constant 0 : i32
          %dma_start3A_376 = tpu.memref_slice %arg8[%dma_start3A_366, %dma_start3A_375] : memref<2x1024xi32, #tpu.memory_space<vmem>> -> memref<1x1024xi32, #tpu.memory_space<vmem>>
          %dma_start3A_377 = tpu.memref_squeeze %dma_start3A_376 : memref<1x1024xi32, #tpu.memory_space<vmem>> -> memref<1024xi32, #tpu.memory_space<vmem>>
          %dma_start3A_378 = arith.constant 256 : i32
          %dma_start3A_379 = tpu.memref_slice %dma_start3A_377[%dma_start3A_378] : memref<1024xi32, #tpu.memory_space<vmem>> -> memref<128xi32, #tpu.memory_space<vmem>>
          %dma_start3A_380 = arith.constant 0 : i32
          %dma_start3A_381 = arith.constant 0 : i32
          %dma_start3A_382 = tpu.memref_slice %arg2[%dma_start3A_380, %dma_start3A_381] : memref<65536x16xf32, #tpu.memory_space<hbm>> -> memref<65536x16xf32, #tpu.memory_space<hbm>>
          tpu.enqueue_indirect_dma source(%dma_start3A_382 : memref<65536x16xf32, #tpu.memory_space<hbm>>) target(%dma_start3A_374 : memref<128x16xf32, #tpu.memory_space<vmem>>) offsets(%dma_start3A_379 : memref<128xi32, #tpu.memory_space<vmem>>) semaphore(%arg12 : memref<!tpu.dma_semaphore, #tpu.memory_space<semaphore_mem>>)
          %dma_start3A_383 = arith.constant 0 : i32
          %dma_start3A_384 = arith.constant 0 : i32
          %dma_start3A_385 = arith.constant 0 : i32
          %dma_start3A_386 = arith.constant 0 : i32
          %dma_start3A_387 = tpu.memref_slice %arg10[%dma_start3A_384, %dma_start3A_385, %dma_start3A_386] : memref<2x1024x16xf32, #tpu.memory_space<vmem>> -> memref<1x1024x16xf32, #tpu.memory_space<vmem>>
          %dma_start3A_388 = tpu.memref_squeeze %dma_start3A_387 : memref<1x1024x16xf32, #tpu.memory_space<vmem>> -> memref<1024x16xf32, #tpu.memory_space<vmem>>
          %dma_start3A_389 = arith.constant 384 : i32
          %dma_start3A_390 = arith.constant 0 : i32
          %dma_start3A_391 = tpu.memref_slice %dma_start3A_388[%dma_start3A_389, %dma_start3A_390] : memref<1024x16xf32, #tpu.memory_space<vmem>> -> memref<128x16xf32, #tpu.memory_space<vmem>>
          %dma_start3A_392 = arith.constant 0 : i32
          %dma_start3A_393 = tpu.memref_slice %arg8[%dma_start3A_383, %dma_start3A_392] : memref<2x1024xi32, #tpu.memory_space<vmem>> -> memref<1x1024xi32, #tpu.memory_space<vmem>>
          %dma_start3A_394 = tpu.memref_squeeze %dma_start3A_393 : memref<1x1024xi32, #tpu.memory_space<vmem>> -> memref<1024xi32, #tpu.memory_space<vmem>>
          %dma_start3A_395 = arith.constant 384 : i32
          %dma_start3A_396 = tpu.memref_slice %dma_start3A_394[%dma_start3A_395] : memref<1024xi32, #tpu.memory_space<vmem>> -> memref<128xi32, #tpu.memory_space<vmem>>
          %dma_start3A_397 = arith.constant 0 : i32
          %dma_start3A_398 = arith.constant 0 : i32
          %dma_start3A_399 = tpu.memref_slice %arg2[%dma_start3A_397, %dma_start3A_398] : memref<65536x16xf32, #tpu.memory_space<hbm>> -> memref<65536x16xf32, #tpu.memory_space<hbm>>
          tpu.enqueue_indirect_dma source(%dma_start3A_399 : memref<65536x16xf32, #tpu.memory_space<hbm>>) target(%dma_start3A_391 : memref<128x16xf32, #tpu.memory_space<vmem>>) offsets(%dma_start3A_396 : memref<128xi32, #tpu.memory_space<vmem>>) semaphore(%arg12 : memref<!tpu.dma_semaphore, #tpu.memory_space<semaphore_mem>>)
          %dma_start3A_400 = arith.constant 0 : i32
          %dma_start3A_401 = arith.constant 0 : i32
          %dma_start3A_402 = arith.constant 0 : i32
          %dma_start3A_403 = arith.constant 0 : i32
          %dma_start3A_404 = tpu.memref_slice %arg10[%dma_start3A_401, %dma_start3A_402, %dma_start3A_403] : memref<2x1024x16xf32, #tpu.memory_space<vmem>> -> memref<1x1024x16xf32, #tpu.memory_space<vmem>>
          %dma_start3A_405 = tpu.memref_squeeze %dma_start3A_404 : memref<1x1024x16xf32, #tpu.memory_space<vmem>> -> memref<1024x16xf32, #tpu.memory_space<vmem>>
          %dma_start3A_406 = arith.constant 512 : i32
          %dma_start3A_407 = arith.constant 0 : i32
          %dma_start3A_408 = tpu.memref_slice %dma_start3A_405[%dma_start3A_406, %dma_start3A_407] : memref<1024x16xf32, #tpu.memory_space<vmem>> -> memref<128x16xf32, #tpu.memory_space<vmem>>
          %dma_start3A_409 = arith.constant 0 : i32
          %dma_start3A_410 = tpu.memref_slice %arg8[%dma_start3A_400, %dma_start3A_409] : memref<2x1024xi32, #tpu.memory_space<vmem>> -> memref<1x1024xi32, #tpu.memory_space<vmem>>
          %dma_start3A_411 = tpu.memref_squeeze %dma_start3A_410 : memref<1x1024xi32, #tpu.memory_space<vmem>> -> memref<1024xi32, #tpu.memory_space<vmem>>
          %dma_start3A_412 = arith.constant 512 : i32
          %dma_start3A_413 = tpu.memref_slice %dma_start3A_411[%dma_start3A_412] : memref<1024xi32, #tpu.memory_space<vmem>> -> memref<128xi32, #tpu.memory_space<vmem>>
          %dma_start3A_414 = arith.constant 0 : i32
          %dma_start3A_415 = arith.constant 0 : i32
          %dma_start3A_416 = tpu.memref_slice %arg2[%dma_start3A_414, %dma_start3A_415] : memref<65536x16xf32, #tpu.memory_space<hbm>> -> memref<65536x16xf32, #tpu.memory_space<hbm>>
          tpu.enqueue_indirect_dma source(%dma_start3A_416 : memref<65536x16xf32, #tpu.memory_space<hbm>>) target(%dma_start3A_408 : memref<128x16xf32, #tpu.memory_space<vmem>>) offsets(%dma_start3A_413 : memref<128xi32, #tpu.memory_space<vmem>>) semaphore(%arg12 : memref<!tpu.dma_semaphore, #tpu.memory_space<semaphore_mem>>)
          %dma_start3A_417 = arith.constant 0 : i32
          %dma_start3A_418 = arith.constant 0 : i32
          %dma_start3A_419 = arith.constant 0 : i32
          %dma_start3A_420 = arith.constant 0 : i32
          %dma_start3A_421 = tpu.memref_slice %arg10[%dma_start3A_418, %dma_start3A_419, %dma_start3A_420] : memref<2x1024x16xf32, #tpu.memory_space<vmem>> -> memref<1x1024x16xf32, #tpu.memory_space<vmem>>
          %dma_start3A_422 = tpu.memref_squeeze %dma_start3A_421 : memref<1x1024x16xf32, #tpu.memory_space<vmem>> -> memref<1024x16xf32, #tpu.memory_space<vmem>>
          %dma_start3A_423 = arith.constant 640 : i32
          %dma_start3A_424 = arith.constant 0 : i32
          %dma_start3A_425 = tpu.memref_slice %dma_start3A_422[%dma_start3A_423, %dma_start3A_424] : memref<1024x16xf32, #tpu.memory_space<vmem>> -> memref<128x16xf32, #tpu.memory_space<vmem>>
          %dma_start3A_426 = arith.constant 0 : i32
          %dma_start3A_427 = tpu.memref_slice %arg8[%dma_start3A_417, %dma_start3A_426] : memref<2x1024xi32, #tpu.memory_space<vmem>> -> memref<1x1024xi32, #tpu.memory_space<vmem>>
          %dma_start3A_428 = tpu.memref_squeeze %dma_start3A_427 : memref<1x1024xi32, #tpu.memory_space<vmem>> -> memref<1024xi32, #tpu.memory_space<vmem>>
          %dma_start3A_429 = arith.constant 640 : i32
          %dma_start3A_430 = tpu.memref_slice %dma_start3A_428[%dma_start3A_429] : memref<1024xi32, #tpu.memory_space<vmem>> -> memref<128xi32, #tpu.memory_space<vmem>>
          %dma_start3A_431 = arith.constant 0 : i32
          %dma_start3A_432 = arith.constant 0 : i32
          %dma_start3A_433 = tpu.memref_slice %arg2[%dma_start3A_431, %dma_start3A_432] : memref<65536x16xf32, #tpu.memory_space<hbm>> -> memref<65536x16xf32, #tpu.memory_space<hbm>>
          tpu.enqueue_indirect_dma source(%dma_start3A_433 : memref<65536x16xf32, #tpu.memory_space<hbm>>) target(%dma_start3A_425 : memref<128x16xf32, #tpu.memory_space<vmem>>) offsets(%dma_start3A_430 : memref<128xi32, #tpu.memory_space<vmem>>) semaphore(%arg12 : memref<!tpu.dma_semaphore, #tpu.memory_space<semaphore_mem>>)
          %dma_start3A_434 = arith.constant 0 : i32
          %dma_start3A_435 = arith.constant 0 : i32
          %dma_start3A_436 = arith.constant 0 : i32
          %dma_start3A_437 = arith.constant 0 : i32
          %dma_start3A_438 = tpu.memref_slice %arg10[%dma_start3A_435, %dma_start3A_436, %dma_start3A_437] : memref<2x1024x16xf32, #tpu.memory_space<vmem>> -> memref<1x1024x16xf32, #tpu.memory_space<vmem>>
          %dma_start3A_439 = tpu.memref_squeeze %dma_start3A_438 : memref<1x1024x16xf32, #tpu.memory_space<vmem>> -> memref<1024x16xf32, #tpu.memory_space<vmem>>
          %dma_start3A_440 = arith.constant 768 : i32
          %dma_start3A_441 = arith.constant 0 : i32
          %dma_start3A_442 = tpu.memref_slice %dma_start3A_439[%dma_start3A_440, %dma_start3A_441] : memref<1024x16xf32, #tpu.memory_space<vmem>> -> memref<128x16xf32, #tpu.memory_space<vmem>>
          %dma_start3A_443 = arith.constant 0 : i32
          %dma_start3A_444 = tpu.memref_slice %arg8[%dma_start3A_434, %dma_start3A_443] : memref<2x1024xi32, #tpu.memory_space<vmem>> -> memref<1x1024xi32, #tpu.memory_space<vmem>>
          %dma_start3A_445 = tpu.memref_squeeze %dma_start3A_444 : memref<1x1024xi32, #tpu.memory_space<vmem>> -> memref<1024xi32, #tpu.memory_space<vmem>>
          %dma_start3A_446 = arith.constant 768 : i32
          %dma_start3A_447 = tpu.memref_slice %dma_start3A_445[%dma_start3A_446] : memref<1024xi32, #tpu.memory_space<vmem>> -> memref<128xi32, #tpu.memory_space<vmem>>
          %dma_start3A_448 = arith.constant 0 : i32
          %dma_start3A_449 = arith.constant 0 : i32
          %dma_start3A_450 = tpu.memref_slice %arg2[%dma_start3A_448, %dma_start3A_449] : memref<65536x16xf32, #tpu.memory_space<hbm>> -> memref<65536x16xf32, #tpu.memory_space<hbm>>
          tpu.enqueue_indirect_dma source(%dma_start3A_450 : memref<65536x16xf32, #tpu.memory_space<hbm>>) target(%dma_start3A_442 : memref<128x16xf32, #tpu.memory_space<vmem>>) offsets(%dma_start3A_447 : memref<128xi32, #tpu.memory_space<vmem>>) semaphore(%arg12 : memref<!tpu.dma_semaphore, #tpu.memory_space<semaphore_mem>>)
          %dma_start3A_451 = arith.constant 0 : i32
          %dma_start3A_452 = arith.constant 0 : i32
          %dma_start3A_453 = arith.constant 0 : i32
          %dma_start3A_454 = arith.constant 0 : i32
          %dma_start3A_455 = tpu.memref_slice %arg10[%dma_start3A_452, %dma_start3A_453, %dma_start3A_454] : memref<2x1024x16xf32, #tpu.memory_space<vmem>> -> memref<1x1024x16xf32, #tpu.memory_space<vmem>>
          %dma_start3A_456 = tpu.memref_squeeze %dma_start3A_455 : memref<1x1024x16xf32, #tpu.memory_space<vmem>> -> memref<1024x16xf32, #tpu.memory_space<vmem>>
          %dma_start3A_457 = arith.constant 896 : i32
          %dma_start3A_458 = arith.constant 0 : i32
          %dma_start3A_459 = tpu.memref_slice %dma_start3A_456[%dma_start3A_457, %dma_start3A_458] : memref<1024x16xf32, #tpu.memory_space<vmem>> -> memref<128x16xf32, #tpu.memory_space<vmem>>
          %dma_start3A_460 = arith.constant 0 : i32
          %dma_start3A_461 = tpu.memref_slice %arg8[%dma_start3A_451, %dma_start3A_460] : memref<2x1024xi32, #tpu.memory_space<vmem>> -> memref<1x1024xi32, #tpu.memory_space<vmem>>
          %dma_start3A_462 = tpu.memref_squeeze %dma_start3A_461 : memref<1x1024xi32, #tpu.memory_space<vmem>> -> memref<1024xi32, #tpu.memory_space<vmem>>
          %dma_start3A_463 = arith.constant 896 : i32
          %dma_start3A_464 = tpu.memref_slice %dma_start3A_462[%dma_start3A_463] : memref<1024xi32, #tpu.memory_space<vmem>> -> memref<128xi32, #tpu.memory_space<vmem>>
          %dma_start3A_465 = arith.constant 0 : i32
          %dma_start3A_466 = arith.constant 0 : i32
          %dma_start3A_467 = tpu.memref_slice %arg2[%dma_start3A_465, %dma_start3A_466] : memref<65536x16xf32, #tpu.memory_space<hbm>> -> memref<65536x16xf32, #tpu.memory_space<hbm>>
          tpu.enqueue_indirect_dma source(%dma_start3A_467 : memref<65536x16xf32, #tpu.memory_space<hbm>>) target(%dma_start3A_459 : memref<128x16xf32, #tpu.memory_space<vmem>>) offsets(%dma_start3A_464 : memref<128xi32, #tpu.memory_space<vmem>>) semaphore(%arg12 : memref<!tpu.dma_semaphore, #tpu.memory_space<semaphore_mem>>)
        } else {
        }
        %dma_wait3A = arith.constant 1 : i32
        %dma_wait3A_175 = arith.constant 1 : i32
        %dma_wait3A_176 = arith.constant 0 : i32
        %dma_wait3A_177 = arith.constant 0 : i32
        %dma_wait3A_178 = tpu.memref_slice %arg10[%dma_wait3A_175, %dma_wait3A_176, %dma_wait3A_177] : memref<2x1024x16xf32, #tpu.memory_space<vmem>> -> memref<1x1024x16xf32, #tpu.memory_space<vmem>>
        %dma_wait3A_179 = tpu.memref_squeeze %dma_wait3A_178 : memref<1x1024x16xf32, #tpu.memory_space<vmem>> -> memref<1024x16xf32, #tpu.memory_space<vmem>>
        %dma_wait3A_180 = arith.constant 0 : i32
        %dma_wait3A_181 = arith.constant 0 : i32
        %dma_wait3A_182 = tpu.memref_slice %dma_wait3A_179[%dma_wait3A_180, %dma_wait3A_181] : memref<1024x16xf32, #tpu.memory_space<vmem>> -> memref<128x16xf32, #tpu.memory_space<vmem>>
        %dma_wait3A_183 = arith.constant 0 : i32
        %dma_wait3A_184 = tpu.memref_slice %arg8[%dma_wait3A, %dma_wait3A_183] : memref<2x1024xi32, #tpu.memory_space<vmem>> -> memref<1x1024xi32, #tpu.memory_space<vmem>>
        %dma_wait3A_185 = tpu.memref_squeeze %dma_wait3A_184 : memref<1x1024xi32, #tpu.memory_space<vmem>> -> memref<1024xi32, #tpu.memory_space<vmem>>
        %dma_wait3A_186 = arith.constant 0 : i32
        %dma_wait3A_187 = tpu.memref_slice %dma_wait3A_185[%dma_wait3A_186] : memref<1024xi32, #tpu.memory_space<vmem>> -> memref<128xi32, #tpu.memory_space<vmem>>
        %dma_wait3A_188 = arith.constant 0 : i32
        %dma_wait3A_189 = arith.constant 0 : i32
        %dma_wait3A_190 = tpu.memref_slice %arg2[%dma_wait3A_188, %dma_wait3A_189] : memref<65536x16xf32, #tpu.memory_space<hbm>> -> memref<65536x16xf32, #tpu.memory_space<hbm>>
        tpu.wait_indirect_dma semaphore(%arg13 : memref<!tpu.dma_semaphore, #tpu.memory_space<semaphore_mem>>) src(%dma_wait3A_190 : memref<65536x16xf32, #tpu.memory_space<hbm>>) dst(%dma_wait3A_182 : memref<128x16xf32, #tpu.memory_space<vmem>>)
        %dma_wait3A_191 = arith.constant 1 : i32
        %dma_wait3A_192 = arith.constant 1 : i32
        %dma_wait3A_193 = arith.constant 0 : i32
        %dma_wait3A_194 = arith.constant 0 : i32
        %dma_wait3A_195 = tpu.memref_slice %arg10[%dma_wait3A_192, %dma_wait3A_193, %dma_wait3A_194] : memref<2x1024x16xf32, #tpu.memory_space<vmem>> -> memref<1x1024x16xf32, #tpu.memory_space<vmem>>
        %dma_wait3A_196 = tpu.memref_squeeze %dma_wait3A_195 : memref<1x1024x16xf32, #tpu.memory_space<vmem>> -> memref<1024x16xf32, #tpu.memory_space<vmem>>
        %dma_wait3A_197 = arith.constant 128 : i32
        %dma_wait3A_198 = arith.constant 0 : i32
        %dma_wait3A_199 = tpu.memref_slice %dma_wait3A_196[%dma_wait3A_197, %dma_wait3A_198] : memref<1024x16xf32, #tpu.memory_space<vmem>> -> memref<128x16xf32, #tpu.memory_space<vmem>>
        %dma_wait3A_200 = arith.constant 0 : i32
        %dma_wait3A_201 = tpu.memref_slice %arg8[%dma_wait3A_191, %dma_wait3A_200] : memref<2x1024xi32, #tpu.memory_space<vmem>> -> memref<1x1024xi32, #tpu.memory_space<vmem>>
        %dma_wait3A_202 = tpu.memref_squeeze %dma_wait3A_201 : memref<1x1024xi32, #tpu.memory_space<vmem>> -> memref<1024xi32, #tpu.memory_space<vmem>>
        %dma_wait3A_203 = arith.constant 128 : i32
        %dma_wait3A_204 = tpu.memref_slice %dma_wait3A_202[%dma_wait3A_203] : memref<1024xi32, #tpu.memory_space<vmem>> -> memref<128xi32, #tpu.memory_space<vmem>>
        %dma_wait3A_205 = arith.constant 0 : i32
        %dma_wait3A_206 = arith.constant 0 : i32
        %dma_wait3A_207 = tpu.memref_slice %arg2[%dma_wait3A_205, %dma_wait3A_206] : memref<65536x16xf32, #tpu.memory_space<hbm>> -> memref<65536x16xf32, #tpu.memory_space<hbm>>
        tpu.wait_indirect_dma semaphore(%arg13 : memref<!tpu.dma_semaphore, #tpu.memory_space<semaphore_mem>>) src(%dma_wait3A_207 : memref<65536x16xf32, #tpu.memory_space<hbm>>) dst(%dma_wait3A_199 : memref<128x16xf32, #tpu.memory_space<vmem>>)
        %dma_wait3A_208 = arith.constant 1 : i32
        %dma_wait3A_209 = arith.constant 1 : i32
        %dma_wait3A_210 = arith.constant 0 : i32
        %dma_wait3A_211 = arith.constant 0 : i32
        %dma_wait3A_212 = tpu.memref_slice %arg10[%dma_wait3A_209, %dma_wait3A_210, %dma_wait3A_211] : memref<2x1024x16xf32, #tpu.memory_space<vmem>> -> memref<1x1024x16xf32, #tpu.memory_space<vmem>>
        %dma_wait3A_213 = tpu.memref_squeeze %dma_wait3A_212 : memref<1x1024x16xf32, #tpu.memory_space<vmem>> -> memref<1024x16xf32, #tpu.memory_space<vmem>>
        %dma_wait3A_214 = arith.constant 256 : i32
        %dma_wait3A_215 = arith.constant 0 : i32
        %dma_wait3A_216 = tpu.memref_slice %dma_wait3A_213[%dma_wait3A_214, %dma_wait3A_215] : memref<1024x16xf32, #tpu.memory_space<vmem>> -> memref<128x16xf32, #tpu.memory_space<vmem>>
        %dma_wait3A_217 = arith.constant 0 : i32
        %dma_wait3A_218 = tpu.memref_slice %arg8[%dma_wait3A_208, %dma_wait3A_217] : memref<2x1024xi32, #tpu.memory_space<vmem>> -> memref<1x1024xi32, #tpu.memory_space<vmem>>
        %dma_wait3A_219 = tpu.memref_squeeze %dma_wait3A_218 : memref<1x1024xi32, #tpu.memory_space<vmem>> -> memref<1024xi32, #tpu.memory_space<vmem>>
        %dma_wait3A_220 = arith.constant 256 : i32
        %dma_wait3A_221 = tpu.memref_slice %dma_wait3A_219[%dma_wait3A_220] : memref<1024xi32, #tpu.memory_space<vmem>> -> memref<128xi32, #tpu.memory_space<vmem>>
        %dma_wait3A_222 = arith.constant 0 : i32
        %dma_wait3A_223 = arith.constant 0 : i32
        %dma_wait3A_224 = tpu.memref_slice %arg2[%dma_wait3A_222, %dma_wait3A_223] : memref<65536x16xf32, #tpu.memory_space<hbm>> -> memref<65536x16xf32, #tpu.memory_space<hbm>>
        tpu.wait_indirect_dma semaphore(%arg13 : memref<!tpu.dma_semaphore, #tpu.memory_space<semaphore_mem>>) src(%dma_wait3A_224 : memref<65536x16xf32, #tpu.memory_space<hbm>>) dst(%dma_wait3A_216 : memref<128x16xf32, #tpu.memory_space<vmem>>)
        %dma_wait3A_225 = arith.constant 1 : i32
        %dma_wait3A_226 = arith.constant 1 : i32
        %dma_wait3A_227 = arith.constant 0 : i32
        %dma_wait3A_228 = arith.constant 0 : i32
        %dma_wait3A_229 = tpu.memref_slice %arg10[%dma_wait3A_226, %dma_wait3A_227, %dma_wait3A_228] : memref<2x1024x16xf32, #tpu.memory_space<vmem>> -> memref<1x1024x16xf32, #tpu.memory_space<vmem>>
        %dma_wait3A_230 = tpu.memref_squeeze %dma_wait3A_229 : memref<1x1024x16xf32, #tpu.memory_space<vmem>> -> memref<1024x16xf32, #tpu.memory_space<vmem>>
        %dma_wait3A_231 = arith.constant 384 : i32
        %dma_wait3A_232 = arith.constant 0 : i32
        %dma_wait3A_233 = tpu.memref_slice %dma_wait3A_230[%dma_wait3A_231, %dma_wait3A_232] : memref<1024x16xf32, #tpu.memory_space<vmem>> -> memref<128x16xf32, #tpu.memory_space<vmem>>
        %dma_wait3A_234 = arith.constant 0 : i32
        %dma_wait3A_235 = tpu.memref_slice %arg8[%dma_wait3A_225, %dma_wait3A_234] : memref<2x1024xi32, #tpu.memory_space<vmem>> -> memref<1x1024xi32, #tpu.memory_space<vmem>>
        %dma_wait3A_236 = tpu.memref_squeeze %dma_wait3A_235 : memref<1x1024xi32, #tpu.memory_space<vmem>> -> memref<1024xi32, #tpu.memory_space<vmem>>
        %dma_wait3A_237 = arith.constant 384 : i32
        %dma_wait3A_238 = tpu.memref_slice %dma_wait3A_236[%dma_wait3A_237] : memref<1024xi32, #tpu.memory_space<vmem>> -> memref<128xi32, #tpu.memory_space<vmem>>
        %dma_wait3A_239 = arith.constant 0 : i32
        %dma_wait3A_240 = arith.constant 0 : i32
        %dma_wait3A_241 = tpu.memref_slice %arg2[%dma_wait3A_239, %dma_wait3A_240] : memref<65536x16xf32, #tpu.memory_space<hbm>> -> memref<65536x16xf32, #tpu.memory_space<hbm>>
        tpu.wait_indirect_dma semaphore(%arg13 : memref<!tpu.dma_semaphore, #tpu.memory_space<semaphore_mem>>) src(%dma_wait3A_241 : memref<65536x16xf32, #tpu.memory_space<hbm>>) dst(%dma_wait3A_233 : memref<128x16xf32, #tpu.memory_space<vmem>>)
        %dma_wait3A_242 = arith.constant 1 : i32
        %dma_wait3A_243 = arith.constant 1 : i32
        %dma_wait3A_244 = arith.constant 0 : i32
        %dma_wait3A_245 = arith.constant 0 : i32
        %dma_wait3A_246 = tpu.memref_slice %arg10[%dma_wait3A_243, %dma_wait3A_244, %dma_wait3A_245] : memref<2x1024x16xf32, #tpu.memory_space<vmem>> -> memref<1x1024x16xf32, #tpu.memory_space<vmem>>
        %dma_wait3A_247 = tpu.memref_squeeze %dma_wait3A_246 : memref<1x1024x16xf32, #tpu.memory_space<vmem>> -> memref<1024x16xf32, #tpu.memory_space<vmem>>
        %dma_wait3A_248 = arith.constant 512 : i32
        %dma_wait3A_249 = arith.constant 0 : i32
        %dma_wait3A_250 = tpu.memref_slice %dma_wait3A_247[%dma_wait3A_248, %dma_wait3A_249] : memref<1024x16xf32, #tpu.memory_space<vmem>> -> memref<128x16xf32, #tpu.memory_space<vmem>>
        %dma_wait3A_251 = arith.constant 0 : i32
        %dma_wait3A_252 = tpu.memref_slice %arg8[%dma_wait3A_242, %dma_wait3A_251] : memref<2x1024xi32, #tpu.memory_space<vmem>> -> memref<1x1024xi32, #tpu.memory_space<vmem>>
        %dma_wait3A_253 = tpu.memref_squeeze %dma_wait3A_252 : memref<1x1024xi32, #tpu.memory_space<vmem>> -> memref<1024xi32, #tpu.memory_space<vmem>>
        %dma_wait3A_254 = arith.constant 512 : i32
        %dma_wait3A_255 = tpu.memref_slice %dma_wait3A_253[%dma_wait3A_254] : memref<1024xi32, #tpu.memory_space<vmem>> -> memref<128xi32, #tpu.memory_space<vmem>>
        %dma_wait3A_256 = arith.constant 0 : i32
        %dma_wait3A_257 = arith.constant 0 : i32
        %dma_wait3A_258 = tpu.memref_slice %arg2[%dma_wait3A_256, %dma_wait3A_257] : memref<65536x16xf32, #tpu.memory_space<hbm>> -> memref<65536x16xf32, #tpu.memory_space<hbm>>
        tpu.wait_indirect_dma semaphore(%arg13 : memref<!tpu.dma_semaphore, #tpu.memory_space<semaphore_mem>>) src(%dma_wait3A_258 : memref<65536x16xf32, #tpu.memory_space<hbm>>) dst(%dma_wait3A_250 : memref<128x16xf32, #tpu.memory_space<vmem>>)
        %dma_wait3A_259 = arith.constant 1 : i32
        %dma_wait3A_260 = arith.constant 1 : i32
        %dma_wait3A_261 = arith.constant 0 : i32
        %dma_wait3A_262 = arith.constant 0 : i32
        %dma_wait3A_263 = tpu.memref_slice %arg10[%dma_wait3A_260, %dma_wait3A_261, %dma_wait3A_262] : memref<2x1024x16xf32, #tpu.memory_space<vmem>> -> memref<1x1024x16xf32, #tpu.memory_space<vmem>>
        %dma_wait3A_264 = tpu.memref_squeeze %dma_wait3A_263 : memref<1x1024x16xf32, #tpu.memory_space<vmem>> -> memref<1024x16xf32, #tpu.memory_space<vmem>>
        %dma_wait3A_265 = arith.constant 640 : i32
        %dma_wait3A_266 = arith.constant 0 : i32
        %dma_wait3A_267 = tpu.memref_slice %dma_wait3A_264[%dma_wait3A_265, %dma_wait3A_266] : memref<1024x16xf32, #tpu.memory_space<vmem>> -> memref<128x16xf32, #tpu.memory_space<vmem>>
        %dma_wait3A_268 = arith.constant 0 : i32
        %dma_wait3A_269 = tpu.memref_slice %arg8[%dma_wait3A_259, %dma_wait3A_268] : memref<2x1024xi32, #tpu.memory_space<vmem>> -> memref<1x1024xi32, #tpu.memory_space<vmem>>
        %dma_wait3A_270 = tpu.memref_squeeze %dma_wait3A_269 : memref<1x1024xi32, #tpu.memory_space<vmem>> -> memref<1024xi32, #tpu.memory_space<vmem>>
        %dma_wait3A_271 = arith.constant 640 : i32
        %dma_wait3A_272 = tpu.memref_slice %dma_wait3A_270[%dma_wait3A_271] : memref<1024xi32, #tpu.memory_space<vmem>> -> memref<128xi32, #tpu.memory_space<vmem>>
        %dma_wait3A_273 = arith.constant 0 : i32
        %dma_wait3A_274 = arith.constant 0 : i32
        %dma_wait3A_275 = tpu.memref_slice %arg2[%dma_wait3A_273, %dma_wait3A_274] : memref<65536x16xf32, #tpu.memory_space<hbm>> -> memref<65536x16xf32, #tpu.memory_space<hbm>>
        tpu.wait_indirect_dma semaphore(%arg13 : memref<!tpu.dma_semaphore, #tpu.memory_space<semaphore_mem>>) src(%dma_wait3A_275 : memref<65536x16xf32, #tpu.memory_space<hbm>>) dst(%dma_wait3A_267 : memref<128x16xf32, #tpu.memory_space<vmem>>)
        %dma_wait3A_276 = arith.constant 1 : i32
        %dma_wait3A_277 = arith.constant 1 : i32
        %dma_wait3A_278 = arith.constant 0 : i32
        %dma_wait3A_279 = arith.constant 0 : i32
        %dma_wait3A_280 = tpu.memref_slice %arg10[%dma_wait3A_277, %dma_wait3A_278, %dma_wait3A_279] : memref<2x1024x16xf32, #tpu.memory_space<vmem>> -> memref<1x1024x16xf32, #tpu.memory_space<vmem>>
        %dma_wait3A_281 = tpu.memref_squeeze %dma_wait3A_280 : memref<1x1024x16xf32, #tpu.memory_space<vmem>> -> memref<1024x16xf32, #tpu.memory_space<vmem>>
        %dma_wait3A_282 = arith.constant 768 : i32
        %dma_wait3A_283 = arith.constant 0 : i32
        %dma_wait3A_284 = tpu.memref_slice %dma_wait3A_281[%dma_wait3A_282, %dma_wait3A_283] : memref<1024x16xf32, #tpu.memory_space<vmem>> -> memref<128x16xf32, #tpu.memory_space<vmem>>
        %dma_wait3A_285 = arith.constant 0 : i32
        %dma_wait3A_286 = tpu.memref_slice %arg8[%dma_wait3A_276, %dma_wait3A_285] : memref<2x1024xi32, #tpu.memory_space<vmem>> -> memref<1x1024xi32, #tpu.memory_space<vmem>>
        %dma_wait3A_287 = tpu.memref_squeeze %dma_wait3A_286 : memref<1x1024xi32, #tpu.memory_space<vmem>> -> memref<1024xi32, #tpu.memory_space<vmem>>
        %dma_wait3A_288 = arith.constant 768 : i32
        %dma_wait3A_289 = tpu.memref_slice %dma_wait3A_287[%dma_wait3A_288] : memref<1024xi32, #tpu.memory_space<vmem>> -> memref<128xi32, #tpu.memory_space<vmem>>
        %dma_wait3A_290 = arith.constant 0 : i32
        %dma_wait3A_291 = arith.constant 0 : i32
        %dma_wait3A_292 = tpu.memref_slice %arg2[%dma_wait3A_290, %dma_wait3A_291] : memref<65536x16xf32, #tpu.memory_space<hbm>> -> memref<65536x16xf32, #tpu.memory_space<hbm>>
        tpu.wait_indirect_dma semaphore(%arg13 : memref<!tpu.dma_semaphore, #tpu.memory_space<semaphore_mem>>) src(%dma_wait3A_292 : memref<65536x16xf32, #tpu.memory_space<hbm>>) dst(%dma_wait3A_284 : memref<128x16xf32, #tpu.memory_space<vmem>>)
        %dma_wait3A_293 = arith.constant 1 : i32
        %dma_wait3A_294 = arith.constant 1 : i32
        %dma_wait3A_295 = arith.constant 0 : i32
        %dma_wait3A_296 = arith.constant 0 : i32
        %dma_wait3A_297 = tpu.memref_slice %arg10[%dma_wait3A_294, %dma_wait3A_295, %dma_wait3A_296] : memref<2x1024x16xf32, #tpu.memory_space<vmem>> -> memref<1x1024x16xf32, #tpu.memory_space<vmem>>
        %dma_wait3A_298 = tpu.memref_squeeze %dma_wait3A_297 : memref<1x1024x16xf32, #tpu.memory_space<vmem>> -> memref<1024x16xf32, #tpu.memory_space<vmem>>
        %dma_wait3A_299 = arith.constant 896 : i32
        %dma_wait3A_300 = arith.constant 0 : i32
        %dma_wait3A_301 = tpu.memref_slice %dma_wait3A_298[%dma_wait3A_299, %dma_wait3A_300] : memref<1024x16xf32, #tpu.memory_space<vmem>> -> memref<128x16xf32, #tpu.memory_space<vmem>>
        %dma_wait3A_302 = arith.constant 0 : i32
        %dma_wait3A_303 = tpu.memref_slice %arg8[%dma_wait3A_293, %dma_wait3A_302] : memref<2x1024xi32, #tpu.memory_space<vmem>> -> memref<1x1024xi32, #tpu.memory_space<vmem>>
        %dma_wait3A_304 = tpu.memref_squeeze %dma_wait3A_303 : memref<1x1024xi32, #tpu.memory_space<vmem>> -> memref<1024xi32, #tpu.memory_space<vmem>>
        %dma_wait3A_305 = arith.constant 896 : i32
        %dma_wait3A_306 = tpu.memref_slice %dma_wait3A_304[%dma_wait3A_305] : memref<1024xi32, #tpu.memory_space<vmem>> -> memref<128xi32, #tpu.memory_space<vmem>>
        %dma_wait3A_307 = arith.constant 0 : i32
        %dma_wait3A_308 = arith.constant 0 : i32
        %dma_wait3A_309 = tpu.memref_slice %arg2[%dma_wait3A_307, %dma_wait3A_308] : memref<65536x16xf32, #tpu.memory_space<hbm>> -> memref<65536x16xf32, #tpu.memory_space<hbm>>
        tpu.wait_indirect_dma semaphore(%arg13 : memref<!tpu.dma_semaphore, #tpu.memory_space<semaphore_mem>>) src(%dma_wait3A_309 : memref<65536x16xf32, #tpu.memory_space<hbm>>) dst(%dma_wait3A_301 : memref<128x16xf32, #tpu.memory_space<vmem>>)
        %scan3A_310 = arith.constant 0 : i32
        %scan3A_311 = arith.constant 0 : i32
        %scan3A_312 = arith.constant 64 : i32
        %scan3A_313 = arith.addi %scan3A_311, %scan3A_312 : i32
        %scan3A_314 = arith.constant 1 : i32
        scf.for %scan3A_316 = %scan3A_311 to %scan3A_313 step %scan3A_314  : i32 {
          %mul3A_317 = arith.constant 16 : i32
          %mul3A_318 = arith.muli %scan3A_316, %mul3A_317 : i32
          %get3A = arith.constant 1 : i32
          %get3A_319 = arith.index_cast %get3A : i32 to index
          %get3A_320 = arith.index_cast %mul3A_318 : i32 to index
          %get3A_321 = tpu.vector_load %arg7[%get3A_319, %get3A_320] {strides = array<i32>} : memref<2x1024xi32, #tpu.memory_space<vmem>>, vector<1x16xi32>,
          %get3A_322 = vector.shape_cast %get3A_321 : vector<1x16xi32> to vector<16xi32>
          %get3A_323 = arith.constant 1 : i32
          %get3A_324 = arith.index_cast %get3A_323 : i32 to index
          %get3A_325 = arith.index_cast %mul3A_318 : i32 to index
          %get3A_326 = tpu.vector_load %arg9[%get3A_324, %get3A_325] {strides = array<i32>} : memref<2x1024xf32, #tpu.memory_space<vmem>>, vector<1x16xf32>,
          %get3A_327 = vector.shape_cast %get3A_326 : vector<1x16xf32> to vector<16xf32>
          %slice3A = vector.extract_strided_slice %get3A_322 {offsets = [0], sizes = [1], strides = [1]} : vector<16xi32> to vector<1xi32>
          %squeeze3A = vector.extract %slice3A[0] : i32 from vector<1xi32>
          %slice3A_328 = vector.extract_strided_slice %get3A_327 {offsets = [0], sizes = [1], strides = [1]} : vector<16xf32> to vector<1xf32>
          %squeeze3A_329 = vector.extract %slice3A_328[0] : f32 from vector<1xf32>
          %get3A_330 = arith.index_cast %squeeze3A : i32 to index
          %get3A_331 = arith.constant 0 : index
          %get3A_332 = tpu.vector_load %arg11[%get3A_330, %get3A_331] {strides = array<i32>} : memref<64x16xf32, #tpu.memory_space<vmem>>, vector<1x16xf32>,
          %get3A_333 = vector.shape_cast %get3A_332 : vector<1x16xf32> to vector<16xf32>
          %add3A_334 = arith.constant 0 : i32
          %add3A_335 = arith.addi %mul3A_318, %add3A_334 : i32
          %get3A_336 = arith.constant 1 : i32
          %get3A_337 = arith.index_cast %get3A_336 : i32 to index
          %get3A_338 = arith.index_cast %add3A_335 : i32 to index
          %get3A_339 = arith.constant 0 : index
          %get3A_340 = tpu.vector_load %arg10[%get3A_337, %get3A_338, %get3A_339] {strides = array<i32>} : memref<2x1024x16xf32, #tpu.memory_space<vmem>>, vector<1x1x16xf32>,
          %get3A_341 = vector.shape_cast %get3A_340 : vector<1x1x16xf32> to vector<16xf32>
          %mul3A_342 = vector.broadcast %squeeze3A_329 : f32 to vector<16xf32>
          %mul3A_343 = arith.mulf %get3A_341, %mul3A_342 : vector<16xf32>
          %add3A_344 = arith.addf %get3A_333, %mul3A_343 : vector<16xf32>
          %swap3A = arith.index_cast %squeeze3A : i32 to index
          %swap3A_345 = arith.constant 0 : index
          %swap3A_346 = tpu.vector_load %arg11[%swap3A, %swap3A_345] {strides = array<i32>} : memref<64x16xf32, #tpu.memory_space<vmem>>, vector<1x16xf32>,
          %swap3A_347 = vector.shape_cast %swap3A_346 : vector<1x16xf32> to vector<16xf32>
          %swap3A_348 = vector.shape_cast %add3A_344 : vector<16xf32> to vector<1x16xf32>
          tpu.vector_store %arg11[%swap3A, %swap3A_345], %swap3A_348 {strides = array<i32>} : memref<64x16xf32, #tpu.memory_space<vmem>>, vector<1x16xf32>,
          %slice3A_349 = vector.extract_strided_slice %get3A_322 {offsets = [1], sizes = [1], strides = [1]} : vector<16xi32> to vector<1xi32>
          %squeeze3A_350 = vector.extract %slice3A_349[0] : i32 from vector<1xi32>
          %slice3A_351 = vector.extract_strided_slice %get3A_327 {offsets = [1], sizes = [1], strides = [1]} : vector<16xf32> to vector<1xf32>
          %squeeze3A_352 = vector.extract %slice3A_351[0] : f32 from vector<1xf32>
          %get3A_353 = arith.index_cast %squeeze3A_350 : i32 to index
          %get3A_354 = arith.constant 0 : index
          %get3A_355 = tpu.vector_load %arg11[%get3A_353, %get3A_354] {strides = array<i32>} : memref<64x16xf32, #tpu.memory_space<vmem>>, vector<1x16xf32>,
          %get3A_356 = vector.shape_cast %get3A_355 : vector<1x16xf32> to vector<16xf32>
          %add3A_357 = arith.constant 1 : i32
          %add3A_358 = arith.addi %mul3A_318, %add3A_357 : i32
          %get3A_359 = arith.constant 1 : i32
          %get3A_360 = arith.index_cast %get3A_359 : i32 to index
          %get3A_361 = arith.index_cast %add3A_358 : i32 to index
          %get3A_362 = arith.constant 0 : index
          %get3A_363 = tpu.vector_load %arg10[%get3A_360, %get3A_361, %get3A_362] {strides = array<i32>} : memref<2x1024x16xf32, #tpu.memory_space<vmem>>, vector<1x1x16xf32>,
          %get3A_364 = vector.shape_cast %get3A_363 : vector<1x1x16xf32> to vector<16xf32>
          %mul3A_365 = vector.broadcast %squeeze3A_352 : f32 to vector<16xf32>
          %mul3A_366 = arith.mulf %get3A_364, %mul3A_365 : vector<16xf32>
          %add3A_367 = arith.addf %get3A_356, %mul3A_366 : vector<16xf32>
          %swap3A_368 = arith.index_cast %squeeze3A_350 : i32 to index
          %swap3A_369 = arith.constant 0 : index
          %swap3A_370 = tpu.vector_load %arg11[%swap3A_368, %swap3A_369] {strides = array<i32>} : memref<64x16xf32, #tpu.memory_space<vmem>>, vector<1x16xf32>,
          %swap3A_371 = vector.shape_cast %swap3A_370 : vector<1x16xf32> to vector<16xf32>
          %swap3A_372 = vector.shape_cast %add3A_367 : vector<16xf32> to vector<1x16xf32>
          tpu.vector_store %arg11[%swap3A_368, %swap3A_369], %swap3A_372 {strides = array<i32>} : memref<64x16xf32, #tpu.memory_space<vmem>>, vector<1x16xf32>,
          %slice3A_373 = vector.extract_strided_slice %get3A_322 {offsets = [2], sizes = [1], strides = [1]} : vector<16xi32> to vector<1xi32>
          %squeeze3A_374 = vector.extract %slice3A_373[0] : i32 from vector<1xi32>
          %slice3A_375 = vector.extract_strided_slice %get3A_327 {offsets = [2], sizes = [1], strides = [1]} : vector<16xf32> to vector<1xf32>
          %squeeze3A_376 = vector.extract %slice3A_375[0] : f32 from vector<1xf32>
          %get3A_377 = arith.index_cast %squeeze3A_374 : i32 to index
          %get3A_378 = arith.constant 0 : index
          %get3A_379 = tpu.vector_load %arg11[%get3A_377, %get3A_378] {strides = array<i32>} : memref<64x16xf32, #tpu.memory_space<vmem>>, vector<1x16xf32>,
          %get3A_380 = vector.shape_cast %get3A_379 : vector<1x16xf32> to vector<16xf32>
          %add3A_381 = arith.constant 2 : i32
          %add3A_382 = arith.addi %mul3A_318, %add3A_381 : i32
          %get3A_383 = arith.constant 1 : i32
          %get3A_384 = arith.index_cast %get3A_383 : i32 to index
          %get3A_385 = arith.index_cast %add3A_382 : i32 to index
          %get3A_386 = arith.constant 0 : index
          %get3A_387 = tpu.vector_load %arg10[%get3A_384, %get3A_385, %get3A_386] {strides = array<i32>} : memref<2x1024x16xf32, #tpu.memory_space<vmem>>, vector<1x1x16xf32>,
          %get3A_388 = vector.shape_cast %get3A_387 : vector<1x1x16xf32> to vector<16xf32>
          %mul3A_389 = vector.broadcast %squeeze3A_376 : f32 to vector<16xf32>
          %mul3A_390 = arith.mulf %get3A_388, %mul3A_389 : vector<16xf32>
          %add3A_391 = arith.addf %get3A_380, %mul3A_390 : vector<16xf32>
          %swap3A_392 = arith.index_cast %squeeze3A_374 : i32 to index
          %swap3A_393 = arith.constant 0 : index
          %swap3A_394 = tpu.vector_load %arg11[%swap3A_392, %swap3A_393] {strides = array<i32>} : memref<64x16xf32, #tpu.memory_space<vmem>>, vector<1x16xf32>,
          %swap3A_395 = vector.shape_cast %swap3A_394 : vector<1x16xf32> to vector<16xf32>
          %swap3A_396 = vector.shape_cast %add3A_391 : vector<16xf32> to vector<1x16xf32>
          tpu.vector_store %arg11[%swap3A_392, %swap3A_393], %swap3A_396 {strides = array<i32>} : memref<64x16xf32, #tpu.memory_space<vmem>>, vector<1x16xf32>,
          %slice3A_397 = vector.extract_strided_slice %get3A_322 {offsets = [3], sizes = [1], strides = [1]} : vector<16xi32> to vector<1xi32>
          %squeeze3A_398 = vector.extract %slice3A_397[0] : i32 from vector<1xi32>
          %slice3A_399 = vector.extract_strided_slice %get3A_327 {offsets = [3], sizes = [1], strides = [1]} : vector<16xf32> to vector<1xf32>
          %squeeze3A_400 = vector.extract %slice3A_399[0] : f32 from vector<1xf32>
          %get3A_401 = arith.index_cast %squeeze3A_398 : i32 to index
          %get3A_402 = arith.constant 0 : index
          %get3A_403 = tpu.vector_load %arg11[%get3A_401, %get3A_402] {strides = array<i32>} : memref<64x16xf32, #tpu.memory_space<vmem>>, vector<1x16xf32>,
          %get3A_404 = vector.shape_cast %get3A_403 : vector<1x16xf32> to vector<16xf32>
          %add3A_405 = arith.constant 3 : i32
          %add3A_406 = arith.addi %mul3A_318, %add3A_405 : i32
          %get3A_407 = arith.constant 1 : i32
          %get3A_408 = arith.index_cast %get3A_407 : i32 to index
          %get3A_409 = arith.index_cast %add3A_406 : i32 to index
          %get3A_410 = arith.constant 0 : index
          %get3A_411 = tpu.vector_load %arg10[%get3A_408, %get3A_409, %get3A_410] {strides = array<i32>} : memref<2x1024x16xf32, #tpu.memory_space<vmem>>, vector<1x1x16xf32>,
          %get3A_412 = vector.shape_cast %get3A_411 : vector<1x1x16xf32> to vector<16xf32>
          %mul3A_413 = vector.broadcast %squeeze3A_400 : f32 to vector<16xf32>
          %mul3A_414 = arith.mulf %get3A_412, %mul3A_413 : vector<16xf32>
          %add3A_415 = arith.addf %get3A_404, %mul3A_414 : vector<16xf32>
          %swap3A_416 = arith.index_cast %squeeze3A_398 : i32 to index
          %swap3A_417 = arith.constant 0 : index
          %swap3A_418 = tpu.vector_load %arg11[%swap3A_416, %swap3A_417] {strides = array<i32>} : memref<64x16xf32, #tpu.memory_space<vmem>>, vector<1x16xf32>,
          %swap3A_419 = vector.shape_cast %swap3A_418 : vector<1x16xf32> to vector<16xf32>
          %swap3A_420 = vector.shape_cast %add3A_415 : vector<16xf32> to vector<1x16xf32>
          tpu.vector_store %arg11[%swap3A_416, %swap3A_417], %swap3A_420 {strides = array<i32>} : memref<64x16xf32, #tpu.memory_space<vmem>>, vector<1x16xf32>,
          %slice3A_421 = vector.extract_strided_slice %get3A_322 {offsets = [4], sizes = [1], strides = [1]} : vector<16xi32> to vector<1xi32>
          %squeeze3A_422 = vector.extract %slice3A_421[0] : i32 from vector<1xi32>
          %slice3A_423 = vector.extract_strided_slice %get3A_327 {offsets = [4], sizes = [1], strides = [1]} : vector<16xf32> to vector<1xf32>
          %squeeze3A_424 = vector.extract %slice3A_423[0] : f32 from vector<1xf32>
          %get3A_425 = arith.index_cast %squeeze3A_422 : i32 to index
          %get3A_426 = arith.constant 0 : index
          %get3A_427 = tpu.vector_load %arg11[%get3A_425, %get3A_426] {strides = array<i32>} : memref<64x16xf32, #tpu.memory_space<vmem>>, vector<1x16xf32>,
          %get3A_428 = vector.shape_cast %get3A_427 : vector<1x16xf32> to vector<16xf32>
          %add3A_429 = arith.constant 4 : i32
          %add3A_430 = arith.addi %mul3A_318, %add3A_429 : i32
          %get3A_431 = arith.constant 1 : i32
          %get3A_432 = arith.index_cast %get3A_431 : i32 to index
          %get3A_433 = arith.index_cast %add3A_430 : i32 to index
          %get3A_434 = arith.constant 0 : index
          %get3A_435 = tpu.vector_load %arg10[%get3A_432, %get3A_433, %get3A_434] {strides = array<i32>} : memref<2x1024x16xf32, #tpu.memory_space<vmem>>, vector<1x1x16xf32>,
          %get3A_436 = vector.shape_cast %get3A_435 : vector<1x1x16xf32> to vector<16xf32>
          %mul3A_437 = vector.broadcast %squeeze3A_424 : f32 to vector<16xf32>
          %mul3A_438 = arith.mulf %get3A_436, %mul3A_437 : vector<16xf32>
          %add3A_439 = arith.addf %get3A_428, %mul3A_438 : vector<16xf32>
          %swap3A_440 = arith.index_cast %squeeze3A_422 : i32 to index
          %swap3A_441 = arith.constant 0 : index
          %swap3A_442 = tpu.vector_load %arg11[%swap3A_440, %swap3A_441] {strides = array<i32>} : memref<64x16xf32, #tpu.memory_space<vmem>>, vector<1x16xf32>,
          %swap3A_443 = vector.shape_cast %swap3A_442 : vector<1x16xf32> to vector<16xf32>
          %swap3A_444 = vector.shape_cast %add3A_439 : vector<16xf32> to vector<1x16xf32>
          tpu.vector_store %arg11[%swap3A_440, %swap3A_441], %swap3A_444 {strides = array<i32>} : memref<64x16xf32, #tpu.memory_space<vmem>>, vector<1x16xf32>,
          %slice3A_445 = vector.extract_strided_slice %get3A_322 {offsets = [5], sizes = [1], strides = [1]} : vector<16xi32> to vector<1xi32>
          %squeeze3A_446 = vector.extract %slice3A_445[0] : i32 from vector<1xi32>
          %slice3A_447 = vector.extract_strided_slice %get3A_327 {offsets = [5], sizes = [1], strides = [1]} : vector<16xf32> to vector<1xf32>
          %squeeze3A_448 = vector.extract %slice3A_447[0] : f32 from vector<1xf32>
          %get3A_449 = arith.index_cast %squeeze3A_446 : i32 to index
          %get3A_450 = arith.constant 0 : index
          %get3A_451 = tpu.vector_load %arg11[%get3A_449, %get3A_450] {strides = array<i32>} : memref<64x16xf32, #tpu.memory_space<vmem>>, vector<1x16xf32>,
          %get3A_452 = vector.shape_cast %get3A_451 : vector<1x16xf32> to vector<16xf32>
          %add3A_453 = arith.constant 5 : i32
          %add3A_454 = arith.addi %mul3A_318, %add3A_453 : i32
          %get3A_455 = arith.constant 1 : i32
          %get3A_456 = arith.index_cast %get3A_455 : i32 to index
          %get3A_457 = arith.index_cast %add3A_454 : i32 to index
          %get3A_458 = arith.constant 0 : index
          %get3A_459 = tpu.vector_load %arg10[%get3A_456, %get3A_457, %get3A_458] {strides = array<i32>} : memref<2x1024x16xf32, #tpu.memory_space<vmem>>, vector<1x1x16xf32>,
          %get3A_460 = vector.shape_cast %get3A_459 : vector<1x1x16xf32> to vector<16xf32>
          %mul3A_461 = vector.broadcast %squeeze3A_448 : f32 to vector<16xf32>
          %mul3A_462 = arith.mulf %get3A_460, %mul3A_461 : vector<16xf32>
          %add3A_463 = arith.addf %get3A_452, %mul3A_462 : vector<16xf32>
          %swap3A_464 = arith.index_cast %squeeze3A_446 : i32 to index
          %swap3A_465 = arith.constant 0 : index
          %swap3A_466 = tpu.vector_load %arg11[%swap3A_464, %swap3A_465] {strides = array<i32>} : memref<64x16xf32, #tpu.memory_space<vmem>>, vector<1x16xf32>,
          %swap3A_467 = vector.shape_cast %swap3A_466 : vector<1x16xf32> to vector<16xf32>
          %swap3A_468 = vector.shape_cast %add3A_463 : vector<16xf32> to vector<1x16xf32>
          tpu.vector_store %arg11[%swap3A_464, %swap3A_465], %swap3A_468 {strides = array<i32>} : memref<64x16xf32, #tpu.memory_space<vmem>>, vector<1x16xf32>,
          %slice3A_469 = vector.extract_strided_slice %get3A_322 {offsets = [6], sizes = [1], strides = [1]} : vector<16xi32> to vector<1xi32>
          %squeeze3A_470 = vector.extract %slice3A_469[0] : i32 from vector<1xi32>
          %slice3A_471 = vector.extract_strided_slice %get3A_327 {offsets = [6], sizes = [1], strides = [1]} : vector<16xf32> to vector<1xf32>
          %squeeze3A_472 = vector.extract %slice3A_471[0] : f32 from vector<1xf32>
          %get3A_473 = arith.index_cast %squeeze3A_470 : i32 to index
          %get3A_474 = arith.constant 0 : index
          %get3A_475 = tpu.vector_load %arg11[%get3A_473, %get3A_474] {strides = array<i32>} : memref<64x16xf32, #tpu.memory_space<vmem>>, vector<1x16xf32>,
          %get3A_476 = vector.shape_cast %get3A_475 : vector<1x16xf32> to vector<16xf32>
          %add3A_477 = arith.constant 6 : i32
          %add3A_478 = arith.addi %mul3A_318, %add3A_477 : i32
          %get3A_479 = arith.constant 1 : i32
          %get3A_480 = arith.index_cast %get3A_479 : i32 to index
          %get3A_481 = arith.index_cast %add3A_478 : i32 to index
          %get3A_482 = arith.constant 0 : index
          %get3A_483 = tpu.vector_load %arg10[%get3A_480, %get3A_481, %get3A_482] {strides = array<i32>} : memref<2x1024x16xf32, #tpu.memory_space<vmem>>, vector<1x1x16xf32>,
          %get3A_484 = vector.shape_cast %get3A_483 : vector<1x1x16xf32> to vector<16xf32>
          %mul3A_485 = vector.broadcast %squeeze3A_472 : f32 to vector<16xf32>
          %mul3A_486 = arith.mulf %get3A_484, %mul3A_485 : vector<16xf32>
          %add3A_487 = arith.addf %get3A_476, %mul3A_486 : vector<16xf32>
          %swap3A_488 = arith.index_cast %squeeze3A_470 : i32 to index
          %swap3A_489 = arith.constant 0 : index
          %swap3A_490 = tpu.vector_load %arg11[%swap3A_488, %swap3A_489] {strides = array<i32>} : memref<64x16xf32, #tpu.memory_space<vmem>>, vector<1x16xf32>,
          %swap3A_491 = vector.shape_cast %swap3A_490 : vector<1x16xf32> to vector<16xf32>
          %swap3A_492 = vector.shape_cast %add3A_487 : vector<16xf32> to vector<1x16xf32>
          tpu.vector_store %arg11[%swap3A_488, %swap3A_489], %swap3A_492 {strides = array<i32>} : memref<64x16xf32, #tpu.memory_space<vmem>>, vector<1x16xf32>,
          %slice3A_493 = vector.extract_strided_slice %get3A_322 {offsets = [7], sizes = [1], strides = [1]} : vector<16xi32> to vector<1xi32>
          %squeeze3A_494 = vector.extract %slice3A_493[0] : i32 from vector<1xi32>
          %slice3A_495 = vector.extract_strided_slice %get3A_327 {offsets = [7], sizes = [1], strides = [1]} : vector<16xf32> to vector<1xf32>
          %squeeze3A_496 = vector.extract %slice3A_495[0] : f32 from vector<1xf32>
          %get3A_497 = arith.index_cast %squeeze3A_494 : i32 to index
          %get3A_498 = arith.constant 0 : index
          %get3A_499 = tpu.vector_load %arg11[%get3A_497, %get3A_498] {strides = array<i32>} : memref<64x16xf32, #tpu.memory_space<vmem>>, vector<1x16xf32>,
          %get3A_500 = vector.shape_cast %get3A_499 : vector<1x16xf32> to vector<16xf32>
          %add3A_501 = arith.constant 7 : i32
          %add3A_502 = arith.addi %mul3A_318, %add3A_501 : i32
          %get3A_503 = arith.constant 1 : i32
          %get3A_504 = arith.index_cast %get3A_503 : i32 to index
          %get3A_505 = arith.index_cast %add3A_502 : i32 to index
          %get3A_506 = arith.constant 0 : index
          %get3A_507 = tpu.vector_load %arg10[%get3A_504, %get3A_505, %get3A_506] {strides = array<i32>} : memref<2x1024x16xf32, #tpu.memory_space<vmem>>, vector<1x1x16xf32>,
          %get3A_508 = vector.shape_cast %get3A_507 : vector<1x1x16xf32> to vector<16xf32>
          %mul3A_509 = vector.broadcast %squeeze3A_496 : f32 to vector<16xf32>
          %mul3A_510 = arith.mulf %get3A_508, %mul3A_509 : vector<16xf32>
          %add3A_511 = arith.addf %get3A_500, %mul3A_510 : vector<16xf32>
          %swap3A_512 = arith.index_cast %squeeze3A_494 : i32 to index
          %swap3A_513 = arith.constant 0 : index
          %swap3A_514 = tpu.vector_load %arg11[%swap3A_512, %swap3A_513] {strides = array<i32>} : memref<64x16xf32, #tpu.memory_space<vmem>>, vector<1x16xf32>,
          %swap3A_515 = vector.shape_cast %swap3A_514 : vector<1x16xf32> to vector<16xf32>
          %swap3A_516 = vector.shape_cast %add3A_511 : vector<16xf32> to vector<1x16xf32>
          tpu.vector_store %arg11[%swap3A_512, %swap3A_513], %swap3A_516 {strides = array<i32>} : memref<64x16xf32, #tpu.memory_space<vmem>>, vector<1x16xf32>,
          %slice3A_517 = vector.extract_strided_slice %get3A_322 {offsets = [8], sizes = [1], strides = [1]} : vector<16xi32> to vector<1xi32>
          %squeeze3A_518 = vector.extract %slice3A_517[0] : i32 from vector<1xi32>
          %slice3A_519 = vector.extract_strided_slice %get3A_327 {offsets = [8], sizes = [1], strides = [1]} : vector<16xf32> to vector<1xf32>
          %squeeze3A_520 = vector.extract %slice3A_519[0] : f32 from vector<1xf32>
          %get3A_521 = arith.index_cast %squeeze3A_518 : i32 to index
          %get3A_522 = arith.constant 0 : index
          %get3A_523 = tpu.vector_load %arg11[%get3A_521, %get3A_522] {strides = array<i32>} : memref<64x16xf32, #tpu.memory_space<vmem>>, vector<1x16xf32>,
          %get3A_524 = vector.shape_cast %get3A_523 : vector<1x16xf32> to vector<16xf32>
          %add3A_525 = arith.constant 8 : i32
          %add3A_526 = arith.addi %mul3A_318, %add3A_525 : i32
          %get3A_527 = arith.constant 1 : i32
          %get3A_528 = arith.index_cast %get3A_527 : i32 to index
          %get3A_529 = arith.index_cast %add3A_526 : i32 to index
          %get3A_530 = arith.constant 0 : index
          %get3A_531 = tpu.vector_load %arg10[%get3A_528, %get3A_529, %get3A_530] {strides = array<i32>} : memref<2x1024x16xf32, #tpu.memory_space<vmem>>, vector<1x1x16xf32>,
          %get3A_532 = vector.shape_cast %get3A_531 : vector<1x1x16xf32> to vector<16xf32>
          %mul3A_533 = vector.broadcast %squeeze3A_520 : f32 to vector<16xf32>
          %mul3A_534 = arith.mulf %get3A_532, %mul3A_533 : vector<16xf32>
          %add3A_535 = arith.addf %get3A_524, %mul3A_534 : vector<16xf32>
          %swap3A_536 = arith.index_cast %squeeze3A_518 : i32 to index
          %swap3A_537 = arith.constant 0 : index
          %swap3A_538 = tpu.vector_load %arg11[%swap3A_536, %swap3A_537] {strides = array<i32>} : memref<64x16xf32, #tpu.memory_space<vmem>>, vector<1x16xf32>,
          %swap3A_539 = vector.shape_cast %swap3A_538 : vector<1x16xf32> to vector<16xf32>
          %swap3A_540 = vector.shape_cast %add3A_535 : vector<16xf32> to vector<1x16xf32>
          tpu.vector_store %arg11[%swap3A_536, %swap3A_537], %swap3A_540 {strides = array<i32>} : memref<64x16xf32, #tpu.memory_space<vmem>>, vector<1x16xf32>,
          %slice3A_541 = vector.extract_strided_slice %get3A_322 {offsets = [9], sizes = [1], strides = [1]} : vector<16xi32> to vector<1xi32>
          %squeeze3A_542 = vector.extract %slice3A_541[0] : i32 from vector<1xi32>
          %slice3A_543 = vector.extract_strided_slice %get3A_327 {offsets = [9], sizes = [1], strides = [1]} : vector<16xf32> to vector<1xf32>
          %squeeze3A_544 = vector.extract %slice3A_543[0] : f32 from vector<1xf32>
          %get3A_545 = arith.index_cast %squeeze3A_542 : i32 to index
          %get3A_546 = arith.constant 0 : index
          %get3A_547 = tpu.vector_load %arg11[%get3A_545, %get3A_546] {strides = array<i32>} : memref<64x16xf32, #tpu.memory_space<vmem>>, vector<1x16xf32>,
          %get3A_548 = vector.shape_cast %get3A_547 : vector<1x16xf32> to vector<16xf32>
          %add3A_549 = arith.constant 9 : i32
          %add3A_550 = arith.addi %mul3A_318, %add3A_549 : i32
          %get3A_551 = arith.constant 1 : i32
          %get3A_552 = arith.index_cast %get3A_551 : i32 to index
          %get3A_553 = arith.index_cast %add3A_550 : i32 to index
          %get3A_554 = arith.constant 0 : index
          %get3A_555 = tpu.vector_load %arg10[%get3A_552, %get3A_553, %get3A_554] {strides = array<i32>} : memref<2x1024x16xf32, #tpu.memory_space<vmem>>, vector<1x1x16xf32>,
          %get3A_556 = vector.shape_cast %get3A_555 : vector<1x1x16xf32> to vector<16xf32>
          %mul3A_557 = vector.broadcast %squeeze3A_544 : f32 to vector<16xf32>
          %mul3A_558 = arith.mulf %get3A_556, %mul3A_557 : vector<16xf32>
          %add3A_559 = arith.addf %get3A_548, %mul3A_558 : vector<16xf32>
          %swap3A_560 = arith.index_cast %squeeze3A_542 : i32 to index
          %swap3A_561 = arith.constant 0 : index
          %swap3A_562 = tpu.vector_load %arg11[%swap3A_560, %swap3A_561] {strides = array<i32>} : memref<64x16xf32, #tpu.memory_space<vmem>>, vector<1x16xf32>,
          %swap3A_563 = vector.shape_cast %swap3A_562 : vector<1x16xf32> to vector<16xf32>
          %swap3A_564 = vector.shape_cast %add3A_559 : vector<16xf32> to vector<1x16xf32>
          tpu.vector_store %arg11[%swap3A_560, %swap3A_561], %swap3A_564 {strides = array<i32>} : memref<64x16xf32, #tpu.memory_space<vmem>>, vector<1x16xf32>,
          %slice3A_565 = vector.extract_strided_slice %get3A_322 {offsets = [10], sizes = [1], strides = [1]} : vector<16xi32> to vector<1xi32>
          %squeeze3A_566 = vector.extract %slice3A_565[0] : i32 from vector<1xi32>
          %slice3A_567 = vector.extract_strided_slice %get3A_327 {offsets = [10], sizes = [1], strides = [1]} : vector<16xf32> to vector<1xf32>
          %squeeze3A_568 = vector.extract %slice3A_567[0] : f32 from vector<1xf32>
          %get3A_569 = arith.index_cast %squeeze3A_566 : i32 to index
          %get3A_570 = arith.constant 0 : index
          %get3A_571 = tpu.vector_load %arg11[%get3A_569, %get3A_570] {strides = array<i32>} : memref<64x16xf32, #tpu.memory_space<vmem>>, vector<1x16xf32>,
          %get3A_572 = vector.shape_cast %get3A_571 : vector<1x16xf32> to vector<16xf32>
          %add3A_573 = arith.constant 10 : i32
          %add3A_574 = arith.addi %mul3A_318, %add3A_573 : i32
          %get3A_575 = arith.constant 1 : i32
          %get3A_576 = arith.index_cast %get3A_575 : i32 to index
          %get3A_577 = arith.index_cast %add3A_574 : i32 to index
          %get3A_578 = arith.constant 0 : index
          %get3A_579 = tpu.vector_load %arg10[%get3A_576, %get3A_577, %get3A_578] {strides = array<i32>} : memref<2x1024x16xf32, #tpu.memory_space<vmem>>, vector<1x1x16xf32>,
          %get3A_580 = vector.shape_cast %get3A_579 : vector<1x1x16xf32> to vector<16xf32>
          %mul3A_581 = vector.broadcast %squeeze3A_568 : f32 to vector<16xf32>
          %mul3A_582 = arith.mulf %get3A_580, %mul3A_581 : vector<16xf32>
          %add3A_583 = arith.addf %get3A_572, %mul3A_582 : vector<16xf32>
          %swap3A_584 = arith.index_cast %squeeze3A_566 : i32 to index
          %swap3A_585 = arith.constant 0 : index
          %swap3A_586 = tpu.vector_load %arg11[%swap3A_584, %swap3A_585] {strides = array<i32>} : memref<64x16xf32, #tpu.memory_space<vmem>>, vector<1x16xf32>,
          %swap3A_587 = vector.shape_cast %swap3A_586 : vector<1x16xf32> to vector<16xf32>
          %swap3A_588 = vector.shape_cast %add3A_583 : vector<16xf32> to vector<1x16xf32>
          tpu.vector_store %arg11[%swap3A_584, %swap3A_585], %swap3A_588 {strides = array<i32>} : memref<64x16xf32, #tpu.memory_space<vmem>>, vector<1x16xf32>,
          %slice3A_589 = vector.extract_strided_slice %get3A_322 {offsets = [11], sizes = [1], strides = [1]} : vector<16xi32> to vector<1xi32>
          %squeeze3A_590 = vector.extract %slice3A_589[0] : i32 from vector<1xi32>
          %slice3A_591 = vector.extract_strided_slice %get3A_327 {offsets = [11], sizes = [1], strides = [1]} : vector<16xf32> to vector<1xf32>
          %squeeze3A_592 = vector.extract %slice3A_591[0] : f32 from vector<1xf32>
          %get3A_593 = arith.index_cast %squeeze3A_590 : i32 to index
          %get3A_594 = arith.constant 0 : index
          %get3A_595 = tpu.vector_load %arg11[%get3A_593, %get3A_594] {strides = array<i32>} : memref<64x16xf32, #tpu.memory_space<vmem>>, vector<1x16xf32>,
          %get3A_596 = vector.shape_cast %get3A_595 : vector<1x16xf32> to vector<16xf32>
          %add3A_597 = arith.constant 11 : i32
          %add3A_598 = arith.addi %mul3A_318, %add3A_597 : i32
          %get3A_599 = arith.constant 1 : i32
          %get3A_600 = arith.index_cast %get3A_599 : i32 to index
          %get3A_601 = arith.index_cast %add3A_598 : i32 to index
          %get3A_602 = arith.constant 0 : index
          %get3A_603 = tpu.vector_load %arg10[%get3A_600, %get3A_601, %get3A_602] {strides = array<i32>} : memref<2x1024x16xf32, #tpu.memory_space<vmem>>, vector<1x1x16xf32>,
          %get3A_604 = vector.shape_cast %get3A_603 : vector<1x1x16xf32> to vector<16xf32>
          %mul3A_605 = vector.broadcast %squeeze3A_592 : f32 to vector<16xf32>
          %mul3A_606 = arith.mulf %get3A_604, %mul3A_605 : vector<16xf32>
          %add3A_607 = arith.addf %get3A_596, %mul3A_606 : vector<16xf32>
          %swap3A_608 = arith.index_cast %squeeze3A_590 : i32 to index
          %swap3A_609 = arith.constant 0 : index
          %swap3A_610 = tpu.vector_load %arg11[%swap3A_608, %swap3A_609] {strides = array<i32>} : memref<64x16xf32, #tpu.memory_space<vmem>>, vector<1x16xf32>,
          %swap3A_611 = vector.shape_cast %swap3A_610 : vector<1x16xf32> to vector<16xf32>
          %swap3A_612 = vector.shape_cast %add3A_607 : vector<16xf32> to vector<1x16xf32>
          tpu.vector_store %arg11[%swap3A_608, %swap3A_609], %swap3A_612 {strides = array<i32>} : memref<64x16xf32, #tpu.memory_space<vmem>>, vector<1x16xf32>,
          %slice3A_613 = vector.extract_strided_slice %get3A_322 {offsets = [12], sizes = [1], strides = [1]} : vector<16xi32> to vector<1xi32>
          %squeeze3A_614 = vector.extract %slice3A_613[0] : i32 from vector<1xi32>
          %slice3A_615 = vector.extract_strided_slice %get3A_327 {offsets = [12], sizes = [1], strides = [1]} : vector<16xf32> to vector<1xf32>
          %squeeze3A_616 = vector.extract %slice3A_615[0] : f32 from vector<1xf32>
          %get3A_617 = arith.index_cast %squeeze3A_614 : i32 to index
          %get3A_618 = arith.constant 0 : index
          %get3A_619 = tpu.vector_load %arg11[%get3A_617, %get3A_618] {strides = array<i32>} : memref<64x16xf32, #tpu.memory_space<vmem>>, vector<1x16xf32>,
          %get3A_620 = vector.shape_cast %get3A_619 : vector<1x16xf32> to vector<16xf32>
          %add3A_621 = arith.constant 12 : i32
          %add3A_622 = arith.addi %mul3A_318, %add3A_621 : i32
          %get3A_623 = arith.constant 1 : i32
          %get3A_624 = arith.index_cast %get3A_623 : i32 to index
          %get3A_625 = arith.index_cast %add3A_622 : i32 to index
          %get3A_626 = arith.constant 0 : index
          %get3A_627 = tpu.vector_load %arg10[%get3A_624, %get3A_625, %get3A_626] {strides = array<i32>} : memref<2x1024x16xf32, #tpu.memory_space<vmem>>, vector<1x1x16xf32>,
          %get3A_628 = vector.shape_cast %get3A_627 : vector<1x1x16xf32> to vector<16xf32>
          %mul3A_629 = vector.broadcast %squeeze3A_616 : f32 to vector<16xf32>
          %mul3A_630 = arith.mulf %get3A_628, %mul3A_629 : vector<16xf32>
          %add3A_631 = arith.addf %get3A_620, %mul3A_630 : vector<16xf32>
          %swap3A_632 = arith.index_cast %squeeze3A_614 : i32 to index
          %swap3A_633 = arith.constant 0 : index
          %swap3A_634 = tpu.vector_load %arg11[%swap3A_632, %swap3A_633] {strides = array<i32>} : memref<64x16xf32, #tpu.memory_space<vmem>>, vector<1x16xf32>,
          %swap3A_635 = vector.shape_cast %swap3A_634 : vector<1x16xf32> to vector<16xf32>
          %swap3A_636 = vector.shape_cast %add3A_631 : vector<16xf32> to vector<1x16xf32>
          tpu.vector_store %arg11[%swap3A_632, %swap3A_633], %swap3A_636 {strides = array<i32>} : memref<64x16xf32, #tpu.memory_space<vmem>>, vector<1x16xf32>,
          %slice3A_637 = vector.extract_strided_slice %get3A_322 {offsets = [13], sizes = [1], strides = [1]} : vector<16xi32> to vector<1xi32>
          %squeeze3A_638 = vector.extract %slice3A_637[0] : i32 from vector<1xi32>
          %slice3A_639 = vector.extract_strided_slice %get3A_327 {offsets = [13], sizes = [1], strides = [1]} : vector<16xf32> to vector<1xf32>
          %squeeze3A_640 = vector.extract %slice3A_639[0] : f32 from vector<1xf32>
          %get3A_641 = arith.index_cast %squeeze3A_638 : i32 to index
          %get3A_642 = arith.constant 0 : index
          %get3A_643 = tpu.vector_load %arg11[%get3A_641, %get3A_642] {strides = array<i32>} : memref<64x16xf32, #tpu.memory_space<vmem>>, vector<1x16xf32>,
          %get3A_644 = vector.shape_cast %get3A_643 : vector<1x16xf32> to vector<16xf32>
          %add3A_645 = arith.constant 13 : i32
          %add3A_646 = arith.addi %mul3A_318, %add3A_645 : i32
          %get3A_647 = arith.constant 1 : i32
          %get3A_648 = arith.index_cast %get3A_647 : i32 to index
          %get3A_649 = arith.index_cast %add3A_646 : i32 to index
          %get3A_650 = arith.constant 0 : index
          %get3A_651 = tpu.vector_load %arg10[%get3A_648, %get3A_649, %get3A_650] {strides = array<i32>} : memref<2x1024x16xf32, #tpu.memory_space<vmem>>, vector<1x1x16xf32>,
          %get3A_652 = vector.shape_cast %get3A_651 : vector<1x1x16xf32> to vector<16xf32>
          %mul3A_653 = vector.broadcast %squeeze3A_640 : f32 to vector<16xf32>
          %mul3A_654 = arith.mulf %get3A_652, %mul3A_653 : vector<16xf32>
          %add3A_655 = arith.addf %get3A_644, %mul3A_654 : vector<16xf32>
          %swap3A_656 = arith.index_cast %squeeze3A_638 : i32 to index
          %swap3A_657 = arith.constant 0 : index
          %swap3A_658 = tpu.vector_load %arg11[%swap3A_656, %swap3A_657] {strides = array<i32>} : memref<64x16xf32, #tpu.memory_space<vmem>>, vector<1x16xf32>,
          %swap3A_659 = vector.shape_cast %swap3A_658 : vector<1x16xf32> to vector<16xf32>
          %swap3A_660 = vector.shape_cast %add3A_655 : vector<16xf32> to vector<1x16xf32>
          tpu.vector_store %arg11[%swap3A_656, %swap3A_657], %swap3A_660 {strides = array<i32>} : memref<64x16xf32, #tpu.memory_space<vmem>>, vector<1x16xf32>,
          %slice3A_661 = vector.extract_strided_slice %get3A_322 {offsets = [14], sizes = [1], strides = [1]} : vector<16xi32> to vector<1xi32>
          %squeeze3A_662 = vector.extract %slice3A_661[0] : i32 from vector<1xi32>
          %slice3A_663 = vector.extract_strided_slice %get3A_327 {offsets = [14], sizes = [1], strides = [1]} : vector<16xf32> to vector<1xf32>
          %squeeze3A_664 = vector.extract %slice3A_663[0] : f32 from vector<1xf32>
          %get3A_665 = arith.index_cast %squeeze3A_662 : i32 to index
          %get3A_666 = arith.constant 0 : index
          %get3A_667 = tpu.vector_load %arg11[%get3A_665, %get3A_666] {strides = array<i32>} : memref<64x16xf32, #tpu.memory_space<vmem>>, vector<1x16xf32>,
          %get3A_668 = vector.shape_cast %get3A_667 : vector<1x16xf32> to vector<16xf32>
          %add3A_669 = arith.constant 14 : i32
          %add3A_670 = arith.addi %mul3A_318, %add3A_669 : i32
          %get3A_671 = arith.constant 1 : i32
          %get3A_672 = arith.index_cast %get3A_671 : i32 to index
          %get3A_673 = arith.index_cast %add3A_670 : i32 to index
          %get3A_674 = arith.constant 0 : index
          %get3A_675 = tpu.vector_load %arg10[%get3A_672, %get3A_673, %get3A_674] {strides = array<i32>} : memref<2x1024x16xf32, #tpu.memory_space<vmem>>, vector<1x1x16xf32>,
          %get3A_676 = vector.shape_cast %get3A_675 : vector<1x1x16xf32> to vector<16xf32>
          %mul3A_677 = vector.broadcast %squeeze3A_664 : f32 to vector<16xf32>
          %mul3A_678 = arith.mulf %get3A_676, %mul3A_677 : vector<16xf32>
          %add3A_679 = arith.addf %get3A_668, %mul3A_678 : vector<16xf32>
          %swap3A_680 = arith.index_cast %squeeze3A_662 : i32 to index
          %swap3A_681 = arith.constant 0 : index
          %swap3A_682 = tpu.vector_load %arg11[%swap3A_680, %swap3A_681] {strides = array<i32>} : memref<64x16xf32, #tpu.memory_space<vmem>>, vector<1x16xf32>,
          %swap3A_683 = vector.shape_cast %swap3A_682 : vector<1x16xf32> to vector<16xf32>
          %swap3A_684 = vector.shape_cast %add3A_679 : vector<16xf32> to vector<1x16xf32>
          tpu.vector_store %arg11[%swap3A_680, %swap3A_681], %swap3A_684 {strides = array<i32>} : memref<64x16xf32, #tpu.memory_space<vmem>>, vector<1x16xf32>,
          %slice3A_685 = vector.extract_strided_slice %get3A_322 {offsets = [15], sizes = [1], strides = [1]} : vector<16xi32> to vector<1xi32>
          %squeeze3A_686 = vector.extract %slice3A_685[0] : i32 from vector<1xi32>
          %slice3A_687 = vector.extract_strided_slice %get3A_327 {offsets = [15], sizes = [1], strides = [1]} : vector<16xf32> to vector<1xf32>
          %squeeze3A_688 = vector.extract %slice3A_687[0] : f32 from vector<1xf32>
          %get3A_689 = arith.index_cast %squeeze3A_686 : i32 to index
          %get3A_690 = arith.constant 0 : index
          %get3A_691 = tpu.vector_load %arg11[%get3A_689, %get3A_690] {strides = array<i32>} : memref<64x16xf32, #tpu.memory_space<vmem>>, vector<1x16xf32>,
          %get3A_692 = vector.shape_cast %get3A_691 : vector<1x16xf32> to vector<16xf32>
          %add3A_693 = arith.constant 15 : i32
          %add3A_694 = arith.addi %mul3A_318, %add3A_693 : i32
          %get3A_695 = arith.constant 1 : i32
          %get3A_696 = arith.index_cast %get3A_695 : i32 to index
          %get3A_697 = arith.index_cast %add3A_694 : i32 to index
          %get3A_698 = arith.constant 0 : index
          %get3A_699 = tpu.vector_load %arg10[%get3A_696, %get3A_697, %get3A_698] {strides = array<i32>} : memref<2x1024x16xf32, #tpu.memory_space<vmem>>, vector<1x1x16xf32>,
          %get3A_700 = vector.shape_cast %get3A_699 : vector<1x1x16xf32> to vector<16xf32>
          %mul3A_701 = vector.broadcast %squeeze3A_688 : f32 to vector<16xf32>
          %mul3A_702 = arith.mulf %get3A_700, %mul3A_701 : vector<16xf32>
          %add3A_703 = arith.addf %get3A_692, %mul3A_702 : vector<16xf32>
          %swap3A_704 = arith.index_cast %squeeze3A_686 : i32 to index
          %swap3A_705 = arith.constant 0 : index
          %swap3A_706 = tpu.vector_load %arg11[%swap3A_704, %swap3A_705] {strides = array<i32>} : memref<64x16xf32, #tpu.memory_space<vmem>>, vector<1x16xf32>,
          %swap3A_707 = vector.shape_cast %swap3A_706 : vector<1x16xf32> to vector<16xf32>
          %swap3A_708 = vector.shape_cast %add3A_703 : vector<16xf32> to vector<1x16xf32>
          tpu.vector_store %arg11[%swap3A_704, %swap3A_705], %swap3A_708 {strides = array<i32>} : memref<64x16xf32, #tpu.memory_space<vmem>>, vector<1x16xf32>,
        }
        %scan3A_315 = arith.constant 64 : i32
      } else {
      }
    }
    %scan3A_157 = arith.constant 8 : i32
    "tpu.region"() ({
      %run_scoped3A_158 = tpu.sem_alloc : memref<!tpu.dma_semaphore, #tpu.memory_space<semaphore_mem>>
      %dma_start3A_159 = arith.constant 0 : i32
      %dma_start3A_160 = arith.constant 0 : i32
      %dma_start3A_161 = tpu.memref_slice %arg6[%arg0, %arg1, %dma_start3A_159, %dma_start3A_160] : memref<2x16x64x16xf32, #tpu.memory_space<hbm>> -> memref<1x1x64x16xf32, #tpu.memory_space<hbm>>
      %dma_start3A_162 = tpu.memref_squeeze %dma_start3A_161 : memref<1x1x64x16xf32, #tpu.memory_space<hbm>> -> memref<64x16xf32, #tpu.memory_space<hbm>>
      %dma_start3A_163 = arith.constant 0 : i32
      %dma_start3A_164 = arith.constant 0 : i32
      %dma_start3A_165 = tpu.memref_slice %arg6[%arg0, %arg1, %dma_start3A_163, %dma_start3A_164] : memref<2x16x64x16xf32, #tpu.memory_space<hbm>> -> memref<1x1x64x16xf32, #tpu.memory_space<hbm>>
      %dma_start3A_166 = tpu.memref_squeeze %dma_start3A_165 : memref<1x1x64x16xf32, #tpu.memory_space<hbm>> -> memref<64x16xf32, #tpu.memory_space<hbm>>
      tpu.enqueue_dma source(%arg11 : memref<64x16xf32, #tpu.memory_space<vmem>>) target(%dma_start3A_166 : memref<64x16xf32, #tpu.memory_space<hbm>>) target_semaphore(%run_scoped3A_158 : memref<!tpu.dma_semaphore, #tpu.memory_space<semaphore_mem>>)
      %dma_wait3A = arith.constant 0 : i32
      %dma_wait3A_167 = arith.constant 0 : i32
      %dma_wait3A_168 = tpu.memref_slice %arg6[%arg0, %arg1, %dma_wait3A, %dma_wait3A_167] : memref<2x16x64x16xf32, #tpu.memory_space<hbm>> -> memref<1x1x64x16xf32, #tpu.memory_space<hbm>>
      %dma_wait3A_169 = tpu.memref_squeeze %dma_wait3A_168 : memref<1x1x64x16xf32, #tpu.memory_space<hbm>> -> memref<64x16xf32, #tpu.memory_space<hbm>>
      %dma_wait3A_170 = arith.constant 0 : i32
      %dma_wait3A_171 = arith.constant 0 : i32
      %dma_wait3A_172 = tpu.memref_slice %arg6[%arg0, %arg1, %dma_wait3A_170, %dma_wait3A_171] : memref<2x16x64x16xf32, #tpu.memory_space<hbm>> -> memref<1x1x64x16xf32, #tpu.memory_space<hbm>>
      %dma_wait3A_173 = tpu.memref_squeeze %dma_wait3A_172 : memref<1x1x64x16xf32, #tpu.memory_space<hbm>> -> memref<64x16xf32, #tpu.memory_space<hbm>>
      tpu.wait_dma2 semaphore(%run_scoped3A_158 : memref<!tpu.dma_semaphore, #tpu.memory_space<semaphore_mem>>) src(%arg11 : memref<64x16xf32, #tpu.memory_space<vmem>>) dst(%dma_wait3A_173 : memref<64x16xf32, #tpu.memory_space<hbm>>)
      tpu.yield
    }) : () -> ()
    return
  }
}

#map = affine_map<(d0, d1) -> (0, 0)>
#map1 = affine_map<(d0, d1) -> (0)>
#map2 = affine_map<(d0, d1) -> (0, 0, 0, 0)>
module attributes {stable_mosaic.version = 14 : i64} {
  func.func @layer(%arg0: i32, %arg1: i32, %arg2: memref<262144x16xf32, #tpu.memory_space<hbm>>, %arg3: memref<131072xi32, #tpu.memory_space<hbm>>, %arg4: memref<131072xi32, #tpu.memory_space<hbm>>, %arg5: memref<131072xf32, #tpu.memory_space<hbm>>, %arg6: memref<2x16x4096x16xf32, #tpu.memory_space<hbm>>, %arg7: memref<2x1024xi32, #tpu.memory_space<vmem>>, %arg8: memref<2x1024xi32, #tpu.memory_space<vmem>>, %arg9: memref<2x1024xf32, #tpu.memory_space<vmem>>, %arg10: memref<2x1024x16xf32, #tpu.memory_space<vmem>>, %arg11: memref<4096x16xf32, #tpu.memory_space<vmem>>, %arg12: memref<!tpu.dma_semaphore, #tpu.memory_space<semaphore_mem>>, %arg13: memref<!tpu.dma_semaphore, #tpu.memory_space<semaphore_mem>>) attributes {dimension_semantics = [#tpu.dimension_semantics<core_parallel>, #tpu.dimension_semantics<subcore_parallel>], iteration_bounds = array<i64: 2, 16>, scalar_prefetch = 0 : i64, scratch_operands = 7 : i64, tpu.core_type = #tpu.core_type<sc_vector_subcore>, window_params = [{transform_indices = #map}, {transform_indices = #map1}, {transform_indices = #map1}, {transform_indices = #map1}, {transform_indices = #map2}]} {
    %scan3A = arith.constant 0 : i32
    %scan3A_0 = arith.constant 0 : i32
    %scan3A_1 = arith.constant 4096 : i32
    %scan3A_2 = arith.addi %scan3A_0, %scan3A_1 : i32
    %scan3A_3 = arith.constant 1 : i32
    scf.for %scan3A_158 = %scan3A_0 to %scan3A_2 step %scan3A_3  : i32 {
      %broadcast_in_dim3A = arith.constant 0.000000e+00 : f32
      %broadcast_in_dim3A_159 = vector.broadcast %broadcast_in_dim3A : f32 to vector<16xf32>
      %swap3A = arith.index_cast %scan3A_158 : i32 to index
      %swap3A_160 = arith.constant 0 : index
      %swap3A_161 = tpu.vector_load %arg11[%swap3A, %swap3A_160] {strides = array<i32>} : memref<4096x16xf32, #tpu.memory_space<vmem>>, vector<1x16xf32>,
      %swap3A_162 = vector.shape_cast %swap3A_161 : vector<1x16xf32> to vector<16xf32>
      %swap3A_163 = vector.shape_cast %broadcast_in_dim3A_159 : vector<16xf32> to vector<1x16xf32>
      tpu.vector_store %arg11[%swap3A, %swap3A_160], %swap3A_163 {strides = array<i32>} : memref<4096x16xf32, #tpu.memory_space<vmem>>, vector<1x16xf32>,
    }
    %scan3A_4 = arith.constant 4096 : i32
    %mul3A = arith.constant 16384 : i32
    %mul3A_5 = arith.muli %arg1, %mul3A : i32
    %mul3A_6 = arith.constant 65536 : i32
    %mul3A_7 = arith.muli %arg0, %mul3A_6 : i32
    %add3A = arith.constant 0 : i32
    %add3A_8 = arith.addi %mul3A_7, %add3A : i32
    %run_scoped3A = arith.constant 0 : i32
    "tpu.region"() ({
      %run_scoped3A_158 = tpu.sem_alloc : memref<!tpu.dma_semaphore, #tpu.memory_space<semaphore_mem>>
      %dma_start3A_159 = arith.constant 0 : i32
      %dma_start3A_160 = tpu.memref_slice %arg7[%run_scoped3A, %dma_start3A_159] : memref<2x1024xi32, #tpu.memory_space<vmem>> -> memref<1x1024xi32, #tpu.memory_space<vmem>>
      %dma_start3A_161 = tpu.memref_squeeze %dma_start3A_160 : memref<1x1024xi32, #tpu.memory_space<vmem>> -> memref<1024xi32, #tpu.memory_space<vmem>>
      %dma_start3A_162 = tpu.memref_slice %arg3[%add3A_8] : memref<131072xi32, #tpu.memory_space<hbm>> -> memref<1024xi32, #tpu.memory_space<hbm>>
      %dma_start3A_163 = arith.constant 0 : i32
      %dma_start3A_164 = tpu.memref_slice %arg7[%run_scoped3A, %dma_start3A_163] : memref<2x1024xi32, #tpu.memory_space<vmem>> -> memref<1x1024xi32, #tpu.memory_space<vmem>>
      %dma_start3A_165 = tpu.memref_squeeze %dma_start3A_164 : memref<1x1024xi32, #tpu.memory_space<vmem>> -> memref<1024xi32, #tpu.memory_space<vmem>>
      %dma_start3A_166 = tpu.memref_slice %arg3[%add3A_8] : memref<131072xi32, #tpu.memory_space<hbm>> -> memref<1024xi32, #tpu.memory_space<hbm>>
      tpu.enqueue_dma source(%dma_start3A_166 : memref<1024xi32, #tpu.memory_space<hbm>>) target(%dma_start3A_165 : memref<1024xi32, #tpu.memory_space<vmem>>) target_semaphore(%run_scoped3A_158 : memref<!tpu.dma_semaphore, #tpu.memory_space<semaphore_mem>>)
      %dma_wait3A = arith.constant 0 : i32
      %dma_wait3A_167 = tpu.memref_slice %arg7[%run_scoped3A, %dma_wait3A] : memref<2x1024xi32, #tpu.memory_space<vmem>> -> memref<1x1024xi32, #tpu.memory_space<vmem>>
      %dma_wait3A_168 = tpu.memref_squeeze %dma_wait3A_167 : memref<1x1024xi32, #tpu.memory_space<vmem>> -> memref<1024xi32, #tpu.memory_space<vmem>>
      %dma_wait3A_169 = tpu.memref_slice %arg3[%add3A_8] : memref<131072xi32, #tpu.memory_space<hbm>> -> memref<1024xi32, #tpu.memory_space<hbm>>
      %dma_wait3A_170 = arith.constant 0 : i32
      %dma_wait3A_171 = tpu.memref_slice %arg7[%run_scoped3A, %dma_wait3A_170] : memref<2x1024xi32, #tpu.memory_space<vmem>> -> memref<1x1024xi32, #tpu.memory_space<vmem>>
      %dma_wait3A_172 = tpu.memref_squeeze %dma_wait3A_171 : memref<1x1024xi32, #tpu.memory_space<vmem>> -> memref<1024xi32, #tpu.memory_space<vmem>>
      %dma_wait3A_173 = tpu.memref_slice %arg3[%add3A_8] : memref<131072xi32, #tpu.memory_space<hbm>> -> memref<1024xi32, #tpu.memory_space<hbm>>
      tpu.wait_dma2 semaphore(%run_scoped3A_158 : memref<!tpu.dma_semaphore, #tpu.memory_space<semaphore_mem>>) src(%dma_wait3A_173 : memref<1024xi32, #tpu.memory_space<hbm>>) dst(%dma_wait3A_172 : memref<1024xi32, #tpu.memory_space<vmem>>)
      tpu.yield
    }) : () -> ()
    %run_scoped3A_9 = arith.constant 0 : i32
    "tpu.region"() ({
      %run_scoped3A_158 = tpu.sem_alloc : memref<!tpu.dma_semaphore, #tpu.memory_space<semaphore_mem>>
      %dma_start3A_159 = arith.constant 0 : i32
      %dma_start3A_160 = tpu.memref_slice %arg8[%run_scoped3A_9, %dma_start3A_159] : memref<2x1024xi32, #tpu.memory_space<vmem>> -> memref<1x1024xi32, #tpu.memory_space<vmem>>
      %dma_start3A_161 = tpu.memref_squeeze %dma_start3A_160 : memref<1x1024xi32, #tpu.memory_space<vmem>> -> memref<1024xi32, #tpu.memory_space<vmem>>
      %dma_start3A_162 = tpu.memref_slice %arg4[%add3A_8] : memref<131072xi32, #tpu.memory_space<hbm>> -> memref<1024xi32, #tpu.memory_space<hbm>>
      %dma_start3A_163 = arith.constant 0 : i32
      %dma_start3A_164 = tpu.memref_slice %arg8[%run_scoped3A_9, %dma_start3A_163] : memref<2x1024xi32, #tpu.memory_space<vmem>> -> memref<1x1024xi32, #tpu.memory_space<vmem>>
      %dma_start3A_165 = tpu.memref_squeeze %dma_start3A_164 : memref<1x1024xi32, #tpu.memory_space<vmem>> -> memref<1024xi32, #tpu.memory_space<vmem>>
      %dma_start3A_166 = tpu.memref_slice %arg4[%add3A_8] : memref<131072xi32, #tpu.memory_space<hbm>> -> memref<1024xi32, #tpu.memory_space<hbm>>
      tpu.enqueue_dma source(%dma_start3A_166 : memref<1024xi32, #tpu.memory_space<hbm>>) target(%dma_start3A_165 : memref<1024xi32, #tpu.memory_space<vmem>>) target_semaphore(%run_scoped3A_158 : memref<!tpu.dma_semaphore, #tpu.memory_space<semaphore_mem>>)
      %dma_wait3A = arith.constant 0 : i32
      %dma_wait3A_167 = tpu.memref_slice %arg8[%run_scoped3A_9, %dma_wait3A] : memref<2x1024xi32, #tpu.memory_space<vmem>> -> memref<1x1024xi32, #tpu.memory_space<vmem>>
      %dma_wait3A_168 = tpu.memref_squeeze %dma_wait3A_167 : memref<1x1024xi32, #tpu.memory_space<vmem>> -> memref<1024xi32, #tpu.memory_space<vmem>>
      %dma_wait3A_169 = tpu.memref_slice %arg4[%add3A_8] : memref<131072xi32, #tpu.memory_space<hbm>> -> memref<1024xi32, #tpu.memory_space<hbm>>
      %dma_wait3A_170 = arith.constant 0 : i32
      %dma_wait3A_171 = tpu.memref_slice %arg8[%run_scoped3A_9, %dma_wait3A_170] : memref<2x1024xi32, #tpu.memory_space<vmem>> -> memref<1x1024xi32, #tpu.memory_space<vmem>>
      %dma_wait3A_172 = tpu.memref_squeeze %dma_wait3A_171 : memref<1x1024xi32, #tpu.memory_space<vmem>> -> memref<1024xi32, #tpu.memory_space<vmem>>
      %dma_wait3A_173 = tpu.memref_slice %arg4[%add3A_8] : memref<131072xi32, #tpu.memory_space<hbm>> -> memref<1024xi32, #tpu.memory_space<hbm>>
      tpu.wait_dma2 semaphore(%run_scoped3A_158 : memref<!tpu.dma_semaphore, #tpu.memory_space<semaphore_mem>>) src(%dma_wait3A_173 : memref<1024xi32, #tpu.memory_space<hbm>>) dst(%dma_wait3A_172 : memref<1024xi32, #tpu.memory_space<vmem>>)
      tpu.yield
    }) : () -> ()
    %run_scoped3A_10 = arith.constant 0 : i32
    "tpu.region"() ({
      %run_scoped3A_158 = tpu.sem_alloc : memref<!tpu.dma_semaphore, #tpu.memory_space<semaphore_mem>>
      %dma_start3A_159 = arith.constant 0 : i32
      %dma_start3A_160 = tpu.memref_slice %arg9[%run_scoped3A_10, %dma_start3A_159] : memref<2x1024xf32, #tpu.memory_space<vmem>> -> memref<1x1024xf32, #tpu.memory_space<vmem>>
      %dma_start3A_161 = tpu.memref_squeeze %dma_start3A_160 : memref<1x1024xf32, #tpu.memory_space<vmem>> -> memref<1024xf32, #tpu.memory_space<vmem>>
      %dma_start3A_162 = tpu.memref_slice %arg5[%add3A_8] : memref<131072xf32, #tpu.memory_space<hbm>> -> memref<1024xf32, #tpu.memory_space<hbm>>
      %dma_start3A_163 = arith.constant 0 : i32
      %dma_start3A_164 = tpu.memref_slice %arg9[%run_scoped3A_10, %dma_start3A_163] : memref<2x1024xf32, #tpu.memory_space<vmem>> -> memref<1x1024xf32, #tpu.memory_space<vmem>>
      %dma_start3A_165 = tpu.memref_squeeze %dma_start3A_164 : memref<1x1024xf32, #tpu.memory_space<vmem>> -> memref<1024xf32, #tpu.memory_space<vmem>>
      %dma_start3A_166 = tpu.memref_slice %arg5[%add3A_8] : memref<131072xf32, #tpu.memory_space<hbm>> -> memref<1024xf32, #tpu.memory_space<hbm>>
      tpu.enqueue_dma source(%dma_start3A_166 : memref<1024xf32, #tpu.memory_space<hbm>>) target(%dma_start3A_165 : memref<1024xf32, #tpu.memory_space<vmem>>) target_semaphore(%run_scoped3A_158 : memref<!tpu.dma_semaphore, #tpu.memory_space<semaphore_mem>>)
      %dma_wait3A = arith.constant 0 : i32
      %dma_wait3A_167 = tpu.memref_slice %arg9[%run_scoped3A_10, %dma_wait3A] : memref<2x1024xf32, #tpu.memory_space<vmem>> -> memref<1x1024xf32, #tpu.memory_space<vmem>>
      %dma_wait3A_168 = tpu.memref_squeeze %dma_wait3A_167 : memref<1x1024xf32, #tpu.memory_space<vmem>> -> memref<1024xf32, #tpu.memory_space<vmem>>
      %dma_wait3A_169 = tpu.memref_slice %arg5[%add3A_8] : memref<131072xf32, #tpu.memory_space<hbm>> -> memref<1024xf32, #tpu.memory_space<hbm>>
      %dma_wait3A_170 = arith.constant 0 : i32
      %dma_wait3A_171 = tpu.memref_slice %arg9[%run_scoped3A_10, %dma_wait3A_170] : memref<2x1024xf32, #tpu.memory_space<vmem>> -> memref<1x1024xf32, #tpu.memory_space<vmem>>
      %dma_wait3A_172 = tpu.memref_squeeze %dma_wait3A_171 : memref<1x1024xf32, #tpu.memory_space<vmem>> -> memref<1024xf32, #tpu.memory_space<vmem>>
      %dma_wait3A_173 = tpu.memref_slice %arg5[%add3A_8] : memref<131072xf32, #tpu.memory_space<hbm>> -> memref<1024xf32, #tpu.memory_space<hbm>>
      tpu.wait_dma2 semaphore(%run_scoped3A_158 : memref<!tpu.dma_semaphore, #tpu.memory_space<semaphore_mem>>) src(%dma_wait3A_173 : memref<1024xf32, #tpu.memory_space<hbm>>) dst(%dma_wait3A_172 : memref<1024xf32, #tpu.memory_space<vmem>>)
      tpu.yield
    }) : () -> ()
    %scan3A_11 = arith.constant 0 : i32
    %scan3A_12 = arith.constant 0 : i32
    %scan3A_13 = arith.constant 64 : i32
    %scan3A_14 = arith.addi %scan3A_12, %scan3A_13 : i32
    %scan3A_15 = arith.constant 1 : i32
    scf.for %scan3A_158 = %scan3A_12 to %scan3A_14 step %scan3A_15  : i32 {
      %mul3A_159 = arith.constant 16 : i32
      %mul3A_160 = arith.muli %scan3A_158, %mul3A_159 : i32
      %get3A = arith.constant 0 : i32
      %get3A_161 = arith.index_cast %get3A : i32 to index
      %get3A_162 = arith.index_cast %mul3A_160 : i32 to index
      %get3A_163 = tpu.vector_load %arg8[%get3A_161, %get3A_162] {strides = array<i32>} : memref<2x1024xi32, #tpu.memory_space<vmem>>, vector<1x16xi32>,
      %get3A_164 = vector.shape_cast %get3A_163 : vector<1x16xi32> to vector<16xi32>
      %add3A_165 = vector.broadcast %mul3A_5 : i32 to vector<16xi32>
      %add3A_166 = arith.addi %get3A_164, %add3A_165 : vector<16xi32>
      %swap3A = arith.constant 0 : i32
      %swap3A_167 = arith.index_cast %swap3A : i32 to index
      %swap3A_168 = arith.index_cast %mul3A_160 : i32 to index
      %swap3A_169 = tpu.vector_load %arg8[%swap3A_167, %swap3A_168] {strides = array<i32>} : memref<2x1024xi32, #tpu.memory_space<vmem>>, vector<1x16xi32>,
      %swap3A_170 = vector.shape_cast %swap3A_169 : vector<1x16xi32> to vector<16xi32>
      %swap3A_171 = vector.shape_cast %add3A_166 : vector<16xi32> to vector<1x16xi32>
      tpu.vector_store %arg8[%swap3A_167, %swap3A_168], %swap3A_171 {strides = array<i32>} : memref<2x1024xi32, #tpu.memory_space<vmem>>, vector<1x16xi32>,
    }
    %scan3A_16 = arith.constant 64 : i32
    %dma_start3A = arith.constant 0 : i32
    %dma_start3A_17 = arith.constant 0 : i32
    %dma_start3A_18 = arith.constant 0 : i32
    %dma_start3A_19 = arith.constant 0 : i32
    %dma_start3A_20 = tpu.memref_slice %arg10[%dma_start3A_17, %dma_start3A_18, %dma_start3A_19] : memref<2x1024x16xf32, #tpu.memory_space<vmem>> -> memref<1x1024x16xf32, #tpu.memory_space<vmem>>
    %dma_start3A_21 = tpu.memref_squeeze %dma_start3A_20 : memref<1x1024x16xf32, #tpu.memory_space<vmem>> -> memref<1024x16xf32, #tpu.memory_space<vmem>>
    %dma_start3A_22 = arith.constant 0 : i32
    %dma_start3A_23 = arith.constant 0 : i32
    %dma_start3A_24 = tpu.memref_slice %dma_start3A_21[%dma_start3A_22, %dma_start3A_23] : memref<1024x16xf32, #tpu.memory_space<vmem>> -> memref<128x16xf32, #tpu.memory_space<vmem>>
    %dma_start3A_25 = arith.constant 0 : i32
    %dma_start3A_26 = tpu.memref_slice %arg8[%dma_start3A, %dma_start3A_25] : memref<2x1024xi32, #tpu.memory_space<vmem>> -> memref<1x1024xi32, #tpu.memory_space<vmem>>
    %dma_start3A_27 = tpu.memref_squeeze %dma_start3A_26 : memref<1x1024xi32, #tpu.memory_space<vmem>> -> memref<1024xi32, #tpu.memory_space<vmem>>
    %dma_start3A_28 = arith.constant 0 : i32
    %dma_start3A_29 = tpu.memref_slice %dma_start3A_27[%dma_start3A_28] : memref<1024xi32, #tpu.memory_space<vmem>> -> memref<128xi32, #tpu.memory_space<vmem>>
    %dma_start3A_30 = arith.constant 0 : i32
    %dma_start3A_31 = arith.constant 0 : i32
    %dma_start3A_32 = tpu.memref_slice %arg2[%dma_start3A_30, %dma_start3A_31] : memref<262144x16xf32, #tpu.memory_space<hbm>> -> memref<262144x16xf32, #tpu.memory_space<hbm>>
    tpu.enqueue_indirect_dma source(%dma_start3A_32 : memref<262144x16xf32, #tpu.memory_space<hbm>>) target(%dma_start3A_24 : memref<128x16xf32, #tpu.memory_space<vmem>>) offsets(%dma_start3A_29 : memref<128xi32, #tpu.memory_space<vmem>>) semaphore(%arg12 : memref<!tpu.dma_semaphore, #tpu.memory_space<semaphore_mem>>)
    %dma_start3A_33 = arith.constant 0 : i32
    %dma_start3A_34 = arith.constant 0 : i32
    %dma_start3A_35 = arith.constant 0 : i32
    %dma_start3A_36 = arith.constant 0 : i32
    %dma_start3A_37 = tpu.memref_slice %arg10[%dma_start3A_34, %dma_start3A_35, %dma_start3A_36] : memref<2x1024x16xf32, #tpu.memory_space<vmem>> -> memref<1x1024x16xf32, #tpu.memory_space<vmem>>
    %dma_start3A_38 = tpu.memref_squeeze %dma_start3A_37 : memref<1x1024x16xf32, #tpu.memory_space<vmem>> -> memref<1024x16xf32, #tpu.memory_space<vmem>>
    %dma_start3A_39 = arith.constant 128 : i32
    %dma_start3A_40 = arith.constant 0 : i32
    %dma_start3A_41 = tpu.memref_slice %dma_start3A_38[%dma_start3A_39, %dma_start3A_40] : memref<1024x16xf32, #tpu.memory_space<vmem>> -> memref<128x16xf32, #tpu.memory_space<vmem>>
    %dma_start3A_42 = arith.constant 0 : i32
    %dma_start3A_43 = tpu.memref_slice %arg8[%dma_start3A_33, %dma_start3A_42] : memref<2x1024xi32, #tpu.memory_space<vmem>> -> memref<1x1024xi32, #tpu.memory_space<vmem>>
    %dma_start3A_44 = tpu.memref_squeeze %dma_start3A_43 : memref<1x1024xi32, #tpu.memory_space<vmem>> -> memref<1024xi32, #tpu.memory_space<vmem>>
    %dma_start3A_45 = arith.constant 128 : i32
    %dma_start3A_46 = tpu.memref_slice %dma_start3A_44[%dma_start3A_45] : memref<1024xi32, #tpu.memory_space<vmem>> -> memref<128xi32, #tpu.memory_space<vmem>>
    %dma_start3A_47 = arith.constant 0 : i32
    %dma_start3A_48 = arith.constant 0 : i32
    %dma_start3A_49 = tpu.memref_slice %arg2[%dma_start3A_47, %dma_start3A_48] : memref<262144x16xf32, #tpu.memory_space<hbm>> -> memref<262144x16xf32, #tpu.memory_space<hbm>>
    tpu.enqueue_indirect_dma source(%dma_start3A_49 : memref<262144x16xf32, #tpu.memory_space<hbm>>) target(%dma_start3A_41 : memref<128x16xf32, #tpu.memory_space<vmem>>) offsets(%dma_start3A_46 : memref<128xi32, #tpu.memory_space<vmem>>) semaphore(%arg12 : memref<!tpu.dma_semaphore, #tpu.memory_space<semaphore_mem>>)
    %dma_start3A_50 = arith.constant 0 : i32
    %dma_start3A_51 = arith.constant 0 : i32
    %dma_start3A_52 = arith.constant 0 : i32
    %dma_start3A_53 = arith.constant 0 : i32
    %dma_start3A_54 = tpu.memref_slice %arg10[%dma_start3A_51, %dma_start3A_52, %dma_start3A_53] : memref<2x1024x16xf32, #tpu.memory_space<vmem>> -> memref<1x1024x16xf32, #tpu.memory_space<vmem>>
    %dma_start3A_55 = tpu.memref_squeeze %dma_start3A_54 : memref<1x1024x16xf32, #tpu.memory_space<vmem>> -> memref<1024x16xf32, #tpu.memory_space<vmem>>
    %dma_start3A_56 = arith.constant 256 : i32
    %dma_start3A_57 = arith.constant 0 : i32
    %dma_start3A_58 = tpu.memref_slice %dma_start3A_55[%dma_start3A_56, %dma_start3A_57] : memref<1024x16xf32, #tpu.memory_space<vmem>> -> memref<128x16xf32, #tpu.memory_space<vmem>>
    %dma_start3A_59 = arith.constant 0 : i32
    %dma_start3A_60 = tpu.memref_slice %arg8[%dma_start3A_50, %dma_start3A_59] : memref<2x1024xi32, #tpu.memory_space<vmem>> -> memref<1x1024xi32, #tpu.memory_space<vmem>>
    %dma_start3A_61 = tpu.memref_squeeze %dma_start3A_60 : memref<1x1024xi32, #tpu.memory_space<vmem>> -> memref<1024xi32, #tpu.memory_space<vmem>>
    %dma_start3A_62 = arith.constant 256 : i32
    %dma_start3A_63 = tpu.memref_slice %dma_start3A_61[%dma_start3A_62] : memref<1024xi32, #tpu.memory_space<vmem>> -> memref<128xi32, #tpu.memory_space<vmem>>
    %dma_start3A_64 = arith.constant 0 : i32
    %dma_start3A_65 = arith.constant 0 : i32
    %dma_start3A_66 = tpu.memref_slice %arg2[%dma_start3A_64, %dma_start3A_65] : memref<262144x16xf32, #tpu.memory_space<hbm>> -> memref<262144x16xf32, #tpu.memory_space<hbm>>
    tpu.enqueue_indirect_dma source(%dma_start3A_66 : memref<262144x16xf32, #tpu.memory_space<hbm>>) target(%dma_start3A_58 : memref<128x16xf32, #tpu.memory_space<vmem>>) offsets(%dma_start3A_63 : memref<128xi32, #tpu.memory_space<vmem>>) semaphore(%arg12 : memref<!tpu.dma_semaphore, #tpu.memory_space<semaphore_mem>>)
    %dma_start3A_67 = arith.constant 0 : i32
    %dma_start3A_68 = arith.constant 0 : i32
    %dma_start3A_69 = arith.constant 0 : i32
    %dma_start3A_70 = arith.constant 0 : i32
    %dma_start3A_71 = tpu.memref_slice %arg10[%dma_start3A_68, %dma_start3A_69, %dma_start3A_70] : memref<2x1024x16xf32, #tpu.memory_space<vmem>> -> memref<1x1024x16xf32, #tpu.memory_space<vmem>>
    %dma_start3A_72 = tpu.memref_squeeze %dma_start3A_71 : memref<1x1024x16xf32, #tpu.memory_space<vmem>> -> memref<1024x16xf32, #tpu.memory_space<vmem>>
    %dma_start3A_73 = arith.constant 384 : i32
    %dma_start3A_74 = arith.constant 0 : i32
    %dma_start3A_75 = tpu.memref_slice %dma_start3A_72[%dma_start3A_73, %dma_start3A_74] : memref<1024x16xf32, #tpu.memory_space<vmem>> -> memref<128x16xf32, #tpu.memory_space<vmem>>
    %dma_start3A_76 = arith.constant 0 : i32
    %dma_start3A_77 = tpu.memref_slice %arg8[%dma_start3A_67, %dma_start3A_76] : memref<2x1024xi32, #tpu.memory_space<vmem>> -> memref<1x1024xi32, #tpu.memory_space<vmem>>
    %dma_start3A_78 = tpu.memref_squeeze %dma_start3A_77 : memref<1x1024xi32, #tpu.memory_space<vmem>> -> memref<1024xi32, #tpu.memory_space<vmem>>
    %dma_start3A_79 = arith.constant 384 : i32
    %dma_start3A_80 = tpu.memref_slice %dma_start3A_78[%dma_start3A_79] : memref<1024xi32, #tpu.memory_space<vmem>> -> memref<128xi32, #tpu.memory_space<vmem>>
    %dma_start3A_81 = arith.constant 0 : i32
    %dma_start3A_82 = arith.constant 0 : i32
    %dma_start3A_83 = tpu.memref_slice %arg2[%dma_start3A_81, %dma_start3A_82] : memref<262144x16xf32, #tpu.memory_space<hbm>> -> memref<262144x16xf32, #tpu.memory_space<hbm>>
    tpu.enqueue_indirect_dma source(%dma_start3A_83 : memref<262144x16xf32, #tpu.memory_space<hbm>>) target(%dma_start3A_75 : memref<128x16xf32, #tpu.memory_space<vmem>>) offsets(%dma_start3A_80 : memref<128xi32, #tpu.memory_space<vmem>>) semaphore(%arg12 : memref<!tpu.dma_semaphore, #tpu.memory_space<semaphore_mem>>)
    %dma_start3A_84 = arith.constant 0 : i32
    %dma_start3A_85 = arith.constant 0 : i32
    %dma_start3A_86 = arith.constant 0 : i32
    %dma_start3A_87 = arith.constant 0 : i32
    %dma_start3A_88 = tpu.memref_slice %arg10[%dma_start3A_85, %dma_start3A_86, %dma_start3A_87] : memref<2x1024x16xf32, #tpu.memory_space<vmem>> -> memref<1x1024x16xf32, #tpu.memory_space<vmem>>
    %dma_start3A_89 = tpu.memref_squeeze %dma_start3A_88 : memref<1x1024x16xf32, #tpu.memory_space<vmem>> -> memref<1024x16xf32, #tpu.memory_space<vmem>>
    %dma_start3A_90 = arith.constant 512 : i32
    %dma_start3A_91 = arith.constant 0 : i32
    %dma_start3A_92 = tpu.memref_slice %dma_start3A_89[%dma_start3A_90, %dma_start3A_91] : memref<1024x16xf32, #tpu.memory_space<vmem>> -> memref<128x16xf32, #tpu.memory_space<vmem>>
    %dma_start3A_93 = arith.constant 0 : i32
    %dma_start3A_94 = tpu.memref_slice %arg8[%dma_start3A_84, %dma_start3A_93] : memref<2x1024xi32, #tpu.memory_space<vmem>> -> memref<1x1024xi32, #tpu.memory_space<vmem>>
    %dma_start3A_95 = tpu.memref_squeeze %dma_start3A_94 : memref<1x1024xi32, #tpu.memory_space<vmem>> -> memref<1024xi32, #tpu.memory_space<vmem>>
    %dma_start3A_96 = arith.constant 512 : i32
    %dma_start3A_97 = tpu.memref_slice %dma_start3A_95[%dma_start3A_96] : memref<1024xi32, #tpu.memory_space<vmem>> -> memref<128xi32, #tpu.memory_space<vmem>>
    %dma_start3A_98 = arith.constant 0 : i32
    %dma_start3A_99 = arith.constant 0 : i32
    %dma_start3A_100 = tpu.memref_slice %arg2[%dma_start3A_98, %dma_start3A_99] : memref<262144x16xf32, #tpu.memory_space<hbm>> -> memref<262144x16xf32, #tpu.memory_space<hbm>>
    tpu.enqueue_indirect_dma source(%dma_start3A_100 : memref<262144x16xf32, #tpu.memory_space<hbm>>) target(%dma_start3A_92 : memref<128x16xf32, #tpu.memory_space<vmem>>) offsets(%dma_start3A_97 : memref<128xi32, #tpu.memory_space<vmem>>) semaphore(%arg12 : memref<!tpu.dma_semaphore, #tpu.memory_space<semaphore_mem>>)
    %dma_start3A_101 = arith.constant 0 : i32
    %dma_start3A_102 = arith.constant 0 : i32
    %dma_start3A_103 = arith.constant 0 : i32
    %dma_start3A_104 = arith.constant 0 : i32
    %dma_start3A_105 = tpu.memref_slice %arg10[%dma_start3A_102, %dma_start3A_103, %dma_start3A_104] : memref<2x1024x16xf32, #tpu.memory_space<vmem>> -> memref<1x1024x16xf32, #tpu.memory_space<vmem>>
    %dma_start3A_106 = tpu.memref_squeeze %dma_start3A_105 : memref<1x1024x16xf32, #tpu.memory_space<vmem>> -> memref<1024x16xf32, #tpu.memory_space<vmem>>
    %dma_start3A_107 = arith.constant 640 : i32
    %dma_start3A_108 = arith.constant 0 : i32
    %dma_start3A_109 = tpu.memref_slice %dma_start3A_106[%dma_start3A_107, %dma_start3A_108] : memref<1024x16xf32, #tpu.memory_space<vmem>> -> memref<128x16xf32, #tpu.memory_space<vmem>>
    %dma_start3A_110 = arith.constant 0 : i32
    %dma_start3A_111 = tpu.memref_slice %arg8[%dma_start3A_101, %dma_start3A_110] : memref<2x1024xi32, #tpu.memory_space<vmem>> -> memref<1x1024xi32, #tpu.memory_space<vmem>>
    %dma_start3A_112 = tpu.memref_squeeze %dma_start3A_111 : memref<1x1024xi32, #tpu.memory_space<vmem>> -> memref<1024xi32, #tpu.memory_space<vmem>>
    %dma_start3A_113 = arith.constant 640 : i32
    %dma_start3A_114 = tpu.memref_slice %dma_start3A_112[%dma_start3A_113] : memref<1024xi32, #tpu.memory_space<vmem>> -> memref<128xi32, #tpu.memory_space<vmem>>
    %dma_start3A_115 = arith.constant 0 : i32
    %dma_start3A_116 = arith.constant 0 : i32
    %dma_start3A_117 = tpu.memref_slice %arg2[%dma_start3A_115, %dma_start3A_116] : memref<262144x16xf32, #tpu.memory_space<hbm>> -> memref<262144x16xf32, #tpu.memory_space<hbm>>
    tpu.enqueue_indirect_dma source(%dma_start3A_117 : memref<262144x16xf32, #tpu.memory_space<hbm>>) target(%dma_start3A_109 : memref<128x16xf32, #tpu.memory_space<vmem>>) offsets(%dma_start3A_114 : memref<128xi32, #tpu.memory_space<vmem>>) semaphore(%arg12 : memref<!tpu.dma_semaphore, #tpu.memory_space<semaphore_mem>>)
    %dma_start3A_118 = arith.constant 0 : i32
    %dma_start3A_119 = arith.constant 0 : i32
    %dma_start3A_120 = arith.constant 0 : i32
    %dma_start3A_121 = arith.constant 0 : i32
    %dma_start3A_122 = tpu.memref_slice %arg10[%dma_start3A_119, %dma_start3A_120, %dma_start3A_121] : memref<2x1024x16xf32, #tpu.memory_space<vmem>> -> memref<1x1024x16xf32, #tpu.memory_space<vmem>>
    %dma_start3A_123 = tpu.memref_squeeze %dma_start3A_122 : memref<1x1024x16xf32, #tpu.memory_space<vmem>> -> memref<1024x16xf32, #tpu.memory_space<vmem>>
    %dma_start3A_124 = arith.constant 768 : i32
    %dma_start3A_125 = arith.constant 0 : i32
    %dma_start3A_126 = tpu.memref_slice %dma_start3A_123[%dma_start3A_124, %dma_start3A_125] : memref<1024x16xf32, #tpu.memory_space<vmem>> -> memref<128x16xf32, #tpu.memory_space<vmem>>
    %dma_start3A_127 = arith.constant 0 : i32
    %dma_start3A_128 = tpu.memref_slice %arg8[%dma_start3A_118, %dma_start3A_127] : memref<2x1024xi32, #tpu.memory_space<vmem>> -> memref<1x1024xi32, #tpu.memory_space<vmem>>
    %dma_start3A_129 = tpu.memref_squeeze %dma_start3A_128 : memref<1x1024xi32, #tpu.memory_space<vmem>> -> memref<1024xi32, #tpu.memory_space<vmem>>
    %dma_start3A_130 = arith.constant 768 : i32
    %dma_start3A_131 = tpu.memref_slice %dma_start3A_129[%dma_start3A_130] : memref<1024xi32, #tpu.memory_space<vmem>> -> memref<128xi32, #tpu.memory_space<vmem>>
    %dma_start3A_132 = arith.constant 0 : i32
    %dma_start3A_133 = arith.constant 0 : i32
    %dma_start3A_134 = tpu.memref_slice %arg2[%dma_start3A_132, %dma_start3A_133] : memref<262144x16xf32, #tpu.memory_space<hbm>> -> memref<262144x16xf32, #tpu.memory_space<hbm>>
    tpu.enqueue_indirect_dma source(%dma_start3A_134 : memref<262144x16xf32, #tpu.memory_space<hbm>>) target(%dma_start3A_126 : memref<128x16xf32, #tpu.memory_space<vmem>>) offsets(%dma_start3A_131 : memref<128xi32, #tpu.memory_space<vmem>>) semaphore(%arg12 : memref<!tpu.dma_semaphore, #tpu.memory_space<semaphore_mem>>)
    %dma_start3A_135 = arith.constant 0 : i32
    %dma_start3A_136 = arith.constant 0 : i32
    %dma_start3A_137 = arith.constant 0 : i32
    %dma_start3A_138 = arith.constant 0 : i32
    %dma_start3A_139 = tpu.memref_slice %arg10[%dma_start3A_136, %dma_start3A_137, %dma_start3A_138] : memref<2x1024x16xf32, #tpu.memory_space<vmem>> -> memref<1x1024x16xf32, #tpu.memory_space<vmem>>
    %dma_start3A_140 = tpu.memref_squeeze %dma_start3A_139 : memref<1x1024x16xf32, #tpu.memory_space<vmem>> -> memref<1024x16xf32, #tpu.memory_space<vmem>>
    %dma_start3A_141 = arith.constant 896 : i32
    %dma_start3A_142 = arith.constant 0 : i32
    %dma_start3A_143 = tpu.memref_slice %dma_start3A_140[%dma_start3A_141, %dma_start3A_142] : memref<1024x16xf32, #tpu.memory_space<vmem>> -> memref<128x16xf32, #tpu.memory_space<vmem>>
    %dma_start3A_144 = arith.constant 0 : i32
    %dma_start3A_145 = tpu.memref_slice %arg8[%dma_start3A_135, %dma_start3A_144] : memref<2x1024xi32, #tpu.memory_space<vmem>> -> memref<1x1024xi32, #tpu.memory_space<vmem>>
    %dma_start3A_146 = tpu.memref_squeeze %dma_start3A_145 : memref<1x1024xi32, #tpu.memory_space<vmem>> -> memref<1024xi32, #tpu.memory_space<vmem>>
    %dma_start3A_147 = arith.constant 896 : i32
    %dma_start3A_148 = tpu.memref_slice %dma_start3A_146[%dma_start3A_147] : memref<1024xi32, #tpu.memory_space<vmem>> -> memref<128xi32, #tpu.memory_space<vmem>>
    %dma_start3A_149 = arith.constant 0 : i32
    %dma_start3A_150 = arith.constant 0 : i32
    %dma_start3A_151 = tpu.memref_slice %arg2[%dma_start3A_149, %dma_start3A_150] : memref<262144x16xf32, #tpu.memory_space<hbm>> -> memref<262144x16xf32, #tpu.memory_space<hbm>>
    tpu.enqueue_indirect_dma source(%dma_start3A_151 : memref<262144x16xf32, #tpu.memory_space<hbm>>) target(%dma_start3A_143 : memref<128x16xf32, #tpu.memory_space<vmem>>) offsets(%dma_start3A_148 : memref<128xi32, #tpu.memory_space<vmem>>) semaphore(%arg12 : memref<!tpu.dma_semaphore, #tpu.memory_space<semaphore_mem>>)
    %scan3A_152 = arith.constant 0 : i32
    %scan3A_153 = arith.constant 0 : i32
    %scan3A_154 = arith.constant 64 : i32
    %scan3A_155 = arith.addi %scan3A_153, %scan3A_154 : i32
    %scan3A_156 = arith.constant 1 : i32
    scf.for %scan3A_158 = %scan3A_153 to %scan3A_155 step %scan3A_156  : i32 {
      %rem3A = arith.constant 2 : i32
      %rem3A_159 = arith.remsi %scan3A_158, %rem3A : i32
      %eq3A = arith.constant 0 : i32
      %eq3A_160 = arith.cmpi eq, %rem3A_159, %eq3A : i32
      %convert_element_type3A = arith.extui %eq3A_160 : i1 to i32
      %cond3A = arith.constant 0 : i32
      %cond3A_161 = arith.cmpi ne, %convert_element_type3A, %cond3A : i32
      scf.if %cond3A_161 {
        %add3A_169 = arith.constant 1 : i32
        %add3A_170 = arith.addi %scan3A_158, %add3A_169 : i32
        %lt3A = arith.constant 64 : i32
        %lt3A_171 = arith.cmpi slt, %add3A_170, %lt3A : i32
        %convert_element_type3A_172 = arith.extui %lt3A_171 : i1 to i32
        %cond3A_173 = arith.constant 0 : i32
        %cond3A_174 = arith.cmpi ne, %convert_element_type3A_172, %cond3A_173 : i32
        scf.if %cond3A_174 {
          %add3A_316 = arith.constant 1 : i32
          %add3A_317 = arith.addi %scan3A_158, %add3A_316 : i32
          %mul3A_318 = arith.constant 65536 : i32
          %mul3A_319 = arith.muli %arg0, %mul3A_318 : i32
          %mul3A_320 = arith.constant 1024 : i32
          %mul3A_321 = arith.muli %add3A_317, %mul3A_320 : i32
          %add3A_322 = arith.addi %mul3A_319, %mul3A_321 : i32
          %run_scoped3A_323 = arith.constant 1 : i32
          "tpu.region"() ({
            %run_scoped3A_468 = tpu.sem_alloc : memref<!tpu.dma_semaphore, #tpu.memory_space<semaphore_mem>>
            %dma_start3A_469 = arith.constant 0 : i32
            %dma_start3A_470 = tpu.memref_slice %arg7[%run_scoped3A_323, %dma_start3A_469] : memref<2x1024xi32, #tpu.memory_space<vmem>> -> memref<1x1024xi32, #tpu.memory_space<vmem>>
            %dma_start3A_471 = tpu.memref_squeeze %dma_start3A_470 : memref<1x1024xi32, #tpu.memory_space<vmem>> -> memref<1024xi32, #tpu.memory_space<vmem>>
            %dma_start3A_472 = tpu.memref_slice %arg3[%add3A_322] : memref<131072xi32, #tpu.memory_space<hbm>> -> memref<1024xi32, #tpu.memory_space<hbm>>
            %dma_start3A_473 = arith.constant 0 : i32
            %dma_start3A_474 = tpu.memref_slice %arg7[%run_scoped3A_323, %dma_start3A_473] : memref<2x1024xi32, #tpu.memory_space<vmem>> -> memref<1x1024xi32, #tpu.memory_space<vmem>>
            %dma_start3A_475 = tpu.memref_squeeze %dma_start3A_474 : memref<1x1024xi32, #tpu.memory_space<vmem>> -> memref<1024xi32, #tpu.memory_space<vmem>>
            %dma_start3A_476 = tpu.memref_slice %arg3[%add3A_322] : memref<131072xi32, #tpu.memory_space<hbm>> -> memref<1024xi32, #tpu.memory_space<hbm>>
            tpu.enqueue_dma source(%dma_start3A_476 : memref<1024xi32, #tpu.memory_space<hbm>>) target(%dma_start3A_475 : memref<1024xi32, #tpu.memory_space<vmem>>) target_semaphore(%run_scoped3A_468 : memref<!tpu.dma_semaphore, #tpu.memory_space<semaphore_mem>>)
            %dma_wait3A_477 = arith.constant 0 : i32
            %dma_wait3A_478 = tpu.memref_slice %arg7[%run_scoped3A_323, %dma_wait3A_477] : memref<2x1024xi32, #tpu.memory_space<vmem>> -> memref<1x1024xi32, #tpu.memory_space<vmem>>
            %dma_wait3A_479 = tpu.memref_squeeze %dma_wait3A_478 : memref<1x1024xi32, #tpu.memory_space<vmem>> -> memref<1024xi32, #tpu.memory_space<vmem>>
            %dma_wait3A_480 = tpu.memref_slice %arg3[%add3A_322] : memref<131072xi32, #tpu.memory_space<hbm>> -> memref<1024xi32, #tpu.memory_space<hbm>>
            %dma_wait3A_481 = arith.constant 0 : i32
            %dma_wait3A_482 = tpu.memref_slice %arg7[%run_scoped3A_323, %dma_wait3A_481] : memref<2x1024xi32, #tpu.memory_space<vmem>> -> memref<1x1024xi32, #tpu.memory_space<vmem>>
            %dma_wait3A_483 = tpu.memref_squeeze %dma_wait3A_482 : memref<1x1024xi32, #tpu.memory_space<vmem>> -> memref<1024xi32, #tpu.memory_space<vmem>>
            %dma_wait3A_484 = tpu.memref_slice %arg3[%add3A_322] : memref<131072xi32, #tpu.memory_space<hbm>> -> memref<1024xi32, #tpu.memory_space<hbm>>
            tpu.wait_dma2 semaphore(%run_scoped3A_468 : memref<!tpu.dma_semaphore, #tpu.memory_space<semaphore_mem>>) src(%dma_wait3A_484 : memref<1024xi32, #tpu.memory_space<hbm>>) dst(%dma_wait3A_483 : memref<1024xi32, #tpu.memory_space<vmem>>)
            tpu.yield
          }) : () -> ()
          %run_scoped3A_324 = arith.constant 1 : i32
          "tpu.region"() ({
            %run_scoped3A_468 = tpu.sem_alloc : memref<!tpu.dma_semaphore, #tpu.memory_space<semaphore_mem>>
            %dma_start3A_469 = arith.constant 0 : i32
            %dma_start3A_470 = tpu.memref_slice %arg8[%run_scoped3A_324, %dma_start3A_469] : memref<2x1024xi32, #tpu.memory_space<vmem>> -> memref<1x1024xi32, #tpu.memory_space<vmem>>
            %dma_start3A_471 = tpu.memref_squeeze %dma_start3A_470 : memref<1x1024xi32, #tpu.memory_space<vmem>> -> memref<1024xi32, #tpu.memory_space<vmem>>
            %dma_start3A_472 = tpu.memref_slice %arg4[%add3A_322] : memref<131072xi32, #tpu.memory_space<hbm>> -> memref<1024xi32, #tpu.memory_space<hbm>>
            %dma_start3A_473 = arith.constant 0 : i32
            %dma_start3A_474 = tpu.memref_slice %arg8[%run_scoped3A_324, %dma_start3A_473] : memref<2x1024xi32, #tpu.memory_space<vmem>> -> memref<1x1024xi32, #tpu.memory_space<vmem>>
            %dma_start3A_475 = tpu.memref_squeeze %dma_start3A_474 : memref<1x1024xi32, #tpu.memory_space<vmem>> -> memref<1024xi32, #tpu.memory_space<vmem>>
            %dma_start3A_476 = tpu.memref_slice %arg4[%add3A_322] : memref<131072xi32, #tpu.memory_space<hbm>> -> memref<1024xi32, #tpu.memory_space<hbm>>
            tpu.enqueue_dma source(%dma_start3A_476 : memref<1024xi32, #tpu.memory_space<hbm>>) target(%dma_start3A_475 : memref<1024xi32, #tpu.memory_space<vmem>>) target_semaphore(%run_scoped3A_468 : memref<!tpu.dma_semaphore, #tpu.memory_space<semaphore_mem>>)
            %dma_wait3A_477 = arith.constant 0 : i32
            %dma_wait3A_478 = tpu.memref_slice %arg8[%run_scoped3A_324, %dma_wait3A_477] : memref<2x1024xi32, #tpu.memory_space<vmem>> -> memref<1x1024xi32, #tpu.memory_space<vmem>>
            %dma_wait3A_479 = tpu.memref_squeeze %dma_wait3A_478 : memref<1x1024xi32, #tpu.memory_space<vmem>> -> memref<1024xi32, #tpu.memory_space<vmem>>
            %dma_wait3A_480 = tpu.memref_slice %arg4[%add3A_322] : memref<131072xi32, #tpu.memory_space<hbm>> -> memref<1024xi32, #tpu.memory_space<hbm>>
            %dma_wait3A_481 = arith.constant 0 : i32
            %dma_wait3A_482 = tpu.memref_slice %arg8[%run_scoped3A_324, %dma_wait3A_481] : memref<2x1024xi32, #tpu.memory_space<vmem>> -> memref<1x1024xi32, #tpu.memory_space<vmem>>
            %dma_wait3A_483 = tpu.memref_squeeze %dma_wait3A_482 : memref<1x1024xi32, #tpu.memory_space<vmem>> -> memref<1024xi32, #tpu.memory_space<vmem>>
            %dma_wait3A_484 = tpu.memref_slice %arg4[%add3A_322] : memref<131072xi32, #tpu.memory_space<hbm>> -> memref<1024xi32, #tpu.memory_space<hbm>>
            tpu.wait_dma2 semaphore(%run_scoped3A_468 : memref<!tpu.dma_semaphore, #tpu.memory_space<semaphore_mem>>) src(%dma_wait3A_484 : memref<1024xi32, #tpu.memory_space<hbm>>) dst(%dma_wait3A_483 : memref<1024xi32, #tpu.memory_space<vmem>>)
            tpu.yield
          }) : () -> ()
          %run_scoped3A_325 = arith.constant 1 : i32
          "tpu.region"() ({
            %run_scoped3A_468 = tpu.sem_alloc : memref<!tpu.dma_semaphore, #tpu.memory_space<semaphore_mem>>
            %dma_start3A_469 = arith.constant 0 : i32
            %dma_start3A_470 = tpu.memref_slice %arg9[%run_scoped3A_325, %dma_start3A_469] : memref<2x1024xf32, #tpu.memory_space<vmem>> -> memref<1x1024xf32, #tpu.memory_space<vmem>>
            %dma_start3A_471 = tpu.memref_squeeze %dma_start3A_470 : memref<1x1024xf32, #tpu.memory_space<vmem>> -> memref<1024xf32, #tpu.memory_space<vmem>>
            %dma_start3A_472 = tpu.memref_slice %arg5[%add3A_322] : memref<131072xf32, #tpu.memory_space<hbm>> -> memref<1024xf32, #tpu.memory_space<hbm>>
            %dma_start3A_473 = arith.constant 0 : i32
            %dma_start3A_474 = tpu.memref_slice %arg9[%run_scoped3A_325, %dma_start3A_473] : memref<2x1024xf32, #tpu.memory_space<vmem>> -> memref<1x1024xf32, #tpu.memory_space<vmem>>
            %dma_start3A_475 = tpu.memref_squeeze %dma_start3A_474 : memref<1x1024xf32, #tpu.memory_space<vmem>> -> memref<1024xf32, #tpu.memory_space<vmem>>
            %dma_start3A_476 = tpu.memref_slice %arg5[%add3A_322] : memref<131072xf32, #tpu.memory_space<hbm>> -> memref<1024xf32, #tpu.memory_space<hbm>>
            tpu.enqueue_dma source(%dma_start3A_476 : memref<1024xf32, #tpu.memory_space<hbm>>) target(%dma_start3A_475 : memref<1024xf32, #tpu.memory_space<vmem>>) target_semaphore(%run_scoped3A_468 : memref<!tpu.dma_semaphore, #tpu.memory_space<semaphore_mem>>)
            %dma_wait3A_477 = arith.constant 0 : i32
            %dma_wait3A_478 = tpu.memref_slice %arg9[%run_scoped3A_325, %dma_wait3A_477] : memref<2x1024xf32, #tpu.memory_space<vmem>> -> memref<1x1024xf32, #tpu.memory_space<vmem>>
            %dma_wait3A_479 = tpu.memref_squeeze %dma_wait3A_478 : memref<1x1024xf32, #tpu.memory_space<vmem>> -> memref<1024xf32, #tpu.memory_space<vmem>>
            %dma_wait3A_480 = tpu.memref_slice %arg5[%add3A_322] : memref<131072xf32, #tpu.memory_space<hbm>> -> memref<1024xf32, #tpu.memory_space<hbm>>
            %dma_wait3A_481 = arith.constant 0 : i32
            %dma_wait3A_482 = tpu.memref_slice %arg9[%run_scoped3A_325, %dma_wait3A_481] : memref<2x1024xf32, #tpu.memory_space<vmem>> -> memref<1x1024xf32, #tpu.memory_space<vmem>>
            %dma_wait3A_483 = tpu.memref_squeeze %dma_wait3A_482 : memref<1x1024xf32, #tpu.memory_space<vmem>> -> memref<1024xf32, #tpu.memory_space<vmem>>
            %dma_wait3A_484 = tpu.memref_slice %arg5[%add3A_322] : memref<131072xf32, #tpu.memory_space<hbm>> -> memref<1024xf32, #tpu.memory_space<hbm>>
            tpu.wait_dma2 semaphore(%run_scoped3A_468 : memref<!tpu.dma_semaphore, #tpu.memory_space<semaphore_mem>>) src(%dma_wait3A_484 : memref<1024xf32, #tpu.memory_space<hbm>>) dst(%dma_wait3A_483 : memref<1024xf32, #tpu.memory_space<vmem>>)
            tpu.yield
          }) : () -> ()
          %scan3A_326 = arith.constant 0 : i32
          %scan3A_327 = arith.constant 0 : i32
          %scan3A_328 = arith.constant 64 : i32
          %scan3A_329 = arith.addi %scan3A_327, %scan3A_328 : i32
          %scan3A_330 = arith.constant 1 : i32
          scf.for %scan3A_468 = %scan3A_327 to %scan3A_329 step %scan3A_330  : i32 {
            %mul3A_469 = arith.constant 16 : i32
            %mul3A_470 = arith.muli %scan3A_468, %mul3A_469 : i32
            %get3A = arith.constant 1 : i32
            %get3A_471 = arith.index_cast %get3A : i32 to index
            %get3A_472 = arith.index_cast %mul3A_470 : i32 to index
            %get3A_473 = tpu.vector_load %arg8[%get3A_471, %get3A_472] {strides = array<i32>} : memref<2x1024xi32, #tpu.memory_space<vmem>>, vector<1x16xi32>,
            %get3A_474 = vector.shape_cast %get3A_473 : vector<1x16xi32> to vector<16xi32>
            %add3A_475 = vector.broadcast %mul3A_5 : i32 to vector<16xi32>
            %add3A_476 = arith.addi %get3A_474, %add3A_475 : vector<16xi32>
            %swap3A = arith.constant 1 : i32
            %swap3A_477 = arith.index_cast %swap3A : i32 to index
            %swap3A_478 = arith.index_cast %mul3A_470 : i32 to index
            %swap3A_479 = tpu.vector_load %arg8[%swap3A_477, %swap3A_478] {strides = array<i32>} : memref<2x1024xi32, #tpu.memory_space<vmem>>, vector<1x16xi32>,
            %swap3A_480 = vector.shape_cast %swap3A_479 : vector<1x16xi32> to vector<16xi32>
            %swap3A_481 = vector.shape_cast %add3A_476 : vector<16xi32> to vector<1x16xi32>
            tpu.vector_store %arg8[%swap3A_477, %swap3A_478], %swap3A_481 {strides = array<i32>} : memref<2x1024xi32, #tpu.memory_space<vmem>>, vector<1x16xi32>,
          }
          %scan3A_331 = arith.constant 64 : i32
          %dma_start3A_332 = arith.constant 1 : i32
          %dma_start3A_333 = arith.constant 1 : i32
          %dma_start3A_334 = arith.constant 0 : i32
          %dma_start3A_335 = arith.constant 0 : i32
          %dma_start3A_336 = tpu.memref_slice %arg10[%dma_start3A_333, %dma_start3A_334, %dma_start3A_335] : memref<2x1024x16xf32, #tpu.memory_space<vmem>> -> memref<1x1024x16xf32, #tpu.memory_space<vmem>>
          %dma_start3A_337 = tpu.memref_squeeze %dma_start3A_336 : memref<1x1024x16xf32, #tpu.memory_space<vmem>> -> memref<1024x16xf32, #tpu.memory_space<vmem>>
          %dma_start3A_338 = arith.constant 0 : i32
          %dma_start3A_339 = arith.constant 0 : i32
          %dma_start3A_340 = tpu.memref_slice %dma_start3A_337[%dma_start3A_338, %dma_start3A_339] : memref<1024x16xf32, #tpu.memory_space<vmem>> -> memref<128x16xf32, #tpu.memory_space<vmem>>
          %dma_start3A_341 = arith.constant 0 : i32
          %dma_start3A_342 = tpu.memref_slice %arg8[%dma_start3A_332, %dma_start3A_341] : memref<2x1024xi32, #tpu.memory_space<vmem>> -> memref<1x1024xi32, #tpu.memory_space<vmem>>
          %dma_start3A_343 = tpu.memref_squeeze %dma_start3A_342 : memref<1x1024xi32, #tpu.memory_space<vmem>> -> memref<1024xi32, #tpu.memory_space<vmem>>
          %dma_start3A_344 = arith.constant 0 : i32
          %dma_start3A_345 = tpu.memref_slice %dma_start3A_343[%dma_start3A_344] : memref<1024xi32, #tpu.memory_space<vmem>> -> memref<128xi32, #tpu.memory_space<vmem>>
          %dma_start3A_346 = arith.constant 0 : i32
          %dma_start3A_347 = arith.constant 0 : i32
          %dma_start3A_348 = tpu.memref_slice %arg2[%dma_start3A_346, %dma_start3A_347] : memref<262144x16xf32, #tpu.memory_space<hbm>> -> memref<262144x16xf32, #tpu.memory_space<hbm>>
          tpu.enqueue_indirect_dma source(%dma_start3A_348 : memref<262144x16xf32, #tpu.memory_space<hbm>>) target(%dma_start3A_340 : memref<128x16xf32, #tpu.memory_space<vmem>>) offsets(%dma_start3A_345 : memref<128xi32, #tpu.memory_space<vmem>>) semaphore(%arg13 : memref<!tpu.dma_semaphore, #tpu.memory_space<semaphore_mem>>)
          %dma_start3A_349 = arith.constant 1 : i32
          %dma_start3A_350 = arith.constant 1 : i32
          %dma_start3A_351 = arith.constant 0 : i32
          %dma_start3A_352 = arith.constant 0 : i32
          %dma_start3A_353 = tpu.memref_slice %arg10[%dma_start3A_350, %dma_start3A_351, %dma_start3A_352] : memref<2x1024x16xf32, #tpu.memory_space<vmem>> -> memref<1x1024x16xf32, #tpu.memory_space<vmem>>
          %dma_start3A_354 = tpu.memref_squeeze %dma_start3A_353 : memref<1x1024x16xf32, #tpu.memory_space<vmem>> -> memref<1024x16xf32, #tpu.memory_space<vmem>>
          %dma_start3A_355 = arith.constant 128 : i32
          %dma_start3A_356 = arith.constant 0 : i32
          %dma_start3A_357 = tpu.memref_slice %dma_start3A_354[%dma_start3A_355, %dma_start3A_356] : memref<1024x16xf32, #tpu.memory_space<vmem>> -> memref<128x16xf32, #tpu.memory_space<vmem>>
          %dma_start3A_358 = arith.constant 0 : i32
          %dma_start3A_359 = tpu.memref_slice %arg8[%dma_start3A_349, %dma_start3A_358] : memref<2x1024xi32, #tpu.memory_space<vmem>> -> memref<1x1024xi32, #tpu.memory_space<vmem>>
          %dma_start3A_360 = tpu.memref_squeeze %dma_start3A_359 : memref<1x1024xi32, #tpu.memory_space<vmem>> -> memref<1024xi32, #tpu.memory_space<vmem>>
          %dma_start3A_361 = arith.constant 128 : i32
          %dma_start3A_362 = tpu.memref_slice %dma_start3A_360[%dma_start3A_361] : memref<1024xi32, #tpu.memory_space<vmem>> -> memref<128xi32, #tpu.memory_space<vmem>>
          %dma_start3A_363 = arith.constant 0 : i32
          %dma_start3A_364 = arith.constant 0 : i32
          %dma_start3A_365 = tpu.memref_slice %arg2[%dma_start3A_363, %dma_start3A_364] : memref<262144x16xf32, #tpu.memory_space<hbm>> -> memref<262144x16xf32, #tpu.memory_space<hbm>>
          tpu.enqueue_indirect_dma source(%dma_start3A_365 : memref<262144x16xf32, #tpu.memory_space<hbm>>) target(%dma_start3A_357 : memref<128x16xf32, #tpu.memory_space<vmem>>) offsets(%dma_start3A_362 : memref<128xi32, #tpu.memory_space<vmem>>) semaphore(%arg13 : memref<!tpu.dma_semaphore, #tpu.memory_space<semaphore_mem>>)
          %dma_start3A_366 = arith.constant 1 : i32
          %dma_start3A_367 = arith.constant 1 : i32
          %dma_start3A_368 = arith.constant 0 : i32
          %dma_start3A_369 = arith.constant 0 : i32
          %dma_start3A_370 = tpu.memref_slice %arg10[%dma_start3A_367, %dma_start3A_368, %dma_start3A_369] : memref<2x1024x16xf32, #tpu.memory_space<vmem>> -> memref<1x1024x16xf32, #tpu.memory_space<vmem>>
          %dma_start3A_371 = tpu.memref_squeeze %dma_start3A_370 : memref<1x1024x16xf32, #tpu.memory_space<vmem>> -> memref<1024x16xf32, #tpu.memory_space<vmem>>
          %dma_start3A_372 = arith.constant 256 : i32
          %dma_start3A_373 = arith.constant 0 : i32
          %dma_start3A_374 = tpu.memref_slice %dma_start3A_371[%dma_start3A_372, %dma_start3A_373] : memref<1024x16xf32, #tpu.memory_space<vmem>> -> memref<128x16xf32, #tpu.memory_space<vmem>>
          %dma_start3A_375 = arith.constant 0 : i32
          %dma_start3A_376 = tpu.memref_slice %arg8[%dma_start3A_366, %dma_start3A_375] : memref<2x1024xi32, #tpu.memory_space<vmem>> -> memref<1x1024xi32, #tpu.memory_space<vmem>>
          %dma_start3A_377 = tpu.memref_squeeze %dma_start3A_376 : memref<1x1024xi32, #tpu.memory_space<vmem>> -> memref<1024xi32, #tpu.memory_space<vmem>>
          %dma_start3A_378 = arith.constant 256 : i32
          %dma_start3A_379 = tpu.memref_slice %dma_start3A_377[%dma_start3A_378] : memref<1024xi32, #tpu.memory_space<vmem>> -> memref<128xi32, #tpu.memory_space<vmem>>
          %dma_start3A_380 = arith.constant 0 : i32
          %dma_start3A_381 = arith.constant 0 : i32
          %dma_start3A_382 = tpu.memref_slice %arg2[%dma_start3A_380, %dma_start3A_381] : memref<262144x16xf32, #tpu.memory_space<hbm>> -> memref<262144x16xf32, #tpu.memory_space<hbm>>
          tpu.enqueue_indirect_dma source(%dma_start3A_382 : memref<262144x16xf32, #tpu.memory_space<hbm>>) target(%dma_start3A_374 : memref<128x16xf32, #tpu.memory_space<vmem>>) offsets(%dma_start3A_379 : memref<128xi32, #tpu.memory_space<vmem>>) semaphore(%arg13 : memref<!tpu.dma_semaphore, #tpu.memory_space<semaphore_mem>>)
          %dma_start3A_383 = arith.constant 1 : i32
          %dma_start3A_384 = arith.constant 1 : i32
          %dma_start3A_385 = arith.constant 0 : i32
          %dma_start3A_386 = arith.constant 0 : i32
          %dma_start3A_387 = tpu.memref_slice %arg10[%dma_start3A_384, %dma_start3A_385, %dma_start3A_386] : memref<2x1024x16xf32, #tpu.memory_space<vmem>> -> memref<1x1024x16xf32, #tpu.memory_space<vmem>>
          %dma_start3A_388 = tpu.memref_squeeze %dma_start3A_387 : memref<1x1024x16xf32, #tpu.memory_space<vmem>> -> memref<1024x16xf32, #tpu.memory_space<vmem>>
          %dma_start3A_389 = arith.constant 384 : i32
          %dma_start3A_390 = arith.constant 0 : i32
          %dma_start3A_391 = tpu.memref_slice %dma_start3A_388[%dma_start3A_389, %dma_start3A_390] : memref<1024x16xf32, #tpu.memory_space<vmem>> -> memref<128x16xf32, #tpu.memory_space<vmem>>
          %dma_start3A_392 = arith.constant 0 : i32
          %dma_start3A_393 = tpu.memref_slice %arg8[%dma_start3A_383, %dma_start3A_392] : memref<2x1024xi32, #tpu.memory_space<vmem>> -> memref<1x1024xi32, #tpu.memory_space<vmem>>
          %dma_start3A_394 = tpu.memref_squeeze %dma_start3A_393 : memref<1x1024xi32, #tpu.memory_space<vmem>> -> memref<1024xi32, #tpu.memory_space<vmem>>
          %dma_start3A_395 = arith.constant 384 : i32
          %dma_start3A_396 = tpu.memref_slice %dma_start3A_394[%dma_start3A_395] : memref<1024xi32, #tpu.memory_space<vmem>> -> memref<128xi32, #tpu.memory_space<vmem>>
          %dma_start3A_397 = arith.constant 0 : i32
          %dma_start3A_398 = arith.constant 0 : i32
          %dma_start3A_399 = tpu.memref_slice %arg2[%dma_start3A_397, %dma_start3A_398] : memref<262144x16xf32, #tpu.memory_space<hbm>> -> memref<262144x16xf32, #tpu.memory_space<hbm>>
          tpu.enqueue_indirect_dma source(%dma_start3A_399 : memref<262144x16xf32, #tpu.memory_space<hbm>>) target(%dma_start3A_391 : memref<128x16xf32, #tpu.memory_space<vmem>>) offsets(%dma_start3A_396 : memref<128xi32, #tpu.memory_space<vmem>>) semaphore(%arg13 : memref<!tpu.dma_semaphore, #tpu.memory_space<semaphore_mem>>)
          %dma_start3A_400 = arith.constant 1 : i32
          %dma_start3A_401 = arith.constant 1 : i32
          %dma_start3A_402 = arith.constant 0 : i32
          %dma_start3A_403 = arith.constant 0 : i32
          %dma_start3A_404 = tpu.memref_slice %arg10[%dma_start3A_401, %dma_start3A_402, %dma_start3A_403] : memref<2x1024x16xf32, #tpu.memory_space<vmem>> -> memref<1x1024x16xf32, #tpu.memory_space<vmem>>
          %dma_start3A_405 = tpu.memref_squeeze %dma_start3A_404 : memref<1x1024x16xf32, #tpu.memory_space<vmem>> -> memref<1024x16xf32, #tpu.memory_space<vmem>>
          %dma_start3A_406 = arith.constant 512 : i32
          %dma_start3A_407 = arith.constant 0 : i32
          %dma_start3A_408 = tpu.memref_slice %dma_start3A_405[%dma_start3A_406, %dma_start3A_407] : memref<1024x16xf32, #tpu.memory_space<vmem>> -> memref<128x16xf32, #tpu.memory_space<vmem>>
          %dma_start3A_409 = arith.constant 0 : i32
          %dma_start3A_410 = tpu.memref_slice %arg8[%dma_start3A_400, %dma_start3A_409] : memref<2x1024xi32, #tpu.memory_space<vmem>> -> memref<1x1024xi32, #tpu.memory_space<vmem>>
          %dma_start3A_411 = tpu.memref_squeeze %dma_start3A_410 : memref<1x1024xi32, #tpu.memory_space<vmem>> -> memref<1024xi32, #tpu.memory_space<vmem>>
          %dma_start3A_412 = arith.constant 512 : i32
          %dma_start3A_413 = tpu.memref_slice %dma_start3A_411[%dma_start3A_412] : memref<1024xi32, #tpu.memory_space<vmem>> -> memref<128xi32, #tpu.memory_space<vmem>>
          %dma_start3A_414 = arith.constant 0 : i32
          %dma_start3A_415 = arith.constant 0 : i32
          %dma_start3A_416 = tpu.memref_slice %arg2[%dma_start3A_414, %dma_start3A_415] : memref<262144x16xf32, #tpu.memory_space<hbm>> -> memref<262144x16xf32, #tpu.memory_space<hbm>>
          tpu.enqueue_indirect_dma source(%dma_start3A_416 : memref<262144x16xf32, #tpu.memory_space<hbm>>) target(%dma_start3A_408 : memref<128x16xf32, #tpu.memory_space<vmem>>) offsets(%dma_start3A_413 : memref<128xi32, #tpu.memory_space<vmem>>) semaphore(%arg13 : memref<!tpu.dma_semaphore, #tpu.memory_space<semaphore_mem>>)
          %dma_start3A_417 = arith.constant 1 : i32
          %dma_start3A_418 = arith.constant 1 : i32
          %dma_start3A_419 = arith.constant 0 : i32
          %dma_start3A_420 = arith.constant 0 : i32
          %dma_start3A_421 = tpu.memref_slice %arg10[%dma_start3A_418, %dma_start3A_419, %dma_start3A_420] : memref<2x1024x16xf32, #tpu.memory_space<vmem>> -> memref<1x1024x16xf32, #tpu.memory_space<vmem>>
          %dma_start3A_422 = tpu.memref_squeeze %dma_start3A_421 : memref<1x1024x16xf32, #tpu.memory_space<vmem>> -> memref<1024x16xf32, #tpu.memory_space<vmem>>
          %dma_start3A_423 = arith.constant 640 : i32
          %dma_start3A_424 = arith.constant 0 : i32
          %dma_start3A_425 = tpu.memref_slice %dma_start3A_422[%dma_start3A_423, %dma_start3A_424] : memref<1024x16xf32, #tpu.memory_space<vmem>> -> memref<128x16xf32, #tpu.memory_space<vmem>>
          %dma_start3A_426 = arith.constant 0 : i32
          %dma_start3A_427 = tpu.memref_slice %arg8[%dma_start3A_417, %dma_start3A_426] : memref<2x1024xi32, #tpu.memory_space<vmem>> -> memref<1x1024xi32, #tpu.memory_space<vmem>>
          %dma_start3A_428 = tpu.memref_squeeze %dma_start3A_427 : memref<1x1024xi32, #tpu.memory_space<vmem>> -> memref<1024xi32, #tpu.memory_space<vmem>>
          %dma_start3A_429 = arith.constant 640 : i32
          %dma_start3A_430 = tpu.memref_slice %dma_start3A_428[%dma_start3A_429] : memref<1024xi32, #tpu.memory_space<vmem>> -> memref<128xi32, #tpu.memory_space<vmem>>
          %dma_start3A_431 = arith.constant 0 : i32
          %dma_start3A_432 = arith.constant 0 : i32
          %dma_start3A_433 = tpu.memref_slice %arg2[%dma_start3A_431, %dma_start3A_432] : memref<262144x16xf32, #tpu.memory_space<hbm>> -> memref<262144x16xf32, #tpu.memory_space<hbm>>
          tpu.enqueue_indirect_dma source(%dma_start3A_433 : memref<262144x16xf32, #tpu.memory_space<hbm>>) target(%dma_start3A_425 : memref<128x16xf32, #tpu.memory_space<vmem>>) offsets(%dma_start3A_430 : memref<128xi32, #tpu.memory_space<vmem>>) semaphore(%arg13 : memref<!tpu.dma_semaphore, #tpu.memory_space<semaphore_mem>>)
          %dma_start3A_434 = arith.constant 1 : i32
          %dma_start3A_435 = arith.constant 1 : i32
          %dma_start3A_436 = arith.constant 0 : i32
          %dma_start3A_437 = arith.constant 0 : i32
          %dma_start3A_438 = tpu.memref_slice %arg10[%dma_start3A_435, %dma_start3A_436, %dma_start3A_437] : memref<2x1024x16xf32, #tpu.memory_space<vmem>> -> memref<1x1024x16xf32, #tpu.memory_space<vmem>>
          %dma_start3A_439 = tpu.memref_squeeze %dma_start3A_438 : memref<1x1024x16xf32, #tpu.memory_space<vmem>> -> memref<1024x16xf32, #tpu.memory_space<vmem>>
          %dma_start3A_440 = arith.constant 768 : i32
          %dma_start3A_441 = arith.constant 0 : i32
          %dma_start3A_442 = tpu.memref_slice %dma_start3A_439[%dma_start3A_440, %dma_start3A_441] : memref<1024x16xf32, #tpu.memory_space<vmem>> -> memref<128x16xf32, #tpu.memory_space<vmem>>
          %dma_start3A_443 = arith.constant 0 : i32
          %dma_start3A_444 = tpu.memref_slice %arg8[%dma_start3A_434, %dma_start3A_443] : memref<2x1024xi32, #tpu.memory_space<vmem>> -> memref<1x1024xi32, #tpu.memory_space<vmem>>
          %dma_start3A_445 = tpu.memref_squeeze %dma_start3A_444 : memref<1x1024xi32, #tpu.memory_space<vmem>> -> memref<1024xi32, #tpu.memory_space<vmem>>
          %dma_start3A_446 = arith.constant 768 : i32
          %dma_start3A_447 = tpu.memref_slice %dma_start3A_445[%dma_start3A_446] : memref<1024xi32, #tpu.memory_space<vmem>> -> memref<128xi32, #tpu.memory_space<vmem>>
          %dma_start3A_448 = arith.constant 0 : i32
          %dma_start3A_449 = arith.constant 0 : i32
          %dma_start3A_450 = tpu.memref_slice %arg2[%dma_start3A_448, %dma_start3A_449] : memref<262144x16xf32, #tpu.memory_space<hbm>> -> memref<262144x16xf32, #tpu.memory_space<hbm>>
          tpu.enqueue_indirect_dma source(%dma_start3A_450 : memref<262144x16xf32, #tpu.memory_space<hbm>>) target(%dma_start3A_442 : memref<128x16xf32, #tpu.memory_space<vmem>>) offsets(%dma_start3A_447 : memref<128xi32, #tpu.memory_space<vmem>>) semaphore(%arg13 : memref<!tpu.dma_semaphore, #tpu.memory_space<semaphore_mem>>)
          %dma_start3A_451 = arith.constant 1 : i32
          %dma_start3A_452 = arith.constant 1 : i32
          %dma_start3A_453 = arith.constant 0 : i32
          %dma_start3A_454 = arith.constant 0 : i32
          %dma_start3A_455 = tpu.memref_slice %arg10[%dma_start3A_452, %dma_start3A_453, %dma_start3A_454] : memref<2x1024x16xf32, #tpu.memory_space<vmem>> -> memref<1x1024x16xf32, #tpu.memory_space<vmem>>
          %dma_start3A_456 = tpu.memref_squeeze %dma_start3A_455 : memref<1x1024x16xf32, #tpu.memory_space<vmem>> -> memref<1024x16xf32, #tpu.memory_space<vmem>>
          %dma_start3A_457 = arith.constant 896 : i32
          %dma_start3A_458 = arith.constant 0 : i32
          %dma_start3A_459 = tpu.memref_slice %dma_start3A_456[%dma_start3A_457, %dma_start3A_458] : memref<1024x16xf32, #tpu.memory_space<vmem>> -> memref<128x16xf32, #tpu.memory_space<vmem>>
          %dma_start3A_460 = arith.constant 0 : i32
          %dma_start3A_461 = tpu.memref_slice %arg8[%dma_start3A_451, %dma_start3A_460] : memref<2x1024xi32, #tpu.memory_space<vmem>> -> memref<1x1024xi32, #tpu.memory_space<vmem>>
          %dma_start3A_462 = tpu.memref_squeeze %dma_start3A_461 : memref<1x1024xi32, #tpu.memory_space<vmem>> -> memref<1024xi32, #tpu.memory_space<vmem>>
          %dma_start3A_463 = arith.constant 896 : i32
          %dma_start3A_464 = tpu.memref_slice %dma_start3A_462[%dma_start3A_463] : memref<1024xi32, #tpu.memory_space<vmem>> -> memref<128xi32, #tpu.memory_space<vmem>>
          %dma_start3A_465 = arith.constant 0 : i32
          %dma_start3A_466 = arith.constant 0 : i32
          %dma_start3A_467 = tpu.memref_slice %arg2[%dma_start3A_465, %dma_start3A_466] : memref<262144x16xf32, #tpu.memory_space<hbm>> -> memref<262144x16xf32, #tpu.memory_space<hbm>>
          tpu.enqueue_indirect_dma source(%dma_start3A_467 : memref<262144x16xf32, #tpu.memory_space<hbm>>) target(%dma_start3A_459 : memref<128x16xf32, #tpu.memory_space<vmem>>) offsets(%dma_start3A_464 : memref<128xi32, #tpu.memory_space<vmem>>) semaphore(%arg13 : memref<!tpu.dma_semaphore, #tpu.memory_space<semaphore_mem>>)
        } else {
        }
        %dma_wait3A = arith.constant 0 : i32
        %dma_wait3A_175 = arith.constant 0 : i32
        %dma_wait3A_176 = arith.constant 0 : i32
        %dma_wait3A_177 = arith.constant 0 : i32
        %dma_wait3A_178 = tpu.memref_slice %arg10[%dma_wait3A_175, %dma_wait3A_176, %dma_wait3A_177] : memref<2x1024x16xf32, #tpu.memory_space<vmem>> -> memref<1x1024x16xf32, #tpu.memory_space<vmem>>
        %dma_wait3A_179 = tpu.memref_squeeze %dma_wait3A_178 : memref<1x1024x16xf32, #tpu.memory_space<vmem>> -> memref<1024x16xf32, #tpu.memory_space<vmem>>
        %dma_wait3A_180 = arith.constant 0 : i32
        %dma_wait3A_181 = arith.constant 0 : i32
        %dma_wait3A_182 = tpu.memref_slice %dma_wait3A_179[%dma_wait3A_180, %dma_wait3A_181] : memref<1024x16xf32, #tpu.memory_space<vmem>> -> memref<128x16xf32, #tpu.memory_space<vmem>>
        %dma_wait3A_183 = arith.constant 0 : i32
        %dma_wait3A_184 = tpu.memref_slice %arg8[%dma_wait3A, %dma_wait3A_183] : memref<2x1024xi32, #tpu.memory_space<vmem>> -> memref<1x1024xi32, #tpu.memory_space<vmem>>
        %dma_wait3A_185 = tpu.memref_squeeze %dma_wait3A_184 : memref<1x1024xi32, #tpu.memory_space<vmem>> -> memref<1024xi32, #tpu.memory_space<vmem>>
        %dma_wait3A_186 = arith.constant 0 : i32
        %dma_wait3A_187 = tpu.memref_slice %dma_wait3A_185[%dma_wait3A_186] : memref<1024xi32, #tpu.memory_space<vmem>> -> memref<128xi32, #tpu.memory_space<vmem>>
        %dma_wait3A_188 = arith.constant 0 : i32
        %dma_wait3A_189 = arith.constant 0 : i32
        %dma_wait3A_190 = tpu.memref_slice %arg2[%dma_wait3A_188, %dma_wait3A_189] : memref<262144x16xf32, #tpu.memory_space<hbm>> -> memref<262144x16xf32, #tpu.memory_space<hbm>>
        tpu.wait_indirect_dma semaphore(%arg12 : memref<!tpu.dma_semaphore, #tpu.memory_space<semaphore_mem>>) src(%dma_wait3A_190 : memref<262144x16xf32, #tpu.memory_space<hbm>>) dst(%dma_wait3A_182 : memref<128x16xf32, #tpu.memory_space<vmem>>)
        %dma_wait3A_191 = arith.constant 0 : i32
        %dma_wait3A_192 = arith.constant 0 : i32
        %dma_wait3A_193 = arith.constant 0 : i32
        %dma_wait3A_194 = arith.constant 0 : i32
        %dma_wait3A_195 = tpu.memref_slice %arg10[%dma_wait3A_192, %dma_wait3A_193, %dma_wait3A_194] : memref<2x1024x16xf32, #tpu.memory_space<vmem>> -> memref<1x1024x16xf32, #tpu.memory_space<vmem>>
        %dma_wait3A_196 = tpu.memref_squeeze %dma_wait3A_195 : memref<1x1024x16xf32, #tpu.memory_space<vmem>> -> memref<1024x16xf32, #tpu.memory_space<vmem>>
        %dma_wait3A_197 = arith.constant 128 : i32
        %dma_wait3A_198 = arith.constant 0 : i32
        %dma_wait3A_199 = tpu.memref_slice %dma_wait3A_196[%dma_wait3A_197, %dma_wait3A_198] : memref<1024x16xf32, #tpu.memory_space<vmem>> -> memref<128x16xf32, #tpu.memory_space<vmem>>
        %dma_wait3A_200 = arith.constant 0 : i32
        %dma_wait3A_201 = tpu.memref_slice %arg8[%dma_wait3A_191, %dma_wait3A_200] : memref<2x1024xi32, #tpu.memory_space<vmem>> -> memref<1x1024xi32, #tpu.memory_space<vmem>>
        %dma_wait3A_202 = tpu.memref_squeeze %dma_wait3A_201 : memref<1x1024xi32, #tpu.memory_space<vmem>> -> memref<1024xi32, #tpu.memory_space<vmem>>
        %dma_wait3A_203 = arith.constant 128 : i32
        %dma_wait3A_204 = tpu.memref_slice %dma_wait3A_202[%dma_wait3A_203] : memref<1024xi32, #tpu.memory_space<vmem>> -> memref<128xi32, #tpu.memory_space<vmem>>
        %dma_wait3A_205 = arith.constant 0 : i32
        %dma_wait3A_206 = arith.constant 0 : i32
        %dma_wait3A_207 = tpu.memref_slice %arg2[%dma_wait3A_205, %dma_wait3A_206] : memref<262144x16xf32, #tpu.memory_space<hbm>> -> memref<262144x16xf32, #tpu.memory_space<hbm>>
        tpu.wait_indirect_dma semaphore(%arg12 : memref<!tpu.dma_semaphore, #tpu.memory_space<semaphore_mem>>) src(%dma_wait3A_207 : memref<262144x16xf32, #tpu.memory_space<hbm>>) dst(%dma_wait3A_199 : memref<128x16xf32, #tpu.memory_space<vmem>>)
        %dma_wait3A_208 = arith.constant 0 : i32
        %dma_wait3A_209 = arith.constant 0 : i32
        %dma_wait3A_210 = arith.constant 0 : i32
        %dma_wait3A_211 = arith.constant 0 : i32
        %dma_wait3A_212 = tpu.memref_slice %arg10[%dma_wait3A_209, %dma_wait3A_210, %dma_wait3A_211] : memref<2x1024x16xf32, #tpu.memory_space<vmem>> -> memref<1x1024x16xf32, #tpu.memory_space<vmem>>
        %dma_wait3A_213 = tpu.memref_squeeze %dma_wait3A_212 : memref<1x1024x16xf32, #tpu.memory_space<vmem>> -> memref<1024x16xf32, #tpu.memory_space<vmem>>
        %dma_wait3A_214 = arith.constant 256 : i32
        %dma_wait3A_215 = arith.constant 0 : i32
        %dma_wait3A_216 = tpu.memref_slice %dma_wait3A_213[%dma_wait3A_214, %dma_wait3A_215] : memref<1024x16xf32, #tpu.memory_space<vmem>> -> memref<128x16xf32, #tpu.memory_space<vmem>>
        %dma_wait3A_217 = arith.constant 0 : i32
        %dma_wait3A_218 = tpu.memref_slice %arg8[%dma_wait3A_208, %dma_wait3A_217] : memref<2x1024xi32, #tpu.memory_space<vmem>> -> memref<1x1024xi32, #tpu.memory_space<vmem>>
        %dma_wait3A_219 = tpu.memref_squeeze %dma_wait3A_218 : memref<1x1024xi32, #tpu.memory_space<vmem>> -> memref<1024xi32, #tpu.memory_space<vmem>>
        %dma_wait3A_220 = arith.constant 256 : i32
        %dma_wait3A_221 = tpu.memref_slice %dma_wait3A_219[%dma_wait3A_220] : memref<1024xi32, #tpu.memory_space<vmem>> -> memref<128xi32, #tpu.memory_space<vmem>>
        %dma_wait3A_222 = arith.constant 0 : i32
        %dma_wait3A_223 = arith.constant 0 : i32
        %dma_wait3A_224 = tpu.memref_slice %arg2[%dma_wait3A_222, %dma_wait3A_223] : memref<262144x16xf32, #tpu.memory_space<hbm>> -> memref<262144x16xf32, #tpu.memory_space<hbm>>
        tpu.wait_indirect_dma semaphore(%arg12 : memref<!tpu.dma_semaphore, #tpu.memory_space<semaphore_mem>>) src(%dma_wait3A_224 : memref<262144x16xf32, #tpu.memory_space<hbm>>) dst(%dma_wait3A_216 : memref<128x16xf32, #tpu.memory_space<vmem>>)
        %dma_wait3A_225 = arith.constant 0 : i32
        %dma_wait3A_226 = arith.constant 0 : i32
        %dma_wait3A_227 = arith.constant 0 : i32
        %dma_wait3A_228 = arith.constant 0 : i32
        %dma_wait3A_229 = tpu.memref_slice %arg10[%dma_wait3A_226, %dma_wait3A_227, %dma_wait3A_228] : memref<2x1024x16xf32, #tpu.memory_space<vmem>> -> memref<1x1024x16xf32, #tpu.memory_space<vmem>>
        %dma_wait3A_230 = tpu.memref_squeeze %dma_wait3A_229 : memref<1x1024x16xf32, #tpu.memory_space<vmem>> -> memref<1024x16xf32, #tpu.memory_space<vmem>>
        %dma_wait3A_231 = arith.constant 384 : i32
        %dma_wait3A_232 = arith.constant 0 : i32
        %dma_wait3A_233 = tpu.memref_slice %dma_wait3A_230[%dma_wait3A_231, %dma_wait3A_232] : memref<1024x16xf32, #tpu.memory_space<vmem>> -> memref<128x16xf32, #tpu.memory_space<vmem>>
        %dma_wait3A_234 = arith.constant 0 : i32
        %dma_wait3A_235 = tpu.memref_slice %arg8[%dma_wait3A_225, %dma_wait3A_234] : memref<2x1024xi32, #tpu.memory_space<vmem>> -> memref<1x1024xi32, #tpu.memory_space<vmem>>
        %dma_wait3A_236 = tpu.memref_squeeze %dma_wait3A_235 : memref<1x1024xi32, #tpu.memory_space<vmem>> -> memref<1024xi32, #tpu.memory_space<vmem>>
        %dma_wait3A_237 = arith.constant 384 : i32
        %dma_wait3A_238 = tpu.memref_slice %dma_wait3A_236[%dma_wait3A_237] : memref<1024xi32, #tpu.memory_space<vmem>> -> memref<128xi32, #tpu.memory_space<vmem>>
        %dma_wait3A_239 = arith.constant 0 : i32
        %dma_wait3A_240 = arith.constant 0 : i32
        %dma_wait3A_241 = tpu.memref_slice %arg2[%dma_wait3A_239, %dma_wait3A_240] : memref<262144x16xf32, #tpu.memory_space<hbm>> -> memref<262144x16xf32, #tpu.memory_space<hbm>>
        tpu.wait_indirect_dma semaphore(%arg12 : memref<!tpu.dma_semaphore, #tpu.memory_space<semaphore_mem>>) src(%dma_wait3A_241 : memref<262144x16xf32, #tpu.memory_space<hbm>>) dst(%dma_wait3A_233 : memref<128x16xf32, #tpu.memory_space<vmem>>)
        %dma_wait3A_242 = arith.constant 0 : i32
        %dma_wait3A_243 = arith.constant 0 : i32
        %dma_wait3A_244 = arith.constant 0 : i32
        %dma_wait3A_245 = arith.constant 0 : i32
        %dma_wait3A_246 = tpu.memref_slice %arg10[%dma_wait3A_243, %dma_wait3A_244, %dma_wait3A_245] : memref<2x1024x16xf32, #tpu.memory_space<vmem>> -> memref<1x1024x16xf32, #tpu.memory_space<vmem>>
        %dma_wait3A_247 = tpu.memref_squeeze %dma_wait3A_246 : memref<1x1024x16xf32, #tpu.memory_space<vmem>> -> memref<1024x16xf32, #tpu.memory_space<vmem>>
        %dma_wait3A_248 = arith.constant 512 : i32
        %dma_wait3A_249 = arith.constant 0 : i32
        %dma_wait3A_250 = tpu.memref_slice %dma_wait3A_247[%dma_wait3A_248, %dma_wait3A_249] : memref<1024x16xf32, #tpu.memory_space<vmem>> -> memref<128x16xf32, #tpu.memory_space<vmem>>
        %dma_wait3A_251 = arith.constant 0 : i32
        %dma_wait3A_252 = tpu.memref_slice %arg8[%dma_wait3A_242, %dma_wait3A_251] : memref<2x1024xi32, #tpu.memory_space<vmem>> -> memref<1x1024xi32, #tpu.memory_space<vmem>>
        %dma_wait3A_253 = tpu.memref_squeeze %dma_wait3A_252 : memref<1x1024xi32, #tpu.memory_space<vmem>> -> memref<1024xi32, #tpu.memory_space<vmem>>
        %dma_wait3A_254 = arith.constant 512 : i32
        %dma_wait3A_255 = tpu.memref_slice %dma_wait3A_253[%dma_wait3A_254] : memref<1024xi32, #tpu.memory_space<vmem>> -> memref<128xi32, #tpu.memory_space<vmem>>
        %dma_wait3A_256 = arith.constant 0 : i32
        %dma_wait3A_257 = arith.constant 0 : i32
        %dma_wait3A_258 = tpu.memref_slice %arg2[%dma_wait3A_256, %dma_wait3A_257] : memref<262144x16xf32, #tpu.memory_space<hbm>> -> memref<262144x16xf32, #tpu.memory_space<hbm>>
        tpu.wait_indirect_dma semaphore(%arg12 : memref<!tpu.dma_semaphore, #tpu.memory_space<semaphore_mem>>) src(%dma_wait3A_258 : memref<262144x16xf32, #tpu.memory_space<hbm>>) dst(%dma_wait3A_250 : memref<128x16xf32, #tpu.memory_space<vmem>>)
        %dma_wait3A_259 = arith.constant 0 : i32
        %dma_wait3A_260 = arith.constant 0 : i32
        %dma_wait3A_261 = arith.constant 0 : i32
        %dma_wait3A_262 = arith.constant 0 : i32
        %dma_wait3A_263 = tpu.memref_slice %arg10[%dma_wait3A_260, %dma_wait3A_261, %dma_wait3A_262] : memref<2x1024x16xf32, #tpu.memory_space<vmem>> -> memref<1x1024x16xf32, #tpu.memory_space<vmem>>
        %dma_wait3A_264 = tpu.memref_squeeze %dma_wait3A_263 : memref<1x1024x16xf32, #tpu.memory_space<vmem>> -> memref<1024x16xf32, #tpu.memory_space<vmem>>
        %dma_wait3A_265 = arith.constant 640 : i32
        %dma_wait3A_266 = arith.constant 0 : i32
        %dma_wait3A_267 = tpu.memref_slice %dma_wait3A_264[%dma_wait3A_265, %dma_wait3A_266] : memref<1024x16xf32, #tpu.memory_space<vmem>> -> memref<128x16xf32, #tpu.memory_space<vmem>>
        %dma_wait3A_268 = arith.constant 0 : i32
        %dma_wait3A_269 = tpu.memref_slice %arg8[%dma_wait3A_259, %dma_wait3A_268] : memref<2x1024xi32, #tpu.memory_space<vmem>> -> memref<1x1024xi32, #tpu.memory_space<vmem>>
        %dma_wait3A_270 = tpu.memref_squeeze %dma_wait3A_269 : memref<1x1024xi32, #tpu.memory_space<vmem>> -> memref<1024xi32, #tpu.memory_space<vmem>>
        %dma_wait3A_271 = arith.constant 640 : i32
        %dma_wait3A_272 = tpu.memref_slice %dma_wait3A_270[%dma_wait3A_271] : memref<1024xi32, #tpu.memory_space<vmem>> -> memref<128xi32, #tpu.memory_space<vmem>>
        %dma_wait3A_273 = arith.constant 0 : i32
        %dma_wait3A_274 = arith.constant 0 : i32
        %dma_wait3A_275 = tpu.memref_slice %arg2[%dma_wait3A_273, %dma_wait3A_274] : memref<262144x16xf32, #tpu.memory_space<hbm>> -> memref<262144x16xf32, #tpu.memory_space<hbm>>
        tpu.wait_indirect_dma semaphore(%arg12 : memref<!tpu.dma_semaphore, #tpu.memory_space<semaphore_mem>>) src(%dma_wait3A_275 : memref<262144x16xf32, #tpu.memory_space<hbm>>) dst(%dma_wait3A_267 : memref<128x16xf32, #tpu.memory_space<vmem>>)
        %dma_wait3A_276 = arith.constant 0 : i32
        %dma_wait3A_277 = arith.constant 0 : i32
        %dma_wait3A_278 = arith.constant 0 : i32
        %dma_wait3A_279 = arith.constant 0 : i32
        %dma_wait3A_280 = tpu.memref_slice %arg10[%dma_wait3A_277, %dma_wait3A_278, %dma_wait3A_279] : memref<2x1024x16xf32, #tpu.memory_space<vmem>> -> memref<1x1024x16xf32, #tpu.memory_space<vmem>>
        %dma_wait3A_281 = tpu.memref_squeeze %dma_wait3A_280 : memref<1x1024x16xf32, #tpu.memory_space<vmem>> -> memref<1024x16xf32, #tpu.memory_space<vmem>>
        %dma_wait3A_282 = arith.constant 768 : i32
        %dma_wait3A_283 = arith.constant 0 : i32
        %dma_wait3A_284 = tpu.memref_slice %dma_wait3A_281[%dma_wait3A_282, %dma_wait3A_283] : memref<1024x16xf32, #tpu.memory_space<vmem>> -> memref<128x16xf32, #tpu.memory_space<vmem>>
        %dma_wait3A_285 = arith.constant 0 : i32
        %dma_wait3A_286 = tpu.memref_slice %arg8[%dma_wait3A_276, %dma_wait3A_285] : memref<2x1024xi32, #tpu.memory_space<vmem>> -> memref<1x1024xi32, #tpu.memory_space<vmem>>
        %dma_wait3A_287 = tpu.memref_squeeze %dma_wait3A_286 : memref<1x1024xi32, #tpu.memory_space<vmem>> -> memref<1024xi32, #tpu.memory_space<vmem>>
        %dma_wait3A_288 = arith.constant 768 : i32
        %dma_wait3A_289 = tpu.memref_slice %dma_wait3A_287[%dma_wait3A_288] : memref<1024xi32, #tpu.memory_space<vmem>> -> memref<128xi32, #tpu.memory_space<vmem>>
        %dma_wait3A_290 = arith.constant 0 : i32
        %dma_wait3A_291 = arith.constant 0 : i32
        %dma_wait3A_292 = tpu.memref_slice %arg2[%dma_wait3A_290, %dma_wait3A_291] : memref<262144x16xf32, #tpu.memory_space<hbm>> -> memref<262144x16xf32, #tpu.memory_space<hbm>>
        tpu.wait_indirect_dma semaphore(%arg12 : memref<!tpu.dma_semaphore, #tpu.memory_space<semaphore_mem>>) src(%dma_wait3A_292 : memref<262144x16xf32, #tpu.memory_space<hbm>>) dst(%dma_wait3A_284 : memref<128x16xf32, #tpu.memory_space<vmem>>)
        %dma_wait3A_293 = arith.constant 0 : i32
        %dma_wait3A_294 = arith.constant 0 : i32
        %dma_wait3A_295 = arith.constant 0 : i32
        %dma_wait3A_296 = arith.constant 0 : i32
        %dma_wait3A_297 = tpu.memref_slice %arg10[%dma_wait3A_294, %dma_wait3A_295, %dma_wait3A_296] : memref<2x1024x16xf32, #tpu.memory_space<vmem>> -> memref<1x1024x16xf32, #tpu.memory_space<vmem>>
        %dma_wait3A_298 = tpu.memref_squeeze %dma_wait3A_297 : memref<1x1024x16xf32, #tpu.memory_space<vmem>> -> memref<1024x16xf32, #tpu.memory_space<vmem>>
        %dma_wait3A_299 = arith.constant 896 : i32
        %dma_wait3A_300 = arith.constant 0 : i32
        %dma_wait3A_301 = tpu.memref_slice %dma_wait3A_298[%dma_wait3A_299, %dma_wait3A_300] : memref<1024x16xf32, #tpu.memory_space<vmem>> -> memref<128x16xf32, #tpu.memory_space<vmem>>
        %dma_wait3A_302 = arith.constant 0 : i32
        %dma_wait3A_303 = tpu.memref_slice %arg8[%dma_wait3A_293, %dma_wait3A_302] : memref<2x1024xi32, #tpu.memory_space<vmem>> -> memref<1x1024xi32, #tpu.memory_space<vmem>>
        %dma_wait3A_304 = tpu.memref_squeeze %dma_wait3A_303 : memref<1x1024xi32, #tpu.memory_space<vmem>> -> memref<1024xi32, #tpu.memory_space<vmem>>
        %dma_wait3A_305 = arith.constant 896 : i32
        %dma_wait3A_306 = tpu.memref_slice %dma_wait3A_304[%dma_wait3A_305] : memref<1024xi32, #tpu.memory_space<vmem>> -> memref<128xi32, #tpu.memory_space<vmem>>
        %dma_wait3A_307 = arith.constant 0 : i32
        %dma_wait3A_308 = arith.constant 0 : i32
        %dma_wait3A_309 = tpu.memref_slice %arg2[%dma_wait3A_307, %dma_wait3A_308] : memref<262144x16xf32, #tpu.memory_space<hbm>> -> memref<262144x16xf32, #tpu.memory_space<hbm>>
        tpu.wait_indirect_dma semaphore(%arg12 : memref<!tpu.dma_semaphore, #tpu.memory_space<semaphore_mem>>) src(%dma_wait3A_309 : memref<262144x16xf32, #tpu.memory_space<hbm>>) dst(%dma_wait3A_301 : memref<128x16xf32, #tpu.memory_space<vmem>>)
        %scan3A_310 = arith.constant 0 : i32
        %scan3A_311 = arith.constant 0 : i32
        %scan3A_312 = arith.constant 64 : i32
        %scan3A_313 = arith.addi %scan3A_311, %scan3A_312 : i32
        %scan3A_314 = arith.constant 1 : i32
        scf.for %scan3A_316 = %scan3A_311 to %scan3A_313 step %scan3A_314  : i32 {
          %mul3A_317 = arith.constant 16 : i32
          %mul3A_318 = arith.muli %scan3A_316, %mul3A_317 : i32
          %get3A = arith.constant 0 : i32
          %get3A_319 = arith.index_cast %get3A : i32 to index
          %get3A_320 = arith.index_cast %mul3A_318 : i32 to index
          %get3A_321 = tpu.vector_load %arg7[%get3A_319, %get3A_320] {strides = array<i32>} : memref<2x1024xi32, #tpu.memory_space<vmem>>, vector<1x16xi32>,
          %get3A_322 = vector.shape_cast %get3A_321 : vector<1x16xi32> to vector<16xi32>
          %get3A_323 = arith.constant 0 : i32
          %get3A_324 = arith.index_cast %get3A_323 : i32 to index
          %get3A_325 = arith.index_cast %mul3A_318 : i32 to index
          %get3A_326 = tpu.vector_load %arg9[%get3A_324, %get3A_325] {strides = array<i32>} : memref<2x1024xf32, #tpu.memory_space<vmem>>, vector<1x16xf32>,
          %get3A_327 = vector.shape_cast %get3A_326 : vector<1x16xf32> to vector<16xf32>
          %slice3A = vector.extract_strided_slice %get3A_322 {offsets = [0], sizes = [1], strides = [1]} : vector<16xi32> to vector<1xi32>
          %squeeze3A = vector.extract %slice3A[0] : i32 from vector<1xi32>
          %slice3A_328 = vector.extract_strided_slice %get3A_327 {offsets = [0], sizes = [1], strides = [1]} : vector<16xf32> to vector<1xf32>
          %squeeze3A_329 = vector.extract %slice3A_328[0] : f32 from vector<1xf32>
          %get3A_330 = arith.index_cast %squeeze3A : i32 to index
          %get3A_331 = arith.constant 0 : index
          %get3A_332 = tpu.vector_load %arg11[%get3A_330, %get3A_331] {strides = array<i32>} : memref<4096x16xf32, #tpu.memory_space<vmem>>, vector<1x16xf32>,
          %get3A_333 = vector.shape_cast %get3A_332 : vector<1x16xf32> to vector<16xf32>
          %add3A_334 = arith.constant 0 : i32
          %add3A_335 = arith.addi %mul3A_318, %add3A_334 : i32
          %get3A_336 = arith.constant 0 : i32
          %get3A_337 = arith.index_cast %get3A_336 : i32 to index
          %get3A_338 = arith.index_cast %add3A_335 : i32 to index
          %get3A_339 = arith.constant 0 : index
          %get3A_340 = tpu.vector_load %arg10[%get3A_337, %get3A_338, %get3A_339] {strides = array<i32>} : memref<2x1024x16xf32, #tpu.memory_space<vmem>>, vector<1x1x16xf32>,
          %get3A_341 = vector.shape_cast %get3A_340 : vector<1x1x16xf32> to vector<16xf32>
          %mul3A_342 = vector.broadcast %squeeze3A_329 : f32 to vector<16xf32>
          %mul3A_343 = arith.mulf %get3A_341, %mul3A_342 : vector<16xf32>
          %add3A_344 = arith.addf %get3A_333, %mul3A_343 : vector<16xf32>
          %swap3A = arith.index_cast %squeeze3A : i32 to index
          %swap3A_345 = arith.constant 0 : index
          %swap3A_346 = tpu.vector_load %arg11[%swap3A, %swap3A_345] {strides = array<i32>} : memref<4096x16xf32, #tpu.memory_space<vmem>>, vector<1x16xf32>,
          %swap3A_347 = vector.shape_cast %swap3A_346 : vector<1x16xf32> to vector<16xf32>
          %swap3A_348 = vector.shape_cast %add3A_344 : vector<16xf32> to vector<1x16xf32>
          tpu.vector_store %arg11[%swap3A, %swap3A_345], %swap3A_348 {strides = array<i32>} : memref<4096x16xf32, #tpu.memory_space<vmem>>, vector<1x16xf32>,
          %slice3A_349 = vector.extract_strided_slice %get3A_322 {offsets = [1], sizes = [1], strides = [1]} : vector<16xi32> to vector<1xi32>
          %squeeze3A_350 = vector.extract %slice3A_349[0] : i32 from vector<1xi32>
          %slice3A_351 = vector.extract_strided_slice %get3A_327 {offsets = [1], sizes = [1], strides = [1]} : vector<16xf32> to vector<1xf32>
          %squeeze3A_352 = vector.extract %slice3A_351[0] : f32 from vector<1xf32>
          %get3A_353 = arith.index_cast %squeeze3A_350 : i32 to index
          %get3A_354 = arith.constant 0 : index
          %get3A_355 = tpu.vector_load %arg11[%get3A_353, %get3A_354] {strides = array<i32>} : memref<4096x16xf32, #tpu.memory_space<vmem>>, vector<1x16xf32>,
          %get3A_356 = vector.shape_cast %get3A_355 : vector<1x16xf32> to vector<16xf32>
          %add3A_357 = arith.constant 1 : i32
          %add3A_358 = arith.addi %mul3A_318, %add3A_357 : i32
          %get3A_359 = arith.constant 0 : i32
          %get3A_360 = arith.index_cast %get3A_359 : i32 to index
          %get3A_361 = arith.index_cast %add3A_358 : i32 to index
          %get3A_362 = arith.constant 0 : index
          %get3A_363 = tpu.vector_load %arg10[%get3A_360, %get3A_361, %get3A_362] {strides = array<i32>} : memref<2x1024x16xf32, #tpu.memory_space<vmem>>, vector<1x1x16xf32>,
          %get3A_364 = vector.shape_cast %get3A_363 : vector<1x1x16xf32> to vector<16xf32>
          %mul3A_365 = vector.broadcast %squeeze3A_352 : f32 to vector<16xf32>
          %mul3A_366 = arith.mulf %get3A_364, %mul3A_365 : vector<16xf32>
          %add3A_367 = arith.addf %get3A_356, %mul3A_366 : vector<16xf32>
          %swap3A_368 = arith.index_cast %squeeze3A_350 : i32 to index
          %swap3A_369 = arith.constant 0 : index
          %swap3A_370 = tpu.vector_load %arg11[%swap3A_368, %swap3A_369] {strides = array<i32>} : memref<4096x16xf32, #tpu.memory_space<vmem>>, vector<1x16xf32>,
          %swap3A_371 = vector.shape_cast %swap3A_370 : vector<1x16xf32> to vector<16xf32>
          %swap3A_372 = vector.shape_cast %add3A_367 : vector<16xf32> to vector<1x16xf32>
          tpu.vector_store %arg11[%swap3A_368, %swap3A_369], %swap3A_372 {strides = array<i32>} : memref<4096x16xf32, #tpu.memory_space<vmem>>, vector<1x16xf32>,
          %slice3A_373 = vector.extract_strided_slice %get3A_322 {offsets = [2], sizes = [1], strides = [1]} : vector<16xi32> to vector<1xi32>
          %squeeze3A_374 = vector.extract %slice3A_373[0] : i32 from vector<1xi32>
          %slice3A_375 = vector.extract_strided_slice %get3A_327 {offsets = [2], sizes = [1], strides = [1]} : vector<16xf32> to vector<1xf32>
          %squeeze3A_376 = vector.extract %slice3A_375[0] : f32 from vector<1xf32>
          %get3A_377 = arith.index_cast %squeeze3A_374 : i32 to index
          %get3A_378 = arith.constant 0 : index
          %get3A_379 = tpu.vector_load %arg11[%get3A_377, %get3A_378] {strides = array<i32>} : memref<4096x16xf32, #tpu.memory_space<vmem>>, vector<1x16xf32>,
          %get3A_380 = vector.shape_cast %get3A_379 : vector<1x16xf32> to vector<16xf32>
          %add3A_381 = arith.constant 2 : i32
          %add3A_382 = arith.addi %mul3A_318, %add3A_381 : i32
          %get3A_383 = arith.constant 0 : i32
          %get3A_384 = arith.index_cast %get3A_383 : i32 to index
          %get3A_385 = arith.index_cast %add3A_382 : i32 to index
          %get3A_386 = arith.constant 0 : index
          %get3A_387 = tpu.vector_load %arg10[%get3A_384, %get3A_385, %get3A_386] {strides = array<i32>} : memref<2x1024x16xf32, #tpu.memory_space<vmem>>, vector<1x1x16xf32>,
          %get3A_388 = vector.shape_cast %get3A_387 : vector<1x1x16xf32> to vector<16xf32>
          %mul3A_389 = vector.broadcast %squeeze3A_376 : f32 to vector<16xf32>
          %mul3A_390 = arith.mulf %get3A_388, %mul3A_389 : vector<16xf32>
          %add3A_391 = arith.addf %get3A_380, %mul3A_390 : vector<16xf32>
          %swap3A_392 = arith.index_cast %squeeze3A_374 : i32 to index
          %swap3A_393 = arith.constant 0 : index
          %swap3A_394 = tpu.vector_load %arg11[%swap3A_392, %swap3A_393] {strides = array<i32>} : memref<4096x16xf32, #tpu.memory_space<vmem>>, vector<1x16xf32>,
          %swap3A_395 = vector.shape_cast %swap3A_394 : vector<1x16xf32> to vector<16xf32>
          %swap3A_396 = vector.shape_cast %add3A_391 : vector<16xf32> to vector<1x16xf32>
          tpu.vector_store %arg11[%swap3A_392, %swap3A_393], %swap3A_396 {strides = array<i32>} : memref<4096x16xf32, #tpu.memory_space<vmem>>, vector<1x16xf32>,
          %slice3A_397 = vector.extract_strided_slice %get3A_322 {offsets = [3], sizes = [1], strides = [1]} : vector<16xi32> to vector<1xi32>
          %squeeze3A_398 = vector.extract %slice3A_397[0] : i32 from vector<1xi32>
          %slice3A_399 = vector.extract_strided_slice %get3A_327 {offsets = [3], sizes = [1], strides = [1]} : vector<16xf32> to vector<1xf32>
          %squeeze3A_400 = vector.extract %slice3A_399[0] : f32 from vector<1xf32>
          %get3A_401 = arith.index_cast %squeeze3A_398 : i32 to index
          %get3A_402 = arith.constant 0 : index
          %get3A_403 = tpu.vector_load %arg11[%get3A_401, %get3A_402] {strides = array<i32>} : memref<4096x16xf32, #tpu.memory_space<vmem>>, vector<1x16xf32>,
          %get3A_404 = vector.shape_cast %get3A_403 : vector<1x16xf32> to vector<16xf32>
          %add3A_405 = arith.constant 3 : i32
          %add3A_406 = arith.addi %mul3A_318, %add3A_405 : i32
          %get3A_407 = arith.constant 0 : i32
          %get3A_408 = arith.index_cast %get3A_407 : i32 to index
          %get3A_409 = arith.index_cast %add3A_406 : i32 to index
          %get3A_410 = arith.constant 0 : index
          %get3A_411 = tpu.vector_load %arg10[%get3A_408, %get3A_409, %get3A_410] {strides = array<i32>} : memref<2x1024x16xf32, #tpu.memory_space<vmem>>, vector<1x1x16xf32>,
          %get3A_412 = vector.shape_cast %get3A_411 : vector<1x1x16xf32> to vector<16xf32>
          %mul3A_413 = vector.broadcast %squeeze3A_400 : f32 to vector<16xf32>
          %mul3A_414 = arith.mulf %get3A_412, %mul3A_413 : vector<16xf32>
          %add3A_415 = arith.addf %get3A_404, %mul3A_414 : vector<16xf32>
          %swap3A_416 = arith.index_cast %squeeze3A_398 : i32 to index
          %swap3A_417 = arith.constant 0 : index
          %swap3A_418 = tpu.vector_load %arg11[%swap3A_416, %swap3A_417] {strides = array<i32>} : memref<4096x16xf32, #tpu.memory_space<vmem>>, vector<1x16xf32>,
          %swap3A_419 = vector.shape_cast %swap3A_418 : vector<1x16xf32> to vector<16xf32>
          %swap3A_420 = vector.shape_cast %add3A_415 : vector<16xf32> to vector<1x16xf32>
          tpu.vector_store %arg11[%swap3A_416, %swap3A_417], %swap3A_420 {strides = array<i32>} : memref<4096x16xf32, #tpu.memory_space<vmem>>, vector<1x16xf32>,
          %slice3A_421 = vector.extract_strided_slice %get3A_322 {offsets = [4], sizes = [1], strides = [1]} : vector<16xi32> to vector<1xi32>
          %squeeze3A_422 = vector.extract %slice3A_421[0] : i32 from vector<1xi32>
          %slice3A_423 = vector.extract_strided_slice %get3A_327 {offsets = [4], sizes = [1], strides = [1]} : vector<16xf32> to vector<1xf32>
          %squeeze3A_424 = vector.extract %slice3A_423[0] : f32 from vector<1xf32>
          %get3A_425 = arith.index_cast %squeeze3A_422 : i32 to index
          %get3A_426 = arith.constant 0 : index
          %get3A_427 = tpu.vector_load %arg11[%get3A_425, %get3A_426] {strides = array<i32>} : memref<4096x16xf32, #tpu.memory_space<vmem>>, vector<1x16xf32>,
          %get3A_428 = vector.shape_cast %get3A_427 : vector<1x16xf32> to vector<16xf32>
          %add3A_429 = arith.constant 4 : i32
          %add3A_430 = arith.addi %mul3A_318, %add3A_429 : i32
          %get3A_431 = arith.constant 0 : i32
          %get3A_432 = arith.index_cast %get3A_431 : i32 to index
          %get3A_433 = arith.index_cast %add3A_430 : i32 to index
          %get3A_434 = arith.constant 0 : index
          %get3A_435 = tpu.vector_load %arg10[%get3A_432, %get3A_433, %get3A_434] {strides = array<i32>} : memref<2x1024x16xf32, #tpu.memory_space<vmem>>, vector<1x1x16xf32>,
          %get3A_436 = vector.shape_cast %get3A_435 : vector<1x1x16xf32> to vector<16xf32>
          %mul3A_437 = vector.broadcast %squeeze3A_424 : f32 to vector<16xf32>
          %mul3A_438 = arith.mulf %get3A_436, %mul3A_437 : vector<16xf32>
          %add3A_439 = arith.addf %get3A_428, %mul3A_438 : vector<16xf32>
          %swap3A_440 = arith.index_cast %squeeze3A_422 : i32 to index
          %swap3A_441 = arith.constant 0 : index
          %swap3A_442 = tpu.vector_load %arg11[%swap3A_440, %swap3A_441] {strides = array<i32>} : memref<4096x16xf32, #tpu.memory_space<vmem>>, vector<1x16xf32>,
          %swap3A_443 = vector.shape_cast %swap3A_442 : vector<1x16xf32> to vector<16xf32>
          %swap3A_444 = vector.shape_cast %add3A_439 : vector<16xf32> to vector<1x16xf32>
          tpu.vector_store %arg11[%swap3A_440, %swap3A_441], %swap3A_444 {strides = array<i32>} : memref<4096x16xf32, #tpu.memory_space<vmem>>, vector<1x16xf32>,
          %slice3A_445 = vector.extract_strided_slice %get3A_322 {offsets = [5], sizes = [1], strides = [1]} : vector<16xi32> to vector<1xi32>
          %squeeze3A_446 = vector.extract %slice3A_445[0] : i32 from vector<1xi32>
          %slice3A_447 = vector.extract_strided_slice %get3A_327 {offsets = [5], sizes = [1], strides = [1]} : vector<16xf32> to vector<1xf32>
          %squeeze3A_448 = vector.extract %slice3A_447[0] : f32 from vector<1xf32>
          %get3A_449 = arith.index_cast %squeeze3A_446 : i32 to index
          %get3A_450 = arith.constant 0 : index
          %get3A_451 = tpu.vector_load %arg11[%get3A_449, %get3A_450] {strides = array<i32>} : memref<4096x16xf32, #tpu.memory_space<vmem>>, vector<1x16xf32>,
          %get3A_452 = vector.shape_cast %get3A_451 : vector<1x16xf32> to vector<16xf32>
          %add3A_453 = arith.constant 5 : i32
          %add3A_454 = arith.addi %mul3A_318, %add3A_453 : i32
          %get3A_455 = arith.constant 0 : i32
          %get3A_456 = arith.index_cast %get3A_455 : i32 to index
          %get3A_457 = arith.index_cast %add3A_454 : i32 to index
          %get3A_458 = arith.constant 0 : index
          %get3A_459 = tpu.vector_load %arg10[%get3A_456, %get3A_457, %get3A_458] {strides = array<i32>} : memref<2x1024x16xf32, #tpu.memory_space<vmem>>, vector<1x1x16xf32>,
          %get3A_460 = vector.shape_cast %get3A_459 : vector<1x1x16xf32> to vector<16xf32>
          %mul3A_461 = vector.broadcast %squeeze3A_448 : f32 to vector<16xf32>
          %mul3A_462 = arith.mulf %get3A_460, %mul3A_461 : vector<16xf32>
          %add3A_463 = arith.addf %get3A_452, %mul3A_462 : vector<16xf32>
          %swap3A_464 = arith.index_cast %squeeze3A_446 : i32 to index
          %swap3A_465 = arith.constant 0 : index
          %swap3A_466 = tpu.vector_load %arg11[%swap3A_464, %swap3A_465] {strides = array<i32>} : memref<4096x16xf32, #tpu.memory_space<vmem>>, vector<1x16xf32>,
          %swap3A_467 = vector.shape_cast %swap3A_466 : vector<1x16xf32> to vector<16xf32>
          %swap3A_468 = vector.shape_cast %add3A_463 : vector<16xf32> to vector<1x16xf32>
          tpu.vector_store %arg11[%swap3A_464, %swap3A_465], %swap3A_468 {strides = array<i32>} : memref<4096x16xf32, #tpu.memory_space<vmem>>, vector<1x16xf32>,
          %slice3A_469 = vector.extract_strided_slice %get3A_322 {offsets = [6], sizes = [1], strides = [1]} : vector<16xi32> to vector<1xi32>
          %squeeze3A_470 = vector.extract %slice3A_469[0] : i32 from vector<1xi32>
          %slice3A_471 = vector.extract_strided_slice %get3A_327 {offsets = [6], sizes = [1], strides = [1]} : vector<16xf32> to vector<1xf32>
          %squeeze3A_472 = vector.extract %slice3A_471[0] : f32 from vector<1xf32>
          %get3A_473 = arith.index_cast %squeeze3A_470 : i32 to index
          %get3A_474 = arith.constant 0 : index
          %get3A_475 = tpu.vector_load %arg11[%get3A_473, %get3A_474] {strides = array<i32>} : memref<4096x16xf32, #tpu.memory_space<vmem>>, vector<1x16xf32>,
          %get3A_476 = vector.shape_cast %get3A_475 : vector<1x16xf32> to vector<16xf32>
          %add3A_477 = arith.constant 6 : i32
          %add3A_478 = arith.addi %mul3A_318, %add3A_477 : i32
          %get3A_479 = arith.constant 0 : i32
          %get3A_480 = arith.index_cast %get3A_479 : i32 to index
          %get3A_481 = arith.index_cast %add3A_478 : i32 to index
          %get3A_482 = arith.constant 0 : index
          %get3A_483 = tpu.vector_load %arg10[%get3A_480, %get3A_481, %get3A_482] {strides = array<i32>} : memref<2x1024x16xf32, #tpu.memory_space<vmem>>, vector<1x1x16xf32>,
          %get3A_484 = vector.shape_cast %get3A_483 : vector<1x1x16xf32> to vector<16xf32>
          %mul3A_485 = vector.broadcast %squeeze3A_472 : f32 to vector<16xf32>
          %mul3A_486 = arith.mulf %get3A_484, %mul3A_485 : vector<16xf32>
          %add3A_487 = arith.addf %get3A_476, %mul3A_486 : vector<16xf32>
          %swap3A_488 = arith.index_cast %squeeze3A_470 : i32 to index
          %swap3A_489 = arith.constant 0 : index
          %swap3A_490 = tpu.vector_load %arg11[%swap3A_488, %swap3A_489] {strides = array<i32>} : memref<4096x16xf32, #tpu.memory_space<vmem>>, vector<1x16xf32>,
          %swap3A_491 = vector.shape_cast %swap3A_490 : vector<1x16xf32> to vector<16xf32>
          %swap3A_492 = vector.shape_cast %add3A_487 : vector<16xf32> to vector<1x16xf32>
          tpu.vector_store %arg11[%swap3A_488, %swap3A_489], %swap3A_492 {strides = array<i32>} : memref<4096x16xf32, #tpu.memory_space<vmem>>, vector<1x16xf32>,
          %slice3A_493 = vector.extract_strided_slice %get3A_322 {offsets = [7], sizes = [1], strides = [1]} : vector<16xi32> to vector<1xi32>
          %squeeze3A_494 = vector.extract %slice3A_493[0] : i32 from vector<1xi32>
          %slice3A_495 = vector.extract_strided_slice %get3A_327 {offsets = [7], sizes = [1], strides = [1]} : vector<16xf32> to vector<1xf32>
          %squeeze3A_496 = vector.extract %slice3A_495[0] : f32 from vector<1xf32>
          %get3A_497 = arith.index_cast %squeeze3A_494 : i32 to index
          %get3A_498 = arith.constant 0 : index
          %get3A_499 = tpu.vector_load %arg11[%get3A_497, %get3A_498] {strides = array<i32>} : memref<4096x16xf32, #tpu.memory_space<vmem>>, vector<1x16xf32>,
          %get3A_500 = vector.shape_cast %get3A_499 : vector<1x16xf32> to vector<16xf32>
          %add3A_501 = arith.constant 7 : i32
          %add3A_502 = arith.addi %mul3A_318, %add3A_501 : i32
          %get3A_503 = arith.constant 0 : i32
          %get3A_504 = arith.index_cast %get3A_503 : i32 to index
          %get3A_505 = arith.index_cast %add3A_502 : i32 to index
          %get3A_506 = arith.constant 0 : index
          %get3A_507 = tpu.vector_load %arg10[%get3A_504, %get3A_505, %get3A_506] {strides = array<i32>} : memref<2x1024x16xf32, #tpu.memory_space<vmem>>, vector<1x1x16xf32>,
          %get3A_508 = vector.shape_cast %get3A_507 : vector<1x1x16xf32> to vector<16xf32>
          %mul3A_509 = vector.broadcast %squeeze3A_496 : f32 to vector<16xf32>
          %mul3A_510 = arith.mulf %get3A_508, %mul3A_509 : vector<16xf32>
          %add3A_511 = arith.addf %get3A_500, %mul3A_510 : vector<16xf32>
          %swap3A_512 = arith.index_cast %squeeze3A_494 : i32 to index
          %swap3A_513 = arith.constant 0 : index
          %swap3A_514 = tpu.vector_load %arg11[%swap3A_512, %swap3A_513] {strides = array<i32>} : memref<4096x16xf32, #tpu.memory_space<vmem>>, vector<1x16xf32>,
          %swap3A_515 = vector.shape_cast %swap3A_514 : vector<1x16xf32> to vector<16xf32>
          %swap3A_516 = vector.shape_cast %add3A_511 : vector<16xf32> to vector<1x16xf32>
          tpu.vector_store %arg11[%swap3A_512, %swap3A_513], %swap3A_516 {strides = array<i32>} : memref<4096x16xf32, #tpu.memory_space<vmem>>, vector<1x16xf32>,
          %slice3A_517 = vector.extract_strided_slice %get3A_322 {offsets = [8], sizes = [1], strides = [1]} : vector<16xi32> to vector<1xi32>
          %squeeze3A_518 = vector.extract %slice3A_517[0] : i32 from vector<1xi32>
          %slice3A_519 = vector.extract_strided_slice %get3A_327 {offsets = [8], sizes = [1], strides = [1]} : vector<16xf32> to vector<1xf32>
          %squeeze3A_520 = vector.extract %slice3A_519[0] : f32 from vector<1xf32>
          %get3A_521 = arith.index_cast %squeeze3A_518 : i32 to index
          %get3A_522 = arith.constant 0 : index
          %get3A_523 = tpu.vector_load %arg11[%get3A_521, %get3A_522] {strides = array<i32>} : memref<4096x16xf32, #tpu.memory_space<vmem>>, vector<1x16xf32>,
          %get3A_524 = vector.shape_cast %get3A_523 : vector<1x16xf32> to vector<16xf32>
          %add3A_525 = arith.constant 8 : i32
          %add3A_526 = arith.addi %mul3A_318, %add3A_525 : i32
          %get3A_527 = arith.constant 0 : i32
          %get3A_528 = arith.index_cast %get3A_527 : i32 to index
          %get3A_529 = arith.index_cast %add3A_526 : i32 to index
          %get3A_530 = arith.constant 0 : index
          %get3A_531 = tpu.vector_load %arg10[%get3A_528, %get3A_529, %get3A_530] {strides = array<i32>} : memref<2x1024x16xf32, #tpu.memory_space<vmem>>, vector<1x1x16xf32>,
          %get3A_532 = vector.shape_cast %get3A_531 : vector<1x1x16xf32> to vector<16xf32>
          %mul3A_533 = vector.broadcast %squeeze3A_520 : f32 to vector<16xf32>
          %mul3A_534 = arith.mulf %get3A_532, %mul3A_533 : vector<16xf32>
          %add3A_535 = arith.addf %get3A_524, %mul3A_534 : vector<16xf32>
          %swap3A_536 = arith.index_cast %squeeze3A_518 : i32 to index
          %swap3A_537 = arith.constant 0 : index
          %swap3A_538 = tpu.vector_load %arg11[%swap3A_536, %swap3A_537] {strides = array<i32>} : memref<4096x16xf32, #tpu.memory_space<vmem>>, vector<1x16xf32>,
          %swap3A_539 = vector.shape_cast %swap3A_538 : vector<1x16xf32> to vector<16xf32>
          %swap3A_540 = vector.shape_cast %add3A_535 : vector<16xf32> to vector<1x16xf32>
          tpu.vector_store %arg11[%swap3A_536, %swap3A_537], %swap3A_540 {strides = array<i32>} : memref<4096x16xf32, #tpu.memory_space<vmem>>, vector<1x16xf32>,
          %slice3A_541 = vector.extract_strided_slice %get3A_322 {offsets = [9], sizes = [1], strides = [1]} : vector<16xi32> to vector<1xi32>
          %squeeze3A_542 = vector.extract %slice3A_541[0] : i32 from vector<1xi32>
          %slice3A_543 = vector.extract_strided_slice %get3A_327 {offsets = [9], sizes = [1], strides = [1]} : vector<16xf32> to vector<1xf32>
          %squeeze3A_544 = vector.extract %slice3A_543[0] : f32 from vector<1xf32>
          %get3A_545 = arith.index_cast %squeeze3A_542 : i32 to index
          %get3A_546 = arith.constant 0 : index
          %get3A_547 = tpu.vector_load %arg11[%get3A_545, %get3A_546] {strides = array<i32>} : memref<4096x16xf32, #tpu.memory_space<vmem>>, vector<1x16xf32>,
          %get3A_548 = vector.shape_cast %get3A_547 : vector<1x16xf32> to vector<16xf32>
          %add3A_549 = arith.constant 9 : i32
          %add3A_550 = arith.addi %mul3A_318, %add3A_549 : i32
          %get3A_551 = arith.constant 0 : i32
          %get3A_552 = arith.index_cast %get3A_551 : i32 to index
          %get3A_553 = arith.index_cast %add3A_550 : i32 to index
          %get3A_554 = arith.constant 0 : index
          %get3A_555 = tpu.vector_load %arg10[%get3A_552, %get3A_553, %get3A_554] {strides = array<i32>} : memref<2x1024x16xf32, #tpu.memory_space<vmem>>, vector<1x1x16xf32>,
          %get3A_556 = vector.shape_cast %get3A_555 : vector<1x1x16xf32> to vector<16xf32>
          %mul3A_557 = vector.broadcast %squeeze3A_544 : f32 to vector<16xf32>
          %mul3A_558 = arith.mulf %get3A_556, %mul3A_557 : vector<16xf32>
          %add3A_559 = arith.addf %get3A_548, %mul3A_558 : vector<16xf32>
          %swap3A_560 = arith.index_cast %squeeze3A_542 : i32 to index
          %swap3A_561 = arith.constant 0 : index
          %swap3A_562 = tpu.vector_load %arg11[%swap3A_560, %swap3A_561] {strides = array<i32>} : memref<4096x16xf32, #tpu.memory_space<vmem>>, vector<1x16xf32>,
          %swap3A_563 = vector.shape_cast %swap3A_562 : vector<1x16xf32> to vector<16xf32>
          %swap3A_564 = vector.shape_cast %add3A_559 : vector<16xf32> to vector<1x16xf32>
          tpu.vector_store %arg11[%swap3A_560, %swap3A_561], %swap3A_564 {strides = array<i32>} : memref<4096x16xf32, #tpu.memory_space<vmem>>, vector<1x16xf32>,
          %slice3A_565 = vector.extract_strided_slice %get3A_322 {offsets = [10], sizes = [1], strides = [1]} : vector<16xi32> to vector<1xi32>
          %squeeze3A_566 = vector.extract %slice3A_565[0] : i32 from vector<1xi32>
          %slice3A_567 = vector.extract_strided_slice %get3A_327 {offsets = [10], sizes = [1], strides = [1]} : vector<16xf32> to vector<1xf32>
          %squeeze3A_568 = vector.extract %slice3A_567[0] : f32 from vector<1xf32>
          %get3A_569 = arith.index_cast %squeeze3A_566 : i32 to index
          %get3A_570 = arith.constant 0 : index
          %get3A_571 = tpu.vector_load %arg11[%get3A_569, %get3A_570] {strides = array<i32>} : memref<4096x16xf32, #tpu.memory_space<vmem>>, vector<1x16xf32>,
          %get3A_572 = vector.shape_cast %get3A_571 : vector<1x16xf32> to vector<16xf32>
          %add3A_573 = arith.constant 10 : i32
          %add3A_574 = arith.addi %mul3A_318, %add3A_573 : i32
          %get3A_575 = arith.constant 0 : i32
          %get3A_576 = arith.index_cast %get3A_575 : i32 to index
          %get3A_577 = arith.index_cast %add3A_574 : i32 to index
          %get3A_578 = arith.constant 0 : index
          %get3A_579 = tpu.vector_load %arg10[%get3A_576, %get3A_577, %get3A_578] {strides = array<i32>} : memref<2x1024x16xf32, #tpu.memory_space<vmem>>, vector<1x1x16xf32>,
          %get3A_580 = vector.shape_cast %get3A_579 : vector<1x1x16xf32> to vector<16xf32>
          %mul3A_581 = vector.broadcast %squeeze3A_568 : f32 to vector<16xf32>
          %mul3A_582 = arith.mulf %get3A_580, %mul3A_581 : vector<16xf32>
          %add3A_583 = arith.addf %get3A_572, %mul3A_582 : vector<16xf32>
          %swap3A_584 = arith.index_cast %squeeze3A_566 : i32 to index
          %swap3A_585 = arith.constant 0 : index
          %swap3A_586 = tpu.vector_load %arg11[%swap3A_584, %swap3A_585] {strides = array<i32>} : memref<4096x16xf32, #tpu.memory_space<vmem>>, vector<1x16xf32>,
          %swap3A_587 = vector.shape_cast %swap3A_586 : vector<1x16xf32> to vector<16xf32>
          %swap3A_588 = vector.shape_cast %add3A_583 : vector<16xf32> to vector<1x16xf32>
          tpu.vector_store %arg11[%swap3A_584, %swap3A_585], %swap3A_588 {strides = array<i32>} : memref<4096x16xf32, #tpu.memory_space<vmem>>, vector<1x16xf32>,
          %slice3A_589 = vector.extract_strided_slice %get3A_322 {offsets = [11], sizes = [1], strides = [1]} : vector<16xi32> to vector<1xi32>
          %squeeze3A_590 = vector.extract %slice3A_589[0] : i32 from vector<1xi32>
          %slice3A_591 = vector.extract_strided_slice %get3A_327 {offsets = [11], sizes = [1], strides = [1]} : vector<16xf32> to vector<1xf32>
          %squeeze3A_592 = vector.extract %slice3A_591[0] : f32 from vector<1xf32>
          %get3A_593 = arith.index_cast %squeeze3A_590 : i32 to index
          %get3A_594 = arith.constant 0 : index
          %get3A_595 = tpu.vector_load %arg11[%get3A_593, %get3A_594] {strides = array<i32>} : memref<4096x16xf32, #tpu.memory_space<vmem>>, vector<1x16xf32>,
          %get3A_596 = vector.shape_cast %get3A_595 : vector<1x16xf32> to vector<16xf32>
          %add3A_597 = arith.constant 11 : i32
          %add3A_598 = arith.addi %mul3A_318, %add3A_597 : i32
          %get3A_599 = arith.constant 0 : i32
          %get3A_600 = arith.index_cast %get3A_599 : i32 to index
          %get3A_601 = arith.index_cast %add3A_598 : i32 to index
          %get3A_602 = arith.constant 0 : index
          %get3A_603 = tpu.vector_load %arg10[%get3A_600, %get3A_601, %get3A_602] {strides = array<i32>} : memref<2x1024x16xf32, #tpu.memory_space<vmem>>, vector<1x1x16xf32>,
          %get3A_604 = vector.shape_cast %get3A_603 : vector<1x1x16xf32> to vector<16xf32>
          %mul3A_605 = vector.broadcast %squeeze3A_592 : f32 to vector<16xf32>
          %mul3A_606 = arith.mulf %get3A_604, %mul3A_605 : vector<16xf32>
          %add3A_607 = arith.addf %get3A_596, %mul3A_606 : vector<16xf32>
          %swap3A_608 = arith.index_cast %squeeze3A_590 : i32 to index
          %swap3A_609 = arith.constant 0 : index
          %swap3A_610 = tpu.vector_load %arg11[%swap3A_608, %swap3A_609] {strides = array<i32>} : memref<4096x16xf32, #tpu.memory_space<vmem>>, vector<1x16xf32>,
          %swap3A_611 = vector.shape_cast %swap3A_610 : vector<1x16xf32> to vector<16xf32>
          %swap3A_612 = vector.shape_cast %add3A_607 : vector<16xf32> to vector<1x16xf32>
          tpu.vector_store %arg11[%swap3A_608, %swap3A_609], %swap3A_612 {strides = array<i32>} : memref<4096x16xf32, #tpu.memory_space<vmem>>, vector<1x16xf32>,
          %slice3A_613 = vector.extract_strided_slice %get3A_322 {offsets = [12], sizes = [1], strides = [1]} : vector<16xi32> to vector<1xi32>
          %squeeze3A_614 = vector.extract %slice3A_613[0] : i32 from vector<1xi32>
          %slice3A_615 = vector.extract_strided_slice %get3A_327 {offsets = [12], sizes = [1], strides = [1]} : vector<16xf32> to vector<1xf32>
          %squeeze3A_616 = vector.extract %slice3A_615[0] : f32 from vector<1xf32>
          %get3A_617 = arith.index_cast %squeeze3A_614 : i32 to index
          %get3A_618 = arith.constant 0 : index
          %get3A_619 = tpu.vector_load %arg11[%get3A_617, %get3A_618] {strides = array<i32>} : memref<4096x16xf32, #tpu.memory_space<vmem>>, vector<1x16xf32>,
          %get3A_620 = vector.shape_cast %get3A_619 : vector<1x16xf32> to vector<16xf32>
          %add3A_621 = arith.constant 12 : i32
          %add3A_622 = arith.addi %mul3A_318, %add3A_621 : i32
          %get3A_623 = arith.constant 0 : i32
          %get3A_624 = arith.index_cast %get3A_623 : i32 to index
          %get3A_625 = arith.index_cast %add3A_622 : i32 to index
          %get3A_626 = arith.constant 0 : index
          %get3A_627 = tpu.vector_load %arg10[%get3A_624, %get3A_625, %get3A_626] {strides = array<i32>} : memref<2x1024x16xf32, #tpu.memory_space<vmem>>, vector<1x1x16xf32>,
          %get3A_628 = vector.shape_cast %get3A_627 : vector<1x1x16xf32> to vector<16xf32>
          %mul3A_629 = vector.broadcast %squeeze3A_616 : f32 to vector<16xf32>
          %mul3A_630 = arith.mulf %get3A_628, %mul3A_629 : vector<16xf32>
          %add3A_631 = arith.addf %get3A_620, %mul3A_630 : vector<16xf32>
          %swap3A_632 = arith.index_cast %squeeze3A_614 : i32 to index
          %swap3A_633 = arith.constant 0 : index
          %swap3A_634 = tpu.vector_load %arg11[%swap3A_632, %swap3A_633] {strides = array<i32>} : memref<4096x16xf32, #tpu.memory_space<vmem>>, vector<1x16xf32>,
          %swap3A_635 = vector.shape_cast %swap3A_634 : vector<1x16xf32> to vector<16xf32>
          %swap3A_636 = vector.shape_cast %add3A_631 : vector<16xf32> to vector<1x16xf32>
          tpu.vector_store %arg11[%swap3A_632, %swap3A_633], %swap3A_636 {strides = array<i32>} : memref<4096x16xf32, #tpu.memory_space<vmem>>, vector<1x16xf32>,
          %slice3A_637 = vector.extract_strided_slice %get3A_322 {offsets = [13], sizes = [1], strides = [1]} : vector<16xi32> to vector<1xi32>
          %squeeze3A_638 = vector.extract %slice3A_637[0] : i32 from vector<1xi32>
          %slice3A_639 = vector.extract_strided_slice %get3A_327 {offsets = [13], sizes = [1], strides = [1]} : vector<16xf32> to vector<1xf32>
          %squeeze3A_640 = vector.extract %slice3A_639[0] : f32 from vector<1xf32>
          %get3A_641 = arith.index_cast %squeeze3A_638 : i32 to index
          %get3A_642 = arith.constant 0 : index
          %get3A_643 = tpu.vector_load %arg11[%get3A_641, %get3A_642] {strides = array<i32>} : memref<4096x16xf32, #tpu.memory_space<vmem>>, vector<1x16xf32>,
          %get3A_644 = vector.shape_cast %get3A_643 : vector<1x16xf32> to vector<16xf32>
          %add3A_645 = arith.constant 13 : i32
          %add3A_646 = arith.addi %mul3A_318, %add3A_645 : i32
          %get3A_647 = arith.constant 0 : i32
          %get3A_648 = arith.index_cast %get3A_647 : i32 to index
          %get3A_649 = arith.index_cast %add3A_646 : i32 to index
          %get3A_650 = arith.constant 0 : index
          %get3A_651 = tpu.vector_load %arg10[%get3A_648, %get3A_649, %get3A_650] {strides = array<i32>} : memref<2x1024x16xf32, #tpu.memory_space<vmem>>, vector<1x1x16xf32>,
          %get3A_652 = vector.shape_cast %get3A_651 : vector<1x1x16xf32> to vector<16xf32>
          %mul3A_653 = vector.broadcast %squeeze3A_640 : f32 to vector<16xf32>
          %mul3A_654 = arith.mulf %get3A_652, %mul3A_653 : vector<16xf32>
          %add3A_655 = arith.addf %get3A_644, %mul3A_654 : vector<16xf32>
          %swap3A_656 = arith.index_cast %squeeze3A_638 : i32 to index
          %swap3A_657 = arith.constant 0 : index
          %swap3A_658 = tpu.vector_load %arg11[%swap3A_656, %swap3A_657] {strides = array<i32>} : memref<4096x16xf32, #tpu.memory_space<vmem>>, vector<1x16xf32>,
          %swap3A_659 = vector.shape_cast %swap3A_658 : vector<1x16xf32> to vector<16xf32>
          %swap3A_660 = vector.shape_cast %add3A_655 : vector<16xf32> to vector<1x16xf32>
          tpu.vector_store %arg11[%swap3A_656, %swap3A_657], %swap3A_660 {strides = array<i32>} : memref<4096x16xf32, #tpu.memory_space<vmem>>, vector<1x16xf32>,
          %slice3A_661 = vector.extract_strided_slice %get3A_322 {offsets = [14], sizes = [1], strides = [1]} : vector<16xi32> to vector<1xi32>
          %squeeze3A_662 = vector.extract %slice3A_661[0] : i32 from vector<1xi32>
          %slice3A_663 = vector.extract_strided_slice %get3A_327 {offsets = [14], sizes = [1], strides = [1]} : vector<16xf32> to vector<1xf32>
          %squeeze3A_664 = vector.extract %slice3A_663[0] : f32 from vector<1xf32>
          %get3A_665 = arith.index_cast %squeeze3A_662 : i32 to index
          %get3A_666 = arith.constant 0 : index
          %get3A_667 = tpu.vector_load %arg11[%get3A_665, %get3A_666] {strides = array<i32>} : memref<4096x16xf32, #tpu.memory_space<vmem>>, vector<1x16xf32>,
          %get3A_668 = vector.shape_cast %get3A_667 : vector<1x16xf32> to vector<16xf32>
          %add3A_669 = arith.constant 14 : i32
          %add3A_670 = arith.addi %mul3A_318, %add3A_669 : i32
          %get3A_671 = arith.constant 0 : i32
          %get3A_672 = arith.index_cast %get3A_671 : i32 to index
          %get3A_673 = arith.index_cast %add3A_670 : i32 to index
          %get3A_674 = arith.constant 0 : index
          %get3A_675 = tpu.vector_load %arg10[%get3A_672, %get3A_673, %get3A_674] {strides = array<i32>} : memref<2x1024x16xf32, #tpu.memory_space<vmem>>, vector<1x1x16xf32>,
          %get3A_676 = vector.shape_cast %get3A_675 : vector<1x1x16xf32> to vector<16xf32>
          %mul3A_677 = vector.broadcast %squeeze3A_664 : f32 to vector<16xf32>
          %mul3A_678 = arith.mulf %get3A_676, %mul3A_677 : vector<16xf32>
          %add3A_679 = arith.addf %get3A_668, %mul3A_678 : vector<16xf32>
          %swap3A_680 = arith.index_cast %squeeze3A_662 : i32 to index
          %swap3A_681 = arith.constant 0 : index
          %swap3A_682 = tpu.vector_load %arg11[%swap3A_680, %swap3A_681] {strides = array<i32>} : memref<4096x16xf32, #tpu.memory_space<vmem>>, vector<1x16xf32>,
          %swap3A_683 = vector.shape_cast %swap3A_682 : vector<1x16xf32> to vector<16xf32>
          %swap3A_684 = vector.shape_cast %add3A_679 : vector<16xf32> to vector<1x16xf32>
          tpu.vector_store %arg11[%swap3A_680, %swap3A_681], %swap3A_684 {strides = array<i32>} : memref<4096x16xf32, #tpu.memory_space<vmem>>, vector<1x16xf32>,
          %slice3A_685 = vector.extract_strided_slice %get3A_322 {offsets = [15], sizes = [1], strides = [1]} : vector<16xi32> to vector<1xi32>
          %squeeze3A_686 = vector.extract %slice3A_685[0] : i32 from vector<1xi32>
          %slice3A_687 = vector.extract_strided_slice %get3A_327 {offsets = [15], sizes = [1], strides = [1]} : vector<16xf32> to vector<1xf32>
          %squeeze3A_688 = vector.extract %slice3A_687[0] : f32 from vector<1xf32>
          %get3A_689 = arith.index_cast %squeeze3A_686 : i32 to index
          %get3A_690 = arith.constant 0 : index
          %get3A_691 = tpu.vector_load %arg11[%get3A_689, %get3A_690] {strides = array<i32>} : memref<4096x16xf32, #tpu.memory_space<vmem>>, vector<1x16xf32>,
          %get3A_692 = vector.shape_cast %get3A_691 : vector<1x16xf32> to vector<16xf32>
          %add3A_693 = arith.constant 15 : i32
          %add3A_694 = arith.addi %mul3A_318, %add3A_693 : i32
          %get3A_695 = arith.constant 0 : i32
          %get3A_696 = arith.index_cast %get3A_695 : i32 to index
          %get3A_697 = arith.index_cast %add3A_694 : i32 to index
          %get3A_698 = arith.constant 0 : index
          %get3A_699 = tpu.vector_load %arg10[%get3A_696, %get3A_697, %get3A_698] {strides = array<i32>} : memref<2x1024x16xf32, #tpu.memory_space<vmem>>, vector<1x1x16xf32>,
          %get3A_700 = vector.shape_cast %get3A_699 : vector<1x1x16xf32> to vector<16xf32>
          %mul3A_701 = vector.broadcast %squeeze3A_688 : f32 to vector<16xf32>
          %mul3A_702 = arith.mulf %get3A_700, %mul3A_701 : vector<16xf32>
          %add3A_703 = arith.addf %get3A_692, %mul3A_702 : vector<16xf32>
          %swap3A_704 = arith.index_cast %squeeze3A_686 : i32 to index
          %swap3A_705 = arith.constant 0 : index
          %swap3A_706 = tpu.vector_load %arg11[%swap3A_704, %swap3A_705] {strides = array<i32>} : memref<4096x16xf32, #tpu.memory_space<vmem>>, vector<1x16xf32>,
          %swap3A_707 = vector.shape_cast %swap3A_706 : vector<1x16xf32> to vector<16xf32>
          %swap3A_708 = vector.shape_cast %add3A_703 : vector<16xf32> to vector<1x16xf32>
          tpu.vector_store %arg11[%swap3A_704, %swap3A_705], %swap3A_708 {strides = array<i32>} : memref<4096x16xf32, #tpu.memory_space<vmem>>, vector<1x16xf32>,
        }
        %scan3A_315 = arith.constant 64 : i32
      } else {
      }
      %rem3A_162 = arith.constant 2 : i32
      %rem3A_163 = arith.remsi %scan3A_158, %rem3A_162 : i32
      %eq3A_164 = arith.constant 1 : i32
      %eq3A_165 = arith.cmpi eq, %rem3A_163, %eq3A_164 : i32
      %convert_element_type3A_166 = arith.extui %eq3A_165 : i1 to i32
      %cond3A_167 = arith.constant 0 : i32
      %cond3A_168 = arith.cmpi ne, %convert_element_type3A_166, %cond3A_167 : i32
      scf.if %cond3A_168 {
        %add3A_169 = arith.constant 1 : i32
        %add3A_170 = arith.addi %scan3A_158, %add3A_169 : i32
        %lt3A = arith.constant 64 : i32
        %lt3A_171 = arith.cmpi slt, %add3A_170, %lt3A : i32
        %convert_element_type3A_172 = arith.extui %lt3A_171 : i1 to i32
        %cond3A_173 = arith.constant 0 : i32
        %cond3A_174 = arith.cmpi ne, %convert_element_type3A_172, %cond3A_173 : i32
        scf.if %cond3A_174 {
          %add3A_316 = arith.constant 1 : i32
          %add3A_317 = arith.addi %scan3A_158, %add3A_316 : i32
          %mul3A_318 = arith.constant 65536 : i32
          %mul3A_319 = arith.muli %arg0, %mul3A_318 : i32
          %mul3A_320 = arith.constant 1024 : i32
          %mul3A_321 = arith.muli %add3A_317, %mul3A_320 : i32
          %add3A_322 = arith.addi %mul3A_319, %mul3A_321 : i32
          %run_scoped3A_323 = arith.constant 0 : i32
          "tpu.region"() ({
            %run_scoped3A_468 = tpu.sem_alloc : memref<!tpu.dma_semaphore, #tpu.memory_space<semaphore_mem>>
            %dma_start3A_469 = arith.constant 0 : i32
            %dma_start3A_470 = tpu.memref_slice %arg7[%run_scoped3A_323, %dma_start3A_469] : memref<2x1024xi32, #tpu.memory_space<vmem>> -> memref<1x1024xi32, #tpu.memory_space<vmem>>
            %dma_start3A_471 = tpu.memref_squeeze %dma_start3A_470 : memref<1x1024xi32, #tpu.memory_space<vmem>> -> memref<1024xi32, #tpu.memory_space<vmem>>
            %dma_start3A_472 = tpu.memref_slice %arg3[%add3A_322] : memref<131072xi32, #tpu.memory_space<hbm>> -> memref<1024xi32, #tpu.memory_space<hbm>>
            %dma_start3A_473 = arith.constant 0 : i32
            %dma_start3A_474 = tpu.memref_slice %arg7[%run_scoped3A_323, %dma_start3A_473] : memref<2x1024xi32, #tpu.memory_space<vmem>> -> memref<1x1024xi32, #tpu.memory_space<vmem>>
            %dma_start3A_475 = tpu.memref_squeeze %dma_start3A_474 : memref<1x1024xi32, #tpu.memory_space<vmem>> -> memref<1024xi32, #tpu.memory_space<vmem>>
            %dma_start3A_476 = tpu.memref_slice %arg3[%add3A_322] : memref<131072xi32, #tpu.memory_space<hbm>> -> memref<1024xi32, #tpu.memory_space<hbm>>
            tpu.enqueue_dma source(%dma_start3A_476 : memref<1024xi32, #tpu.memory_space<hbm>>) target(%dma_start3A_475 : memref<1024xi32, #tpu.memory_space<vmem>>) target_semaphore(%run_scoped3A_468 : memref<!tpu.dma_semaphore, #tpu.memory_space<semaphore_mem>>)
            %dma_wait3A_477 = arith.constant 0 : i32
            %dma_wait3A_478 = tpu.memref_slice %arg7[%run_scoped3A_323, %dma_wait3A_477] : memref<2x1024xi32, #tpu.memory_space<vmem>> -> memref<1x1024xi32, #tpu.memory_space<vmem>>
            %dma_wait3A_479 = tpu.memref_squeeze %dma_wait3A_478 : memref<1x1024xi32, #tpu.memory_space<vmem>> -> memref<1024xi32, #tpu.memory_space<vmem>>
            %dma_wait3A_480 = tpu.memref_slice %arg3[%add3A_322] : memref<131072xi32, #tpu.memory_space<hbm>> -> memref<1024xi32, #tpu.memory_space<hbm>>
            %dma_wait3A_481 = arith.constant 0 : i32
            %dma_wait3A_482 = tpu.memref_slice %arg7[%run_scoped3A_323, %dma_wait3A_481] : memref<2x1024xi32, #tpu.memory_space<vmem>> -> memref<1x1024xi32, #tpu.memory_space<vmem>>
            %dma_wait3A_483 = tpu.memref_squeeze %dma_wait3A_482 : memref<1x1024xi32, #tpu.memory_space<vmem>> -> memref<1024xi32, #tpu.memory_space<vmem>>
            %dma_wait3A_484 = tpu.memref_slice %arg3[%add3A_322] : memref<131072xi32, #tpu.memory_space<hbm>> -> memref<1024xi32, #tpu.memory_space<hbm>>
            tpu.wait_dma2 semaphore(%run_scoped3A_468 : memref<!tpu.dma_semaphore, #tpu.memory_space<semaphore_mem>>) src(%dma_wait3A_484 : memref<1024xi32, #tpu.memory_space<hbm>>) dst(%dma_wait3A_483 : memref<1024xi32, #tpu.memory_space<vmem>>)
            tpu.yield
          }) : () -> ()
          %run_scoped3A_324 = arith.constant 0 : i32
          "tpu.region"() ({
            %run_scoped3A_468 = tpu.sem_alloc : memref<!tpu.dma_semaphore, #tpu.memory_space<semaphore_mem>>
            %dma_start3A_469 = arith.constant 0 : i32
            %dma_start3A_470 = tpu.memref_slice %arg8[%run_scoped3A_324, %dma_start3A_469] : memref<2x1024xi32, #tpu.memory_space<vmem>> -> memref<1x1024xi32, #tpu.memory_space<vmem>>
            %dma_start3A_471 = tpu.memref_squeeze %dma_start3A_470 : memref<1x1024xi32, #tpu.memory_space<vmem>> -> memref<1024xi32, #tpu.memory_space<vmem>>
            %dma_start3A_472 = tpu.memref_slice %arg4[%add3A_322] : memref<131072xi32, #tpu.memory_space<hbm>> -> memref<1024xi32, #tpu.memory_space<hbm>>
            %dma_start3A_473 = arith.constant 0 : i32
            %dma_start3A_474 = tpu.memref_slice %arg8[%run_scoped3A_324, %dma_start3A_473] : memref<2x1024xi32, #tpu.memory_space<vmem>> -> memref<1x1024xi32, #tpu.memory_space<vmem>>
            %dma_start3A_475 = tpu.memref_squeeze %dma_start3A_474 : memref<1x1024xi32, #tpu.memory_space<vmem>> -> memref<1024xi32, #tpu.memory_space<vmem>>
            %dma_start3A_476 = tpu.memref_slice %arg4[%add3A_322] : memref<131072xi32, #tpu.memory_space<hbm>> -> memref<1024xi32, #tpu.memory_space<hbm>>
            tpu.enqueue_dma source(%dma_start3A_476 : memref<1024xi32, #tpu.memory_space<hbm>>) target(%dma_start3A_475 : memref<1024xi32, #tpu.memory_space<vmem>>) target_semaphore(%run_scoped3A_468 : memref<!tpu.dma_semaphore, #tpu.memory_space<semaphore_mem>>)
            %dma_wait3A_477 = arith.constant 0 : i32
            %dma_wait3A_478 = tpu.memref_slice %arg8[%run_scoped3A_324, %dma_wait3A_477] : memref<2x1024xi32, #tpu.memory_space<vmem>> -> memref<1x1024xi32, #tpu.memory_space<vmem>>
            %dma_wait3A_479 = tpu.memref_squeeze %dma_wait3A_478 : memref<1x1024xi32, #tpu.memory_space<vmem>> -> memref<1024xi32, #tpu.memory_space<vmem>>
            %dma_wait3A_480 = tpu.memref_slice %arg4[%add3A_322] : memref<131072xi32, #tpu.memory_space<hbm>> -> memref<1024xi32, #tpu.memory_space<hbm>>
            %dma_wait3A_481 = arith.constant 0 : i32
            %dma_wait3A_482 = tpu.memref_slice %arg8[%run_scoped3A_324, %dma_wait3A_481] : memref<2x1024xi32, #tpu.memory_space<vmem>> -> memref<1x1024xi32, #tpu.memory_space<vmem>>
            %dma_wait3A_483 = tpu.memref_squeeze %dma_wait3A_482 : memref<1x1024xi32, #tpu.memory_space<vmem>> -> memref<1024xi32, #tpu.memory_space<vmem>>
            %dma_wait3A_484 = tpu.memref_slice %arg4[%add3A_322] : memref<131072xi32, #tpu.memory_space<hbm>> -> memref<1024xi32, #tpu.memory_space<hbm>>
            tpu.wait_dma2 semaphore(%run_scoped3A_468 : memref<!tpu.dma_semaphore, #tpu.memory_space<semaphore_mem>>) src(%dma_wait3A_484 : memref<1024xi32, #tpu.memory_space<hbm>>) dst(%dma_wait3A_483 : memref<1024xi32, #tpu.memory_space<vmem>>)
            tpu.yield
          }) : () -> ()
          %run_scoped3A_325 = arith.constant 0 : i32
          "tpu.region"() ({
            %run_scoped3A_468 = tpu.sem_alloc : memref<!tpu.dma_semaphore, #tpu.memory_space<semaphore_mem>>
            %dma_start3A_469 = arith.constant 0 : i32
            %dma_start3A_470 = tpu.memref_slice %arg9[%run_scoped3A_325, %dma_start3A_469] : memref<2x1024xf32, #tpu.memory_space<vmem>> -> memref<1x1024xf32, #tpu.memory_space<vmem>>
            %dma_start3A_471 = tpu.memref_squeeze %dma_start3A_470 : memref<1x1024xf32, #tpu.memory_space<vmem>> -> memref<1024xf32, #tpu.memory_space<vmem>>
            %dma_start3A_472 = tpu.memref_slice %arg5[%add3A_322] : memref<131072xf32, #tpu.memory_space<hbm>> -> memref<1024xf32, #tpu.memory_space<hbm>>
            %dma_start3A_473 = arith.constant 0 : i32
            %dma_start3A_474 = tpu.memref_slice %arg9[%run_scoped3A_325, %dma_start3A_473] : memref<2x1024xf32, #tpu.memory_space<vmem>> -> memref<1x1024xf32, #tpu.memory_space<vmem>>
            %dma_start3A_475 = tpu.memref_squeeze %dma_start3A_474 : memref<1x1024xf32, #tpu.memory_space<vmem>> -> memref<1024xf32, #tpu.memory_space<vmem>>
            %dma_start3A_476 = tpu.memref_slice %arg5[%add3A_322] : memref<131072xf32, #tpu.memory_space<hbm>> -> memref<1024xf32, #tpu.memory_space<hbm>>
            tpu.enqueue_dma source(%dma_start3A_476 : memref<1024xf32, #tpu.memory_space<hbm>>) target(%dma_start3A_475 : memref<1024xf32, #tpu.memory_space<vmem>>) target_semaphore(%run_scoped3A_468 : memref<!tpu.dma_semaphore, #tpu.memory_space<semaphore_mem>>)
            %dma_wait3A_477 = arith.constant 0 : i32
            %dma_wait3A_478 = tpu.memref_slice %arg9[%run_scoped3A_325, %dma_wait3A_477] : memref<2x1024xf32, #tpu.memory_space<vmem>> -> memref<1x1024xf32, #tpu.memory_space<vmem>>
            %dma_wait3A_479 = tpu.memref_squeeze %dma_wait3A_478 : memref<1x1024xf32, #tpu.memory_space<vmem>> -> memref<1024xf32, #tpu.memory_space<vmem>>
            %dma_wait3A_480 = tpu.memref_slice %arg5[%add3A_322] : memref<131072xf32, #tpu.memory_space<hbm>> -> memref<1024xf32, #tpu.memory_space<hbm>>
            %dma_wait3A_481 = arith.constant 0 : i32
            %dma_wait3A_482 = tpu.memref_slice %arg9[%run_scoped3A_325, %dma_wait3A_481] : memref<2x1024xf32, #tpu.memory_space<vmem>> -> memref<1x1024xf32, #tpu.memory_space<vmem>>
            %dma_wait3A_483 = tpu.memref_squeeze %dma_wait3A_482 : memref<1x1024xf32, #tpu.memory_space<vmem>> -> memref<1024xf32, #tpu.memory_space<vmem>>
            %dma_wait3A_484 = tpu.memref_slice %arg5[%add3A_322] : memref<131072xf32, #tpu.memory_space<hbm>> -> memref<1024xf32, #tpu.memory_space<hbm>>
            tpu.wait_dma2 semaphore(%run_scoped3A_468 : memref<!tpu.dma_semaphore, #tpu.memory_space<semaphore_mem>>) src(%dma_wait3A_484 : memref<1024xf32, #tpu.memory_space<hbm>>) dst(%dma_wait3A_483 : memref<1024xf32, #tpu.memory_space<vmem>>)
            tpu.yield
          }) : () -> ()
          %scan3A_326 = arith.constant 0 : i32
          %scan3A_327 = arith.constant 0 : i32
          %scan3A_328 = arith.constant 64 : i32
          %scan3A_329 = arith.addi %scan3A_327, %scan3A_328 : i32
          %scan3A_330 = arith.constant 1 : i32
          scf.for %scan3A_468 = %scan3A_327 to %scan3A_329 step %scan3A_330  : i32 {
            %mul3A_469 = arith.constant 16 : i32
            %mul3A_470 = arith.muli %scan3A_468, %mul3A_469 : i32
            %get3A = arith.constant 0 : i32
            %get3A_471 = arith.index_cast %get3A : i32 to index
            %get3A_472 = arith.index_cast %mul3A_470 : i32 to index
            %get3A_473 = tpu.vector_load %arg8[%get3A_471, %get3A_472] {strides = array<i32>} : memref<2x1024xi32, #tpu.memory_space<vmem>>, vector<1x16xi32>,
            %get3A_474 = vector.shape_cast %get3A_473 : vector<1x16xi32> to vector<16xi32>
            %add3A_475 = vector.broadcast %mul3A_5 : i32 to vector<16xi32>
            %add3A_476 = arith.addi %get3A_474, %add3A_475 : vector<16xi32>
            %swap3A = arith.constant 0 : i32
            %swap3A_477 = arith.index_cast %swap3A : i32 to index
            %swap3A_478 = arith.index_cast %mul3A_470 : i32 to index
            %swap3A_479 = tpu.vector_load %arg8[%swap3A_477, %swap3A_478] {strides = array<i32>} : memref<2x1024xi32, #tpu.memory_space<vmem>>, vector<1x16xi32>,
            %swap3A_480 = vector.shape_cast %swap3A_479 : vector<1x16xi32> to vector<16xi32>
            %swap3A_481 = vector.shape_cast %add3A_476 : vector<16xi32> to vector<1x16xi32>
            tpu.vector_store %arg8[%swap3A_477, %swap3A_478], %swap3A_481 {strides = array<i32>} : memref<2x1024xi32, #tpu.memory_space<vmem>>, vector<1x16xi32>,
          }
          %scan3A_331 = arith.constant 64 : i32
          %dma_start3A_332 = arith.constant 0 : i32
          %dma_start3A_333 = arith.constant 0 : i32
          %dma_start3A_334 = arith.constant 0 : i32
          %dma_start3A_335 = arith.constant 0 : i32
          %dma_start3A_336 = tpu.memref_slice %arg10[%dma_start3A_333, %dma_start3A_334, %dma_start3A_335] : memref<2x1024x16xf32, #tpu.memory_space<vmem>> -> memref<1x1024x16xf32, #tpu.memory_space<vmem>>
          %dma_start3A_337 = tpu.memref_squeeze %dma_start3A_336 : memref<1x1024x16xf32, #tpu.memory_space<vmem>> -> memref<1024x16xf32, #tpu.memory_space<vmem>>
          %dma_start3A_338 = arith.constant 0 : i32
          %dma_start3A_339 = arith.constant 0 : i32
          %dma_start3A_340 = tpu.memref_slice %dma_start3A_337[%dma_start3A_338, %dma_start3A_339] : memref<1024x16xf32, #tpu.memory_space<vmem>> -> memref<128x16xf32, #tpu.memory_space<vmem>>
          %dma_start3A_341 = arith.constant 0 : i32
          %dma_start3A_342 = tpu.memref_slice %arg8[%dma_start3A_332, %dma_start3A_341] : memref<2x1024xi32, #tpu.memory_space<vmem>> -> memref<1x1024xi32, #tpu.memory_space<vmem>>
          %dma_start3A_343 = tpu.memref_squeeze %dma_start3A_342 : memref<1x1024xi32, #tpu.memory_space<vmem>> -> memref<1024xi32, #tpu.memory_space<vmem>>
          %dma_start3A_344 = arith.constant 0 : i32
          %dma_start3A_345 = tpu.memref_slice %dma_start3A_343[%dma_start3A_344] : memref<1024xi32, #tpu.memory_space<vmem>> -> memref<128xi32, #tpu.memory_space<vmem>>
          %dma_start3A_346 = arith.constant 0 : i32
          %dma_start3A_347 = arith.constant 0 : i32
          %dma_start3A_348 = tpu.memref_slice %arg2[%dma_start3A_346, %dma_start3A_347] : memref<262144x16xf32, #tpu.memory_space<hbm>> -> memref<262144x16xf32, #tpu.memory_space<hbm>>
          tpu.enqueue_indirect_dma source(%dma_start3A_348 : memref<262144x16xf32, #tpu.memory_space<hbm>>) target(%dma_start3A_340 : memref<128x16xf32, #tpu.memory_space<vmem>>) offsets(%dma_start3A_345 : memref<128xi32, #tpu.memory_space<vmem>>) semaphore(%arg12 : memref<!tpu.dma_semaphore, #tpu.memory_space<semaphore_mem>>)
          %dma_start3A_349 = arith.constant 0 : i32
          %dma_start3A_350 = arith.constant 0 : i32
          %dma_start3A_351 = arith.constant 0 : i32
          %dma_start3A_352 = arith.constant 0 : i32
          %dma_start3A_353 = tpu.memref_slice %arg10[%dma_start3A_350, %dma_start3A_351, %dma_start3A_352] : memref<2x1024x16xf32, #tpu.memory_space<vmem>> -> memref<1x1024x16xf32, #tpu.memory_space<vmem>>
          %dma_start3A_354 = tpu.memref_squeeze %dma_start3A_353 : memref<1x1024x16xf32, #tpu.memory_space<vmem>> -> memref<1024x16xf32, #tpu.memory_space<vmem>>
          %dma_start3A_355 = arith.constant 128 : i32
          %dma_start3A_356 = arith.constant 0 : i32
          %dma_start3A_357 = tpu.memref_slice %dma_start3A_354[%dma_start3A_355, %dma_start3A_356] : memref<1024x16xf32, #tpu.memory_space<vmem>> -> memref<128x16xf32, #tpu.memory_space<vmem>>
          %dma_start3A_358 = arith.constant 0 : i32
          %dma_start3A_359 = tpu.memref_slice %arg8[%dma_start3A_349, %dma_start3A_358] : memref<2x1024xi32, #tpu.memory_space<vmem>> -> memref<1x1024xi32, #tpu.memory_space<vmem>>
          %dma_start3A_360 = tpu.memref_squeeze %dma_start3A_359 : memref<1x1024xi32, #tpu.memory_space<vmem>> -> memref<1024xi32, #tpu.memory_space<vmem>>
          %dma_start3A_361 = arith.constant 128 : i32
          %dma_start3A_362 = tpu.memref_slice %dma_start3A_360[%dma_start3A_361] : memref<1024xi32, #tpu.memory_space<vmem>> -> memref<128xi32, #tpu.memory_space<vmem>>
          %dma_start3A_363 = arith.constant 0 : i32
          %dma_start3A_364 = arith.constant 0 : i32
          %dma_start3A_365 = tpu.memref_slice %arg2[%dma_start3A_363, %dma_start3A_364] : memref<262144x16xf32, #tpu.memory_space<hbm>> -> memref<262144x16xf32, #tpu.memory_space<hbm>>
          tpu.enqueue_indirect_dma source(%dma_start3A_365 : memref<262144x16xf32, #tpu.memory_space<hbm>>) target(%dma_start3A_357 : memref<128x16xf32, #tpu.memory_space<vmem>>) offsets(%dma_start3A_362 : memref<128xi32, #tpu.memory_space<vmem>>) semaphore(%arg12 : memref<!tpu.dma_semaphore, #tpu.memory_space<semaphore_mem>>)
          %dma_start3A_366 = arith.constant 0 : i32
          %dma_start3A_367 = arith.constant 0 : i32
          %dma_start3A_368 = arith.constant 0 : i32
          %dma_start3A_369 = arith.constant 0 : i32
          %dma_start3A_370 = tpu.memref_slice %arg10[%dma_start3A_367, %dma_start3A_368, %dma_start3A_369] : memref<2x1024x16xf32, #tpu.memory_space<vmem>> -> memref<1x1024x16xf32, #tpu.memory_space<vmem>>
          %dma_start3A_371 = tpu.memref_squeeze %dma_start3A_370 : memref<1x1024x16xf32, #tpu.memory_space<vmem>> -> memref<1024x16xf32, #tpu.memory_space<vmem>>
          %dma_start3A_372 = arith.constant 256 : i32
          %dma_start3A_373 = arith.constant 0 : i32
          %dma_start3A_374 = tpu.memref_slice %dma_start3A_371[%dma_start3A_372, %dma_start3A_373] : memref<1024x16xf32, #tpu.memory_space<vmem>> -> memref<128x16xf32, #tpu.memory_space<vmem>>
          %dma_start3A_375 = arith.constant 0 : i32
          %dma_start3A_376 = tpu.memref_slice %arg8[%dma_start3A_366, %dma_start3A_375] : memref<2x1024xi32, #tpu.memory_space<vmem>> -> memref<1x1024xi32, #tpu.memory_space<vmem>>
          %dma_start3A_377 = tpu.memref_squeeze %dma_start3A_376 : memref<1x1024xi32, #tpu.memory_space<vmem>> -> memref<1024xi32, #tpu.memory_space<vmem>>
          %dma_start3A_378 = arith.constant 256 : i32
          %dma_start3A_379 = tpu.memref_slice %dma_start3A_377[%dma_start3A_378] : memref<1024xi32, #tpu.memory_space<vmem>> -> memref<128xi32, #tpu.memory_space<vmem>>
          %dma_start3A_380 = arith.constant 0 : i32
          %dma_start3A_381 = arith.constant 0 : i32
          %dma_start3A_382 = tpu.memref_slice %arg2[%dma_start3A_380, %dma_start3A_381] : memref<262144x16xf32, #tpu.memory_space<hbm>> -> memref<262144x16xf32, #tpu.memory_space<hbm>>
          tpu.enqueue_indirect_dma source(%dma_start3A_382 : memref<262144x16xf32, #tpu.memory_space<hbm>>) target(%dma_start3A_374 : memref<128x16xf32, #tpu.memory_space<vmem>>) offsets(%dma_start3A_379 : memref<128xi32, #tpu.memory_space<vmem>>) semaphore(%arg12 : memref<!tpu.dma_semaphore, #tpu.memory_space<semaphore_mem>>)
          %dma_start3A_383 = arith.constant 0 : i32
          %dma_start3A_384 = arith.constant 0 : i32
          %dma_start3A_385 = arith.constant 0 : i32
          %dma_start3A_386 = arith.constant 0 : i32
          %dma_start3A_387 = tpu.memref_slice %arg10[%dma_start3A_384, %dma_start3A_385, %dma_start3A_386] : memref<2x1024x16xf32, #tpu.memory_space<vmem>> -> memref<1x1024x16xf32, #tpu.memory_space<vmem>>
          %dma_start3A_388 = tpu.memref_squeeze %dma_start3A_387 : memref<1x1024x16xf32, #tpu.memory_space<vmem>> -> memref<1024x16xf32, #tpu.memory_space<vmem>>
          %dma_start3A_389 = arith.constant 384 : i32
          %dma_start3A_390 = arith.constant 0 : i32
          %dma_start3A_391 = tpu.memref_slice %dma_start3A_388[%dma_start3A_389, %dma_start3A_390] : memref<1024x16xf32, #tpu.memory_space<vmem>> -> memref<128x16xf32, #tpu.memory_space<vmem>>
          %dma_start3A_392 = arith.constant 0 : i32
          %dma_start3A_393 = tpu.memref_slice %arg8[%dma_start3A_383, %dma_start3A_392] : memref<2x1024xi32, #tpu.memory_space<vmem>> -> memref<1x1024xi32, #tpu.memory_space<vmem>>
          %dma_start3A_394 = tpu.memref_squeeze %dma_start3A_393 : memref<1x1024xi32, #tpu.memory_space<vmem>> -> memref<1024xi32, #tpu.memory_space<vmem>>
          %dma_start3A_395 = arith.constant 384 : i32
          %dma_start3A_396 = tpu.memref_slice %dma_start3A_394[%dma_start3A_395] : memref<1024xi32, #tpu.memory_space<vmem>> -> memref<128xi32, #tpu.memory_space<vmem>>
          %dma_start3A_397 = arith.constant 0 : i32
          %dma_start3A_398 = arith.constant 0 : i32
          %dma_start3A_399 = tpu.memref_slice %arg2[%dma_start3A_397, %dma_start3A_398] : memref<262144x16xf32, #tpu.memory_space<hbm>> -> memref<262144x16xf32, #tpu.memory_space<hbm>>
          tpu.enqueue_indirect_dma source(%dma_start3A_399 : memref<262144x16xf32, #tpu.memory_space<hbm>>) target(%dma_start3A_391 : memref<128x16xf32, #tpu.memory_space<vmem>>) offsets(%dma_start3A_396 : memref<128xi32, #tpu.memory_space<vmem>>) semaphore(%arg12 : memref<!tpu.dma_semaphore, #tpu.memory_space<semaphore_mem>>)
          %dma_start3A_400 = arith.constant 0 : i32
          %dma_start3A_401 = arith.constant 0 : i32
          %dma_start3A_402 = arith.constant 0 : i32
          %dma_start3A_403 = arith.constant 0 : i32
          %dma_start3A_404 = tpu.memref_slice %arg10[%dma_start3A_401, %dma_start3A_402, %dma_start3A_403] : memref<2x1024x16xf32, #tpu.memory_space<vmem>> -> memref<1x1024x16xf32, #tpu.memory_space<vmem>>
          %dma_start3A_405 = tpu.memref_squeeze %dma_start3A_404 : memref<1x1024x16xf32, #tpu.memory_space<vmem>> -> memref<1024x16xf32, #tpu.memory_space<vmem>>
          %dma_start3A_406 = arith.constant 512 : i32
          %dma_start3A_407 = arith.constant 0 : i32
          %dma_start3A_408 = tpu.memref_slice %dma_start3A_405[%dma_start3A_406, %dma_start3A_407] : memref<1024x16xf32, #tpu.memory_space<vmem>> -> memref<128x16xf32, #tpu.memory_space<vmem>>
          %dma_start3A_409 = arith.constant 0 : i32
          %dma_start3A_410 = tpu.memref_slice %arg8[%dma_start3A_400, %dma_start3A_409] : memref<2x1024xi32, #tpu.memory_space<vmem>> -> memref<1x1024xi32, #tpu.memory_space<vmem>>
          %dma_start3A_411 = tpu.memref_squeeze %dma_start3A_410 : memref<1x1024xi32, #tpu.memory_space<vmem>> -> memref<1024xi32, #tpu.memory_space<vmem>>
          %dma_start3A_412 = arith.constant 512 : i32
          %dma_start3A_413 = tpu.memref_slice %dma_start3A_411[%dma_start3A_412] : memref<1024xi32, #tpu.memory_space<vmem>> -> memref<128xi32, #tpu.memory_space<vmem>>
          %dma_start3A_414 = arith.constant 0 : i32
          %dma_start3A_415 = arith.constant 0 : i32
          %dma_start3A_416 = tpu.memref_slice %arg2[%dma_start3A_414, %dma_start3A_415] : memref<262144x16xf32, #tpu.memory_space<hbm>> -> memref<262144x16xf32, #tpu.memory_space<hbm>>
          tpu.enqueue_indirect_dma source(%dma_start3A_416 : memref<262144x16xf32, #tpu.memory_space<hbm>>) target(%dma_start3A_408 : memref<128x16xf32, #tpu.memory_space<vmem>>) offsets(%dma_start3A_413 : memref<128xi32, #tpu.memory_space<vmem>>) semaphore(%arg12 : memref<!tpu.dma_semaphore, #tpu.memory_space<semaphore_mem>>)
          %dma_start3A_417 = arith.constant 0 : i32
          %dma_start3A_418 = arith.constant 0 : i32
          %dma_start3A_419 = arith.constant 0 : i32
          %dma_start3A_420 = arith.constant 0 : i32
          %dma_start3A_421 = tpu.memref_slice %arg10[%dma_start3A_418, %dma_start3A_419, %dma_start3A_420] : memref<2x1024x16xf32, #tpu.memory_space<vmem>> -> memref<1x1024x16xf32, #tpu.memory_space<vmem>>
          %dma_start3A_422 = tpu.memref_squeeze %dma_start3A_421 : memref<1x1024x16xf32, #tpu.memory_space<vmem>> -> memref<1024x16xf32, #tpu.memory_space<vmem>>
          %dma_start3A_423 = arith.constant 640 : i32
          %dma_start3A_424 = arith.constant 0 : i32
          %dma_start3A_425 = tpu.memref_slice %dma_start3A_422[%dma_start3A_423, %dma_start3A_424] : memref<1024x16xf32, #tpu.memory_space<vmem>> -> memref<128x16xf32, #tpu.memory_space<vmem>>
          %dma_start3A_426 = arith.constant 0 : i32
          %dma_start3A_427 = tpu.memref_slice %arg8[%dma_start3A_417, %dma_start3A_426] : memref<2x1024xi32, #tpu.memory_space<vmem>> -> memref<1x1024xi32, #tpu.memory_space<vmem>>
          %dma_start3A_428 = tpu.memref_squeeze %dma_start3A_427 : memref<1x1024xi32, #tpu.memory_space<vmem>> -> memref<1024xi32, #tpu.memory_space<vmem>>
          %dma_start3A_429 = arith.constant 640 : i32
          %dma_start3A_430 = tpu.memref_slice %dma_start3A_428[%dma_start3A_429] : memref<1024xi32, #tpu.memory_space<vmem>> -> memref<128xi32, #tpu.memory_space<vmem>>
          %dma_start3A_431 = arith.constant 0 : i32
          %dma_start3A_432 = arith.constant 0 : i32
          %dma_start3A_433 = tpu.memref_slice %arg2[%dma_start3A_431, %dma_start3A_432] : memref<262144x16xf32, #tpu.memory_space<hbm>> -> memref<262144x16xf32, #tpu.memory_space<hbm>>
          tpu.enqueue_indirect_dma source(%dma_start3A_433 : memref<262144x16xf32, #tpu.memory_space<hbm>>) target(%dma_start3A_425 : memref<128x16xf32, #tpu.memory_space<vmem>>) offsets(%dma_start3A_430 : memref<128xi32, #tpu.memory_space<vmem>>) semaphore(%arg12 : memref<!tpu.dma_semaphore, #tpu.memory_space<semaphore_mem>>)
          %dma_start3A_434 = arith.constant 0 : i32
          %dma_start3A_435 = arith.constant 0 : i32
          %dma_start3A_436 = arith.constant 0 : i32
          %dma_start3A_437 = arith.constant 0 : i32
          %dma_start3A_438 = tpu.memref_slice %arg10[%dma_start3A_435, %dma_start3A_436, %dma_start3A_437] : memref<2x1024x16xf32, #tpu.memory_space<vmem>> -> memref<1x1024x16xf32, #tpu.memory_space<vmem>>
          %dma_start3A_439 = tpu.memref_squeeze %dma_start3A_438 : memref<1x1024x16xf32, #tpu.memory_space<vmem>> -> memref<1024x16xf32, #tpu.memory_space<vmem>>
          %dma_start3A_440 = arith.constant 768 : i32
          %dma_start3A_441 = arith.constant 0 : i32
          %dma_start3A_442 = tpu.memref_slice %dma_start3A_439[%dma_start3A_440, %dma_start3A_441] : memref<1024x16xf32, #tpu.memory_space<vmem>> -> memref<128x16xf32, #tpu.memory_space<vmem>>
          %dma_start3A_443 = arith.constant 0 : i32
          %dma_start3A_444 = tpu.memref_slice %arg8[%dma_start3A_434, %dma_start3A_443] : memref<2x1024xi32, #tpu.memory_space<vmem>> -> memref<1x1024xi32, #tpu.memory_space<vmem>>
          %dma_start3A_445 = tpu.memref_squeeze %dma_start3A_444 : memref<1x1024xi32, #tpu.memory_space<vmem>> -> memref<1024xi32, #tpu.memory_space<vmem>>
          %dma_start3A_446 = arith.constant 768 : i32
          %dma_start3A_447 = tpu.memref_slice %dma_start3A_445[%dma_start3A_446] : memref<1024xi32, #tpu.memory_space<vmem>> -> memref<128xi32, #tpu.memory_space<vmem>>
          %dma_start3A_448 = arith.constant 0 : i32
          %dma_start3A_449 = arith.constant 0 : i32
          %dma_start3A_450 = tpu.memref_slice %arg2[%dma_start3A_448, %dma_start3A_449] : memref<262144x16xf32, #tpu.memory_space<hbm>> -> memref<262144x16xf32, #tpu.memory_space<hbm>>
          tpu.enqueue_indirect_dma source(%dma_start3A_450 : memref<262144x16xf32, #tpu.memory_space<hbm>>) target(%dma_start3A_442 : memref<128x16xf32, #tpu.memory_space<vmem>>) offsets(%dma_start3A_447 : memref<128xi32, #tpu.memory_space<vmem>>) semaphore(%arg12 : memref<!tpu.dma_semaphore, #tpu.memory_space<semaphore_mem>>)
          %dma_start3A_451 = arith.constant 0 : i32
          %dma_start3A_452 = arith.constant 0 : i32
          %dma_start3A_453 = arith.constant 0 : i32
          %dma_start3A_454 = arith.constant 0 : i32
          %dma_start3A_455 = tpu.memref_slice %arg10[%dma_start3A_452, %dma_start3A_453, %dma_start3A_454] : memref<2x1024x16xf32, #tpu.memory_space<vmem>> -> memref<1x1024x16xf32, #tpu.memory_space<vmem>>
          %dma_start3A_456 = tpu.memref_squeeze %dma_start3A_455 : memref<1x1024x16xf32, #tpu.memory_space<vmem>> -> memref<1024x16xf32, #tpu.memory_space<vmem>>
          %dma_start3A_457 = arith.constant 896 : i32
          %dma_start3A_458 = arith.constant 0 : i32
          %dma_start3A_459 = tpu.memref_slice %dma_start3A_456[%dma_start3A_457, %dma_start3A_458] : memref<1024x16xf32, #tpu.memory_space<vmem>> -> memref<128x16xf32, #tpu.memory_space<vmem>>
          %dma_start3A_460 = arith.constant 0 : i32
          %dma_start3A_461 = tpu.memref_slice %arg8[%dma_start3A_451, %dma_start3A_460] : memref<2x1024xi32, #tpu.memory_space<vmem>> -> memref<1x1024xi32, #tpu.memory_space<vmem>>
          %dma_start3A_462 = tpu.memref_squeeze %dma_start3A_461 : memref<1x1024xi32, #tpu.memory_space<vmem>> -> memref<1024xi32, #tpu.memory_space<vmem>>
          %dma_start3A_463 = arith.constant 896 : i32
          %dma_start3A_464 = tpu.memref_slice %dma_start3A_462[%dma_start3A_463] : memref<1024xi32, #tpu.memory_space<vmem>> -> memref<128xi32, #tpu.memory_space<vmem>>
          %dma_start3A_465 = arith.constant 0 : i32
          %dma_start3A_466 = arith.constant 0 : i32
          %dma_start3A_467 = tpu.memref_slice %arg2[%dma_start3A_465, %dma_start3A_466] : memref<262144x16xf32, #tpu.memory_space<hbm>> -> memref<262144x16xf32, #tpu.memory_space<hbm>>
          tpu.enqueue_indirect_dma source(%dma_start3A_467 : memref<262144x16xf32, #tpu.memory_space<hbm>>) target(%dma_start3A_459 : memref<128x16xf32, #tpu.memory_space<vmem>>) offsets(%dma_start3A_464 : memref<128xi32, #tpu.memory_space<vmem>>) semaphore(%arg12 : memref<!tpu.dma_semaphore, #tpu.memory_space<semaphore_mem>>)
        } else {
        }
        %dma_wait3A = arith.constant 1 : i32
        %dma_wait3A_175 = arith.constant 1 : i32
        %dma_wait3A_176 = arith.constant 0 : i32
        %dma_wait3A_177 = arith.constant 0 : i32
        %dma_wait3A_178 = tpu.memref_slice %arg10[%dma_wait3A_175, %dma_wait3A_176, %dma_wait3A_177] : memref<2x1024x16xf32, #tpu.memory_space<vmem>> -> memref<1x1024x16xf32, #tpu.memory_space<vmem>>
        %dma_wait3A_179 = tpu.memref_squeeze %dma_wait3A_178 : memref<1x1024x16xf32, #tpu.memory_space<vmem>> -> memref<1024x16xf32, #tpu.memory_space<vmem>>
        %dma_wait3A_180 = arith.constant 0 : i32
        %dma_wait3A_181 = arith.constant 0 : i32
        %dma_wait3A_182 = tpu.memref_slice %dma_wait3A_179[%dma_wait3A_180, %dma_wait3A_181] : memref<1024x16xf32, #tpu.memory_space<vmem>> -> memref<128x16xf32, #tpu.memory_space<vmem>>
        %dma_wait3A_183 = arith.constant 0 : i32
        %dma_wait3A_184 = tpu.memref_slice %arg8[%dma_wait3A, %dma_wait3A_183] : memref<2x1024xi32, #tpu.memory_space<vmem>> -> memref<1x1024xi32, #tpu.memory_space<vmem>>
        %dma_wait3A_185 = tpu.memref_squeeze %dma_wait3A_184 : memref<1x1024xi32, #tpu.memory_space<vmem>> -> memref<1024xi32, #tpu.memory_space<vmem>>
        %dma_wait3A_186 = arith.constant 0 : i32
        %dma_wait3A_187 = tpu.memref_slice %dma_wait3A_185[%dma_wait3A_186] : memref<1024xi32, #tpu.memory_space<vmem>> -> memref<128xi32, #tpu.memory_space<vmem>>
        %dma_wait3A_188 = arith.constant 0 : i32
        %dma_wait3A_189 = arith.constant 0 : i32
        %dma_wait3A_190 = tpu.memref_slice %arg2[%dma_wait3A_188, %dma_wait3A_189] : memref<262144x16xf32, #tpu.memory_space<hbm>> -> memref<262144x16xf32, #tpu.memory_space<hbm>>
        tpu.wait_indirect_dma semaphore(%arg13 : memref<!tpu.dma_semaphore, #tpu.memory_space<semaphore_mem>>) src(%dma_wait3A_190 : memref<262144x16xf32, #tpu.memory_space<hbm>>) dst(%dma_wait3A_182 : memref<128x16xf32, #tpu.memory_space<vmem>>)
        %dma_wait3A_191 = arith.constant 1 : i32
        %dma_wait3A_192 = arith.constant 1 : i32
        %dma_wait3A_193 = arith.constant 0 : i32
        %dma_wait3A_194 = arith.constant 0 : i32
        %dma_wait3A_195 = tpu.memref_slice %arg10[%dma_wait3A_192, %dma_wait3A_193, %dma_wait3A_194] : memref<2x1024x16xf32, #tpu.memory_space<vmem>> -> memref<1x1024x16xf32, #tpu.memory_space<vmem>>
        %dma_wait3A_196 = tpu.memref_squeeze %dma_wait3A_195 : memref<1x1024x16xf32, #tpu.memory_space<vmem>> -> memref<1024x16xf32, #tpu.memory_space<vmem>>
        %dma_wait3A_197 = arith.constant 128 : i32
        %dma_wait3A_198 = arith.constant 0 : i32
        %dma_wait3A_199 = tpu.memref_slice %dma_wait3A_196[%dma_wait3A_197, %dma_wait3A_198] : memref<1024x16xf32, #tpu.memory_space<vmem>> -> memref<128x16xf32, #tpu.memory_space<vmem>>
        %dma_wait3A_200 = arith.constant 0 : i32
        %dma_wait3A_201 = tpu.memref_slice %arg8[%dma_wait3A_191, %dma_wait3A_200] : memref<2x1024xi32, #tpu.memory_space<vmem>> -> memref<1x1024xi32, #tpu.memory_space<vmem>>
        %dma_wait3A_202 = tpu.memref_squeeze %dma_wait3A_201 : memref<1x1024xi32, #tpu.memory_space<vmem>> -> memref<1024xi32, #tpu.memory_space<vmem>>
        %dma_wait3A_203 = arith.constant 128 : i32
        %dma_wait3A_204 = tpu.memref_slice %dma_wait3A_202[%dma_wait3A_203] : memref<1024xi32, #tpu.memory_space<vmem>> -> memref<128xi32, #tpu.memory_space<vmem>>
        %dma_wait3A_205 = arith.constant 0 : i32
        %dma_wait3A_206 = arith.constant 0 : i32
        %dma_wait3A_207 = tpu.memref_slice %arg2[%dma_wait3A_205, %dma_wait3A_206] : memref<262144x16xf32, #tpu.memory_space<hbm>> -> memref<262144x16xf32, #tpu.memory_space<hbm>>
        tpu.wait_indirect_dma semaphore(%arg13 : memref<!tpu.dma_semaphore, #tpu.memory_space<semaphore_mem>>) src(%dma_wait3A_207 : memref<262144x16xf32, #tpu.memory_space<hbm>>) dst(%dma_wait3A_199 : memref<128x16xf32, #tpu.memory_space<vmem>>)
        %dma_wait3A_208 = arith.constant 1 : i32
        %dma_wait3A_209 = arith.constant 1 : i32
        %dma_wait3A_210 = arith.constant 0 : i32
        %dma_wait3A_211 = arith.constant 0 : i32
        %dma_wait3A_212 = tpu.memref_slice %arg10[%dma_wait3A_209, %dma_wait3A_210, %dma_wait3A_211] : memref<2x1024x16xf32, #tpu.memory_space<vmem>> -> memref<1x1024x16xf32, #tpu.memory_space<vmem>>
        %dma_wait3A_213 = tpu.memref_squeeze %dma_wait3A_212 : memref<1x1024x16xf32, #tpu.memory_space<vmem>> -> memref<1024x16xf32, #tpu.memory_space<vmem>>
        %dma_wait3A_214 = arith.constant 256 : i32
        %dma_wait3A_215 = arith.constant 0 : i32
        %dma_wait3A_216 = tpu.memref_slice %dma_wait3A_213[%dma_wait3A_214, %dma_wait3A_215] : memref<1024x16xf32, #tpu.memory_space<vmem>> -> memref<128x16xf32, #tpu.memory_space<vmem>>
        %dma_wait3A_217 = arith.constant 0 : i32
        %dma_wait3A_218 = tpu.memref_slice %arg8[%dma_wait3A_208, %dma_wait3A_217] : memref<2x1024xi32, #tpu.memory_space<vmem>> -> memref<1x1024xi32, #tpu.memory_space<vmem>>
        %dma_wait3A_219 = tpu.memref_squeeze %dma_wait3A_218 : memref<1x1024xi32, #tpu.memory_space<vmem>> -> memref<1024xi32, #tpu.memory_space<vmem>>
        %dma_wait3A_220 = arith.constant 256 : i32
        %dma_wait3A_221 = tpu.memref_slice %dma_wait3A_219[%dma_wait3A_220] : memref<1024xi32, #tpu.memory_space<vmem>> -> memref<128xi32, #tpu.memory_space<vmem>>
        %dma_wait3A_222 = arith.constant 0 : i32
        %dma_wait3A_223 = arith.constant 0 : i32
        %dma_wait3A_224 = tpu.memref_slice %arg2[%dma_wait3A_222, %dma_wait3A_223] : memref<262144x16xf32, #tpu.memory_space<hbm>> -> memref<262144x16xf32, #tpu.memory_space<hbm>>
        tpu.wait_indirect_dma semaphore(%arg13 : memref<!tpu.dma_semaphore, #tpu.memory_space<semaphore_mem>>) src(%dma_wait3A_224 : memref<262144x16xf32, #tpu.memory_space<hbm>>) dst(%dma_wait3A_216 : memref<128x16xf32, #tpu.memory_space<vmem>>)
        %dma_wait3A_225 = arith.constant 1 : i32
        %dma_wait3A_226 = arith.constant 1 : i32
        %dma_wait3A_227 = arith.constant 0 : i32
        %dma_wait3A_228 = arith.constant 0 : i32
        %dma_wait3A_229 = tpu.memref_slice %arg10[%dma_wait3A_226, %dma_wait3A_227, %dma_wait3A_228] : memref<2x1024x16xf32, #tpu.memory_space<vmem>> -> memref<1x1024x16xf32, #tpu.memory_space<vmem>>
        %dma_wait3A_230 = tpu.memref_squeeze %dma_wait3A_229 : memref<1x1024x16xf32, #tpu.memory_space<vmem>> -> memref<1024x16xf32, #tpu.memory_space<vmem>>
        %dma_wait3A_231 = arith.constant 384 : i32
        %dma_wait3A_232 = arith.constant 0 : i32
        %dma_wait3A_233 = tpu.memref_slice %dma_wait3A_230[%dma_wait3A_231, %dma_wait3A_232] : memref<1024x16xf32, #tpu.memory_space<vmem>> -> memref<128x16xf32, #tpu.memory_space<vmem>>
        %dma_wait3A_234 = arith.constant 0 : i32
        %dma_wait3A_235 = tpu.memref_slice %arg8[%dma_wait3A_225, %dma_wait3A_234] : memref<2x1024xi32, #tpu.memory_space<vmem>> -> memref<1x1024xi32, #tpu.memory_space<vmem>>
        %dma_wait3A_236 = tpu.memref_squeeze %dma_wait3A_235 : memref<1x1024xi32, #tpu.memory_space<vmem>> -> memref<1024xi32, #tpu.memory_space<vmem>>
        %dma_wait3A_237 = arith.constant 384 : i32
        %dma_wait3A_238 = tpu.memref_slice %dma_wait3A_236[%dma_wait3A_237] : memref<1024xi32, #tpu.memory_space<vmem>> -> memref<128xi32, #tpu.memory_space<vmem>>
        %dma_wait3A_239 = arith.constant 0 : i32
        %dma_wait3A_240 = arith.constant 0 : i32
        %dma_wait3A_241 = tpu.memref_slice %arg2[%dma_wait3A_239, %dma_wait3A_240] : memref<262144x16xf32, #tpu.memory_space<hbm>> -> memref<262144x16xf32, #tpu.memory_space<hbm>>
        tpu.wait_indirect_dma semaphore(%arg13 : memref<!tpu.dma_semaphore, #tpu.memory_space<semaphore_mem>>) src(%dma_wait3A_241 : memref<262144x16xf32, #tpu.memory_space<hbm>>) dst(%dma_wait3A_233 : memref<128x16xf32, #tpu.memory_space<vmem>>)
        %dma_wait3A_242 = arith.constant 1 : i32
        %dma_wait3A_243 = arith.constant 1 : i32
        %dma_wait3A_244 = arith.constant 0 : i32
        %dma_wait3A_245 = arith.constant 0 : i32
        %dma_wait3A_246 = tpu.memref_slice %arg10[%dma_wait3A_243, %dma_wait3A_244, %dma_wait3A_245] : memref<2x1024x16xf32, #tpu.memory_space<vmem>> -> memref<1x1024x16xf32, #tpu.memory_space<vmem>>
        %dma_wait3A_247 = tpu.memref_squeeze %dma_wait3A_246 : memref<1x1024x16xf32, #tpu.memory_space<vmem>> -> memref<1024x16xf32, #tpu.memory_space<vmem>>
        %dma_wait3A_248 = arith.constant 512 : i32
        %dma_wait3A_249 = arith.constant 0 : i32
        %dma_wait3A_250 = tpu.memref_slice %dma_wait3A_247[%dma_wait3A_248, %dma_wait3A_249] : memref<1024x16xf32, #tpu.memory_space<vmem>> -> memref<128x16xf32, #tpu.memory_space<vmem>>
        %dma_wait3A_251 = arith.constant 0 : i32
        %dma_wait3A_252 = tpu.memref_slice %arg8[%dma_wait3A_242, %dma_wait3A_251] : memref<2x1024xi32, #tpu.memory_space<vmem>> -> memref<1x1024xi32, #tpu.memory_space<vmem>>
        %dma_wait3A_253 = tpu.memref_squeeze %dma_wait3A_252 : memref<1x1024xi32, #tpu.memory_space<vmem>> -> memref<1024xi32, #tpu.memory_space<vmem>>
        %dma_wait3A_254 = arith.constant 512 : i32
        %dma_wait3A_255 = tpu.memref_slice %dma_wait3A_253[%dma_wait3A_254] : memref<1024xi32, #tpu.memory_space<vmem>> -> memref<128xi32, #tpu.memory_space<vmem>>
        %dma_wait3A_256 = arith.constant 0 : i32
        %dma_wait3A_257 = arith.constant 0 : i32
        %dma_wait3A_258 = tpu.memref_slice %arg2[%dma_wait3A_256, %dma_wait3A_257] : memref<262144x16xf32, #tpu.memory_space<hbm>> -> memref<262144x16xf32, #tpu.memory_space<hbm>>
        tpu.wait_indirect_dma semaphore(%arg13 : memref<!tpu.dma_semaphore, #tpu.memory_space<semaphore_mem>>) src(%dma_wait3A_258 : memref<262144x16xf32, #tpu.memory_space<hbm>>) dst(%dma_wait3A_250 : memref<128x16xf32, #tpu.memory_space<vmem>>)
        %dma_wait3A_259 = arith.constant 1 : i32
        %dma_wait3A_260 = arith.constant 1 : i32
        %dma_wait3A_261 = arith.constant 0 : i32
        %dma_wait3A_262 = arith.constant 0 : i32
        %dma_wait3A_263 = tpu.memref_slice %arg10[%dma_wait3A_260, %dma_wait3A_261, %dma_wait3A_262] : memref<2x1024x16xf32, #tpu.memory_space<vmem>> -> memref<1x1024x16xf32, #tpu.memory_space<vmem>>
        %dma_wait3A_264 = tpu.memref_squeeze %dma_wait3A_263 : memref<1x1024x16xf32, #tpu.memory_space<vmem>> -> memref<1024x16xf32, #tpu.memory_space<vmem>>
        %dma_wait3A_265 = arith.constant 640 : i32
        %dma_wait3A_266 = arith.constant 0 : i32
        %dma_wait3A_267 = tpu.memref_slice %dma_wait3A_264[%dma_wait3A_265, %dma_wait3A_266] : memref<1024x16xf32, #tpu.memory_space<vmem>> -> memref<128x16xf32, #tpu.memory_space<vmem>>
        %dma_wait3A_268 = arith.constant 0 : i32
        %dma_wait3A_269 = tpu.memref_slice %arg8[%dma_wait3A_259, %dma_wait3A_268] : memref<2x1024xi32, #tpu.memory_space<vmem>> -> memref<1x1024xi32, #tpu.memory_space<vmem>>
        %dma_wait3A_270 = tpu.memref_squeeze %dma_wait3A_269 : memref<1x1024xi32, #tpu.memory_space<vmem>> -> memref<1024xi32, #tpu.memory_space<vmem>>
        %dma_wait3A_271 = arith.constant 640 : i32
        %dma_wait3A_272 = tpu.memref_slice %dma_wait3A_270[%dma_wait3A_271] : memref<1024xi32, #tpu.memory_space<vmem>> -> memref<128xi32, #tpu.memory_space<vmem>>
        %dma_wait3A_273 = arith.constant 0 : i32
        %dma_wait3A_274 = arith.constant 0 : i32
        %dma_wait3A_275 = tpu.memref_slice %arg2[%dma_wait3A_273, %dma_wait3A_274] : memref<262144x16xf32, #tpu.memory_space<hbm>> -> memref<262144x16xf32, #tpu.memory_space<hbm>>
        tpu.wait_indirect_dma semaphore(%arg13 : memref<!tpu.dma_semaphore, #tpu.memory_space<semaphore_mem>>) src(%dma_wait3A_275 : memref<262144x16xf32, #tpu.memory_space<hbm>>) dst(%dma_wait3A_267 : memref<128x16xf32, #tpu.memory_space<vmem>>)
        %dma_wait3A_276 = arith.constant 1 : i32
        %dma_wait3A_277 = arith.constant 1 : i32
        %dma_wait3A_278 = arith.constant 0 : i32
        %dma_wait3A_279 = arith.constant 0 : i32
        %dma_wait3A_280 = tpu.memref_slice %arg10[%dma_wait3A_277, %dma_wait3A_278, %dma_wait3A_279] : memref<2x1024x16xf32, #tpu.memory_space<vmem>> -> memref<1x1024x16xf32, #tpu.memory_space<vmem>>
        %dma_wait3A_281 = tpu.memref_squeeze %dma_wait3A_280 : memref<1x1024x16xf32, #tpu.memory_space<vmem>> -> memref<1024x16xf32, #tpu.memory_space<vmem>>
        %dma_wait3A_282 = arith.constant 768 : i32
        %dma_wait3A_283 = arith.constant 0 : i32
        %dma_wait3A_284 = tpu.memref_slice %dma_wait3A_281[%dma_wait3A_282, %dma_wait3A_283] : memref<1024x16xf32, #tpu.memory_space<vmem>> -> memref<128x16xf32, #tpu.memory_space<vmem>>
        %dma_wait3A_285 = arith.constant 0 : i32
        %dma_wait3A_286 = tpu.memref_slice %arg8[%dma_wait3A_276, %dma_wait3A_285] : memref<2x1024xi32, #tpu.memory_space<vmem>> -> memref<1x1024xi32, #tpu.memory_space<vmem>>
        %dma_wait3A_287 = tpu.memref_squeeze %dma_wait3A_286 : memref<1x1024xi32, #tpu.memory_space<vmem>> -> memref<1024xi32, #tpu.memory_space<vmem>>
        %dma_wait3A_288 = arith.constant 768 : i32
        %dma_wait3A_289 = tpu.memref_slice %dma_wait3A_287[%dma_wait3A_288] : memref<1024xi32, #tpu.memory_space<vmem>> -> memref<128xi32, #tpu.memory_space<vmem>>
        %dma_wait3A_290 = arith.constant 0 : i32
        %dma_wait3A_291 = arith.constant 0 : i32
        %dma_wait3A_292 = tpu.memref_slice %arg2[%dma_wait3A_290, %dma_wait3A_291] : memref<262144x16xf32, #tpu.memory_space<hbm>> -> memref<262144x16xf32, #tpu.memory_space<hbm>>
        tpu.wait_indirect_dma semaphore(%arg13 : memref<!tpu.dma_semaphore, #tpu.memory_space<semaphore_mem>>) src(%dma_wait3A_292 : memref<262144x16xf32, #tpu.memory_space<hbm>>) dst(%dma_wait3A_284 : memref<128x16xf32, #tpu.memory_space<vmem>>)
        %dma_wait3A_293 = arith.constant 1 : i32
        %dma_wait3A_294 = arith.constant 1 : i32
        %dma_wait3A_295 = arith.constant 0 : i32
        %dma_wait3A_296 = arith.constant 0 : i32
        %dma_wait3A_297 = tpu.memref_slice %arg10[%dma_wait3A_294, %dma_wait3A_295, %dma_wait3A_296] : memref<2x1024x16xf32, #tpu.memory_space<vmem>> -> memref<1x1024x16xf32, #tpu.memory_space<vmem>>
        %dma_wait3A_298 = tpu.memref_squeeze %dma_wait3A_297 : memref<1x1024x16xf32, #tpu.memory_space<vmem>> -> memref<1024x16xf32, #tpu.memory_space<vmem>>
        %dma_wait3A_299 = arith.constant 896 : i32
        %dma_wait3A_300 = arith.constant 0 : i32
        %dma_wait3A_301 = tpu.memref_slice %dma_wait3A_298[%dma_wait3A_299, %dma_wait3A_300] : memref<1024x16xf32, #tpu.memory_space<vmem>> -> memref<128x16xf32, #tpu.memory_space<vmem>>
        %dma_wait3A_302 = arith.constant 0 : i32
        %dma_wait3A_303 = tpu.memref_slice %arg8[%dma_wait3A_293, %dma_wait3A_302] : memref<2x1024xi32, #tpu.memory_space<vmem>> -> memref<1x1024xi32, #tpu.memory_space<vmem>>
        %dma_wait3A_304 = tpu.memref_squeeze %dma_wait3A_303 : memref<1x1024xi32, #tpu.memory_space<vmem>> -> memref<1024xi32, #tpu.memory_space<vmem>>
        %dma_wait3A_305 = arith.constant 896 : i32
        %dma_wait3A_306 = tpu.memref_slice %dma_wait3A_304[%dma_wait3A_305] : memref<1024xi32, #tpu.memory_space<vmem>> -> memref<128xi32, #tpu.memory_space<vmem>>
        %dma_wait3A_307 = arith.constant 0 : i32
        %dma_wait3A_308 = arith.constant 0 : i32
        %dma_wait3A_309 = tpu.memref_slice %arg2[%dma_wait3A_307, %dma_wait3A_308] : memref<262144x16xf32, #tpu.memory_space<hbm>> -> memref<262144x16xf32, #tpu.memory_space<hbm>>
        tpu.wait_indirect_dma semaphore(%arg13 : memref<!tpu.dma_semaphore, #tpu.memory_space<semaphore_mem>>) src(%dma_wait3A_309 : memref<262144x16xf32, #tpu.memory_space<hbm>>) dst(%dma_wait3A_301 : memref<128x16xf32, #tpu.memory_space<vmem>>)
        %scan3A_310 = arith.constant 0 : i32
        %scan3A_311 = arith.constant 0 : i32
        %scan3A_312 = arith.constant 64 : i32
        %scan3A_313 = arith.addi %scan3A_311, %scan3A_312 : i32
        %scan3A_314 = arith.constant 1 : i32
        scf.for %scan3A_316 = %scan3A_311 to %scan3A_313 step %scan3A_314  : i32 {
          %mul3A_317 = arith.constant 16 : i32
          %mul3A_318 = arith.muli %scan3A_316, %mul3A_317 : i32
          %get3A = arith.constant 1 : i32
          %get3A_319 = arith.index_cast %get3A : i32 to index
          %get3A_320 = arith.index_cast %mul3A_318 : i32 to index
          %get3A_321 = tpu.vector_load %arg7[%get3A_319, %get3A_320] {strides = array<i32>} : memref<2x1024xi32, #tpu.memory_space<vmem>>, vector<1x16xi32>,
          %get3A_322 = vector.shape_cast %get3A_321 : vector<1x16xi32> to vector<16xi32>
          %get3A_323 = arith.constant 1 : i32
          %get3A_324 = arith.index_cast %get3A_323 : i32 to index
          %get3A_325 = arith.index_cast %mul3A_318 : i32 to index
          %get3A_326 = tpu.vector_load %arg9[%get3A_324, %get3A_325] {strides = array<i32>} : memref<2x1024xf32, #tpu.memory_space<vmem>>, vector<1x16xf32>,
          %get3A_327 = vector.shape_cast %get3A_326 : vector<1x16xf32> to vector<16xf32>
          %slice3A = vector.extract_strided_slice %get3A_322 {offsets = [0], sizes = [1], strides = [1]} : vector<16xi32> to vector<1xi32>
          %squeeze3A = vector.extract %slice3A[0] : i32 from vector<1xi32>
          %slice3A_328 = vector.extract_strided_slice %get3A_327 {offsets = [0], sizes = [1], strides = [1]} : vector<16xf32> to vector<1xf32>
          %squeeze3A_329 = vector.extract %slice3A_328[0] : f32 from vector<1xf32>
          %get3A_330 = arith.index_cast %squeeze3A : i32 to index
          %get3A_331 = arith.constant 0 : index
          %get3A_332 = tpu.vector_load %arg11[%get3A_330, %get3A_331] {strides = array<i32>} : memref<4096x16xf32, #tpu.memory_space<vmem>>, vector<1x16xf32>,
          %get3A_333 = vector.shape_cast %get3A_332 : vector<1x16xf32> to vector<16xf32>
          %add3A_334 = arith.constant 0 : i32
          %add3A_335 = arith.addi %mul3A_318, %add3A_334 : i32
          %get3A_336 = arith.constant 1 : i32
          %get3A_337 = arith.index_cast %get3A_336 : i32 to index
          %get3A_338 = arith.index_cast %add3A_335 : i32 to index
          %get3A_339 = arith.constant 0 : index
          %get3A_340 = tpu.vector_load %arg10[%get3A_337, %get3A_338, %get3A_339] {strides = array<i32>} : memref<2x1024x16xf32, #tpu.memory_space<vmem>>, vector<1x1x16xf32>,
          %get3A_341 = vector.shape_cast %get3A_340 : vector<1x1x16xf32> to vector<16xf32>
          %mul3A_342 = vector.broadcast %squeeze3A_329 : f32 to vector<16xf32>
          %mul3A_343 = arith.mulf %get3A_341, %mul3A_342 : vector<16xf32>
          %add3A_344 = arith.addf %get3A_333, %mul3A_343 : vector<16xf32>
          %swap3A = arith.index_cast %squeeze3A : i32 to index
          %swap3A_345 = arith.constant 0 : index
          %swap3A_346 = tpu.vector_load %arg11[%swap3A, %swap3A_345] {strides = array<i32>} : memref<4096x16xf32, #tpu.memory_space<vmem>>, vector<1x16xf32>,
          %swap3A_347 = vector.shape_cast %swap3A_346 : vector<1x16xf32> to vector<16xf32>
          %swap3A_348 = vector.shape_cast %add3A_344 : vector<16xf32> to vector<1x16xf32>
          tpu.vector_store %arg11[%swap3A, %swap3A_345], %swap3A_348 {strides = array<i32>} : memref<4096x16xf32, #tpu.memory_space<vmem>>, vector<1x16xf32>,
          %slice3A_349 = vector.extract_strided_slice %get3A_322 {offsets = [1], sizes = [1], strides = [1]} : vector<16xi32> to vector<1xi32>
          %squeeze3A_350 = vector.extract %slice3A_349[0] : i32 from vector<1xi32>
          %slice3A_351 = vector.extract_strided_slice %get3A_327 {offsets = [1], sizes = [1], strides = [1]} : vector<16xf32> to vector<1xf32>
          %squeeze3A_352 = vector.extract %slice3A_351[0] : f32 from vector<1xf32>
          %get3A_353 = arith.index_cast %squeeze3A_350 : i32 to index
          %get3A_354 = arith.constant 0 : index
          %get3A_355 = tpu.vector_load %arg11[%get3A_353, %get3A_354] {strides = array<i32>} : memref<4096x16xf32, #tpu.memory_space<vmem>>, vector<1x16xf32>,
          %get3A_356 = vector.shape_cast %get3A_355 : vector<1x16xf32> to vector<16xf32>
          %add3A_357 = arith.constant 1 : i32
          %add3A_358 = arith.addi %mul3A_318, %add3A_357 : i32
          %get3A_359 = arith.constant 1 : i32
          %get3A_360 = arith.index_cast %get3A_359 : i32 to index
          %get3A_361 = arith.index_cast %add3A_358 : i32 to index
          %get3A_362 = arith.constant 0 : index
          %get3A_363 = tpu.vector_load %arg10[%get3A_360, %get3A_361, %get3A_362] {strides = array<i32>} : memref<2x1024x16xf32, #tpu.memory_space<vmem>>, vector<1x1x16xf32>,
          %get3A_364 = vector.shape_cast %get3A_363 : vector<1x1x16xf32> to vector<16xf32>
          %mul3A_365 = vector.broadcast %squeeze3A_352 : f32 to vector<16xf32>
          %mul3A_366 = arith.mulf %get3A_364, %mul3A_365 : vector<16xf32>
          %add3A_367 = arith.addf %get3A_356, %mul3A_366 : vector<16xf32>
          %swap3A_368 = arith.index_cast %squeeze3A_350 : i32 to index
          %swap3A_369 = arith.constant 0 : index
          %swap3A_370 = tpu.vector_load %arg11[%swap3A_368, %swap3A_369] {strides = array<i32>} : memref<4096x16xf32, #tpu.memory_space<vmem>>, vector<1x16xf32>,
          %swap3A_371 = vector.shape_cast %swap3A_370 : vector<1x16xf32> to vector<16xf32>
          %swap3A_372 = vector.shape_cast %add3A_367 : vector<16xf32> to vector<1x16xf32>
          tpu.vector_store %arg11[%swap3A_368, %swap3A_369], %swap3A_372 {strides = array<i32>} : memref<4096x16xf32, #tpu.memory_space<vmem>>, vector<1x16xf32>,
          %slice3A_373 = vector.extract_strided_slice %get3A_322 {offsets = [2], sizes = [1], strides = [1]} : vector<16xi32> to vector<1xi32>
          %squeeze3A_374 = vector.extract %slice3A_373[0] : i32 from vector<1xi32>
          %slice3A_375 = vector.extract_strided_slice %get3A_327 {offsets = [2], sizes = [1], strides = [1]} : vector<16xf32> to vector<1xf32>
          %squeeze3A_376 = vector.extract %slice3A_375[0] : f32 from vector<1xf32>
          %get3A_377 = arith.index_cast %squeeze3A_374 : i32 to index
          %get3A_378 = arith.constant 0 : index
          %get3A_379 = tpu.vector_load %arg11[%get3A_377, %get3A_378] {strides = array<i32>} : memref<4096x16xf32, #tpu.memory_space<vmem>>, vector<1x16xf32>,
          %get3A_380 = vector.shape_cast %get3A_379 : vector<1x16xf32> to vector<16xf32>
          %add3A_381 = arith.constant 2 : i32
          %add3A_382 = arith.addi %mul3A_318, %add3A_381 : i32
          %get3A_383 = arith.constant 1 : i32
          %get3A_384 = arith.index_cast %get3A_383 : i32 to index
          %get3A_385 = arith.index_cast %add3A_382 : i32 to index
          %get3A_386 = arith.constant 0 : index
          %get3A_387 = tpu.vector_load %arg10[%get3A_384, %get3A_385, %get3A_386] {strides = array<i32>} : memref<2x1024x16xf32, #tpu.memory_space<vmem>>, vector<1x1x16xf32>,
          %get3A_388 = vector.shape_cast %get3A_387 : vector<1x1x16xf32> to vector<16xf32>
          %mul3A_389 = vector.broadcast %squeeze3A_376 : f32 to vector<16xf32>
          %mul3A_390 = arith.mulf %get3A_388, %mul3A_389 : vector<16xf32>
          %add3A_391 = arith.addf %get3A_380, %mul3A_390 : vector<16xf32>
          %swap3A_392 = arith.index_cast %squeeze3A_374 : i32 to index
          %swap3A_393 = arith.constant 0 : index
          %swap3A_394 = tpu.vector_load %arg11[%swap3A_392, %swap3A_393] {strides = array<i32>} : memref<4096x16xf32, #tpu.memory_space<vmem>>, vector<1x16xf32>,
          %swap3A_395 = vector.shape_cast %swap3A_394 : vector<1x16xf32> to vector<16xf32>
          %swap3A_396 = vector.shape_cast %add3A_391 : vector<16xf32> to vector<1x16xf32>
          tpu.vector_store %arg11[%swap3A_392, %swap3A_393], %swap3A_396 {strides = array<i32>} : memref<4096x16xf32, #tpu.memory_space<vmem>>, vector<1x16xf32>,
          %slice3A_397 = vector.extract_strided_slice %get3A_322 {offsets = [3], sizes = [1], strides = [1]} : vector<16xi32> to vector<1xi32>
          %squeeze3A_398 = vector.extract %slice3A_397[0] : i32 from vector<1xi32>
          %slice3A_399 = vector.extract_strided_slice %get3A_327 {offsets = [3], sizes = [1], strides = [1]} : vector<16xf32> to vector<1xf32>
          %squeeze3A_400 = vector.extract %slice3A_399[0] : f32 from vector<1xf32>
          %get3A_401 = arith.index_cast %squeeze3A_398 : i32 to index
          %get3A_402 = arith.constant 0 : index
          %get3A_403 = tpu.vector_load %arg11[%get3A_401, %get3A_402] {strides = array<i32>} : memref<4096x16xf32, #tpu.memory_space<vmem>>, vector<1x16xf32>,
          %get3A_404 = vector.shape_cast %get3A_403 : vector<1x16xf32> to vector<16xf32>
          %add3A_405 = arith.constant 3 : i32
          %add3A_406 = arith.addi %mul3A_318, %add3A_405 : i32
          %get3A_407 = arith.constant 1 : i32
          %get3A_408 = arith.index_cast %get3A_407 : i32 to index
          %get3A_409 = arith.index_cast %add3A_406 : i32 to index
          %get3A_410 = arith.constant 0 : index
          %get3A_411 = tpu.vector_load %arg10[%get3A_408, %get3A_409, %get3A_410] {strides = array<i32>} : memref<2x1024x16xf32, #tpu.memory_space<vmem>>, vector<1x1x16xf32>,
          %get3A_412 = vector.shape_cast %get3A_411 : vector<1x1x16xf32> to vector<16xf32>
          %mul3A_413 = vector.broadcast %squeeze3A_400 : f32 to vector<16xf32>
          %mul3A_414 = arith.mulf %get3A_412, %mul3A_413 : vector<16xf32>
          %add3A_415 = arith.addf %get3A_404, %mul3A_414 : vector<16xf32>
          %swap3A_416 = arith.index_cast %squeeze3A_398 : i32 to index
          %swap3A_417 = arith.constant 0 : index
          %swap3A_418 = tpu.vector_load %arg11[%swap3A_416, %swap3A_417] {strides = array<i32>} : memref<4096x16xf32, #tpu.memory_space<vmem>>, vector<1x16xf32>,
          %swap3A_419 = vector.shape_cast %swap3A_418 : vector<1x16xf32> to vector<16xf32>
          %swap3A_420 = vector.shape_cast %add3A_415 : vector<16xf32> to vector<1x16xf32>
          tpu.vector_store %arg11[%swap3A_416, %swap3A_417], %swap3A_420 {strides = array<i32>} : memref<4096x16xf32, #tpu.memory_space<vmem>>, vector<1x16xf32>,
          %slice3A_421 = vector.extract_strided_slice %get3A_322 {offsets = [4], sizes = [1], strides = [1]} : vector<16xi32> to vector<1xi32>
          %squeeze3A_422 = vector.extract %slice3A_421[0] : i32 from vector<1xi32>
          %slice3A_423 = vector.extract_strided_slice %get3A_327 {offsets = [4], sizes = [1], strides = [1]} : vector<16xf32> to vector<1xf32>
          %squeeze3A_424 = vector.extract %slice3A_423[0] : f32 from vector<1xf32>
          %get3A_425 = arith.index_cast %squeeze3A_422 : i32 to index
          %get3A_426 = arith.constant 0 : index
          %get3A_427 = tpu.vector_load %arg11[%get3A_425, %get3A_426] {strides = array<i32>} : memref<4096x16xf32, #tpu.memory_space<vmem>>, vector<1x16xf32>,
          %get3A_428 = vector.shape_cast %get3A_427 : vector<1x16xf32> to vector<16xf32>
          %add3A_429 = arith.constant 4 : i32
          %add3A_430 = arith.addi %mul3A_318, %add3A_429 : i32
          %get3A_431 = arith.constant 1 : i32
          %get3A_432 = arith.index_cast %get3A_431 : i32 to index
          %get3A_433 = arith.index_cast %add3A_430 : i32 to index
          %get3A_434 = arith.constant 0 : index
          %get3A_435 = tpu.vector_load %arg10[%get3A_432, %get3A_433, %get3A_434] {strides = array<i32>} : memref<2x1024x16xf32, #tpu.memory_space<vmem>>, vector<1x1x16xf32>,
          %get3A_436 = vector.shape_cast %get3A_435 : vector<1x1x16xf32> to vector<16xf32>
          %mul3A_437 = vector.broadcast %squeeze3A_424 : f32 to vector<16xf32>
          %mul3A_438 = arith.mulf %get3A_436, %mul3A_437 : vector<16xf32>
          %add3A_439 = arith.addf %get3A_428, %mul3A_438 : vector<16xf32>
          %swap3A_440 = arith.index_cast %squeeze3A_422 : i32 to index
          %swap3A_441 = arith.constant 0 : index
          %swap3A_442 = tpu.vector_load %arg11[%swap3A_440, %swap3A_441] {strides = array<i32>} : memref<4096x16xf32, #tpu.memory_space<vmem>>, vector<1x16xf32>,
          %swap3A_443 = vector.shape_cast %swap3A_442 : vector<1x16xf32> to vector<16xf32>
          %swap3A_444 = vector.shape_cast %add3A_439 : vector<16xf32> to vector<1x16xf32>
          tpu.vector_store %arg11[%swap3A_440, %swap3A_441], %swap3A_444 {strides = array<i32>} : memref<4096x16xf32, #tpu.memory_space<vmem>>, vector<1x16xf32>,
          %slice3A_445 = vector.extract_strided_slice %get3A_322 {offsets = [5], sizes = [1], strides = [1]} : vector<16xi32> to vector<1xi32>
          %squeeze3A_446 = vector.extract %slice3A_445[0] : i32 from vector<1xi32>
          %slice3A_447 = vector.extract_strided_slice %get3A_327 {offsets = [5], sizes = [1], strides = [1]} : vector<16xf32> to vector<1xf32>
          %squeeze3A_448 = vector.extract %slice3A_447[0] : f32 from vector<1xf32>
          %get3A_449 = arith.index_cast %squeeze3A_446 : i32 to index
          %get3A_450 = arith.constant 0 : index
          %get3A_451 = tpu.vector_load %arg11[%get3A_449, %get3A_450] {strides = array<i32>} : memref<4096x16xf32, #tpu.memory_space<vmem>>, vector<1x16xf32>,
          %get3A_452 = vector.shape_cast %get3A_451 : vector<1x16xf32> to vector<16xf32>
          %add3A_453 = arith.constant 5 : i32
          %add3A_454 = arith.addi %mul3A_318, %add3A_453 : i32
          %get3A_455 = arith.constant 1 : i32
          %get3A_456 = arith.index_cast %get3A_455 : i32 to index
          %get3A_457 = arith.index_cast %add3A_454 : i32 to index
          %get3A_458 = arith.constant 0 : index
          %get3A_459 = tpu.vector_load %arg10[%get3A_456, %get3A_457, %get3A_458] {strides = array<i32>} : memref<2x1024x16xf32, #tpu.memory_space<vmem>>, vector<1x1x16xf32>,
          %get3A_460 = vector.shape_cast %get3A_459 : vector<1x1x16xf32> to vector<16xf32>
          %mul3A_461 = vector.broadcast %squeeze3A_448 : f32 to vector<16xf32>
          %mul3A_462 = arith.mulf %get3A_460, %mul3A_461 : vector<16xf32>
          %add3A_463 = arith.addf %get3A_452, %mul3A_462 : vector<16xf32>
          %swap3A_464 = arith.index_cast %squeeze3A_446 : i32 to index
          %swap3A_465 = arith.constant 0 : index
          %swap3A_466 = tpu.vector_load %arg11[%swap3A_464, %swap3A_465] {strides = array<i32>} : memref<4096x16xf32, #tpu.memory_space<vmem>>, vector<1x16xf32>,
          %swap3A_467 = vector.shape_cast %swap3A_466 : vector<1x16xf32> to vector<16xf32>
          %swap3A_468 = vector.shape_cast %add3A_463 : vector<16xf32> to vector<1x16xf32>
          tpu.vector_store %arg11[%swap3A_464, %swap3A_465], %swap3A_468 {strides = array<i32>} : memref<4096x16xf32, #tpu.memory_space<vmem>>, vector<1x16xf32>,
          %slice3A_469 = vector.extract_strided_slice %get3A_322 {offsets = [6], sizes = [1], strides = [1]} : vector<16xi32> to vector<1xi32>
          %squeeze3A_470 = vector.extract %slice3A_469[0] : i32 from vector<1xi32>
          %slice3A_471 = vector.extract_strided_slice %get3A_327 {offsets = [6], sizes = [1], strides = [1]} : vector<16xf32> to vector<1xf32>
          %squeeze3A_472 = vector.extract %slice3A_471[0] : f32 from vector<1xf32>
          %get3A_473 = arith.index_cast %squeeze3A_470 : i32 to index
          %get3A_474 = arith.constant 0 : index
          %get3A_475 = tpu.vector_load %arg11[%get3A_473, %get3A_474] {strides = array<i32>} : memref<4096x16xf32, #tpu.memory_space<vmem>>, vector<1x16xf32>,
          %get3A_476 = vector.shape_cast %get3A_475 : vector<1x16xf32> to vector<16xf32>
          %add3A_477 = arith.constant 6 : i32
          %add3A_478 = arith.addi %mul3A_318, %add3A_477 : i32
          %get3A_479 = arith.constant 1 : i32
          %get3A_480 = arith.index_cast %get3A_479 : i32 to index
          %get3A_481 = arith.index_cast %add3A_478 : i32 to index
          %get3A_482 = arith.constant 0 : index
          %get3A_483 = tpu.vector_load %arg10[%get3A_480, %get3A_481, %get3A_482] {strides = array<i32>} : memref<2x1024x16xf32, #tpu.memory_space<vmem>>, vector<1x1x16xf32>,
          %get3A_484 = vector.shape_cast %get3A_483 : vector<1x1x16xf32> to vector<16xf32>
          %mul3A_485 = vector.broadcast %squeeze3A_472 : f32 to vector<16xf32>
          %mul3A_486 = arith.mulf %get3A_484, %mul3A_485 : vector<16xf32>
          %add3A_487 = arith.addf %get3A_476, %mul3A_486 : vector<16xf32>
          %swap3A_488 = arith.index_cast %squeeze3A_470 : i32 to index
          %swap3A_489 = arith.constant 0 : index
          %swap3A_490 = tpu.vector_load %arg11[%swap3A_488, %swap3A_489] {strides = array<i32>} : memref<4096x16xf32, #tpu.memory_space<vmem>>, vector<1x16xf32>,
          %swap3A_491 = vector.shape_cast %swap3A_490 : vector<1x16xf32> to vector<16xf32>
          %swap3A_492 = vector.shape_cast %add3A_487 : vector<16xf32> to vector<1x16xf32>
          tpu.vector_store %arg11[%swap3A_488, %swap3A_489], %swap3A_492 {strides = array<i32>} : memref<4096x16xf32, #tpu.memory_space<vmem>>, vector<1x16xf32>,
          %slice3A_493 = vector.extract_strided_slice %get3A_322 {offsets = [7], sizes = [1], strides = [1]} : vector<16xi32> to vector<1xi32>
          %squeeze3A_494 = vector.extract %slice3A_493[0] : i32 from vector<1xi32>
          %slice3A_495 = vector.extract_strided_slice %get3A_327 {offsets = [7], sizes = [1], strides = [1]} : vector<16xf32> to vector<1xf32>
          %squeeze3A_496 = vector.extract %slice3A_495[0] : f32 from vector<1xf32>
          %get3A_497 = arith.index_cast %squeeze3A_494 : i32 to index
          %get3A_498 = arith.constant 0 : index
          %get3A_499 = tpu.vector_load %arg11[%get3A_497, %get3A_498] {strides = array<i32>} : memref<4096x16xf32, #tpu.memory_space<vmem>>, vector<1x16xf32>,
          %get3A_500 = vector.shape_cast %get3A_499 : vector<1x16xf32> to vector<16xf32>
          %add3A_501 = arith.constant 7 : i32
          %add3A_502 = arith.addi %mul3A_318, %add3A_501 : i32
          %get3A_503 = arith.constant 1 : i32
          %get3A_504 = arith.index_cast %get3A_503 : i32 to index
          %get3A_505 = arith.index_cast %add3A_502 : i32 to index
          %get3A_506 = arith.constant 0 : index
          %get3A_507 = tpu.vector_load %arg10[%get3A_504, %get3A_505, %get3A_506] {strides = array<i32>} : memref<2x1024x16xf32, #tpu.memory_space<vmem>>, vector<1x1x16xf32>,
          %get3A_508 = vector.shape_cast %get3A_507 : vector<1x1x16xf32> to vector<16xf32>
          %mul3A_509 = vector.broadcast %squeeze3A_496 : f32 to vector<16xf32>
          %mul3A_510 = arith.mulf %get3A_508, %mul3A_509 : vector<16xf32>
          %add3A_511 = arith.addf %get3A_500, %mul3A_510 : vector<16xf32>
          %swap3A_512 = arith.index_cast %squeeze3A_494 : i32 to index
          %swap3A_513 = arith.constant 0 : index
          %swap3A_514 = tpu.vector_load %arg11[%swap3A_512, %swap3A_513] {strides = array<i32>} : memref<4096x16xf32, #tpu.memory_space<vmem>>, vector<1x16xf32>,
          %swap3A_515 = vector.shape_cast %swap3A_514 : vector<1x16xf32> to vector<16xf32>
          %swap3A_516 = vector.shape_cast %add3A_511 : vector<16xf32> to vector<1x16xf32>
          tpu.vector_store %arg11[%swap3A_512, %swap3A_513], %swap3A_516 {strides = array<i32>} : memref<4096x16xf32, #tpu.memory_space<vmem>>, vector<1x16xf32>,
          %slice3A_517 = vector.extract_strided_slice %get3A_322 {offsets = [8], sizes = [1], strides = [1]} : vector<16xi32> to vector<1xi32>
          %squeeze3A_518 = vector.extract %slice3A_517[0] : i32 from vector<1xi32>
          %slice3A_519 = vector.extract_strided_slice %get3A_327 {offsets = [8], sizes = [1], strides = [1]} : vector<16xf32> to vector<1xf32>
          %squeeze3A_520 = vector.extract %slice3A_519[0] : f32 from vector<1xf32>
          %get3A_521 = arith.index_cast %squeeze3A_518 : i32 to index
          %get3A_522 = arith.constant 0 : index
          %get3A_523 = tpu.vector_load %arg11[%get3A_521, %get3A_522] {strides = array<i32>} : memref<4096x16xf32, #tpu.memory_space<vmem>>, vector<1x16xf32>,
          %get3A_524 = vector.shape_cast %get3A_523 : vector<1x16xf32> to vector<16xf32>
          %add3A_525 = arith.constant 8 : i32
          %add3A_526 = arith.addi %mul3A_318, %add3A_525 : i32
          %get3A_527 = arith.constant 1 : i32
          %get3A_528 = arith.index_cast %get3A_527 : i32 to index
          %get3A_529 = arith.index_cast %add3A_526 : i32 to index
          %get3A_530 = arith.constant 0 : index
          %get3A_531 = tpu.vector_load %arg10[%get3A_528, %get3A_529, %get3A_530] {strides = array<i32>} : memref<2x1024x16xf32, #tpu.memory_space<vmem>>, vector<1x1x16xf32>,
          %get3A_532 = vector.shape_cast %get3A_531 : vector<1x1x16xf32> to vector<16xf32>
          %mul3A_533 = vector.broadcast %squeeze3A_520 : f32 to vector<16xf32>
          %mul3A_534 = arith.mulf %get3A_532, %mul3A_533 : vector<16xf32>
          %add3A_535 = arith.addf %get3A_524, %mul3A_534 : vector<16xf32>
          %swap3A_536 = arith.index_cast %squeeze3A_518 : i32 to index
          %swap3A_537 = arith.constant 0 : index
          %swap3A_538 = tpu.vector_load %arg11[%swap3A_536, %swap3A_537] {strides = array<i32>} : memref<4096x16xf32, #tpu.memory_space<vmem>>, vector<1x16xf32>,
          %swap3A_539 = vector.shape_cast %swap3A_538 : vector<1x16xf32> to vector<16xf32>
          %swap3A_540 = vector.shape_cast %add3A_535 : vector<16xf32> to vector<1x16xf32>
          tpu.vector_store %arg11[%swap3A_536, %swap3A_537], %swap3A_540 {strides = array<i32>} : memref<4096x16xf32, #tpu.memory_space<vmem>>, vector<1x16xf32>,
          %slice3A_541 = vector.extract_strided_slice %get3A_322 {offsets = [9], sizes = [1], strides = [1]} : vector<16xi32> to vector<1xi32>
          %squeeze3A_542 = vector.extract %slice3A_541[0] : i32 from vector<1xi32>
          %slice3A_543 = vector.extract_strided_slice %get3A_327 {offsets = [9], sizes = [1], strides = [1]} : vector<16xf32> to vector<1xf32>
          %squeeze3A_544 = vector.extract %slice3A_543[0] : f32 from vector<1xf32>
          %get3A_545 = arith.index_cast %squeeze3A_542 : i32 to index
          %get3A_546 = arith.constant 0 : index
          %get3A_547 = tpu.vector_load %arg11[%get3A_545, %get3A_546] {strides = array<i32>} : memref<4096x16xf32, #tpu.memory_space<vmem>>, vector<1x16xf32>,
          %get3A_548 = vector.shape_cast %get3A_547 : vector<1x16xf32> to vector<16xf32>
          %add3A_549 = arith.constant 9 : i32
          %add3A_550 = arith.addi %mul3A_318, %add3A_549 : i32
          %get3A_551 = arith.constant 1 : i32
          %get3A_552 = arith.index_cast %get3A_551 : i32 to index
          %get3A_553 = arith.index_cast %add3A_550 : i32 to index
          %get3A_554 = arith.constant 0 : index
          %get3A_555 = tpu.vector_load %arg10[%get3A_552, %get3A_553, %get3A_554] {strides = array<i32>} : memref<2x1024x16xf32, #tpu.memory_space<vmem>>, vector<1x1x16xf32>,
          %get3A_556 = vector.shape_cast %get3A_555 : vector<1x1x16xf32> to vector<16xf32>
          %mul3A_557 = vector.broadcast %squeeze3A_544 : f32 to vector<16xf32>
          %mul3A_558 = arith.mulf %get3A_556, %mul3A_557 : vector<16xf32>
          %add3A_559 = arith.addf %get3A_548, %mul3A_558 : vector<16xf32>
          %swap3A_560 = arith.index_cast %squeeze3A_542 : i32 to index
          %swap3A_561 = arith.constant 0 : index
          %swap3A_562 = tpu.vector_load %arg11[%swap3A_560, %swap3A_561] {strides = array<i32>} : memref<4096x16xf32, #tpu.memory_space<vmem>>, vector<1x16xf32>,
          %swap3A_563 = vector.shape_cast %swap3A_562 : vector<1x16xf32> to vector<16xf32>
          %swap3A_564 = vector.shape_cast %add3A_559 : vector<16xf32> to vector<1x16xf32>
          tpu.vector_store %arg11[%swap3A_560, %swap3A_561], %swap3A_564 {strides = array<i32>} : memref<4096x16xf32, #tpu.memory_space<vmem>>, vector<1x16xf32>,
          %slice3A_565 = vector.extract_strided_slice %get3A_322 {offsets = [10], sizes = [1], strides = [1]} : vector<16xi32> to vector<1xi32>
          %squeeze3A_566 = vector.extract %slice3A_565[0] : i32 from vector<1xi32>
          %slice3A_567 = vector.extract_strided_slice %get3A_327 {offsets = [10], sizes = [1], strides = [1]} : vector<16xf32> to vector<1xf32>
          %squeeze3A_568 = vector.extract %slice3A_567[0] : f32 from vector<1xf32>
          %get3A_569 = arith.index_cast %squeeze3A_566 : i32 to index
          %get3A_570 = arith.constant 0 : index
          %get3A_571 = tpu.vector_load %arg11[%get3A_569, %get3A_570] {strides = array<i32>} : memref<4096x16xf32, #tpu.memory_space<vmem>>, vector<1x16xf32>,
          %get3A_572 = vector.shape_cast %get3A_571 : vector<1x16xf32> to vector<16xf32>
          %add3A_573 = arith.constant 10 : i32
          %add3A_574 = arith.addi %mul3A_318, %add3A_573 : i32
          %get3A_575 = arith.constant 1 : i32
          %get3A_576 = arith.index_cast %get3A_575 : i32 to index
          %get3A_577 = arith.index_cast %add3A_574 : i32 to index
          %get3A_578 = arith.constant 0 : index
          %get3A_579 = tpu.vector_load %arg10[%get3A_576, %get3A_577, %get3A_578] {strides = array<i32>} : memref<2x1024x16xf32, #tpu.memory_space<vmem>>, vector<1x1x16xf32>,
          %get3A_580 = vector.shape_cast %get3A_579 : vector<1x1x16xf32> to vector<16xf32>
          %mul3A_581 = vector.broadcast %squeeze3A_568 : f32 to vector<16xf32>
          %mul3A_582 = arith.mulf %get3A_580, %mul3A_581 : vector<16xf32>
          %add3A_583 = arith.addf %get3A_572, %mul3A_582 : vector<16xf32>
          %swap3A_584 = arith.index_cast %squeeze3A_566 : i32 to index
          %swap3A_585 = arith.constant 0 : index
          %swap3A_586 = tpu.vector_load %arg11[%swap3A_584, %swap3A_585] {strides = array<i32>} : memref<4096x16xf32, #tpu.memory_space<vmem>>, vector<1x16xf32>,
          %swap3A_587 = vector.shape_cast %swap3A_586 : vector<1x16xf32> to vector<16xf32>
          %swap3A_588 = vector.shape_cast %add3A_583 : vector<16xf32> to vector<1x16xf32>
          tpu.vector_store %arg11[%swap3A_584, %swap3A_585], %swap3A_588 {strides = array<i32>} : memref<4096x16xf32, #tpu.memory_space<vmem>>, vector<1x16xf32>,
          %slice3A_589 = vector.extract_strided_slice %get3A_322 {offsets = [11], sizes = [1], strides = [1]} : vector<16xi32> to vector<1xi32>
          %squeeze3A_590 = vector.extract %slice3A_589[0] : i32 from vector<1xi32>
          %slice3A_591 = vector.extract_strided_slice %get3A_327 {offsets = [11], sizes = [1], strides = [1]} : vector<16xf32> to vector<1xf32>
          %squeeze3A_592 = vector.extract %slice3A_591[0] : f32 from vector<1xf32>
          %get3A_593 = arith.index_cast %squeeze3A_590 : i32 to index
          %get3A_594 = arith.constant 0 : index
          %get3A_595 = tpu.vector_load %arg11[%get3A_593, %get3A_594] {strides = array<i32>} : memref<4096x16xf32, #tpu.memory_space<vmem>>, vector<1x16xf32>,
          %get3A_596 = vector.shape_cast %get3A_595 : vector<1x16xf32> to vector<16xf32>
          %add3A_597 = arith.constant 11 : i32
          %add3A_598 = arith.addi %mul3A_318, %add3A_597 : i32
          %get3A_599 = arith.constant 1 : i32
          %get3A_600 = arith.index_cast %get3A_599 : i32 to index
          %get3A_601 = arith.index_cast %add3A_598 : i32 to index
          %get3A_602 = arith.constant 0 : index
          %get3A_603 = tpu.vector_load %arg10[%get3A_600, %get3A_601, %get3A_602] {strides = array<i32>} : memref<2x1024x16xf32, #tpu.memory_space<vmem>>, vector<1x1x16xf32>,
          %get3A_604 = vector.shape_cast %get3A_603 : vector<1x1x16xf32> to vector<16xf32>
          %mul3A_605 = vector.broadcast %squeeze3A_592 : f32 to vector<16xf32>
          %mul3A_606 = arith.mulf %get3A_604, %mul3A_605 : vector<16xf32>
          %add3A_607 = arith.addf %get3A_596, %mul3A_606 : vector<16xf32>
          %swap3A_608 = arith.index_cast %squeeze3A_590 : i32 to index
          %swap3A_609 = arith.constant 0 : index
          %swap3A_610 = tpu.vector_load %arg11[%swap3A_608, %swap3A_609] {strides = array<i32>} : memref<4096x16xf32, #tpu.memory_space<vmem>>, vector<1x16xf32>,
          %swap3A_611 = vector.shape_cast %swap3A_610 : vector<1x16xf32> to vector<16xf32>
          %swap3A_612 = vector.shape_cast %add3A_607 : vector<16xf32> to vector<1x16xf32>
          tpu.vector_store %arg11[%swap3A_608, %swap3A_609], %swap3A_612 {strides = array<i32>} : memref<4096x16xf32, #tpu.memory_space<vmem>>, vector<1x16xf32>,
          %slice3A_613 = vector.extract_strided_slice %get3A_322 {offsets = [12], sizes = [1], strides = [1]} : vector<16xi32> to vector<1xi32>
          %squeeze3A_614 = vector.extract %slice3A_613[0] : i32 from vector<1xi32>
          %slice3A_615 = vector.extract_strided_slice %get3A_327 {offsets = [12], sizes = [1], strides = [1]} : vector<16xf32> to vector<1xf32>
          %squeeze3A_616 = vector.extract %slice3A_615[0] : f32 from vector<1xf32>
          %get3A_617 = arith.index_cast %squeeze3A_614 : i32 to index
          %get3A_618 = arith.constant 0 : index
          %get3A_619 = tpu.vector_load %arg11[%get3A_617, %get3A_618] {strides = array<i32>} : memref<4096x16xf32, #tpu.memory_space<vmem>>, vector<1x16xf32>,
          %get3A_620 = vector.shape_cast %get3A_619 : vector<1x16xf32> to vector<16xf32>
          %add3A_621 = arith.constant 12 : i32
          %add3A_622 = arith.addi %mul3A_318, %add3A_621 : i32
          %get3A_623 = arith.constant 1 : i32
          %get3A_624 = arith.index_cast %get3A_623 : i32 to index
          %get3A_625 = arith.index_cast %add3A_622 : i32 to index
          %get3A_626 = arith.constant 0 : index
          %get3A_627 = tpu.vector_load %arg10[%get3A_624, %get3A_625, %get3A_626] {strides = array<i32>} : memref<2x1024x16xf32, #tpu.memory_space<vmem>>, vector<1x1x16xf32>,
          %get3A_628 = vector.shape_cast %get3A_627 : vector<1x1x16xf32> to vector<16xf32>
          %mul3A_629 = vector.broadcast %squeeze3A_616 : f32 to vector<16xf32>
          %mul3A_630 = arith.mulf %get3A_628, %mul3A_629 : vector<16xf32>
          %add3A_631 = arith.addf %get3A_620, %mul3A_630 : vector<16xf32>
          %swap3A_632 = arith.index_cast %squeeze3A_614 : i32 to index
          %swap3A_633 = arith.constant 0 : index
          %swap3A_634 = tpu.vector_load %arg11[%swap3A_632, %swap3A_633] {strides = array<i32>} : memref<4096x16xf32, #tpu.memory_space<vmem>>, vector<1x16xf32>,
          %swap3A_635 = vector.shape_cast %swap3A_634 : vector<1x16xf32> to vector<16xf32>
          %swap3A_636 = vector.shape_cast %add3A_631 : vector<16xf32> to vector<1x16xf32>
          tpu.vector_store %arg11[%swap3A_632, %swap3A_633], %swap3A_636 {strides = array<i32>} : memref<4096x16xf32, #tpu.memory_space<vmem>>, vector<1x16xf32>,
          %slice3A_637 = vector.extract_strided_slice %get3A_322 {offsets = [13], sizes = [1], strides = [1]} : vector<16xi32> to vector<1xi32>
          %squeeze3A_638 = vector.extract %slice3A_637[0] : i32 from vector<1xi32>
          %slice3A_639 = vector.extract_strided_slice %get3A_327 {offsets = [13], sizes = [1], strides = [1]} : vector<16xf32> to vector<1xf32>
          %squeeze3A_640 = vector.extract %slice3A_639[0] : f32 from vector<1xf32>
          %get3A_641 = arith.index_cast %squeeze3A_638 : i32 to index
          %get3A_642 = arith.constant 0 : index
          %get3A_643 = tpu.vector_load %arg11[%get3A_641, %get3A_642] {strides = array<i32>} : memref<4096x16xf32, #tpu.memory_space<vmem>>, vector<1x16xf32>,
          %get3A_644 = vector.shape_cast %get3A_643 : vector<1x16xf32> to vector<16xf32>
          %add3A_645 = arith.constant 13 : i32
          %add3A_646 = arith.addi %mul3A_318, %add3A_645 : i32
          %get3A_647 = arith.constant 1 : i32
          %get3A_648 = arith.index_cast %get3A_647 : i32 to index
          %get3A_649 = arith.index_cast %add3A_646 : i32 to index
          %get3A_650 = arith.constant 0 : index
          %get3A_651 = tpu.vector_load %arg10[%get3A_648, %get3A_649, %get3A_650] {strides = array<i32>} : memref<2x1024x16xf32, #tpu.memory_space<vmem>>, vector<1x1x16xf32>,
          %get3A_652 = vector.shape_cast %get3A_651 : vector<1x1x16xf32> to vector<16xf32>
          %mul3A_653 = vector.broadcast %squeeze3A_640 : f32 to vector<16xf32>
          %mul3A_654 = arith.mulf %get3A_652, %mul3A_653 : vector<16xf32>
          %add3A_655 = arith.addf %get3A_644, %mul3A_654 : vector<16xf32>
          %swap3A_656 = arith.index_cast %squeeze3A_638 : i32 to index
          %swap3A_657 = arith.constant 0 : index
          %swap3A_658 = tpu.vector_load %arg11[%swap3A_656, %swap3A_657] {strides = array<i32>} : memref<4096x16xf32, #tpu.memory_space<vmem>>, vector<1x16xf32>,
          %swap3A_659 = vector.shape_cast %swap3A_658 : vector<1x16xf32> to vector<16xf32>
          %swap3A_660 = vector.shape_cast %add3A_655 : vector<16xf32> to vector<1x16xf32>
          tpu.vector_store %arg11[%swap3A_656, %swap3A_657], %swap3A_660 {strides = array<i32>} : memref<4096x16xf32, #tpu.memory_space<vmem>>, vector<1x16xf32>,
          %slice3A_661 = vector.extract_strided_slice %get3A_322 {offsets = [14], sizes = [1], strides = [1]} : vector<16xi32> to vector<1xi32>
          %squeeze3A_662 = vector.extract %slice3A_661[0] : i32 from vector<1xi32>
          %slice3A_663 = vector.extract_strided_slice %get3A_327 {offsets = [14], sizes = [1], strides = [1]} : vector<16xf32> to vector<1xf32>
          %squeeze3A_664 = vector.extract %slice3A_663[0] : f32 from vector<1xf32>
          %get3A_665 = arith.index_cast %squeeze3A_662 : i32 to index
          %get3A_666 = arith.constant 0 : index
          %get3A_667 = tpu.vector_load %arg11[%get3A_665, %get3A_666] {strides = array<i32>} : memref<4096x16xf32, #tpu.memory_space<vmem>>, vector<1x16xf32>,
          %get3A_668 = vector.shape_cast %get3A_667 : vector<1x16xf32> to vector<16xf32>
          %add3A_669 = arith.constant 14 : i32
          %add3A_670 = arith.addi %mul3A_318, %add3A_669 : i32
          %get3A_671 = arith.constant 1 : i32
          %get3A_672 = arith.index_cast %get3A_671 : i32 to index
          %get3A_673 = arith.index_cast %add3A_670 : i32 to index
          %get3A_674 = arith.constant 0 : index
          %get3A_675 = tpu.vector_load %arg10[%get3A_672, %get3A_673, %get3A_674] {strides = array<i32>} : memref<2x1024x16xf32, #tpu.memory_space<vmem>>, vector<1x1x16xf32>,
          %get3A_676 = vector.shape_cast %get3A_675 : vector<1x1x16xf32> to vector<16xf32>
          %mul3A_677 = vector.broadcast %squeeze3A_664 : f32 to vector<16xf32>
          %mul3A_678 = arith.mulf %get3A_676, %mul3A_677 : vector<16xf32>
          %add3A_679 = arith.addf %get3A_668, %mul3A_678 : vector<16xf32>
          %swap3A_680 = arith.index_cast %squeeze3A_662 : i32 to index
          %swap3A_681 = arith.constant 0 : index
          %swap3A_682 = tpu.vector_load %arg11[%swap3A_680, %swap3A_681] {strides = array<i32>} : memref<4096x16xf32, #tpu.memory_space<vmem>>, vector<1x16xf32>,
          %swap3A_683 = vector.shape_cast %swap3A_682 : vector<1x16xf32> to vector<16xf32>
          %swap3A_684 = vector.shape_cast %add3A_679 : vector<16xf32> to vector<1x16xf32>
          tpu.vector_store %arg11[%swap3A_680, %swap3A_681], %swap3A_684 {strides = array<i32>} : memref<4096x16xf32, #tpu.memory_space<vmem>>, vector<1x16xf32>,
          %slice3A_685 = vector.extract_strided_slice %get3A_322 {offsets = [15], sizes = [1], strides = [1]} : vector<16xi32> to vector<1xi32>
          %squeeze3A_686 = vector.extract %slice3A_685[0] : i32 from vector<1xi32>
          %slice3A_687 = vector.extract_strided_slice %get3A_327 {offsets = [15], sizes = [1], strides = [1]} : vector<16xf32> to vector<1xf32>
          %squeeze3A_688 = vector.extract %slice3A_687[0] : f32 from vector<1xf32>
          %get3A_689 = arith.index_cast %squeeze3A_686 : i32 to index
          %get3A_690 = arith.constant 0 : index
          %get3A_691 = tpu.vector_load %arg11[%get3A_689, %get3A_690] {strides = array<i32>} : memref<4096x16xf32, #tpu.memory_space<vmem>>, vector<1x16xf32>,
          %get3A_692 = vector.shape_cast %get3A_691 : vector<1x16xf32> to vector<16xf32>
          %add3A_693 = arith.constant 15 : i32
          %add3A_694 = arith.addi %mul3A_318, %add3A_693 : i32
          %get3A_695 = arith.constant 1 : i32
          %get3A_696 = arith.index_cast %get3A_695 : i32 to index
          %get3A_697 = arith.index_cast %add3A_694 : i32 to index
          %get3A_698 = arith.constant 0 : index
          %get3A_699 = tpu.vector_load %arg10[%get3A_696, %get3A_697, %get3A_698] {strides = array<i32>} : memref<2x1024x16xf32, #tpu.memory_space<vmem>>, vector<1x1x16xf32>,
          %get3A_700 = vector.shape_cast %get3A_699 : vector<1x1x16xf32> to vector<16xf32>
          %mul3A_701 = vector.broadcast %squeeze3A_688 : f32 to vector<16xf32>
          %mul3A_702 = arith.mulf %get3A_700, %mul3A_701 : vector<16xf32>
          %add3A_703 = arith.addf %get3A_692, %mul3A_702 : vector<16xf32>
          %swap3A_704 = arith.index_cast %squeeze3A_686 : i32 to index
          %swap3A_705 = arith.constant 0 : index
          %swap3A_706 = tpu.vector_load %arg11[%swap3A_704, %swap3A_705] {strides = array<i32>} : memref<4096x16xf32, #tpu.memory_space<vmem>>, vector<1x16xf32>,
          %swap3A_707 = vector.shape_cast %swap3A_706 : vector<1x16xf32> to vector<16xf32>
          %swap3A_708 = vector.shape_cast %add3A_703 : vector<16xf32> to vector<1x16xf32>
          tpu.vector_store %arg11[%swap3A_704, %swap3A_705], %swap3A_708 {strides = array<i32>} : memref<4096x16xf32, #tpu.memory_space<vmem>>, vector<1x16xf32>,
        }
        %scan3A_315 = arith.constant 64 : i32
      } else {
      }
    }
    %scan3A_157 = arith.constant 64 : i32
    "tpu.region"() ({
      %run_scoped3A_158 = tpu.sem_alloc : memref<!tpu.dma_semaphore, #tpu.memory_space<semaphore_mem>>
      %dma_start3A_159 = arith.constant 0 : i32
      %dma_start3A_160 = arith.constant 0 : i32
      %dma_start3A_161 = tpu.memref_slice %arg6[%arg0, %arg1, %dma_start3A_159, %dma_start3A_160] : memref<2x16x4096x16xf32, #tpu.memory_space<hbm>> -> memref<1x1x4096x16xf32, #tpu.memory_space<hbm>>
      %dma_start3A_162 = tpu.memref_squeeze %dma_start3A_161 : memref<1x1x4096x16xf32, #tpu.memory_space<hbm>> -> memref<4096x16xf32, #tpu.memory_space<hbm>>
      %dma_start3A_163 = arith.constant 0 : i32
      %dma_start3A_164 = arith.constant 0 : i32
      %dma_start3A_165 = tpu.memref_slice %arg6[%arg0, %arg1, %dma_start3A_163, %dma_start3A_164] : memref<2x16x4096x16xf32, #tpu.memory_space<hbm>> -> memref<1x1x4096x16xf32, #tpu.memory_space<hbm>>
      %dma_start3A_166 = tpu.memref_squeeze %dma_start3A_165 : memref<1x1x4096x16xf32, #tpu.memory_space<hbm>> -> memref<4096x16xf32, #tpu.memory_space<hbm>>
      tpu.enqueue_dma source(%arg11 : memref<4096x16xf32, #tpu.memory_space<vmem>>) target(%dma_start3A_166 : memref<4096x16xf32, #tpu.memory_space<hbm>>) target_semaphore(%run_scoped3A_158 : memref<!tpu.dma_semaphore, #tpu.memory_space<semaphore_mem>>)
      %dma_wait3A = arith.constant 0 : i32
      %dma_wait3A_167 = arith.constant 0 : i32
      %dma_wait3A_168 = tpu.memref_slice %arg6[%arg0, %arg1, %dma_wait3A, %dma_wait3A_167] : memref<2x16x4096x16xf32, #tpu.memory_space<hbm>> -> memref<1x1x4096x16xf32, #tpu.memory_space<hbm>>
      %dma_wait3A_169 = tpu.memref_squeeze %dma_wait3A_168 : memref<1x1x4096x16xf32, #tpu.memory_space<hbm>> -> memref<4096x16xf32, #tpu.memory_space<hbm>>
      %dma_wait3A_170 = arith.constant 0 : i32
      %dma_wait3A_171 = arith.constant 0 : i32
      %dma_wait3A_172 = tpu.memref_slice %arg6[%arg0, %arg1, %dma_wait3A_170, %dma_wait3A_171] : memref<2x16x4096x16xf32, #tpu.memory_space<hbm>> -> memref<1x1x4096x16xf32, #tpu.memory_space<hbm>>
      %dma_wait3A_173 = tpu.memref_squeeze %dma_wait3A_172 : memref<1x1x4096x16xf32, #tpu.memory_space<hbm>> -> memref<4096x16xf32, #tpu.memory_space<hbm>>
      tpu.wait_dma2 semaphore(%run_scoped3A_158 : memref<!tpu.dma_semaphore, #tpu.memory_space<semaphore_mem>>) src(%arg11 : memref<4096x16xf32, #tpu.memory_space<vmem>>) dst(%dma_wait3A_173 : memref<4096x16xf32, #tpu.memory_space<hbm>>)
      tpu.yield
    }) : () -> ()
    return
  }
}

module attributes {stable_mosaic.version = 14 : i64} {
  func.func @body(%arg0: i32, %arg1: i32, %arg2: memref<2x1x512x16xf32, #tpu.memory_space<vmem>>, %arg3: memref<1x512xf32, #tpu.memory_space<vmem>>, %arg4: memref<1x512x16xf32, #tpu.memory_space<vmem>>) attributes {dimension_semantics = [#tpu.dimension_semantics<arbitrary>, #tpu.dimension_semantics<arbitrary>], iteration_bounds = array<i64: 16, 8>, scalar_prefetch = 0 : i64, scratch_operands = 0 : i64, tpu.core_type = #tpu.core_type<tc>, window_params = [{transform_indices = @transform_0, window_bounds = array<i64: 2, 1, 512, 16>}, {transform_indices = @transform_1, window_bounds = array<i64: 1, 512>}, {transform_indices = @transform_2, window_bounds = array<i64: 1, 512, 16>}]} {
    %get3A = arith.constant 0 : index
    %get3A_0 = arith.constant 0 : index
    %get3A_1 = arith.constant 0 : index
    %get3A_2 = arith.constant 0 : index
    %get3A_3 = vector.load %arg2[%get3A, %get3A_0, %get3A_1, %get3A_2] : memref<2x1x512x16xf32, #tpu.memory_space<vmem>>, vector<1x1x512x16xf32>
    %get3A_4 = vector.shape_cast %get3A_3 : vector<1x1x512x16xf32> to vector<1x512x16xf32>
    %get3A_5 = arith.constant 1 : index
    %get3A_6 = arith.constant 0 : index
    %get3A_7 = arith.constant 0 : index
    %get3A_8 = arith.constant 0 : index
    %get3A_9 = vector.load %arg2[%get3A_5, %get3A_6, %get3A_7, %get3A_8] : memref<2x1x512x16xf32, #tpu.memory_space<vmem>>, vector<1x1x512x16xf32>
    %get3A_10 = vector.shape_cast %get3A_9 : vector<1x1x512x16xf32> to vector<1x512x16xf32>
    %add3A = arith.addf %get3A_4, %get3A_10 : vector<1x512x16xf32>
    %get3A_11 = arith.constant 0 : index
    %get3A_12 = arith.constant 0 : index
    %get3A_13 = vector.load %arg3[%get3A_11, %get3A_12] : memref<1x512xf32, #tpu.memory_space<vmem>>, vector<1x512xf32>
    %get3A_14 = vector.shape_cast %get3A_13 : vector<1x512xf32> to vector<512xf32>
    %broadcast_in_dim3A = vector.shape_cast %get3A_14 : vector<512xf32> to vector<512x1xf32>
    %broadcast_in_dim3A_15 = vector.shape_cast %broadcast_in_dim3A : vector<512x1xf32> to vector<1x512x1xf32>
    %add3A_16 = vector.broadcast %broadcast_in_dim3A_15 : vector<1x512x1xf32> to vector<1x512x16xf32>
    %add3A_17 = arith.addf %add3A, %add3A_16 : vector<1x512x16xf32>
    %logistic3A = arith.negf %add3A_17 : vector<1x512x16xf32>
    %logistic3A_18 = math.exp %logistic3A : vector<1x512x16xf32>
    %logistic3A_19 = arith.constant 1.000000e+00 : f32
    %logistic3A_20 = vector.broadcast %logistic3A_19 : f32 to vector<1x512x16xf32>
    %logistic3A_21 = arith.addf %logistic3A_20, %logistic3A_18 : vector<1x512x16xf32>
    %logistic3A_22 = arith.divf %logistic3A_20, %logistic3A_21 : vector<1x512x16xf32>
    %swap3A = arith.constant 0 : index
    %swap3A_23 = arith.constant 0 : index
    %swap3A_24 = arith.constant 0 : index
    %swap3A_25 = vector.load %arg4[%swap3A, %swap3A_23, %swap3A_24] : memref<1x512x16xf32, #tpu.memory_space<vmem>>, vector<1x512x16xf32>
    tpu.vector_store %arg4[%swap3A, %swap3A_23, %swap3A_24], %logistic3A_22 {strides = array<i32>} : memref<1x512x16xf32, #tpu.memory_space<vmem>>, vector<1x512x16xf32>,
    return
  }
  func.func @transform_0(%arg0: i32, %arg1: i32) -> (i32, i32, i32, i32) {
    %c0_i32 = arith.constant 0 : i32
    %c0_i32_0 = arith.constant 0 : i32
    %c0_i32_1 = arith.constant 0 : i32
    return %c0_i32, %arg0, %arg1, %c0_i32_0 : i32, i32, i32, i32
  }
  func.func @transform_1(%arg0: i32, %arg1: i32) -> (i32, i32) {
    %c0_i32 = arith.constant 0 : i32
    %c0_i32_0 = arith.constant 0 : i32
    return %c0_i32, %arg1 : i32, i32
  }
  func.func @transform_2(%arg0: i32, %arg1: i32) -> (i32, i32, i32) {
    %c0_i32 = arith.constant 0 : i32
    %c0_i32_0 = arith.constant 0 : i32
    return %arg0, %arg1, %c0_i32 : i32, i32, i32
  }
}

module attributes {stable_mosaic.version = 14 : i64} {
  func.func @body(%arg0: memref<2x16x64x16xf32, #tpu.memory_space<vmem>>, %arg1: memref<1x64xf32, #tpu.memory_space<vmem>>, %arg2: memref<16x64x16xf32, #tpu.memory_space<vmem>>) attributes {dimension_semantics = [], scalar_prefetch = 0 : i64, scratch_operands = 0 : i64, tpu.core_type = #tpu.core_type<tc>} {
    %get3A = arith.constant 0 : index
    %get3A_0 = arith.constant 0 : index
    %get3A_1 = arith.constant 0 : index
    %get3A_2 = arith.constant 0 : index
    %get3A_3 = vector.load %arg0[%get3A, %get3A_0, %get3A_1, %get3A_2] : memref<2x16x64x16xf32, #tpu.memory_space<vmem>>, vector<1x16x64x16xf32>
    %get3A_4 = vector.shape_cast %get3A_3 : vector<1x16x64x16xf32> to vector<16x64x16xf32>
    %get3A_5 = arith.constant 1 : index
    %get3A_6 = arith.constant 0 : index
    %get3A_7 = arith.constant 0 : index
    %get3A_8 = arith.constant 0 : index
    %get3A_9 = vector.load %arg0[%get3A_5, %get3A_6, %get3A_7, %get3A_8] : memref<2x16x64x16xf32, #tpu.memory_space<vmem>>, vector<1x16x64x16xf32>
    %get3A_10 = vector.shape_cast %get3A_9 : vector<1x16x64x16xf32> to vector<16x64x16xf32>
    %add3A = arith.addf %get3A_4, %get3A_10 : vector<16x64x16xf32>
    %get3A_11 = arith.constant 0 : index
    %get3A_12 = arith.constant 0 : index
    %get3A_13 = vector.load %arg1[%get3A_11, %get3A_12] : memref<1x64xf32, #tpu.memory_space<vmem>>, vector<1x64xf32>
    %get3A_14 = vector.shape_cast %get3A_13 : vector<1x64xf32> to vector<64xf32>
    %broadcast_in_dim3A = vector.shape_cast %get3A_14 : vector<64xf32> to vector<1x64x1xf32>
    %add3A_15 = vector.broadcast %broadcast_in_dim3A : vector<1x64x1xf32> to vector<16x64x16xf32>
    %add3A_16 = arith.addf %add3A, %add3A_15 : vector<16x64x16xf32>
    %swap3A = arith.constant 0 : index
    %swap3A_17 = arith.constant 0 : index
    %swap3A_18 = arith.constant 0 : index
    %swap3A_19 = vector.load %arg2[%swap3A, %swap3A_17, %swap3A_18] : memref<16x64x16xf32, #tpu.memory_space<vmem>>, vector<16x64x16xf32>
    tpu.vector_store %arg2[%swap3A, %swap3A_17, %swap3A_18], %add3A_16 {strides = array<i32>} : memref<16x64x16xf32, #tpu.memory_space<vmem>>, vector<16x64x16xf32>,
    return
  }
}

</mosaic_0001>

<sc_bundles>
// kernel: kernel.6.cloned.1.call-start
scs
__scs_entry_jumppad:
0x0: {  	(pc) =	sbr.rel $0x88, $3  }
0x1: {  	(tag) =	ssettag $0x0;
	lr =	simm.s32 $0x1  }
0x2: {  	[smem:$0x3F9A] =	sst lr;
	_ =	strace $0xD0000000  }
0x3: {  	_ = 	snop  }
0x4: {  	_ = 	snop  }
0x5: {  	_ = 	snop  }
0x6: {  	_ = 	snop  }
0x7: {  	_ = 	snop  }
__scs_overlays_trampoline_lowered:
0x8: {  	[smem:$0x3FA9] =	sst s0  }
0x9: {  	[smem:$0x3FAA] =	sst s1  }
0xa: {  	[smem:$0x3FAB] =	sst s2  }
0xb: {  	[smem:$0x3FAC] =	sst s3  }
0xc: {  	[smem:$0x3FAD] =	sst s4  }
0xd: {  	[smem:$0x3FAE] =	sst s5  }
0xe: {  	[smem:$0x3FAF] =	sst s6  }
0xf: {  	[smem:$0x3FB0] =	sst s7  }
0x10: {  	[smem:$0x3FB1] =	sst s8  }
0x11: {  	[smem:$0x3FB2] =	sst s9;
	s0 =	simm.s32 @!p0 $0x0  }
0x12: {  	s1 =	sld [smem:$0x3F98];
	s0 =	simm.s32 @p0 $0x1  }
0x13: {  	[smem:$0x3FB3] =	sst s0;
	s0 =	simm.s32 @!p1 $0x0  }
0x14: {  	s2 =	sld [smem:$0x3F97];
	s0 =	simm.s32 @p1 $0x1  }
0x15: {  	[smem:$0x3FB4] =	sst s0;
	s0 =	simm.s32 @!p2 $0x0  }
0x16: {  	s3 =	sld [smem:$0x3FDB];
	s0 =	simm.s32 @p2 $0x1  }
0x17: {  	s4 =	simm.s32 $0x1BF5;
	[smem:$0x3FB6] =	sst s0  }
0x18: {  	s0 =	sld [smem:$0x3F99];
	_ =	swait.ge [sflag:s4], $0x0  }
0x19: {  	s7 =	sld [smem:$0x3F9A]  }
0x1a: {  	s8 =	sadd.s32 $0xFFFFE003, lr  }
0x1b: {  	s9 =	sadd.s32 $0xFFFFFEF7, lr;
	s5 =	simm.s32 $0xFFFFFFFF;
	p2 =	slt.u32 s8, $0xFFFFF086  }
0x1c: {  	p1 =	slt.u32 s9, $0xF7A;
	s5 =	simm.s32 @!p2 $0x0  }
0x1d: {  	s5 =	simm.s32 @p1 $0x1;
	p0 =	seq.s32 s7, s2  }
0x1e: {  	s7 =	smul.u32 @!p0 $0xF7A, s2;
	p2 =	seq.s32 @!p0 s5, $0x0  }
0x1f: {  	s9 =	smul.u32 $0xF7A, s1;
	s8 =	simm.s32 @!p0 $0x1BF5;
	p2 =	por !p2, p0  }
0x20: {  	[sflag:s8] =	ssyncset.s32 @!p0 $0xFFFFF086;
	s6 =	sadd.s32 @!p0 s3, s7;
	s7 =	simm.s32 @!p0 $0x108  }
0x21: {  	s3 =	sadd.s32 s3, s9;
	s6 =	sadd.s32 @!p0 $0x88, s6;
	s7 =	simm.s32 @p2 $0x1082  }
0x22: {  	[simem:s7], [sflag:s8] =	dma.local @!p0 [hbm:s6], $0xF7A  }
0x23: {  	s9 =	sor.u32 $0xD0000000, s2;
	s6 =	simm.s32 $0x108;
	_ =	swait.ge @!p0 [sflag:s8], $0x0  }
0x24: {  	s3 =	sadd.s32 $0x88, s3;
	s6 =	simm.s32 @!p1 $0x1082;
	[sflag:s4] =	ssyncset.s32 $0xFFFFF086  }
0x25: {  	[simem:s6], [sflag:s4] =	dma.local [hbm:s3], $0xF7A  }
0x26: {  	[smem:$0x3F9A] =	sst s1;
	(tag) =	ssettag s2;
	_ =	strace s9  }
0x27: {  	s1 =	sld [smem:$0x3FAA]  }
0x28: {  	s2 =	sld [smem:$0x3FAB]  }
0x29: {  	s4 =	sld [smem:$0x3FAD]  }
0x2a: {  	p0 =	seq.s32 s5, $0x0;
	s5 =	sld [smem:$0x3FAE]  }
0x2b: {  	s6 =	sld [smem:$0x3FAF]  }
0x2c: {  	s7 =	sld [smem:$0x3FB0]  }
0x2d: {  	s3 =	simm.s32 $0x108;
	s8 =	sld [smem:$0x3FB1]  }
0x2e: {  	s3 =	simm.s32 @!p0 $0x1082;
	s9 =	sld [smem:$0x3FB2]  }
0x2f: {  	lr =	sadd.s32 s0, s3;
	s0 =	sld [smem:$0x3FA9]  }
0x30: {  	s3 =	sld [smem:$0x3FAC]  }
0x31: {  	[smem:$0x3FB5] =	sst s10  }
0x32: {  	s10 =	sld [smem:$0x3FB3];
	_ =	sdelay $0x3  }
0x33: {  	p0 =	seq.s32 s10, $0x1;
	s10 =	sld [smem:$0x3FB5];
	_ =	sdelay $0x3  }
0x34: {  	[smem:$0x3FB5] =	sst s10  }
0x35: {  	s10 =	sld [smem:$0x3FB4];
	_ =	sdelay $0x3  }
0x36: {  	p1 =	seq.s32 s10, $0x1;
	s10 =	sld [smem:$0x3FB5];
	_ =	sdelay $0x3  }
0x37: {  	[smem:$0x3FB5] =	sst s10  }
0x38: {  	s10 =	sld [smem:$0x3FB6]  }
0x39: {  	_ = 	snop;
	(pc) =	sbr.ind lr, $3  }
0x3a: {  	_ = 	snop  }
0x3b: {  	_ = 	snop  }
0x3c: {  	p2 =	seq.s32 s10, $0x1;
	s10 =	sld [smem:$0x3FB5]  }
0x3d: {  	_ =	shalt  }
0x3e: {  	_ =	shalt  }
0x3f: {  	_ =	shalt  }
0x40: {  	_ =	shalt  }
0x41: {  	_ =	shalt  }
0x42: {  	_ =	shalt  }
0x43: {  	_ =	shalt  }
0x44: {  	_ =	shalt  }
0x45: {  	_ =	shalt  }
0x46: {  	_ =	shalt  }
0x47: {  	_ =	shalt  }
0x48: {  	_ =	shalt  }
0x49: {  	_ =	shalt  }
0x4a: {  	_ =	shalt  }
0x4b: {  	_ =	shalt  }
0x4c: {  	_ =	shalt  }
0x4d: {  	_ =	shalt  }
0x4e: {  	_ =	shalt  }
0x4f: {  	_ =	shalt  }
0x50: {  	_ =	shalt  }
0x51: {  	_ =	shalt  }
0x52: {  	_ =	shalt  }
0x53: {  	_ =	shalt  }
0x54: {  	_ =	shalt  }
0x55: {  	_ =	shalt  }
0x56: {  	_ =	shalt  }
0x57: {  	_ =	shalt  }
0x58: {  	_ =	shalt  }
0x59: {  	_ =	shalt  }
0x5a: {  	_ =	shalt  }
0x5b: {  	_ =	shalt  }
0x5c: {  	_ =	shalt  }
0x5d: {  	_ =	shalt  }
0x5e: {  	_ =	shalt  }
0x5f: {  	_ =	shalt  }
0x60: {  	_ =	shalt  }
0x61: {  	_ =	shalt  }
0x62: {  	_ =	shalt  }
0x63: {  	_ =	shalt  }
0x64: {  	_ =	shalt  }
0x65: {  	_ =	shalt  }
0x66: {  	_ =	shalt  }
0x67: {  	_ =	shalt  }
0x68: {  	_ =	shalt  }
0x69: {  	_ =	shalt  }
0x6a: {  	_ =	shalt  }
0x6b: {  	_ =	shalt  }
0x6c: {  	_ =	shalt  }
0x6d: {  	_ =	shalt  }
0x6e: {  	_ =	shalt  }
0x6f: {  	_ =	shalt  }
0x70: {  	_ =	shalt  }
0x71: {  	_ =	shalt  }
0x72: {  	_ =	shalt  }
0x73: {  	_ =	shalt  }
0x74: {  	_ =	shalt  }
0x75: {  	_ =	shalt  }
0x76: {  	_ =	shalt  }
0x77: {  	_ =	shalt  }
0x78: {  	_ =	shalt  }
0x79: {  	_ =	shalt  }
0x7a: {  	_ =	shalt  }
0x7b: {  	_ =	shalt  }
0x7c: {  	_ =	shalt  }
0x7d: {  	_ =	shalt  }
0x7e: {  	_ =	shalt  }
0x7f: {  	_ =	shalt  }
0x80: {  	_ =	shalt  }
0x81: {  	_ =	shalt  }
0x82: {  	_ =	shalt  }
0x83: {  	_ =	shalt  }
0x84: {  	_ =	shalt  }
0x85: {  	_ =	shalt  }
0x86: {  	_ =	shalt  }
0x87: {  	_ =	shalt  }
.Lfunc_end0:
.L_simem_size_0:
called_computation_lowered:
.L_overlay_start_0:
0x88: {  	s2 =	sld [smem:$0x3FD9]  }
0x89: {  	s3 =	sld [smem:$0x3FFE];
	_ =	sdelay $0x1  }
0x8a: {  	s1 =	srdreg.scid  }
0x8b: {  	s0 =	sand.u32 $0x1, s1  }
0x8c: {  	s17 =	sshll.u32 s0, $0xA;
	s2 =	sadd.s32 s3, s2  }
0x8d: {  	s2 =	sadd.s32 s2, s17  }
0x8e: {  	[smem:$0x3FC1] =	sst s2  }
0x8f: {  	_ = 	snop  }
0x90: {  	s2 =	sld [smem:$0x3FC6];
	(tm) =	ssettm $0x1  }
0x91: {  	s18 =	sld [smem:$0x3FFB];
	_ =	sdelay $0x3  }
0x92: {  	_ =	strace s18  }
0x93: {  	s3 =	sld [smem:$0x3FFC];
	_ =	sdelay $0x3  }
0x94: {  	_ =	strace s3  }
0x95: {  	s3 =	sld [smem:$0x3FFD];
	_ =	sdelay $0x3  }
0x96: {  	_ =	strace s3  }
0x97: {  	_ =	strace $0x8FFFFFFF  }
0x98: {  	s19 =	sld [smem:$0x3FDB];
	_ =	sdelay $0x1  }
0x99: {  	s4 =	simm.s32 $_scs_section_size  }
0x9a: {  	s5 =	simm.s32 $_size__tile_overlayer_lowered;
	s6 =	simm.s32 $_tile_overlayer_lowered  }
0x9b: {  	s22 =	simm.s32 $0x1BFF;
	s21 =	sshll.u32 s6, $0x1;
	s3 =	sadd.s32 s4, s19  }
0x9c: {  	s7 =	simm.s32 $0x0;
	s20 =	sshll.u32 s5, $0x1;
	s5 =	sadd.s32 s21, s3  }
0x9d: {  	[timem:s7], [sflag:s22] =	dma.local [hbm:s5], s20  }
0x9e: {  	_ =	swait.ge [sflag:s22], s20  }
0x9f: {  	s4 =	ssub.s32 $0x0, s20;
	[sflag:s22] =	ssyncset.done $0x0  }
0xa0: {  	[sflag:s22] =	ssyncadd.s32 s4;
	_ =	sdelay $0x1  }
0xa1: {  	s23 =	simm.s32 $0x1B8B  }
0xa2: {  	_ =	swait.ge [sflag:s23], $0x1  }
0xa3: {  	[sflag:s23] =	ssyncset.done $0x0  }
0xa4: {  	s25 =	simm.s32 $0x1B8E;
	s24 =	sld [smem:$0x3FFE];
	[sflag:s23] =	ssyncadd.s32 $0xFFFFFFFF  }
0xa5: {  	s26 =	simm.s32 $execute0_lowered;
	[smem:$0x3FD2] =	sst s25  }
0xa6: {  	s5 =	sshll.u32 s26, $0x1;
	_ =	strace $0x80000046;
	[dreg:$0x1] =	wrdreg $0xFFFFFFFF  }
0xa7: {  	s28 =	simm.s32 $_size_execute0_lowered;
	s3 =	sadd.s32 s3, s5;
	[dreg:$0x0] =	wrdreg $0x0  }
0xa8: {  	s5 =	sshll.u32 s28, $0x1;
	[dreg:$0x2] =	wrdreg s3  }
0xa9: {  	[dreg:$0x3] =	wrdreg s5  }
0xaa: {  	[dreg:$0x4] =	wrdreg $0xC0  }
0xab: {  	_ =	task [dreg:s7], $0x5FFFF  }
0xac: {  	[dreg:$0x1] =	wrdreg $0xFFFFFFFF  }
0xad: {  	[dreg:$0x0] =	wrdreg $0x60  }
0xae: {  	[dreg:$0x2] =	wrdreg s24  }
0xaf: {  	[dreg:$0x3] =	wrdreg s2  }
0xb0: {  	[dreg:$0x4] =	wrdreg $0x9  }
0xb1: {  	_ =	task.clear_ibuf [dreg:s7], $0x5FFFF;
	_ =	strace $0x90000046  }
0xb2: {  	s29 =	simm.s32 $0x9;
	_ =	strace $0x80000048  }
0xb3: {  	_ =	swait.ge [sflag:s29], $0x1  }
0xb4: {  	[sflag:s29] =	ssyncadd.s32 $0xFFFFFFFF  }
0xb5: {  	_ =	strace $0x90000048  }
0xb6: {  	_ =	sfence  }
0xb7: {  	s30 =	sld [smem:$0x0];
	_ =	sdelay $0x2  }
0xb8: {  	s31 =	sshll.u32 s1, $0xD;
	s1 =	sshrl.u32 s1, $0x2  }
0xb9: {  	s3 =	sand.u32 $0x4000, s31;
	s1 =	sadd.s32 s1, s30  }
0xba: {  	s0 =	sor.u32 s3, s0;
	s1 =	sshll.u32 s1, $0x11  }
0xbb: {  	s0 =	sor.u32 s1, s0  }
0xbc: {  	s0 =	sadd.s32 $0x8F2B, s0  }
0xbd: {  	[sflag:s0] =	ssyncadd.remote.s32 $0x1  }
0xbe: {  	_ =	sfence.sel $0xFFFF  }
0xbf: {  	[dreg:$0x0] =	wrdreg $0xFFFFFFFF;
	(pc) =	sbr.abs _section_cstart, $3  }
0xc0: {  	[dreg:$0x1] =	wrdreg $0xFFFFFFFF  }
0xc1: {  	_ =	task.clear_ibuf [dreg:s7], $0x2FFFF;
	_ =	strace $0x9FFFFFFF  }
0xc2: {  	(tm) =	ssettm $0x7FFFFFFF  }
0xc3: {  	_ =	shalt  }
tec
execute0_lowered:
.L_overlay_start_1:
0x0: {  	(tag) =	ssettag $0x1  }
0x1: {  	s0 =	rddreg [dreg:$0x0]  }
0x2: {  	s1 =	rddreg [dreg:$0x1]  }
0x3: {  	s2 =	simm.s32 $0x0;
	s10 =	srdreg.scid;
	s9 =	stileid.u32  }
0x4: {  	s13 =	simm.s32 $0x3;
	s14 =	simm.s32 $0x800;
	s16 =	simm.s32 $0x80  }
0x5: {  	s12 =	simm.s32 $0x6000;
	s15 =	simm.s32 $0xD00;
	s17 =	simm.s32 $0x6800  }
0x6: {  	s18 =	simm.s32 $0xD80;
	s19 =	simm.s32 $0x7000;
	s20 =	simm.s32 $0xE00  }
0x7: {  	s21 =	simm.s32 $0x7800;
	s22 =	simm.s32 $0xE80;
	s23 =	simm.s32 $0x8000  }
0x8: {  	s28 =	simm.s32 $0x9000;
	s29 =	simm.s32 $0x1;
	[smem:$0x7FF] =	sst s2  }
0x9: {  	s4 =	sadd.s32 $0x401400, s0;
	s2 =	sand.u32 $0x1, s10;
	s5 =	sadd.s32 $0x5400, s0  }
0xa: {  	s6 =	sadd.s32 $0x1400, s0;
	s7 =	sshll.u32 s9, $0xD;
	s11 =	sshll.u32 s9, $0xE  }
0xb: {  	_ =	strace $0x80000047;
	s3 =	ssub.s32 $0x2, s2;
	s0 =	sadd.s32 s7, s0  }
0xc: {  	s24 =	sshll.u32 s2, $0x10;
	s25 =	sshll.u32 s2, $0xD;
	s2 =	sshll.u32 s2, $0x11  }
0xd: {  	s7 =	simm.s32 $0xC00;
	s8 =	sshrl.u32 s3, $0x1;
	s10 =	sadd.s32 s5, s25  }
0xe: {  	s26 =	sadd.s32 s6, s25;
	s0 =	sadd.s32 s2, s0;
	s30 =	sadd.s32 s1, s25  }
.Ltmp0:
0xf: {  	s25 =	simm.s32 $0x8800;
	[dreg:$0x3] =	wrdreg s10;
	(pc) =	sbr.rel .LBB2_1-.Ltmp0, $4  }
0x10: {  	s2 =	simm.s32 $0x0;
	s3 =	ssub.s32 s3, s8;
	[dreg:$0x4] =	wrdreg s26  }
0x11: {  	[dreg:$0x5] =	wrdreg s30;
	s10 =	sor.u32 $0x400, s24;
	s0 =	sadd.s32 $0x9400, s0  }
0x12: {  	s24 =	simm.s32 $0xF00;
	[dreg:$0x6] =	wrdreg s0;
	s31 =	smax.u32 s3, $0x1  }
0x13: {  	v1 =	vimm.f32 $0.0e+00;
	v0 =	vmov s11;
	s26 =	simm.s32 $0xF80;
	s3 =	simm.s32 $0x2;
	[dreg:$0x7] =	wrdreg s31  }
.LBB2_20:
0x14: {  	s0 =	simm.s32 $0x0;
	s2 =	rddreg [dreg:$0x6];
	s8 =	simm.s32 $0x9800  }
0x15: {  	[hbm4b:s2+s0] =	stream.linear.scatter [tilespmem:s8], [sflag:$0x3], $0x10000, $0x38;
	[tilespmem:$0x19800] =	vst v63  }
0x16: {  	_ =	swait.ge [sflag:s13], $0x10000  }
0x17: {  	s30 =	rddreg [dreg:$0x8]  }
0x18: {  	s31 =	rddreg [dreg:$0x7];
	s2 =	sadd.s32 $0x1, s30  }
0x19: {  	p0 =	sne.s32 s2, s31  }
.Ltmp1:
0x1a: {  	_ = 	snop;
	(pc) =	sbr.rel @!p0 .LBB2_21-.Ltmp1, $3  }
0x1b: {  	_ =	sdelay $0x1  }
0x1c: {  	[sflag:s13] =	ssyncset.done $0x0  }
0x1d: {  	[sflag:s13] =	ssyncadd.s32 $0xFFFF0000  }
.LBB2_1:
0x1e: {  	[dreg:$0x8] =	wrdreg s2;
	s0 =	simm.s32 $0x40;
	s2 =	simm.s32 $0x0  }
.LBB2_2:
0x1f: {  	p0 =	sne.s32 s0, $0x3FFC0;
	[tilespmem:s2+$0x9800] =	vst v1;
	s2 =	smov.u32 s0;
	s0 =	sadd.s32 $0x40, s0  }
.Ltmp2:
0x20: {  	(pc) =	sbr.rel @p0 .LBB2_2-.Ltmp2, $2  }
0x21: {  	_ =	sdelay $0x2  }
0x22: {  	s2 =	sshra.s32 s2, $0x2  }
0x23: {  	[tilespmem:s2+$0x9800] =	vst v1;
	s0 =	simm.s32 $0x0;
	s11 =	rddreg [dreg:$0x3]  }
0x24: {  	[tilespmem:s0], [sflag:$0x3] =	stream.linear.gather [hbm4b:s11+s0], $0x400, $0x38;
	[tilespmem:$0x19800] =	vst v63  }
0x25: {  	_ =	swait.ge [sflag:s13], $0x400  }
0x26: {  	[sflag:s13] =	ssyncset.done $0x0  }
0x27: {  	s30 =	rddreg [dreg:$0x4];
	[sflag:s13] =	ssyncadd.s32 $0xFFFFFC00  }
0x28: {  	[tilespmem:s14], [sflag:$0x3] =	stream.linear.gather [hbm4b:s30+s0], $0x400, $0x38;
	[tilespmem:$0x19800] =	vst v63  }
0x29: {  	_ =	swait.ge [sflag:s13], $0x400  }
0x2a: {  	[sflag:s13] =	ssyncset.done $0x0  }
0x2b: {  	s8 =	simm.s32 $0x1000;
	s31 =	rddreg [dreg:$0x5];
	[sflag:s13] =	ssyncadd.s32 $0xFFFFFC00  }
0x2c: {  	[tilespmem:s8], [sflag:$0x3] =	stream.linear.gather [hbm4b:s31+s0], $0x400, $0x38;
	[tilespmem:$0x19800] =	vst v63  }
0x2d: {  	_ =	swait.ge [sflag:s13], $0x400  }
0x2e: {  	[sflag:s13] =	ssyncset.done $0x0  }
0x2f: {  	s2 =	simm.s32 $0x40;
	s0 =	simm.s32 $0x0;
	[sflag:s13] =	ssyncadd.s32 $0xFFFFFC00  }
.LBB2_4:
0x30: {  	p0 =	sne.s32 s2, $0xFC0;
	v2 =	vld [tilespmem:s0+$0x800];
	_ =	sdelay $0x1  }
.Ltmp3:
0x31: {  	(pc) =	sbr.rel @p0 .LBB2_4-.Ltmp3, $3  }
0x32: {  	_ =	sdelay $0x1  }
0x33: {  	v2 =	vadd.s32 v0, v2  }
0x34: {  	[tilespmem:s0+$0x800] =	vst v2;
	s0 =	sshra.s32 s2, $0x2;
	s2 =	sadd.s32 $0x40, s2  }
0x35: {  	v2 =	vld [tilespmem:s0+$0x800];
	_ =	sdelay $0x4  }
0x36: {  	v2 =	vadd.s32 v0, v2  }
0x37: {  	s11 =	simm.s32 $0x1800;
	[tilespmem:s0+$0x800] =	vst v2  }
0x38: {  	[tilespmem:s11], [sflag:$0x1] =	stream.indirect.gather [hbm4b:s4+s16], $0x10, s14, s16, $0xb8;
	[tilespmem:$0x19800] =	vst v63  }
0x39: {  	s30 =	simm.s32 $0x880;
	s2 =	simm.s32 $0x2000  }
0x3a: {  	[tilespmem:s2], [sflag:$0x1] =	stream.indirect.gather [hbm4b:s4+s16], $0x10, s30, s16, $0xb8;
	[tilespmem:$0x19800] =	vst v63  }
0x3b: {  	s8 =	simm.s32 $0x900;
	s9 =	simm.s32 $0x2800  }
0x3c: {  	[tilespmem:s9], [sflag:$0x1] =	stream.indirect.gather [hbm4b:s4+s16], $0x10, s8, s16, $0xb8;
	[tilespmem:$0x19800] =	vst v63  }
0x3d: {  	s11 =	simm.s32 $0x980;
	s30 =	simm.s32 $0x3000  }
0x3e: {  	[tilespmem:s30], [sflag:$0x1] =	stream.indirect.gather [hbm4b:s4+s16], $0x10, s11, s16, $0xb8;
	[tilespmem:$0x19800] =	vst v63  }
0x3f: {  	s8 =	simm.s32 $0xA00;
	s9 =	simm.s32 $0x3800  }
0x40: {  	[tilespmem:s9], [sflag:$0x1] =	stream.indirect.gather [hbm4b:s4+s16], $0x10, s8, s16, $0xb8;
	[tilespmem:$0x19800] =	vst v63  }
0x41: {  	s11 =	simm.s32 $0xA80;
	s30 =	simm.s32 $0x4000  }
0x42: {  	[tilespmem:s30], [sflag:$0x1] =	stream.indirect.gather [hbm4b:s4+s16], $0x10, s11, s16, $0xb8;
	[tilespmem:$0x19800] =	vst v63  }
.Ltmp4:
0x43: {  	_ = 	snop;
	(pc) =	sbr.rel .LBB2_6-.Ltmp4, $4  }
0x44: {  	s8 =	simm.s32 $0xB00;
	s9 =	simm.s32 $0x4800  }
0x45: {  	[tilespmem:s9], [sflag:$0x1] =	stream.indirect.gather [hbm4b:s4+s16], $0x10, s8, s16, $0xb8;
	[tilespmem:$0x19800] =	vst v63  }
0x46: {  	s31 =	simm.s32 $0x0;
	s11 =	simm.s32 $0xB80;
	s30 =	simm.s32 $0x5000  }
0x47: {  	[tilespmem:s30], [sflag:$0x1] =	stream.indirect.gather [hbm4b:s4+s16], $0x10, s11, s16, $0xb8;
	[tilespmem:$0x19800] =	vst v63  }
.LBB2_11:
0x48: {  	s2 =	sshra.s32 s2, $0x2;
	[tilespmem:s8+$0x0] =	vst v2  }
0x49: {  	v2 =	vld [tilespmem:s2+$0x0];
	_ =	sdelay $0x4  }
0x4a: {  	v2 =	vshll.u32 v2, $0x6  }
0x4b: {  	v2 =	vshra.s32 v2, $0x2  }
0x4c: {  	v2 =	vadd.s32 $0x9800, v2  }
0x4d: {  	(v2sf) =	vpush v2, $0x0;
	_ =	sdelay $0x9  }
0x4e: {  	(v2sf) =	vpush v2, $0x1;
	_ =	sdelay $0x1  }
0x4f: {  	v3 =	vld [tilespmem:s2+$0x1000]  }
0x50: {  	s0 =	sadd.s32 $0x100, s0  }
0x51: {  	v4 =	vld [tilespmem:s0+$0xFFFFFF80]  }
0x52: {  	s8 =	spop (v2sf)  }
0x53: {  	v5 =	vld [tilespmem:s8+$0x0]  }
0x54: {  	v6 =	vbroadcast v3, $0x0;
	_ =	sdelay $0x1  }
0x55: {  	v4 =	vmul.f32 v4, v6  }
0x56: {  	(v2sf) =	vpush v2, $0x2  }
0x57: {  	v4 =	vadd.f32 v4, v5;
	_ =	sdelay $0x1  }
0x58: {  	[tilespmem:s8+$0x0] =	vst v4  }
0x59: {  	v4 =	vld [tilespmem:s0+$0xFFFFFF90]  }
0x5a: {  	s9 =	spop (v2sf)  }
0x5b: {  	v35 =	vld [tilespmem:s9+$0x0]  }
0x5c: {  	v36 =	vbroadcast v3, $0x1;
	_ =	sdelay $0x1  }
0x5d: {  	v4 =	vmul.f32 v4, v36  }
0x5e: {  	(v2sf) =	vpush v2, $0x3  }
0x5f: {  	v4 =	vadd.f32 v4, v35;
	_ =	sdelay $0x1  }
0x60: {  	[tilespmem:s9+$0x0] =	vst v4  }
0x61: {  	v4 =	vld [tilespmem:s0+$0xFFFFFFA0]  }
0x62: {  	s11 =	spop (v2sf)  }
0x63: {  	v37 =	vld [tilespmem:s11+$0x0]  }
0x64: {  	v38 =	vbroadcast v3, $0x2;
	_ =	sdelay $0x1  }
0x65: {  	v4 =	vmul.f32 v4, v38  }
0x66: {  	(v2sf) =	vpush v2, $0x4  }
0x67: {  	v4 =	vadd.f32 v4, v37;
	_ =	sdelay $0x1  }
0x68: {  	[tilespmem:s11+$0x0] =	vst v4  }
0x69: {  	v4 =	vld [tilespmem:s0+$0xFFFFFFB0]  }
0x6a: {  	s30 =	spop (v2sf)  }
0x6b: {  	v39 =	vld [tilespmem:s30+$0x0]  }
0x6c: {  	v40 =	vbroadcast v3, $0x3;
	_ =	sdelay $0x1  }
0x6d: {  	v4 =	vmul.f32 v4, v40  }
0x6e: {  	(v2sf) =	vpush v2, $0x5  }
0x6f: {  	v4 =	vadd.f32 v4, v39;
	_ =	sdelay $0x1  }
0x70: {  	[tilespmem:s30+$0x0] =	vst v4  }
0x71: {  	v4 =	vld [tilespmem:s0+$0xFFFFFFC0]  }
0x72: {  	s8 =	spop (v2sf)  }
0x73: {  	v41 =	vld [tilespmem:s8+$0x0]  }
0x74: {  	v42 =	vbroadcast v3, $0x4;
	_ =	sdelay $0x1  }
0x75: {  	v4 =	vmul.f32 v4, v42  }
0x76: {  	(v2sf) =	vpush v2, $0x6  }
0x77: {  	v4 =	vadd.f32 v4, v41;
	_ =	sdelay $0x1  }
0x78: {  	[tilespmem:s8+$0x0] =	vst v4  }
0x79: {  	v4 =	vld [tilespmem:s0+$0xFFFFFFD0]  }
0x7a: {  	s9 =	spop (v2sf)  }
0x7b: {  	v43 =	vld [tilespmem:s9+$0x0]  }
0x7c: {  	v44 =	vbroadcast v3, $0x5;
	_ =	sdelay $0x1  }
0x7d: {  	v4 =	vmul.f32 v4, v44  }
0x7e: {  	(v2sf) =	vpush v2, $0x7  }
0x7f: {  	v4 =	vadd.f32 v4, v43;
	_ =	sdelay $0x1  }
0x80: {  	[tilespmem:s9+$0x0] =	vst v4  }
0x81: {  	v4 =	vld [tilespmem:s0+$0xFFFFFFE0]  }
0x82: {  	s11 =	spop (v2sf)  }
0x83: {  	v45 =	vld [tilespmem:s11+$0x0]  }
0x84: {  	v46 =	vbroadcast v3, $0x6;
	_ =	sdelay $0x1  }
0x85: {  	v4 =	vmul.f32 v4, v46  }
0x86: {  	(v2sf) =	vpush v2, $0x8  }
0x87: {  	v4 =	vadd.f32 v4, v45;
	_ =	sdelay $0x1  }
0x88: {  	[tilespmem:s11+$0x0] =	vst v4  }
0x89: {  	v4 =	vld [tilespmem:s0+$0xFFFFFFF0]  }
0x8a: {  	s30 =	spop (v2sf)  }
0x8b: {  	v47 =	vld [tilespmem:s30+$0x0]  }
0x8c: {  	v48 =	vbroadcast v3, $0x7;
	_ =	sdelay $0x1  }
0x8d: {  	v4 =	vmul.f32 v4, v48  }
0x8e: {  	(v2sf) =	vpush v2, $0x9  }
0x8f: {  	v4 =	vadd.f32 v4, v47;
	_ =	sdelay $0x1  }
0x90: {  	[tilespmem:s30+$0x0] =	vst v4  }
0x91: {  	v4 =	vld [tilespmem:s0+$0x0]  }
0x92: {  	s8 =	spop (v2sf)  }
0x93: {  	v49 =	vld [tilespmem:s8+$0x0]  }
0x94: {  	v50 =	vbroadcast v3, $0x8;
	_ =	sdelay $0x1  }
0x95: {  	v4 =	vmul.f32 v4, v50  }
0x96: {  	(v2sf) =	vpush v2, $0xA  }
0x97: {  	v4 =	vadd.f32 v4, v49;
	_ =	sdelay $0x1  }
0x98: {  	[tilespmem:s8+$0x0] =	vst v4  }
0x99: {  	v4 =	vld [tilespmem:s0+$0x10]  }
0x9a: {  	s9 =	spop (v2sf)  }
0x9b: {  	v51 =	vld [tilespmem:s9+$0x0]  }
0x9c: {  	v52 =	vbroadcast v3, $0x9;
	_ =	sdelay $0x1  }
0x9d: {  	v4 =	vmul.f32 v4, v52  }
0x9e: {  	(v2sf) =	vpush v2, $0xB  }
0x9f: {  	v4 =	vadd.f32 v4, v51;
	_ =	sdelay $0x1  }
0xa0: {  	[tilespmem:s9+$0x0] =	vst v4  }
0xa1: {  	v4 =	vld [tilespmem:s0+$0x20]  }
0xa2: {  	s11 =	spop (v2sf)  }
0xa3: {  	v53 =	vld [tilespmem:s11+$0x0]  }
0xa4: {  	v54 =	vbroadcast v3, $0xA;
	_ =	sdelay $0x1  }
0xa5: {  	v4 =	vmul.f32 v4, v54  }
0xa6: {  	(v2sf) =	vpush v2, $0xC  }
0xa7: {  	v4 =	vadd.f32 v4, v53;
	_ =	sdelay $0x1  }
0xa8: {  	[tilespmem:s11+$0x0] =	vst v4  }
0xa9: {  	v4 =	vld [tilespmem:s0+$0x30]  }
0xaa: {  	s30 =	spop (v2sf)  }
0xab: {  	v55 =	vld [tilespmem:s30+$0x0]  }
0xac: {  	v56 =	vbroadcast v3, $0xB;
	_ =	sdelay $0x1  }
0xad: {  	v4 =	vmul.f32 v4, v56  }
0xae: {  	(v2sf) =	vpush v2, $0xD  }
0xaf: {  	v4 =	vadd.f32 v4, v55;
	_ =	sdelay $0x1  }
0xb0: {  	[tilespmem:s30+$0x0] =	vst v4  }
0xb1: {  	v4 =	vld [tilespmem:s0+$0x40]  }
0xb2: {  	s8 =	spop (v2sf)  }
0xb3: {  	v57 =	vld [tilespmem:s8+$0x0]  }
0xb4: {  	v58 =	vbroadcast v3, $0xC;
	_ =	sdelay $0x1  }
0xb5: {  	v4 =	vmul.f32 v4, v58  }
0xb6: {  	(v2sf) =	vpush v2, $0xE  }
0xb7: {  	v4 =	vadd.f32 v4, v57;
	_ =	sdelay $0x1  }
0xb8: {  	[tilespmem:s8+$0x0] =	vst v4  }
0xb9: {  	v4 =	vld [tilespmem:s0+$0x50]  }
0xba: {  	s9 =	spop (v2sf)  }
0xbb: {  	v59 =	vld [tilespmem:s9+$0x0]  }
0xbc: {  	v60 =	vbroadcast v3, $0xD;
	_ =	sdelay $0x1  }
0xbd: {  	v4 =	vmul.f32 v4, v60  }
0xbe: {  	(v2sf) =	vpush v2, $0xF  }
0xbf: {  	v2 =	vadd.f32 v4, v59;
	_ =	sdelay $0x1  }
0xc0: {  	[tilespmem:s9+$0x0] =	vst v2  }
0xc1: {  	v2 =	vld [tilespmem:s0+$0x60]  }
0xc2: {  	s11 =	spop (v2sf)  }
0xc3: {  	v61 =	vld [tilespmem:s11+$0x0]  }
0xc4: {  	v62 =	vbroadcast v3, $0xE;
	_ =	sdelay $0x1  }
0xc5: {  	v2 =	vmul.f32 v2, v62;
	_ =	sdelay $0x1  }
0xc6: {  	v2 =	vadd.f32 v2, v61;
	_ =	sdelay $0x1  }
0xc7: {  	[tilespmem:s11+$0x0] =	vst v2  }
0xc8: {  	v2 =	vld [tilespmem:s0+$0x70]  }
0xc9: {  	s30 =	spop (v2sf)  }
0xca: {  	v63 =	vld [tilespmem:s30+$0x0]  }
0xcb: {  	v3 =	vbroadcast v3, $0xF;
	_ =	sdelay $0x1  }
0xcc: {  	v2 =	vmul.f32 v2, v3;
	_ =	sdelay $0x1  }
0xcd: {  	v2 =	vadd.f32 v2, v63;
	_ =	sdelay $0x1  }
0xce: {  	[tilespmem:s30+$0x0] =	vst v2  }
.LBB2_19:
0xcf: {  	s31 =	sadd.s32 $0x1, s31  }
0xd0: {  	p0 =	sne.s32 s31, $0x40  }
.Ltmp5:
0xd1: {  	_ = 	snop;
	(pc) =	sbr.rel @!p0 .LBB2_20-.Ltmp5, $1  }
0xd2: {  	_ =	sdelay $0x3  }
.LBB2_6:
0xd3: {  	s0 =	sand.u32 $0x1, s31  }
0xd4: {  	p0 =	seq.s32 s0, $0x1  }
.Ltmp6:
0xd5: {  	_ = 	snop;
	(pc) =	sbr.rel @!p0 .LBB2_7-.Ltmp6, $1  }
0xd6: {  	_ =	sdelay $0x3  }
0xd7: {  	p0 =	seq.s32 s31, $0x3F  }
.Ltmp7:
0xd8: {  	_ = 	snop;
	(pc) =	sbr.rel @p0 .LBB2_16-.Ltmp7, $1  }
0xd9: {  	_ =	sdelay $0x3  }
0xda: {  	s0 =	sshll.u32 s31, $0xA  }
0xdb: {  	s0 =	sadd.s32 s0, s10  }
0xdc: {  	s0 =	sshrl.u32 s0, $0x3  }
0xdd: {  	s8 =	simm.s32 $0x0;
	s2 =	sadd.s32 s5, s0  }
0xde: {  	[tilespmem:s8], [sflag:$0x3] =	stream.linear.gather [hbm4b:s2+s8], $0x400, $0x38;
	[tilespmem:$0x19800] =	vst v63  }
0xdf: {  	_ =	swait.ge [sflag:s13], $0x400  }
0xe0: {  	[sflag:s13] =	ssyncset.done $0x0  }
0xe1: {  	s11 =	sadd.s32 s6, s0;
	[sflag:s13] =	ssyncadd.s32 $0xFFFFFC00  }
0xe2: {  	[tilespmem:s14], [sflag:$0x3] =	stream.linear.gather [hbm4b:s11+s8], $0x400, $0x38;
	[tilespmem:$0x19800] =	vst v63  }
0xe3: {  	_ =	swait.ge [sflag:s13], $0x400  }
0xe4: {  	[sflag:s13] =	ssyncset.done $0x0  }
0xe5: {  	s30 =	simm.s32 $0x1000;
	s0 =	sadd.s32 s1, s0;
	[sflag:s13] =	ssyncadd.s32 $0xFFFFFC00  }
0xe6: {  	[tilespmem:s30], [sflag:$0x3] =	stream.linear.gather [hbm4b:s0+s8], $0x400, $0x38;
	[tilespmem:$0x19800] =	vst v63  }
0xe7: {  	_ =	swait.ge [sflag:s13], $0x400  }
0xe8: {  	[sflag:s13] =	ssyncset.done $0x0  }
0xe9: {  	s2 =	simm.s32 $0x40;
	s0 =	simm.s32 $0x0;
	[sflag:s13] =	ssyncadd.s32 $0xFFFFFC00  }
.LBB2_14:
0xea: {  	p0 =	sne.s32 s2, $0xFC0;
	v2 =	vld [tilespmem:s0+$0x800];
	_ =	sdelay $0x1  }
.Ltmp8:
0xeb: {  	(pc) =	sbr.rel @p0 .LBB2_14-.Ltmp8, $3  }
0xec: {  	_ =	sdelay $0x1  }
0xed: {  	v2 =	vadd.s32 v0, v2  }
0xee: {  	[tilespmem:s0+$0x800] =	vst v2;
	s0 =	sshra.s32 s2, $0x2;
	s2 =	sadd.s32 $0x40, s2  }
0xef: {  	v2 =	vld [tilespmem:s0+$0x800];
	_ =	sdelay $0x4  }
0xf0: {  	v2 =	vadd.s32 v0, v2  }
0xf1: {  	s11 =	simm.s32 $0x1800;
	[tilespmem:s0+$0x800] =	vst v2  }
0xf2: {  	[tilespmem:s11], [sflag:$0x1] =	stream.indirect.gather [hbm4b:s4+s16], $0x10, s14, s16, $0xb8;
	[tilespmem:$0x19800] =	vst v63  }
0xf3: {  	s30 =	simm.s32 $0x880;
	s2 =	simm.s32 $0x2000  }
0xf4: {  	[tilespmem:s2], [sflag:$0x1] =	stream.indirect.gather [hbm4b:s4+s16], $0x10, s30, s16, $0xb8;
	[tilespmem:$0x19800] =	vst v63  }
0xf5: {  	s8 =	simm.s32 $0x900;
	s9 =	simm.s32 $0x2800  }
0xf6: {  	[tilespmem:s9], [sflag:$0x1] =	stream.indirect.gather [hbm4b:s4+s16], $0x10, s8, s16, $0xb8;
	[tilespmem:$0x19800] =	vst v63  }
0xf7: {  	s11 =	simm.s32 $0x980;
	s30 =	simm.s32 $0x3000  }
0xf8: {  	[tilespmem:s30], [sflag:$0x1] =	stream.indirect.gather [hbm4b:s4+s16], $0x10, s11, s16, $0xb8;
	[tilespmem:$0x19800] =	vst v63  }
0xf9: {  	s8 =	simm.s32 $0xA00;
	s9 =	simm.s32 $0x3800  }
0xfa: {  	[tilespmem:s9], [sflag:$0x1] =	stream.indirect.gather [hbm4b:s4+s16], $0x10, s8, s16, $0xb8;
	[tilespmem:$0x19800] =	vst v63  }
0xfb: {  	s11 =	simm.s32 $0xA80;
	s30 =	simm.s32 $0x4000  }
0xfc: {  	[tilespmem:s30], [sflag:$0x1] =	stream.indirect.gather [hbm4b:s4+s16], $0x10, s11, s16, $0xb8;
	[tilespmem:$0x19800] =	vst v63  }
0xfd: {  	s8 =	simm.s32 $0xB00;
	s9 =	simm.s32 $0x4800  }
0xfe: {  	[tilespmem:s9], [sflag:$0x1] =	stream.indirect.gather [hbm4b:s4+s16], $0x10, s8, s16, $0xb8;
	[tilespmem:$0x19800] =	vst v63  }
0xff: {  	s11 =	simm.s32 $0xB80;
	s30 =	simm.s32 $0x5000  }
0x100: {  	[tilespmem:s30], [sflag:$0x1] =	stream.indirect.gather [hbm4b:s4+s16], $0x10, s11, s16, $0xb8;
	[tilespmem:$0x19800] =	vst v63  }
.LBB2_16:
0x101: {  	_ =	swait.ge [sflag:s3], $0x800  }
0x102: {  	[sflag:s3] =	ssyncset.done $0x0  }
0x103: {  	[sflag:s3] =	ssyncadd.s32 $0xFFFFF800  }
0x104: {  	_ =	swait.ge [sflag:s3], $0x800  }
0x105: {  	[sflag:s3] =	ssyncset.done $0x0  }
0x106: {  	[sflag:s3] =	ssyncadd.s32 $0xFFFFF800  }
0x107: {  	_ =	swait.ge [sflag:s3], $0x800  }
0x108: {  	[sflag:s3] =	ssyncset.done $0x0  }
0x109: {  	[sflag:s3] =	ssyncadd.s32 $0xFFFFF800  }
0x10a: {  	_ =	swait.ge [sflag:s3], $0x800  }
0x10b: {  	[sflag:s3] =	ssyncset.done $0x0  }
0x10c: {  	[sflag:s3] =	ssyncadd.s32 $0xFFFFF800  }
0x10d: {  	_ =	swait.ge [sflag:s3], $0x800  }
0x10e: {  	[sflag:s3] =	ssyncset.done $0x0  }
0x10f: {  	[sflag:s3] =	ssyncadd.s32 $0xFFFFF800  }
0x110: {  	_ =	swait.ge [sflag:s3], $0x800  }
0x111: {  	[sflag:s3] =	ssyncset.done $0x0  }
0x112: {  	[sflag:s3] =	ssyncadd.s32 $0xFFFFF800  }
0x113: {  	_ =	swait.ge [sflag:s3], $0x800  }
0x114: {  	[sflag:s3] =	ssyncset.done $0x0  }
0x115: {  	[sflag:s3] =	ssyncadd.s32 $0xFFFFF800  }
0x116: {  	_ =	swait.ge [sflag:s3], $0x800  }
0x117: {  	[sflag:s3] =	ssyncset.done $0x0  }
0x118: {  	s0 =	simm.s32 $0x400;
	[sflag:s3] =	ssyncadd.s32 $0xFFFFF800  }
0x119: {  	v2 =	vld [tilespmem:s0+$0x0];
	_ =	sdelay $0x4  }
0x11a: {  	v2 =	vshll.u32 v2, $0x6  }
0x11b: {  	v2 =	vshra.s32 v2, $0x2  }
0x11c: {  	v2 =	vadd.s32 $0x9800, v2  }
0x11d: {  	(v2sf) =	vpush v2, $0x0;
	_ =	sdelay $0x9  }
0x11e: {  	(v2sf) =	vpush v2, $0x1  }
0x11f: {  	s30 =	simm.s32 $0x1400  }
0x120: {  	v3 =	vld [tilespmem:s30+$0x0]  }
0x121: {  	s2 =	simm.s32 $0x0  }
0x122: {  	v4 =	vld [tilespmem:s2+$0x5800]  }
0x123: {  	s8 =	spop (v2sf)  }
0x124: {  	v5 =	vld [tilespmem:s8+$0x0]  }
0x125: {  	v6 =	vbroadcast v3, $0x0;
	_ =	sdelay $0x1  }
0x126: {  	v4 =	vmul.f32 v4, v6  }
0x127: {  	(v2sf) =	vpush v2, $0x2  }
0x128: {  	v4 =	vadd.f32 v4, v5;
	_ =	sdelay $0x1  }
0x129: {  	[tilespmem:s8+$0x0] =	vst v4  }
0x12a: {  	v4 =	vld [tilespmem:s2+$0x5810]  }
0x12b: {  	s9 =	spop (v2sf)  }
0x12c: {  	v35 =	vld [tilespmem:s9+$0x0]  }
0x12d: {  	v36 =	vbroadcast v3, $0x1;
	_ =	sdelay $0x1  }
0x12e: {  	v4 =	vmul.f32 v4, v36  }
0x12f: {  	(v2sf) =	vpush v2, $0x3  }
0x130: {  	v4 =	vadd.f32 v4, v35;
	_ =	sdelay $0x1  }
0x131: {  	[tilespmem:s9+$0x0] =	vst v4  }
0x132: {  	v4 =	vld [tilespmem:s2+$0x5820]  }
0x133: {  	s11 =	spop (v2sf)  }
0x134: {  	v37 =	vld [tilespmem:s11+$0x0]  }
0x135: {  	v38 =	vbroadcast v3, $0x2;
	_ =	sdelay $0x1  }
0x136: {  	v4 =	vmul.f32 v4, v38  }
0x137: {  	(v2sf) =	vpush v2, $0x4  }
0x138: {  	v4 =	vadd.f32 v4, v37;
	_ =	sdelay $0x1  }
0x139: {  	[tilespmem:s11+$0x0] =	vst v4  }
0x13a: {  	v4 =	vld [tilespmem:s2+$0x5830]  }
0x13b: {  	s9 =	spop (v2sf)  }
0x13c: {  	v39 =	vld [tilespmem:s9+$0x0]  }
0x13d: {  	v40 =	vbroadcast v3, $0x3;
	_ =	sdelay $0x1  }
0x13e: {  	v4 =	vmul.f32 v4, v40  }
0x13f: {  	(v2sf) =	vpush v2, $0x5  }
0x140: {  	v4 =	vadd.f32 v4, v39;
	_ =	sdelay $0x1  }
0x141: {  	[tilespmem:s9+$0x0] =	vst v4  }
0x142: {  	v4 =	vld [tilespmem:s2+$0x5840]  }
0x143: {  	s11 =	spop (v2sf)  }
0x144: {  	v41 =	vld [tilespmem:s11+$0x0]  }
0x145: {  	v42 =	vbroadcast v3, $0x4;
	_ =	sdelay $0x1  }
0x146: {  	v4 =	vmul.f32 v4, v42  }
0x147: {  	(v2sf) =	vpush v2, $0x6  }
0x148: {  	v4 =	vadd.f32 v4, v41;
	_ =	sdelay $0x1  }
0x149: {  	[tilespmem:s11+$0x0] =	vst v4  }
0x14a: {  	v4 =	vld [tilespmem:s2+$0x5850]  }
0x14b: {  	s9 =	spop (v2sf)  }
0x14c: {  	v43 =	vld [tilespmem:s9+$0x0]  }
0x14d: {  	v44 =	vbroadcast v3, $0x5;
	_ =	sdelay $0x1  }
0x14e: {  	v4 =	vmul.f32 v4, v44  }
0x14f: {  	(v2sf) =	vpush v2, $0x7  }
0x150: {  	v4 =	vadd.f32 v4, v43;
	_ =	sdelay $0x1  }
0x151: {  	[tilespmem:s9+$0x0] =	vst v4  }
0x152: {  	v4 =	vld [tilespmem:s2+$0x5860]  }
0x153: {  	s11 =	spop (v2sf)  }
0x154: {  	v45 =	vld [tilespmem:s11+$0x0]  }
0x155: {  	v46 =	vbroadcast v3, $0x6;
	_ =	sdelay $0x1  }
0x156: {  	v4 =	vmul.f32 v4, v46  }
0x157: {  	(v2sf) =	vpush v2, $0x8  }
0x158: {  	v4 =	vadd.f32 v4, v45;
	_ =	sdelay $0x1  }
0x159: {  	[tilespmem:s11+$0x0] =	vst v4  }
0x15a: {  	v4 =	vld [tilespmem:s2+$0x5870]  }
0x15b: {  	s9 =	spop (v2sf)  }
0x15c: {  	v47 =	vld [tilespmem:s9+$0x0]  }
0x15d: {  	v48 =	vbroadcast v3, $0x7;
	_ =	sdelay $0x1  }
0x15e: {  	v4 =	vmul.f32 v4, v48  }
0x15f: {  	(v2sf) =	vpush v2, $0x9  }
0x160: {  	v4 =	vadd.f32 v4, v47;
	_ =	sdelay $0x1  }
0x161: {  	[tilespmem:s9+$0x0] =	vst v4  }
0x162: {  	v4 =	vld [tilespmem:s2+$0x5880]  }
0x163: {  	s11 =	spop (v2sf)  }
0x164: {  	v49 =	vld [tilespmem:s11+$0x0]  }
0x165: {  	v50 =	vbroadcast v3, $0x8;
	_ =	sdelay $0x1  }
0x166: {  	v4 =	vmul.f32 v4, v50  }
0x167: {  	(v2sf) =	vpush v2, $0xA  }
0x168: {  	v4 =	vadd.f32 v4, v49;
	_ =	sdelay $0x1  }
0x169: {  	[tilespmem:s11+$0x0] =	vst v4  }
0x16a: {  	v4 =	vld [tilespmem:s2+$0x5890]  }
0x16b: {  	s9 =	spop (v2sf)  }
0x16c: {  	v51 =	vld [tilespmem:s9+$0x0]  }
0x16d: {  	v52 =	vbroadcast v3, $0x9;
	_ =	sdelay $0x1  }
0x16e: {  	v4 =	vmul.f32 v4, v52  }
0x16f: {  	(v2sf) =	vpush v2, $0xB  }
0x170: {  	v4 =	vadd.f32 v4, v51;
	_ =	sdelay $0x1  }
0x171: {  	[tilespmem:s9+$0x0] =	vst v4  }
0x172: {  	v4 =	vld [tilespmem:s2+$0x58A0]  }
0x173: {  	s11 =	spop (v2sf)  }
0x174: {  	v53 =	vld [tilespmem:s11+$0x0]  }
0x175: {  	v54 =	vbroadcast v3, $0xA;
	_ =	sdelay $0x1  }
0x176: {  	v4 =	vmul.f32 v4, v54  }
0x177: {  	(v2sf) =	vpush v2, $0xC  }
0x178: {  	v4 =	vadd.f32 v4, v53;
	_ =	sdelay $0x1  }
0x179: {  	[tilespmem:s11+$0x0] =	vst v4  }
0x17a: {  	v4 =	vld [tilespmem:s2+$0x58B0]  }
0x17b: {  	s9 =	spop (v2sf)  }
0x17c: {  	v55 =	vld [tilespmem:s9+$0x0]  }
0x17d: {  	v56 =	vbroadcast v3, $0xB;
	_ =	sdelay $0x1  }
0x17e: {  	v4 =	vmul.f32 v4, v56  }
0x17f: {  	(v2sf) =	vpush v2, $0xD  }
0x180: {  	v4 =	vadd.f32 v4, v55;
	_ =	sdelay $0x1  }
0x181: {  	[tilespmem:s9+$0x0] =	vst v4  }
0x182: {  	v4 =	vld [tilespmem:s2+$0x58C0]  }
0x183: {  	s11 =	spop (v2sf)  }
0x184: {  	v57 =	vld [tilespmem:s11+$0x0]  }
0x185: {  	v58 =	vbroadcast v3, $0xC;
	_ =	sdelay $0x1  }
0x186: {  	v4 =	vmul.f32 v4, v58  }
0x187: {  	(v2sf) =	vpush v2, $0xE  }
0x188: {  	v4 =	vadd.f32 v4, v57;
	_ =	sdelay $0x1  }
0x189: {  	[tilespmem:s11+$0x0] =	vst v4  }
0x18a: {  	v4 =	vld [tilespmem:s2+$0x58D0]  }
0x18b: {  	s9 =	spop (v2sf)  }
0x18c: {  	v59 =	vld [tilespmem:s9+$0x0]  }
0x18d: {  	v60 =	vbroadcast v3, $0xD;
	_ =	sdelay $0x1  }
0x18e: {  	v4 =	vmul.f32 v4, v60  }
0x18f: {  	(v2sf) =	vpush v2, $0xF  }
0x190: {  	v2 =	vadd.f32 v4, v59;
	_ =	sdelay $0x1  }
0x191: {  	[tilespmem:s9+$0x0] =	vst v2  }
0x192: {  	v2 =	vld [tilespmem:s2+$0x58E0]  }
0x193: {  	s11 =	spop (v2sf)  }
0x194: {  	v61 =	vld [tilespmem:s11+$0x0]  }
0x195: {  	v62 =	vbroadcast v3, $0xE;
	_ =	sdelay $0x1  }
0x196: {  	v2 =	vmul.f32 v2, v62;
	_ =	sdelay $0x1  }
0x197: {  	v2 =	vadd.f32 v2, v61;
	_ =	sdelay $0x1  }
0x198: {  	[tilespmem:s11+$0x0] =	vst v2  }
0x199: {  	v2 =	vld [tilespmem:s2+$0x58F0]  }
0x19a: {  	s8 =	spop (v2sf)  }
0x19b: {  	v63 =	vld [tilespmem:s8+$0x0]  }
0x19c: {  	v3 =	vbroadcast v3, $0xF;
	_ =	sdelay $0x1  }
0x19d: {  	v2 =	vmul.f32 v2, v3;
	_ =	sdelay $0x1  }
0x19e: {  	s2 =	simm.s32 $0x400;
	v2 =	vadd.f32 v2, v63  }
.LBB2_17:
0x19f: {  	_ = 	snop  }
0x1a0: {  	p0 =	sne.s32 s2, $0xFC00;
	s0 =	sadd.s32 $0x10, s0;
	s30 =	sadd.s32 $0x10, s30;
	[tilespmem:s8+$0x0] =	vst v2  }
0x1a1: {  	s8 =	smov.u32 s2;
	s2 =	sadd.s32 $0x400, s2;
	v2 =	vld [tilespmem:s0+$0x0];
	_ =	sdelay $0x4  }
0x1a2: {  	v2 =	vshll.u32 v2, $0x6  }
0x1a3: {  	v2 =	vshra.s32 v2, $0x2  }
0x1a4: {  	v3 =	vadd.s32 $0x9800, v2  }
0x1a5: {  	(v2sf) =	vpush v3, $0x0;
	_ =	sdelay $0x9  }
0x1a6: {  	(v2sf) =	vpush v3, $0x1;
	_ =	sdelay $0x1  }
0x1a7: {  	v2 =	vld [tilespmem:s30+$0x0]  }
0x1a8: {  	s8 =	sshra.s32 s8, $0x2  }
0x1a9: {  	v4 =	vld [tilespmem:s8+$0x5800]  }
0x1aa: {  	s9 =	spop (v2sf)  }
0x1ab: {  	v5 =	vld [tilespmem:s9+$0x0]  }
0x1ac: {  	v6 =	vbroadcast v2, $0x0;
	_ =	sdelay $0x1  }
0x1ad: {  	v4 =	vmul.f32 v4, v6  }
0x1ae: {  	(v2sf) =	vpush v3, $0x2  }
0x1af: {  	v4 =	vadd.f32 v4, v5;
	_ =	sdelay $0x1  }
0x1b0: {  	[tilespmem:s9+$0x0] =	vst v4  }
0x1b1: {  	v4 =	vld [tilespmem:s8+$0x5810]  }
0x1b2: {  	s9 =	spop (v2sf)  }
0x1b3: {  	v5 =	vld [tilespmem:s9+$0x0]  }
0x1b4: {  	v6 =	vbroadcast v2, $0x1;
	_ =	sdelay $0x1  }
0x1b5: {  	v4 =	vmul.f32 v4, v6  }
0x1b6: {  	(v2sf) =	vpush v3, $0x3  }
0x1b7: {  	v4 =	vadd.f32 v4, v5;
	_ =	sdelay $0x1  }
0x1b8: {  	[tilespmem:s9+$0x0] =	vst v4  }
0x1b9: {  	v4 =	vld [tilespmem:s8+$0x5820]  }
0x1ba: {  	s9 =	spop (v2sf)  }
0x1bb: {  	v5 =	vld [tilespmem:s9+$0x0]  }
0x1bc: {  	v6 =	vbroadcast v2, $0x2;
	_ =	sdelay $0x1  }
0x1bd: {  	v4 =	vmul.f32 v4, v6  }
0x1be: {  	(v2sf) =	vpush v3, $0x4  }
0x1bf: {  	v4 =	vadd.f32 v4, v5;
	_ =	sdelay $0x1  }
0x1c0: {  	[tilespmem:s9+$0x0] =	vst v4  }
0x1c1: {  	v4 =	vld [tilespmem:s8+$0x5830]  }
0x1c2: {  	s9 =	spop (v2sf)  }
0x1c3: {  	v5 =	vld [tilespmem:s9+$0x0]  }
0x1c4: {  	v6 =	vbroadcast v2, $0x3;
	_ =	sdelay $0x1  }
0x1c5: {  	v4 =	vmul.f32 v4, v6  }
0x1c6: {  	(v2sf) =	vpush v3, $0x5  }
0x1c7: {  	v4 =	vadd.f32 v4, v5;
	_ =	sdelay $0x1  }
0x1c8: {  	[tilespmem:s9+$0x0] =	vst v4  }
0x1c9: {  	v4 =	vld [tilespmem:s8+$0x5840]  }
0x1ca: {  	s9 =	spop (v2sf)  }
0x1cb: {  	v5 =	vld [tilespmem:s9+$0x0]  }
0x1cc: {  	v6 =	vbroadcast v2, $0x4;
	_ =	sdelay $0x1  }
0x1cd: {  	v4 =	vmul.f32 v4, v6  }
0x1ce: {  	(v2sf) =	vpush v3, $0x6  }
0x1cf: {  	v4 =	vadd.f32 v4, v5;
	_ =	sdelay $0x1  }
0x1d0: {  	[tilespmem:s9+$0x0] =	vst v4  }
0x1d1: {  	v4 =	vld [tilespmem:s8+$0x5850]  }
0x1d2: {  	s9 =	spop (v2sf)  }
0x1d3: {  	v5 =	vld [tilespmem:s9+$0x0]  }
0x1d4: {  	v6 =	vbroadcast v2, $0x5;
	_ =	sdelay $0x1  }
0x1d5: {  	v4 =	vmul.f32 v4, v6  }
0x1d6: {  	(v2sf) =	vpush v3, $0x7  }
0x1d7: {  	v4 =	vadd.f32 v4, v5;
	_ =	sdelay $0x1  }
0x1d8: {  	[tilespmem:s9+$0x0] =	vst v4  }
0x1d9: {  	v4 =	vld [tilespmem:s8+$0x5860]  }
0x1da: {  	s9 =	spop (v2sf)  }
0x1db: {  	v5 =	vld [tilespmem:s9+$0x0]  }
0x1dc: {  	v6 =	vbroadcast v2, $0x6;
	_ =	sdelay $0x1  }
0x1dd: {  	v4 =	vmul.f32 v4, v6  }
0x1de: {  	(v2sf) =	vpush v3, $0x8  }
0x1df: {  	v4 =	vadd.f32 v4, v5;
	_ =	sdelay $0x1  }
0x1e0: {  	[tilespmem:s9+$0x0] =	vst v4  }
0x1e1: {  	v4 =	vld [tilespmem:s8+$0x5870]  }
0x1e2: {  	s9 =	spop (v2sf)  }
0x1e3: {  	v5 =	vld [tilespmem:s9+$0x0]  }
0x1e4: {  	v6 =	vbroadcast v2, $0x7;
	_ =	sdelay $0x1  }
0x1e5: {  	v4 =	vmul.f32 v4, v6;
	(v2sf) =	vpush v3, $0x9;
	_ =	sdelay $0x1  }
0x1e6: {  	v4 =	vadd.f32 v4, v5;
	_ =	sdelay $0x1  }
0x1e7: {  	[tilespmem:s9+$0x0] =	vst v4  }
0x1e8: {  	v4 =	vld [tilespmem:s8+$0x5880]  }
0x1e9: {  	s9 =	spop (v2sf)  }
0x1ea: {  	v5 =	vld [tilespmem:s9+$0x0]  }
0x1eb: {  	v6 =	vbroadcast v2, $0x8;
	_ =	sdelay $0x1  }
0x1ec: {  	v4 =	vmul.f32 v4, v6;
	(v2sf) =	vpush v3, $0xA;
	_ =	sdelay $0x1  }
0x1ed: {  	v4 =	vadd.f32 v4, v5;
	_ =	sdelay $0x1  }
0x1ee: {  	[tilespmem:s9+$0x0] =	vst v4  }
0x1ef: {  	v4 =	vld [tilespmem:s8+$0x5890];
	s9 =	spop (v2sf)  }
0x1f0: {  	v5 =	vld [tilespmem:s9+$0x0];
	_ =	sdelay $0x1  }
0x1f1: {  	v6 =	vbroadcast v2, $0x9;
	_ =	sdelay $0x1  }
0x1f2: {  	v4 =	vmul.f32 v4, v6;
	(v2sf) =	vpush v3, $0xB;
	_ =	sdelay $0x1  }
0x1f3: {  	v4 =	vadd.f32 v4, v5;
	_ =	sdelay $0x1  }
0x1f4: {  	[tilespmem:s9+$0x0] =	vst v4  }
0x1f5: {  	v4 =	vld [tilespmem:s8+$0x58A0];
	s9 =	spop (v2sf)  }
0x1f6: {  	v5 =	vld [tilespmem:s9+$0x0];
	_ =	sdelay $0x1  }
0x1f7: {  	v6 =	vbroadcast v2, $0xA;
	_ =	sdelay $0x1  }
0x1f8: {  	v4 =	vmul.f32 v4, v6;
	(v2sf) =	vpush v3, $0xC;
	_ =	sdelay $0x1  }
0x1f9: {  	v4 =	vadd.f32 v4, v5;
	_ =	sdelay $0x1  }
0x1fa: {  	[tilespmem:s9+$0x0] =	vst v4  }
0x1fb: {  	v4 =	vld [tilespmem:s8+$0x58B0];
	s9 =	spop (v2sf)  }
0x1fc: {  	v5 =	vld [tilespmem:s9+$0x0];
	_ =	sdelay $0x1  }
0x1fd: {  	v6 =	vbroadcast v2, $0xB;
	_ =	sdelay $0x1  }
0x1fe: {  	v4 =	vmul.f32 v4, v6;
	(v2sf) =	vpush v3, $0xD;
	_ =	sdelay $0x1  }
0x1ff: {  	v4 =	vadd.f32 v4, v5;
	_ =	sdelay $0x1  }
0x200: {  	[tilespmem:s9+$0x0] =	vst v4  }
0x201: {  	v4 =	vld [tilespmem:s8+$0x58C0];
	s9 =	spop (v2sf)  }
0x202: {  	v5 =	vld [tilespmem:s9+$0x0];
	_ =	sdelay $0x1  }
0x203: {  	v6 =	vbroadcast v2, $0xC;
	_ =	sdelay $0x1  }
0x204: {  	v4 =	vmul.f32 v4, v6;
	(v2sf) =	vpush v3, $0xE;
	_ =	sdelay $0x1  }
0x205: {  	v4 =	vadd.f32 v4, v5;
	_ =	sdelay $0x1  }
0x206: {  	[tilespmem:s9+$0x0] =	vst v4  }
0x207: {  	v4 =	vld [tilespmem:s8+$0x58D0];
	s9 =	spop (v2sf)  }
0x208: {  	v5 =	vld [tilespmem:s9+$0x0];
	_ =	sdelay $0x1  }
0x209: {  	v6 =	vbroadcast v2, $0xD;
	_ =	sdelay $0x1  }
0x20a: {  	v4 =	vmul.f32 v4, v6;
	(v2sf) =	vpush v3, $0xF;
	_ =	sdelay $0x1  }
0x20b: {  	v3 =	vadd.f32 v4, v5;
	_ =	sdelay $0x1  }
0x20c: {  	[tilespmem:s9+$0x0] =	vst v3  }
0x20d: {  	v3 =	vld [tilespmem:s8+$0x58E0];
	s9 =	spop (v2sf)  }
0x20e: {  	v4 =	vld [tilespmem:s9+$0x0];
	_ =	sdelay $0x1  }
0x20f: {  	v5 =	vbroadcast v2, $0xE;
	_ =	sdelay $0x1  }
0x210: {  	v3 =	vmul.f32 v3, v5;
	_ =	sdelay $0x1  }
0x211: {  	v3 =	vadd.f32 v3, v4;
	_ =	sdelay $0x1  }
0x212: {  	[tilespmem:s9+$0x0] =	vst v3  }
0x213: {  	v3 =	vld [tilespmem:s8+$0x58F0];
	s8 =	spop (v2sf)  }
0x214: {  	v4 =	vld [tilespmem:s8+$0x0];
	_ =	sdelay $0x1  }
.Ltmp9:
0x215: {  	v2 =	vbroadcast v2, $0xF;
	(pc) =	sbr.rel @p0 .LBB2_17-.Ltmp9, $3  }
0x216: {  	_ = 	snop  }
0x217: {  	v2 =	vmul.f32 v3, v2;
	_ =	sdelay $0x1  }
0x218: {  	v2 =	vadd.f32 v2, v4  }
.Ltmp10:
0x219: {  	(pc) =	sbr.rel .LBB2_19-.Ltmp10, $2  }
0x21a: {  	_ =	sdelay $0x2  }
0x21b: {  	[tilespmem:s8+$0x0] =	vst v2  }
.LBB2_7:
0x21c: {  	s0 =	sshll.u32 s31, $0xA  }
0x21d: {  	s0 =	sadd.s32 s10, s0  }
0x21e: {  	s0 =	sshrl.u32 s0, $0x3  }
0x21f: {  	s8 =	simm.s32 $0x0;
	s9 =	simm.s32 $0x400;
	s2 =	sadd.s32 s5, s0  }
0x220: {  	[tilespmem:s9], [sflag:$0x3] =	stream.linear.gather [hbm4b:s2+s8], $0x400, $0x38;
	[tilespmem:$0x19800] =	vst v63  }
0x221: {  	_ =	swait.ge [sflag:s13], $0x400  }
0x222: {  	[sflag:s13] =	ssyncset.done $0x0  }
0x223: {  	s11 =	sadd.s32 s6, s0;
	[sflag:s13] =	ssyncadd.s32 $0xFFFFFC00  }
0x224: {  	[tilespmem:s7], [sflag:$0x3] =	stream.linear.gather [hbm4b:s11+s8], $0x400, $0x38;
	[tilespmem:$0x19800] =	vst v63  }
0x225: {  	_ =	swait.ge [sflag:s13], $0x400  }
0x226: {  	[sflag:s13] =	ssyncset.done $0x0  }
0x227: {  	s30 =	simm.s32 $0x1400;
	s0 =	sadd.s32 s1, s0;
	[sflag:s13] =	ssyncadd.s32 $0xFFFFFC00  }
0x228: {  	[tilespmem:s30], [sflag:$0x3] =	stream.linear.gather [hbm4b:s0+s8], $0x400, $0x38;
	[tilespmem:$0x19800] =	vst v63  }
0x229: {  	_ =	swait.ge [sflag:s13], $0x400  }
0x22a: {  	[sflag:s13] =	ssyncset.done $0x0  }
0x22b: {  	s2 =	simm.s32 $0x40;
	s0 =	simm.s32 $0x0;
	[sflag:s13] =	ssyncadd.s32 $0xFFFFFC00  }
.LBB2_8:
0x22c: {  	p0 =	sne.s32 s2, $0xFC0;
	v2 =	vld [tilespmem:s0+$0xC00];
	_ =	sdelay $0x1  }
.Ltmp11:
0x22d: {  	(pc) =	sbr.rel @p0 .LBB2_8-.Ltmp11, $3  }
0x22e: {  	_ =	sdelay $0x1  }
0x22f: {  	v2 =	vadd.s32 v0, v2  }
0x230: {  	[tilespmem:s0+$0xC00] =	vst v2;
	s0 =	sshra.s32 s2, $0x2;
	s2 =	sadd.s32 $0x40, s2  }
0x231: {  	v2 =	vld [tilespmem:s0+$0xC00];
	_ =	sdelay $0x4  }
0x232: {  	v2 =	vadd.s32 v0, v2  }
0x233: {  	s11 =	simm.s32 $0x5800;
	[tilespmem:s0+$0xC00] =	vst v2  }
0x234: {  	[tilespmem:s11], [sflag:$0x2] =	stream.indirect.gather [hbm4b:s4+s16], $0x10, s7, s16, $0xb8;
	[tilespmem:$0x19800] =	vst v63  }
0x235: {  	s2 =	simm.s32 $0xC80  }
0x236: {  	[tilespmem:s12], [sflag:$0x2] =	stream.indirect.gather [hbm4b:s4+s16], $0x10, s2, s16, $0xb8;
	[tilespmem:$0x19800] =	vst v63  }
0x237: {  	_ = 	snop  }
0x238: {  	[tilespmem:s17], [sflag:$0x2] =	stream.indirect.gather [hbm4b:s4+s16], $0x10, s15, s16, $0xb8;
	[tilespmem:$0x19800] =	vst v63  }
0x239: {  	_ = 	snop  }
0x23a: {  	[tilespmem:s19], [sflag:$0x2] =	stream.indirect.gather [hbm4b:s4+s16], $0x10, s18, s16, $0xb8;
	[tilespmem:$0x19800] =	vst v63  }
0x23b: {  	_ = 	snop  }
0x23c: {  	[tilespmem:s21], [sflag:$0x2] =	stream.indirect.gather [hbm4b:s4+s16], $0x10, s20, s16, $0xb8;
	[tilespmem:$0x19800] =	vst v63  }
0x23d: {  	_ = 	snop  }
0x23e: {  	[tilespmem:s23], [sflag:$0x2] =	stream.indirect.gather [hbm4b:s4+s16], $0x10, s22, s16, $0xb8;
	[tilespmem:$0x19800] =	vst v63  }
0x23f: {  	_ = 	snop  }
0x240: {  	[tilespmem:s25], [sflag:$0x2] =	stream.indirect.gather [hbm4b:s4+s16], $0x10, s24, s16, $0xb8;
	[tilespmem:$0x19800] =	vst v63  }
0x241: {  	_ = 	snop  }
0x242: {  	[tilespmem:s28], [sflag:$0x2] =	stream.indirect.gather [hbm4b:s4+s16], $0x10, s26, s16, $0xb8;
	[tilespmem:$0x19800] =	vst v63  }
0x243: {  	_ =	swait.ge [sflag:s29], $0x800  }
0x244: {  	[sflag:s29] =	ssyncset.done $0x0  }
0x245: {  	[sflag:s29] =	ssyncadd.s32 $0xFFFFF800  }
0x246: {  	_ =	swait.ge [sflag:s29], $0x800  }
0x247: {  	[sflag:s29] =	ssyncset.done $0x0  }
0x248: {  	[sflag:s29] =	ssyncadd.s32 $0xFFFFF800  }
0x249: {  	_ =	swait.ge [sflag:s29], $0x800  }
0x24a: {  	[sflag:s29] =	ssyncset.done $0x0  }
0x24b: {  	[sflag:s29] =	ssyncadd.s32 $0xFFFFF800  }
0x24c: {  	_ =	swait.ge [sflag:s29], $0x800  }
0x24d: {  	[sflag:s29] =	ssyncset.done $0x0  }
0x24e: {  	[sflag:s29] =	ssyncadd.s32 $0xFFFFF800  }
0x24f: {  	_ =	swait.ge [sflag:s29], $0x800  }
0x250: {  	[sflag:s29] =	ssyncset.done $0x0  }
0x251: {  	[sflag:s29] =	ssyncadd.s32 $0xFFFFF800  }
0x252: {  	_ =	swait.ge [sflag:s29], $0x800  }
0x253: {  	[sflag:s29] =	ssyncset.done $0x0  }
0x254: {  	[sflag:s29] =	ssyncadd.s32 $0xFFFFF800  }
0x255: {  	_ =	swait.ge [sflag:s29], $0x800  }
0x256: {  	[sflag:s29] =	ssyncset.done $0x0  }
0x257: {  	[sflag:s29] =	ssyncadd.s32 $0xFFFFF800  }
0x258: {  	_ =	swait.ge [sflag:s29], $0x800  }
0x259: {  	[sflag:s29] =	ssyncset.done $0x0  }
0x25a: {  	s8 =	simm.s32 $0x0;
	[sflag:s29] =	ssyncadd.s32 $0xFFFFF800  }
0x25b: {  	v2 =	vld [tilespmem:s8+$0x0];
	_ =	sdelay $0x4  }
0x25c: {  	v2 =	vshll.u32 v2, $0x6  }
0x25d: {  	v2 =	vshra.s32 v2, $0x2  }
0x25e: {  	v2 =	vadd.s32 $0x9800, v2  }
0x25f: {  	(v2sf) =	vpush v2, $0x0;
	_ =	sdelay $0x9  }
0x260: {  	(v2sf) =	vpush v2, $0x1;
	_ =	sdelay $0x1  }
0x261: {  	v3 =	vld [tilespmem:s8+$0x1000]  }
0x262: {  	s0 =	simm.s32 $0x1880  }
0x263: {  	v4 =	vld [tilespmem:s0+$0xFFFFFF80]  }
0x264: {  	s2 =	spop (v2sf)  }
0x265: {  	v5 =	vld [tilespmem:s2+$0x0]  }
0x266: {  	v6 =	vbroadcast v3, $0x0;
	_ =	sdelay $0x1  }
0x267: {  	v4 =	vmul.f32 v4, v6  }
0x268: {  	(v2sf) =	vpush v2, $0x2  }
0x269: {  	v4 =	vadd.f32 v4, v5;
	_ =	sdelay $0x1  }
0x26a: {  	[tilespmem:s2+$0x0] =	vst v4  }
0x26b: {  	v4 =	vld [tilespmem:s0+$0xFFFFFF90]  }
0x26c: {  	s9 =	spop (v2sf)  }
0x26d: {  	v35 =	vld [tilespmem:s9+$0x0]  }
0x26e: {  	v36 =	vbroadcast v3, $0x1;
	_ =	sdelay $0x1  }
0x26f: {  	v4 =	vmul.f32 v4, v36  }
0x270: {  	(v2sf) =	vpush v2, $0x3  }
0x271: {  	v4 =	vadd.f32 v4, v35;
	_ =	sdelay $0x1  }
0x272: {  	[tilespmem:s9+$0x0] =	vst v4  }
0x273: {  	v4 =	vld [tilespmem:s0+$0xFFFFFFA0]  }
0x274: {  	s11 =	spop (v2sf)  }
0x275: {  	v37 =	vld [tilespmem:s11+$0x0]  }
0x276: {  	v38 =	vbroadcast v3, $0x2;
	_ =	sdelay $0x1  }
0x277: {  	v4 =	vmul.f32 v4, v38  }
0x278: {  	(v2sf) =	vpush v2, $0x4  }
0x279: {  	v4 =	vadd.f32 v4, v37;
	_ =	sdelay $0x1  }
0x27a: {  	[tilespmem:s11+$0x0] =	vst v4  }
0x27b: {  	v4 =	vld [tilespmem:s0+$0xFFFFFFB0]  }
0x27c: {  	s8 =	spop (v2sf)  }
0x27d: {  	v39 =	vld [tilespmem:s8+$0x0]  }
0x27e: {  	v40 =	vbroadcast v3, $0x3;
	_ =	sdelay $0x1  }
0x27f: {  	v4 =	vmul.f32 v4, v40  }
0x280: {  	(v2sf) =	vpush v2, $0x5  }
0x281: {  	v4 =	vadd.f32 v4, v39;
	_ =	sdelay $0x1  }
0x282: {  	[tilespmem:s8+$0x0] =	vst v4  }
0x283: {  	v4 =	vld [tilespmem:s0+$0xFFFFFFC0]  }
0x284: {  	s9 =	spop (v2sf)  }
0x285: {  	v41 =	vld [tilespmem:s9+$0x0]  }
0x286: {  	v42 =	vbroadcast v3, $0x4;
	_ =	sdelay $0x1  }
0x287: {  	v4 =	vmul.f32 v4, v42  }
0x288: {  	(v2sf) =	vpush v2, $0x6  }
0x289: {  	v4 =	vadd.f32 v4, v41;
	_ =	sdelay $0x1  }
0x28a: {  	[tilespmem:s9+$0x0] =	vst v4  }
0x28b: {  	v4 =	vld [tilespmem:s0+$0xFFFFFFD0]  }
0x28c: {  	s11 =	spop (v2sf)  }
0x28d: {  	v43 =	vld [tilespmem:s11+$0x0]  }
0x28e: {  	v44 =	vbroadcast v3, $0x5;
	_ =	sdelay $0x1  }
0x28f: {  	v4 =	vmul.f32 v4, v44  }
0x290: {  	(v2sf) =	vpush v2, $0x7  }
0x291: {  	v4 =	vadd.f32 v4, v43;
	_ =	sdelay $0x1  }
0x292: {  	[tilespmem:s11+$0x0] =	vst v4  }
0x293: {  	v4 =	vld [tilespmem:s0+$0xFFFFFFE0]  }
0x294: {  	s8 =	spop (v2sf)  }
0x295: {  	v45 =	vld [tilespmem:s8+$0x0]  }
0x296: {  	v46 =	vbroadcast v3, $0x6;
	_ =	sdelay $0x1  }
0x297: {  	v4 =	vmul.f32 v4, v46  }
0x298: {  	(v2sf) =	vpush v2, $0x8  }
0x299: {  	v4 =	vadd.f32 v4, v45;
	_ =	sdelay $0x1  }
0x29a: {  	[tilespmem:s8+$0x0] =	vst v4  }
0x29b: {  	v4 =	vld [tilespmem:s0+$0xFFFFFFF0]  }
0x29c: {  	s9 =	spop (v2sf)  }
0x29d: {  	v47 =	vld [tilespmem:s9+$0x0]  }
0x29e: {  	v48 =	vbroadcast v3, $0x7;
	_ =	sdelay $0x1  }
0x29f: {  	v4 =	vmul.f32 v4, v48  }
0x2a0: {  	(v2sf) =	vpush v2, $0x9  }
0x2a1: {  	v4 =	vadd.f32 v4, v47;
	_ =	sdelay $0x1  }
0x2a2: {  	[tilespmem:s9+$0x0] =	vst v4  }
0x2a3: {  	v4 =	vld [tilespmem:s0+$0x0]  }
0x2a4: {  	s11 =	spop (v2sf)  }
0x2a5: {  	v49 =	vld [tilespmem:s11+$0x0]  }
0x2a6: {  	v50 =	vbroadcast v3, $0x8;
	_ =	sdelay $0x1  }
0x2a7: {  	v4 =	vmul.f32 v4, v50  }
0x2a8: {  	(v2sf) =	vpush v2, $0xA  }
0x2a9: {  	v4 =	vadd.f32 v4, v49;
	_ =	sdelay $0x1  }
0x2aa: {  	[tilespmem:s11+$0x0] =	vst v4  }
0x2ab: {  	v4 =	vld [tilespmem:s0+$0x10]  }
0x2ac: {  	s8 =	spop (v2sf)  }
0x2ad: {  	v51 =	vld [tilespmem:s8+$0x0]  }
0x2ae: {  	v52 =	vbroadcast v3, $0x9;
	_ =	sdelay $0x1  }
0x2af: {  	v4 =	vmul.f32 v4, v52  }
0x2b0: {  	(v2sf) =	vpush v2, $0xB  }
0x2b1: {  	v4 =	vadd.f32 v4, v51;
	_ =	sdelay $0x1  }
0x2b2: {  	[tilespmem:s8+$0x0] =	vst v4  }
0x2b3: {  	v4 =	vld [tilespmem:s0+$0x20]  }
0x2b4: {  	s9 =	spop (v2sf)  }
0x2b5: {  	v53 =	vld [tilespmem:s9+$0x0]  }
0x2b6: {  	v54 =	vbroadcast v3, $0xA;
	_ =	sdelay $0x1  }
0x2b7: {  	v4 =	vmul.f32 v4, v54  }
0x2b8: {  	(v2sf) =	vpush v2, $0xC  }
0x2b9: {  	v4 =	vadd.f32 v4, v53;
	_ =	sdelay $0x1  }
0x2ba: {  	[tilespmem:s9+$0x0] =	vst v4  }
0x2bb: {  	v4 =	vld [tilespmem:s0+$0x30]  }
0x2bc: {  	s11 =	spop (v2sf)  }
0x2bd: {  	v55 =	vld [tilespmem:s11+$0x0]  }
0x2be: {  	v56 =	vbroadcast v3, $0xB;
	_ =	sdelay $0x1  }
0x2bf: {  	v4 =	vmul.f32 v4, v56  }
0x2c0: {  	(v2sf) =	vpush v2, $0xD  }
0x2c1: {  	v4 =	vadd.f32 v4, v55;
	_ =	sdelay $0x1  }
0x2c2: {  	[tilespmem:s11+$0x0] =	vst v4  }
0x2c3: {  	v4 =	vld [tilespmem:s0+$0x40]  }
0x2c4: {  	s8 =	spop (v2sf)  }
0x2c5: {  	v57 =	vld [tilespmem:s8+$0x0]  }
0x2c6: {  	v58 =	vbroadcast v3, $0xC;
	_ =	sdelay $0x1  }
0x2c7: {  	v4 =	vmul.f32 v4, v58  }
0x2c8: {  	(v2sf) =	vpush v2, $0xE  }
0x2c9: {  	v4 =	vadd.f32 v4, v57;
	_ =	sdelay $0x1  }
0x2ca: {  	[tilespmem:s8+$0x0] =	vst v4  }
0x2cb: {  	v4 =	vld [tilespmem:s0+$0x50]  }
0x2cc: {  	s9 =	spop (v2sf)  }
0x2cd: {  	v59 =	vld [tilespmem:s9+$0x0]  }
0x2ce: {  	v60 =	vbroadcast v3, $0xD;
	_ =	sdelay $0x1  }
0x2cf: {  	v4 =	vmul.f32 v4, v60  }
0x2d0: {  	(v2sf) =	vpush v2, $0xF  }
0x2d1: {  	v2 =	vadd.f32 v4, v59;
	_ =	sdelay $0x1  }
0x2d2: {  	[tilespmem:s9+$0x0] =	vst v2  }
0x2d3: {  	v2 =	vld [tilespmem:s0+$0x60]  }
0x2d4: {  	s11 =	spop (v2sf)  }
0x2d5: {  	v61 =	vld [tilespmem:s11+$0x0]  }
0x2d6: {  	v62 =	vbroadcast v3, $0xE;
	_ =	sdelay $0x1  }
0x2d7: {  	v2 =	vmul.f32 v2, v62;
	_ =	sdelay $0x1  }
0x2d8: {  	v2 =	vadd.f32 v2, v61;
	_ =	sdelay $0x1  }
0x2d9: {  	[tilespmem:s11+$0x0] =	vst v2  }
0x2da: {  	v2 =	vld [tilespmem:s0+$0x70]  }
0x2db: {  	s8 =	spop (v2sf)  }
0x2dc: {  	v63 =	vld [tilespmem:s8+$0x0]  }
0x2dd: {  	v3 =	vbroadcast v3, $0xF;
	_ =	sdelay $0x1  }
0x2de: {  	v2 =	vmul.f32 v2, v3;
	_ =	sdelay $0x1  }
0x2df: {  	s30 =	simm.s32 $0x80;
	s2 =	simm.s32 $0x40;
	v2 =	vadd.f32 v2, v63  }
.LBB2_10:
0x2e0: {  	s11 =	sshra.s32 s2, $0x2  }
0x2e1: {  	[tilespmem:s8+$0x0] =	vst v2;
	s0 =	sadd.s32 $0x100, s0;
	s2 =	smov.u32 s30;
	s9 =	sadd.s32 $0x40, s30  }
0x2e2: {  	p0 =	seq.s32 s30, $0xFC0;
	v2 =	vld [tilespmem:s11+$0x0];
	_ =	sdelay $0x4  }
0x2e3: {  	v2 =	vshll.u32 v2, $0x6  }
0x2e4: {  	v2 =	vshra.s32 v2, $0x2  }
0x2e5: {  	v3 =	vadd.s32 $0x9800, v2  }
0x2e6: {  	(v2sf) =	vpush v3, $0x0;
	_ =	sdelay $0x9  }
0x2e7: {  	(v2sf) =	vpush v3, $0x1;
	_ =	sdelay $0x1  }
0x2e8: {  	v2 =	vld [tilespmem:s11+$0x1000];
	_ =	sdelay $0x1  }
0x2e9: {  	v4 =	vld [tilespmem:s0+$0xFFFFFF80]  }
0x2ea: {  	s8 =	spop (v2sf)  }
0x2eb: {  	v5 =	vld [tilespmem:s8+$0x0]  }
0x2ec: {  	v6 =	vbroadcast v2, $0x0;
	_ =	sdelay $0x1  }
0x2ed: {  	v4 =	vmul.f32 v4, v6  }
0x2ee: {  	(v2sf) =	vpush v3, $0x2  }
0x2ef: {  	v4 =	vadd.f32 v4, v5;
	_ =	sdelay $0x1  }
0x2f0: {  	[tilespmem:s8+$0x0] =	vst v4  }
0x2f1: {  	v4 =	vld [tilespmem:s0+$0xFFFFFF90]  }
0x2f2: {  	s8 =	spop (v2sf)  }
0x2f3: {  	v5 =	vld [tilespmem:s8+$0x0]  }
0x2f4: {  	v6 =	vbroadcast v2, $0x1;
	_ =	sdelay $0x1  }
0x2f5: {  	v4 =	vmul.f32 v4, v6  }
0x2f6: {  	(v2sf) =	vpush v3, $0x3  }
0x2f7: {  	v4 =	vadd.f32 v4, v5;
	_ =	sdelay $0x1  }
0x2f8: {  	[tilespmem:s8+$0x0] =	vst v4  }
0x2f9: {  	v4 =	vld [tilespmem:s0+$0xFFFFFFA0]  }
0x2fa: {  	s8 =	spop (v2sf)  }
0x2fb: {  	v5 =	vld [tilespmem:s8+$0x0]  }
0x2fc: {  	v6 =	vbroadcast v2, $0x2;
	_ =	sdelay $0x1  }
0x2fd: {  	v4 =	vmul.f32 v4, v6  }
0x2fe: {  	(v2sf) =	vpush v3, $0x4  }
0x2ff: {  	v4 =	vadd.f32 v4, v5;
	_ =	sdelay $0x1  }
0x300: {  	[tilespmem:s8+$0x0] =	vst v4  }
0x301: {  	v4 =	vld [tilespmem:s0+$0xFFFFFFB0]  }
0x302: {  	s8 =	spop (v2sf)  }
0x303: {  	v5 =	vld [tilespmem:s8+$0x0]  }
0x304: {  	v6 =	vbroadcast v2, $0x3;
	_ =	sdelay $0x1  }
0x305: {  	v4 =	vmul.f32 v4, v6  }
0x306: {  	(v2sf) =	vpush v3, $0x5  }
0x307: {  	v4 =	vadd.f32 v4, v5;
	_ =	sdelay $0x1  }
0x308: {  	[tilespmem:s8+$0x0] =	vst v4  }
0x309: {  	v4 =	vld [tilespmem:s0+$0xFFFFFFC0]  }
0x30a: {  	s8 =	spop (v2sf)  }
0x30b: {  	v5 =	vld [tilespmem:s8+$0x0]  }
0x30c: {  	v6 =	vbroadcast v2, $0x4;
	_ =	sdelay $0x1  }
0x30d: {  	v4 =	vmul.f32 v4, v6  }
0x30e: {  	(v2sf) =	vpush v3, $0x6  }
0x30f: {  	v4 =	vadd.f32 v4, v5;
	_ =	sdelay $0x1  }
0x310: {  	[tilespmem:s8+$0x0] =	vst v4  }
0x311: {  	v4 =	vld [tilespmem:s0+$0xFFFFFFD0]  }
0x312: {  	s8 =	spop (v2sf)  }
0x313: {  	v5 =	vld [tilespmem:s8+$0x0]  }
0x314: {  	v6 =	vbroadcast v2, $0x5;
	_ =	sdelay $0x1  }
0x315: {  	v4 =	vmul.f32 v4, v6  }
0x316: {  	(v2sf) =	vpush v3, $0x7  }
0x317: {  	v4 =	vadd.f32 v4, v5;
	_ =	sdelay $0x1  }
0x318: {  	[tilespmem:s8+$0x0] =	vst v4  }
0x319: {  	v4 =	vld [tilespmem:s0+$0xFFFFFFE0]  }
0x31a: {  	s8 =	spop (v2sf)  }
0x31b: {  	v5 =	vld [tilespmem:s8+$0x0]  }
0x31c: {  	v6 =	vbroadcast v2, $0x6;
	_ =	sdelay $0x1  }
0x31d: {  	v4 =	vmul.f32 v4, v6  }
0x31e: {  	(v2sf) =	vpush v3, $0x8  }
0x31f: {  	v4 =	vadd.f32 v4, v5;
	_ =	sdelay $0x1  }
0x320: {  	[tilespmem:s8+$0x0] =	vst v4  }
0x321: {  	v4 =	vld [tilespmem:s0+$0xFFFFFFF0]  }
0x322: {  	s8 =	spop (v2sf)  }
0x323: {  	v5 =	vld [tilespmem:s8+$0x0]  }
0x324: {  	v6 =	vbroadcast v2, $0x7;
	_ =	sdelay $0x1  }
0x325: {  	v4 =	vmul.f32 v4, v6;
	(v2sf) =	vpush v3, $0x9;
	_ =	sdelay $0x1  }
0x326: {  	v4 =	vadd.f32 v4, v5;
	_ =	sdelay $0x1  }
0x327: {  	[tilespmem:s8+$0x0] =	vst v4  }
0x328: {  	v4 =	vld [tilespmem:s0+$0x0]  }
0x329: {  	s8 =	spop (v2sf)  }
0x32a: {  	v5 =	vld [tilespmem:s8+$0x0]  }
0x32b: {  	v6 =	vbroadcast v2, $0x8;
	_ =	sdelay $0x1  }
0x32c: {  	v4 =	vmul.f32 v4, v6;
	(v2sf) =	vpush v3, $0xA;
	_ =	sdelay $0x1  }
0x32d: {  	v4 =	vadd.f32 v4, v5;
	_ =	sdelay $0x1  }
0x32e: {  	[tilespmem:s8+$0x0] =	vst v4  }
0x32f: {  	v4 =	vld [tilespmem:s0+$0x10];
	s8 =	spop (v2sf)  }
0x330: {  	v5 =	vld [tilespmem:s8+$0x0];
	_ =	sdelay $0x1  }
0x331: {  	v6 =	vbroadcast v2, $0x9;
	_ =	sdelay $0x1  }
0x332: {  	v4 =	vmul.f32 v4, v6;
	(v2sf) =	vpush v3, $0xB;
	_ =	sdelay $0x1  }
0x333: {  	v4 =	vadd.f32 v4, v5;
	_ =	sdelay $0x1  }
0x334: {  	[tilespmem:s8+$0x0] =	vst v4  }
0x335: {  	v4 =	vld [tilespmem:s0+$0x20];
	s8 =	spop (v2sf)  }
0x336: {  	v5 =	vld [tilespmem:s8+$0x0];
	_ =	sdelay $0x1  }
0x337: {  	v6 =	vbroadcast v2, $0xA;
	_ =	sdelay $0x1  }
0x338: {  	v4 =	vmul.f32 v4, v6;
	(v2sf) =	vpush v3, $0xC;
	_ =	sdelay $0x1  }
0x339: {  	v4 =	vadd.f32 v4, v5;
	_ =	sdelay $0x1  }
0x33a: {  	[tilespmem:s8+$0x0] =	vst v4  }
0x33b: {  	v4 =	vld [tilespmem:s0+$0x30];
	s8 =	spop (v2sf)  }
0x33c: {  	v5 =	vld [tilespmem:s8+$0x0];
	_ =	sdelay $0x1  }
0x33d: {  	v6 =	vbroadcast v2, $0xB;
	_ =	sdelay $0x1  }
0x33e: {  	v4 =	vmul.f32 v4, v6;
	(v2sf) =	vpush v3, $0xD;
	_ =	sdelay $0x1  }
0x33f: {  	v4 =	vadd.f32 v4, v5;
	_ =	sdelay $0x1  }
0x340: {  	[tilespmem:s8+$0x0] =	vst v4  }
0x341: {  	v4 =	vld [tilespmem:s0+$0x40];
	s8 =	spop (v2sf)  }
0x342: {  	v5 =	vld [tilespmem:s8+$0x0];
	_ =	sdelay $0x1  }
0x343: {  	v6 =	vbroadcast v2, $0xC;
	_ =	sdelay $0x1  }
0x344: {  	v4 =	vmul.f32 v4, v6;
	(v2sf) =	vpush v3, $0xE;
	_ =	sdelay $0x1  }
0x345: {  	v4 =	vadd.f32 v4, v5;
	_ =	sdelay $0x1  }
0x346: {  	[tilespmem:s8+$0x0] =	vst v4  }
0x347: {  	v4 =	vld [tilespmem:s0+$0x50];
	s8 =	spop (v2sf)  }
0x348: {  	v5 =	vld [tilespmem:s8+$0x0];
	_ =	sdelay $0x1  }
0x349: {  	v6 =	vbroadcast v2, $0xD;
	_ =	sdelay $0x1  }
0x34a: {  	v4 =	vmul.f32 v4, v6;
	(v2sf) =	vpush v3, $0xF;
	_ =	sdelay $0x1  }
0x34b: {  	v3 =	vadd.f32 v4, v5;
	_ =	sdelay $0x1  }
0x34c: {  	[tilespmem:s8+$0x0] =	vst v3  }
0x34d: {  	v3 =	vld [tilespmem:s0+$0x60];
	s8 =	spop (v2sf)  }
0x34e: {  	v4 =	vld [tilespmem:s8+$0x0];
	_ =	sdelay $0x1  }
0x34f: {  	v5 =	vbroadcast v2, $0xE;
	_ =	sdelay $0x1  }
0x350: {  	v3 =	vmul.f32 v3, v5;
	_ =	sdelay $0x1  }
0x351: {  	v3 =	vadd.f32 v3, v4;
	_ =	sdelay $0x1  }
0x352: {  	[tilespmem:s8+$0x0] =	vst v3  }
0x353: {  	v3 =	vld [tilespmem:s0+$0x70];
	s8 =	spop (v2sf)  }
0x354: {  	v4 =	vld [tilespmem:s8+$0x0];
	_ =	sdelay $0x1  }
.Ltmp12:
0x355: {  	v2 =	vbroadcast v2, $0xF;
	(pc) =	sbr.rel @!p0 .LBB2_10-.Ltmp12, $3  }
0x356: {  	_ = 	snop  }
0x357: {  	v2 =	vmul.f32 v3, v2;
	_ =	sdelay $0x1  }
0x358: {  	s30 =	smov.u32 s9;
	v2 =	vadd.f32 v2, v4  }
.Ltmp13:
0x359: {  	_ = 	snop;
	(pc) =	sbr.rel .LBB2_11-.Ltmp13, $1  }
0x35a: {  	_ =	sdelay $0x3  }
.LBB2_21:
0x35b: {  	_ =	sfence.sel $0x180000  }
0x35c: {  	[bflag:$0x0] =	sbarrier.arrive $0xFFFF  }
0x35d: {  	_ =	strace $0x90000047  }
0x35e: {  	s0 =	stileid.u32;
	[bflag:$0x2] =	sbarrier.arrive $0xFFFF  }
0x35f: {  	p0 =	sne.s32 s0, $0x0;
	s0 =	rddreg [dreg:$0x2]  }
0x360: {  	s0 =	sadd.s32 @!p0 $0x100000, s0  }
0x361: {  	[sflag:s0] =	ssyncadd.tile.s32 @!p0 $0x1;
	_ =	shalt  }
.Lfunc_end2:
_tile_overlayer_lowered:
.L_overlay_start_2:
0x362: {  	(tag) =	ssettag $0x2  }
0x363: {  	s0 =	rddreg [dreg:$0x0];
	s2 =	stileid.u32  }
0x364: {  	s1 =	rddreg [dreg:$0x1];
	p0 =	sne.s32 s2, $0x0  }
0x365: {  	s3 =	rddreg [dreg:$0x2];
	[bflag:$0x3] =	sbarrier.arrive $0xFFFF;
	s2 =	simm.s32 @!p0 $0x1C03  }
0x366: {  	[timem:s3], [sflag:s2] =	dma.local @!p0 [hbm:s0], s1  }
0x367: {  	s0 =	simm.s32 @!p0 $0x3  }
0x368: {  	_ =	swait.ge @!p0 [sflag:s0], s1  }
0x369: {  	s1 =	ssub.s32 @!p0 $0x0, s1;
	[sflag:s0] =	ssyncset.done @!p0 $0x0  }
0x36a: {  	[sflag:s0] =	ssyncadd.s32 @!p0 s1  }
0x36b: {  	[bflag:$0x3] =	sbarrier.arrive $0xFFFF  }
0x36c: {  	_ =	shalt  }

// kernel: kernel.9.cloned.1.call-start
scs
__scs_entry_jumppad:
0x0: {  	(pc) =	sbr.rel $0x88, $3  }
0x1: {  	(tag) =	ssettag $0x0;
	lr =	simm.s32 $0x1  }
0x2: {  	[smem:$0x3F9A] =	sst lr;
	_ =	strace $0xD0000000  }
0x3: {  	_ = 	snop  }
0x4: {  	_ = 	snop  }
0x5: {  	_ = 	snop  }
0x6: {  	_ = 	snop  }
0x7: {  	_ = 	snop  }
__scs_overlays_trampoline_lowered:
0x8: {  	[smem:$0x3FA9] =	sst s0  }
0x9: {  	[smem:$0x3FAA] =	sst s1  }
0xa: {  	[smem:$0x3FAB] =	sst s2  }
0xb: {  	[smem:$0x3FAC] =	sst s3  }
0xc: {  	[smem:$0x3FAD] =	sst s4  }
0xd: {  	[smem:$0x3FAE] =	sst s5  }
0xe: {  	[smem:$0x3FAF] =	sst s6  }
0xf: {  	[smem:$0x3FB0] =	sst s7  }
0x10: {  	[smem:$0x3FB1] =	sst s8  }
0x11: {  	[smem:$0x3FB2] =	sst s9;
	s0 =	simm.s32 @!p0 $0x0  }
0x12: {  	s1 =	sld [smem:$0x3F98];
	s0 =	simm.s32 @p0 $0x1  }
0x13: {  	[smem:$0x3FB3] =	sst s0;
	s0 =	simm.s32 @!p1 $0x0  }
0x14: {  	s2 =	sld [smem:$0x3F97];
	s0 =	simm.s32 @p1 $0x1  }
0x15: {  	[smem:$0x3FB4] =	sst s0;
	s0 =	simm.s32 @!p2 $0x0  }
0x16: {  	s3 =	sld [smem:$0x3FDB];
	s0 =	simm.s32 @p2 $0x1  }
0x17: {  	s4 =	simm.s32 $0x1BF5;
	[smem:$0x3FB6] =	sst s0  }
0x18: {  	s0 =	sld [smem:$0x3F99];
	_ =	swait.ge [sflag:s4], $0x0  }
0x19: {  	s7 =	sld [smem:$0x3F9A]  }
0x1a: {  	s8 =	sadd.s32 $0xFFFFE003, lr  }
0x1b: {  	s9 =	sadd.s32 $0xFFFFFEF7, lr;
	s5 =	simm.s32 $0xFFFFFFFF;
	p2 =	slt.u32 s8, $0xFFFFF086  }
0x1c: {  	p1 =	slt.u32 s9, $0xF7A;
	s5 =	simm.s32 @!p2 $0x0  }
0x1d: {  	s5 =	simm.s32 @p1 $0x1;
	p0 =	seq.s32 s7, s2  }
0x1e: {  	s7 =	smul.u32 @!p0 $0xF7A, s2;
	p2 =	seq.s32 @!p0 s5, $0x0  }
0x1f: {  	s9 =	smul.u32 $0xF7A, s1;
	s8 =	simm.s32 @!p0 $0x1BF5;
	p2 =	por !p2, p0  }
0x20: {  	[sflag:s8] =	ssyncset.s32 @!p0 $0xFFFFF086;
	s6 =	sadd.s32 @!p0 s3, s7;
	s7 =	simm.s32 @!p0 $0x108  }
0x21: {  	s3 =	sadd.s32 s3, s9;
	s6 =	sadd.s32 @!p0 $0x88, s6;
	s7 =	simm.s32 @p2 $0x1082  }
0x22: {  	[simem:s7], [sflag:s8] =	dma.local @!p0 [hbm:s6], $0xF7A  }
0x23: {  	s9 =	sor.u32 $0xD0000000, s2;
	s6 =	simm.s32 $0x108;
	_ =	swait.ge @!p0 [sflag:s8], $0x0  }
0x24: {  	s3 =	sadd.s32 $0x88, s3;
	s6 =	simm.s32 @!p1 $0x1082;
	[sflag:s4] =	ssyncset.s32 $0xFFFFF086  }
0x25: {  	[simem:s6], [sflag:s4] =	dma.local [hbm:s3], $0xF7A  }
0x26: {  	[smem:$0x3F9A] =	sst s1;
	(tag) =	ssettag s2;
	_ =	strace s9  }
0x27: {  	s1 =	sld [smem:$0x3FAA]  }
0x28: {  	s2 =	sld [smem:$0x3FAB]  }
0x29: {  	s4 =	sld [smem:$0x3FAD]  }
0x2a: {  	p0 =	seq.s32 s5, $0x0;
	s5 =	sld [smem:$0x3FAE]  }
0x2b: {  	s6 =	sld [smem:$0x3FAF]  }
0x2c: {  	s7 =	sld [smem:$0x3FB0]  }
0x2d: {  	s3 =	simm.s32 $0x108;
	s8 =	sld [smem:$0x3FB1]  }
0x2e: {  	s3 =	simm.s32 @!p0 $0x1082;
	s9 =	sld [smem:$0x3FB2]  }
0x2f: {  	lr =	sadd.s32 s0, s3;
	s0 =	sld [smem:$0x3FA9]  }
0x30: {  	s3 =	sld [smem:$0x3FAC]  }
0x31: {  	[smem:$0x3FB5] =	sst s10  }
0x32: {  	s10 =	sld [smem:$0x3FB3];
	_ =	sdelay $0x3  }
0x33: {  	p0 =	seq.s32 s10, $0x1;
	s10 =	sld [smem:$0x3FB5];
	_ =	sdelay $0x3  }
0x34: {  	[smem:$0x3FB5] =	sst s10  }
0x35: {  	s10 =	sld [smem:$0x3FB4];
	_ =	sdelay $0x3  }
0x36: {  	p1 =	seq.s32 s10, $0x1;
	s10 =	sld [smem:$0x3FB5];
	_ =	sdelay $0x3  }
0x37: {  	[smem:$0x3FB5] =	sst s10  }
0x38: {  	s10 =	sld [smem:$0x3FB6]  }
0x39: {  	_ = 	snop;
	(pc) =	sbr.ind lr, $3  }
0x3a: {  	_ = 	snop  }
0x3b: {  	_ = 	snop  }
0x3c: {  	p2 =	seq.s32 s10, $0x1;
	s10 =	sld [smem:$0x3FB5]  }
0x3d: {  	_ =	shalt  }
0x3e: {  	_ =	shalt  }
0x3f: {  	_ =	shalt  }
0x40: {  	_ =	shalt  }
0x41: {  	_ =	shalt  }
0x42: {  	_ =	shalt  }
0x43: {  	_ =	shalt  }
0x44: {  	_ =	shalt  }
0x45: {  	_ =	shalt  }
0x46: {  	_ =	shalt  }
0x47: {  	_ =	shalt  }
0x48: {  	_ =	shalt  }
0x49: {  	_ =	shalt  }
0x4a: {  	_ =	shalt  }
0x4b: {  	_ =	shalt  }
0x4c: {  	_ =	shalt  }
0x4d: {  	_ =	shalt  }
0x4e: {  	_ =	shalt  }
0x4f: {  	_ =	shalt  }
0x50: {  	_ =	shalt  }
0x51: {  	_ =	shalt  }
0x52: {  	_ =	shalt  }
0x53: {  	_ =	shalt  }
0x54: {  	_ =	shalt  }
0x55: {  	_ =	shalt  }
0x56: {  	_ =	shalt  }
0x57: {  	_ =	shalt  }
0x58: {  	_ =	shalt  }
0x59: {  	_ =	shalt  }
0x5a: {  	_ =	shalt  }
0x5b: {  	_ =	shalt  }
0x5c: {  	_ =	shalt  }
0x5d: {  	_ =	shalt  }
0x5e: {  	_ =	shalt  }
0x5f: {  	_ =	shalt  }
0x60: {  	_ =	shalt  }
0x61: {  	_ =	shalt  }
0x62: {  	_ =	shalt  }
0x63: {  	_ =	shalt  }
0x64: {  	_ =	shalt  }
0x65: {  	_ =	shalt  }
0x66: {  	_ =	shalt  }
0x67: {  	_ =	shalt  }
0x68: {  	_ =	shalt  }
0x69: {  	_ =	shalt  }
0x6a: {  	_ =	shalt  }
0x6b: {  	_ =	shalt  }
0x6c: {  	_ =	shalt  }
0x6d: {  	_ =	shalt  }
0x6e: {  	_ =	shalt  }
0x6f: {  	_ =	shalt  }
0x70: {  	_ =	shalt  }
0x71: {  	_ =	shalt  }
0x72: {  	_ =	shalt  }
0x73: {  	_ =	shalt  }
0x74: {  	_ =	shalt  }
0x75: {  	_ =	shalt  }
0x76: {  	_ =	shalt  }
0x77: {  	_ =	shalt  }
0x78: {  	_ =	shalt  }
0x79: {  	_ =	shalt  }
0x7a: {  	_ =	shalt  }
0x7b: {  	_ =	shalt  }
0x7c: {  	_ =	shalt  }
0x7d: {  	_ =	shalt  }
0x7e: {  	_ =	shalt  }
0x7f: {  	_ =	shalt  }
0x80: {  	_ =	shalt  }
0x81: {  	_ =	shalt  }
0x82: {  	_ =	shalt  }
0x83: {  	_ =	shalt  }
0x84: {  	_ =	shalt  }
0x85: {  	_ =	shalt  }
0x86: {  	_ =	shalt  }
0x87: {  	_ =	shalt  }
.Lfunc_end0:
.L_simem_size_0:
called_computation.1_lowered:
.L_overlay_start_0:
0x88: {  	s2 =	sld [smem:$0x3FD9]  }
0x89: {  	s3 =	sld [smem:$0x3FFE];
	_ =	sdelay $0x1  }
0x8a: {  	s1 =	srdreg.scid  }
0x8b: {  	s0 =	sand.u32 $0x1, s1  }
0x8c: {  	s17 =	sshll.u32 s0, $0xA;
	s2 =	sadd.s32 s3, s2  }
0x8d: {  	s2 =	sadd.s32 s2, s17  }
0x8e: {  	[smem:$0x3FC1] =	sst s2  }
0x8f: {  	_ = 	snop  }
0x90: {  	s2 =	sld [smem:$0x3FC4]  }
0x91: {  	s18 =	sld [smem:$0x3FD0];
	(tm) =	ssettm $0x1  }
0x92: {  	s4 =	sld [smem:$0x3FFB];
	_ =	sdelay $0x3  }
0x93: {  	_ =	strace s4  }
0x94: {  	s4 =	sld [smem:$0x3FFC];
	_ =	sdelay $0x3  }
0x95: {  	_ =	strace s4  }
0x96: {  	s4 =	sld [smem:$0x3FFD];
	_ =	sdelay $0x3  }
0x97: {  	_ =	strace s4  }
0x98: {  	_ =	strace $0x8FFFFFFF  }
0x99: {  	s19 =	sld [smem:$0x3FDB];
	_ =	sdelay $0x1  }
0x9a: {  	s5 =	simm.s32 $_scs_section_size  }
0x9b: {  	s6 =	simm.s32 $_size__tile_overlayer_lowered;
	s7 =	simm.s32 $_tile_overlayer_lowered  }
0x9c: {  	s22 =	simm.s32 $0x1BFF;
	s21 =	sshll.u32 s7, $0x1;
	s4 =	sadd.s32 s5, s19  }
0x9d: {  	s8 =	simm.s32 $0x0;
	s20 =	sshll.u32 s6, $0x1;
	s6 =	sadd.s32 s21, s4  }
0x9e: {  	[timem:s8], [sflag:s22] =	dma.local [hbm:s6], s20  }
0x9f: {  	_ =	swait.ge [sflag:s22], s20  }
0xa0: {  	s5 =	ssub.s32 $0x0, s20;
	[sflag:s22] =	ssyncset.done $0x0  }
0xa1: {  	[sflag:s22] =	ssyncadd.s32 s5;
	_ =	sdelay $0x1  }
0xa2: {  	s23 =	simm.s32 $0x1B8B  }
0xa3: {  	_ =	swait.ge [sflag:s23], $0x1  }
0xa4: {  	[sflag:s23] =	ssyncset.done $0x0  }
0xa5: {  	s25 =	simm.s32 $0x1B8E;
	s24 =	sld [smem:$0x3FFE];
	[sflag:s23] =	ssyncadd.s32 $0xFFFFFFFF  }
0xa6: {  	s26 =	simm.s32 $execute0_lowered;
	[smem:$0x3FD2] =	sst s25  }
0xa7: {  	s6 =	sshll.u32 s26, $0x1;
	_ =	strace $0x80000049;
	[dreg:$0x1] =	wrdreg $0xFFFFFFFF  }
0xa8: {  	s28 =	simm.s32 $_size_execute0_lowered;
	s4 =	sadd.s32 s4, s6;
	[dreg:$0x0] =	wrdreg $0x0  }
0xa9: {  	s6 =	sshll.u32 s28, $0x1;
	[dreg:$0x2] =	wrdreg s4  }
0xaa: {  	[dreg:$0x3] =	wrdreg s6  }
0xab: {  	[dreg:$0x4] =	wrdreg $0xC0  }
0xac: {  	_ =	task [dreg:s8], $0x5FFFF  }
0xad: {  	[dreg:$0x1] =	wrdreg $0xFFFFFFFF  }
0xae: {  	[dreg:$0x0] =	wrdreg $0x60  }
0xaf: {  	[dreg:$0x2] =	wrdreg s24  }
0xb0: {  	[dreg:$0x3] =	wrdreg s18  }
0xb1: {  	[dreg:$0x4] =	wrdreg s2  }
0xb2: {  	[dreg:$0x5] =	wrdreg $0x9  }
0xb3: {  	_ =	task.clear_ibuf [dreg:s8], $0x6FFFF;
	_ =	strace $0x90000049  }
0xb4: {  	s29 =	simm.s32 $0x9;
	_ =	strace $0x8000004B  }
0xb5: {  	_ =	swait.ge [sflag:s29], $0x1  }
0xb6: {  	[sflag:s29] =	ssyncadd.s32 $0xFFFFFFFF  }
0xb7: {  	_ =	strace $0x9000004B  }
0xb8: {  	_ =	sfence  }
0xb9: {  	s30 =	sld [smem:$0x0];
	_ =	sdelay $0x2  }
0xba: {  	s31 =	sshll.u32 s1, $0xD;
	s1 =	sshrl.u32 s1, $0x2  }
0xbb: {  	s3 =	sand.u32 $0x4000, s31;
	s1 =	sadd.s32 s1, s30  }
0xbc: {  	s0 =	sor.u32 s3, s0;
	s1 =	sshll.u32 s1, $0x11  }
0xbd: {  	s0 =	sor.u32 s1, s0  }
0xbe: {  	s0 =	sadd.s32 $0x8F2B, s0  }
0xbf: {  	[sflag:s0] =	ssyncadd.remote.s32 $0x1  }
0xc0: {  	_ =	sfence.sel $0xFFFF  }
0xc1: {  	[dreg:$0x0] =	wrdreg $0xFFFFFFFF;
	(pc) =	sbr.abs _section_cstart, $3  }
0xc2: {  	[dreg:$0x1] =	wrdreg $0xFFFFFFFF  }
0xc3: {  	_ =	task.clear_ibuf [dreg:s8], $0x2FFFF;
	_ =	strace $0x9FFFFFFF  }
0xc4: {  	(tm) =	ssettm $0x7FFFFFFF  }
0xc5: {  	_ =	shalt  }
tec
execute0_lowered:
.L_overlay_start_1:
0x0: {  	(tag) =	ssettag $0x1  }
0x1: {  	s0 =	rddreg [dreg:$0x0]  }
0x2: {  	s1 =	rddreg [dreg:$0x1]  }
0x3: {  	s2 =	rddreg [dreg:$0x2];
	s3 =	simm.s32 $0x0;
	s10 =	srdreg.scid  }
0x4: {  	s9 =	stileid.u32;
	s13 =	simm.s32 $0x3;
	s14 =	simm.s32 $0x800  }
0x5: {  	s16 =	simm.s32 $0x80;
	s12 =	simm.s32 $0x6000;
	s15 =	simm.s32 $0xD00  }
0x6: {  	s17 =	simm.s32 $0x6800;
	s18 =	simm.s32 $0xD80;
	s19 =	simm.s32 $0x7000  }
0x7: {  	s20 =	simm.s32 $0xE00;
	s21 =	simm.s32 $0x7800;
	s22 =	simm.s32 $0xE80  }
0x8: {  	s23 =	simm.s32 $0x8000;
	s28 =	simm.s32 $0x9000;
	s29 =	simm.s32 $0x1  }
0x9: {  	[smem:$0x7FF] =	sst s3;
	s3 =	sand.u32 $0x1, s10;
	s5 =	sadd.s32 $0x1400, s0  }
0xa: {  	s6 =	sadd.s32 $0x49400, s0;
	s7 =	sshll.u32 s9, $0x7;
	s11 =	sshll.u32 s9, $0xC  }
0xb: {  	_ =	strace $0x8000004A;
	s4 =	ssub.s32 $0x2, s3;
	s0 =	sadd.s32 s7, s0  }
0xc: {  	s24 =	sshll.u32 s3, $0xD;
	s25 =	sshll.u32 s3, $0xA;
	s3 =	sshll.u32 s3, $0xB  }
0xd: {  	s7 =	simm.s32 $0xC00;
	s8 =	sshrl.u32 s4, $0x1;
	s10 =	sadd.s32 s6, s25  }
0xe: {  	s26 =	sadd.s32 s1, s25;
	s0 =	sadd.s32 s3, s0;
	s30 =	sadd.s32 s2, s25  }
.Ltmp0:
0xf: {  	s25 =	simm.s32 $0x8800;
	[dreg:$0x4] =	wrdreg s10;
	(pc) =	sbr.rel .LBB2_1-.Ltmp0, $4  }
0x10: {  	s3 =	simm.s32 $0x0;
	s4 =	ssub.s32 s4, s8;
	[dreg:$0x5] =	wrdreg s26  }
0x11: {  	[dreg:$0x6] =	wrdreg s30;
	s10 =	sor.u32 $0x400, s24;
	s0 =	sadd.s32 $0x21400, s0  }
0x12: {  	s24 =	simm.s32 $0xF00;
	[dreg:$0x7] =	wrdreg s0;
	s31 =	smax.u32 s4, $0x1  }
0x13: {  	v1 =	vimm.f32 $0.0e+00;
	v0 =	vmov s11;
	s26 =	simm.s32 $0xF80;
	s4 =	simm.s32 $0x2;
	[dreg:$0x8] =	wrdreg s31  }
.LBB2_20:
0x14: {  	s0 =	simm.s32 $0x0;
	s3 =	rddreg [dreg:$0x7];
	s8 =	simm.s32 $0x9800  }
0x15: {  	[hbm4b:s3+s0] =	stream.linear.scatter [tilespmem:s8], [sflag:$0x3], $0x400, $0x38;
	[tilespmem:$0x9C00] =	vst v63  }
0x16: {  	_ =	swait.ge [sflag:s13], $0x400  }
0x17: {  	s30 =	rddreg [dreg:$0x9]  }
0x18: {  	s31 =	rddreg [dreg:$0x8];
	s3 =	sadd.s32 $0x1, s30  }
0x19: {  	p0 =	sne.s32 s3, s31  }
.Ltmp1:
0x1a: {  	_ = 	snop;
	(pc) =	sbr.rel @!p0 .LBB2_21-.Ltmp1, $3  }
0x1b: {  	_ =	sdelay $0x1  }
0x1c: {  	[sflag:s13] =	ssyncset.done $0x0  }
0x1d: {  	[sflag:s13] =	ssyncadd.s32 $0xFFFFFC00  }
.LBB2_1:
0x1e: {  	[dreg:$0x9] =	wrdreg s3;
	s0 =	simm.s32 $0x40;
	s3 =	simm.s32 $0x0  }
.LBB2_2:
0x1f: {  	p0 =	sne.s32 s0, $0xFC0;
	[tilespmem:s3+$0x9800] =	vst v1;
	s3 =	smov.u32 s0;
	s0 =	sadd.s32 $0x40, s0  }
.Ltmp2:
0x20: {  	(pc) =	sbr.rel @p0 .LBB2_2-.Ltmp2, $2  }
0x21: {  	_ =	sdelay $0x2  }
0x22: {  	s3 =	sshra.s32 s3, $0x2  }
0x23: {  	[tilespmem:s3+$0x9800] =	vst v1;
	s0 =	simm.s32 $0x0;
	s11 =	rddreg [dreg:$0x4]  }
0x24: {  	[tilespmem:s0], [sflag:$0x3] =	stream.linear.gather [hbm4b:s11+s0], $0x400, $0x38;
	[tilespmem:$0x9C00] =	vst v63  }
0x25: {  	_ =	swait.ge [sflag:s13], $0x400  }
0x26: {  	[sflag:s13] =	ssyncset.done $0x0  }
0x27: {  	s30 =	rddreg [dreg:$0x5];
	[sflag:s13] =	ssyncadd.s32 $0xFFFFFC00  }
0x28: {  	[tilespmem:s14], [sflag:$0x3] =	stream.linear.gather [hbm4b:s30+s0], $0x400, $0x38;
	[tilespmem:$0x9C00] =	vst v63  }
0x29: {  	_ =	swait.ge [sflag:s13], $0x400  }
0x2a: {  	[sflag:s13] =	ssyncset.done $0x0  }
0x2b: {  	s8 =	simm.s32 $0x1000;
	s31 =	rddreg [dreg:$0x6];
	[sflag:s13] =	ssyncadd.s32 $0xFFFFFC00  }
0x2c: {  	[tilespmem:s8], [sflag:$0x3] =	stream.linear.gather [hbm4b:s31+s0], $0x400, $0x38;
	[tilespmem:$0x9C00] =	vst v63  }
0x2d: {  	_ =	swait.ge [sflag:s13], $0x400  }
0x2e: {  	[sflag:s13] =	ssyncset.done $0x0  }
0x2f: {  	s3 =	simm.s32 $0x40;
	s0 =	simm.s32 $0x0;
	[sflag:s13] =	ssyncadd.s32 $0xFFFFFC00  }
.LBB2_4:
0x30: {  	p0 =	sne.s32 s3, $0xFC0;
	v2 =	vld [tilespmem:s0+$0x800];
	_ =	sdelay $0x1  }
.Ltmp3:
0x31: {  	(pc) =	sbr.rel @p0 .LBB2_4-.Ltmp3, $3  }
0x32: {  	_ =	sdelay $0x1  }
0x33: {  	v2 =	vadd.s32 v0, v2  }
0x34: {  	[tilespmem:s0+$0x800] =	vst v2;
	s0 =	sshra.s32 s3, $0x2;
	s3 =	sadd.s32 $0x40, s3  }
0x35: {  	v2 =	vld [tilespmem:s0+$0x800];
	_ =	sdelay $0x4  }
0x36: {  	v2 =	vadd.s32 v0, v2  }
0x37: {  	s11 =	simm.s32 $0x1800;
	[tilespmem:s0+$0x800] =	vst v2  }
0x38: {  	[tilespmem:s11], [sflag:$0x1] =	stream.indirect.gather [hbm4b:s5+s16], $0x10, s14, s16, $0xb8;
	[tilespmem:$0x9C00] =	vst v63  }
0x39: {  	s30 =	simm.s32 $0x880;
	s3 =	simm.s32 $0x2000  }
0x3a: {  	[tilespmem:s3], [sflag:$0x1] =	stream.indirect.gather [hbm4b:s5+s16], $0x10, s30, s16, $0xb8;
	[tilespmem:$0x9C00] =	vst v63  }
0x3b: {  	s8 =	simm.s32 $0x900;
	s9 =	simm.s32 $0x2800  }
0x3c: {  	[tilespmem:s9], [sflag:$0x1] =	stream.indirect.gather [hbm4b:s5+s16], $0x10, s8, s16, $0xb8;
	[tilespmem:$0x9C00] =	vst v63  }
0x3d: {  	s11 =	simm.s32 $0x980;
	s30 =	simm.s32 $0x3000  }
0x3e: {  	[tilespmem:s30], [sflag:$0x1] =	stream.indirect.gather [hbm4b:s5+s16], $0x10, s11, s16, $0xb8;
	[tilespmem:$0x9C00] =	vst v63  }
0x3f: {  	s8 =	simm.s32 $0xA00;
	s9 =	simm.s32 $0x3800  }
0x40: {  	[tilespmem:s9], [sflag:$0x1] =	stream.indirect.gather [hbm4b:s5+s16], $0x10, s8, s16, $0xb8;
	[tilespmem:$0x9C00] =	vst v63  }
0x41: {  	s11 =	simm.s32 $0xA80;
	s30 =	simm.s32 $0x4000  }
0x42: {  	[tilespmem:s30], [sflag:$0x1] =	stream.indirect.gather [hbm4b:s5+s16], $0x10, s11, s16, $0xb8;
	[tilespmem:$0x9C00] =	vst v63  }
.Ltmp4:
0x43: {  	_ = 	snop;
	(pc) =	sbr.rel .LBB2_6-.Ltmp4, $4  }
0x44: {  	s8 =	simm.s32 $0xB00;
	s9 =	simm.s32 $0x4800  }
0x45: {  	[tilespmem:s9], [sflag:$0x1] =	stream.indirect.gather [hbm4b:s5+s16], $0x10, s8, s16, $0xb8;
	[tilespmem:$0x9C00] =	vst v63  }
0x46: {  	s31 =	simm.s32 $0x0;
	s11 =	simm.s32 $0xB80;
	s30 =	simm.s32 $0x5000  }
0x47: {  	[tilespmem:s30], [sflag:$0x1] =	stream.indirect.gather [hbm4b:s5+s16], $0x10, s11, s16, $0xb8;
	[tilespmem:$0x9C00] =	vst v63  }
.LBB2_11:
0x48: {  	s3 =	sshra.s32 s3, $0x2;
	[tilespmem:s8+$0x0] =	vst v2  }
0x49: {  	v2 =	vld [tilespmem:s3+$0x0];
	_ =	sdelay $0x4  }
0x4a: {  	v2 =	vshll.u32 v2, $0x6  }
0x4b: {  	v2 =	vshra.s32 v2, $0x2  }
0x4c: {  	v2 =	vadd.s32 $0x9800, v2  }
0x4d: {  	(v2sf) =	vpush v2, $0x0;
	_ =	sdelay $0x9  }
0x4e: {  	(v2sf) =	vpush v2, $0x1;
	_ =	sdelay $0x1  }
0x4f: {  	v3 =	vld [tilespmem:s3+$0x1000]  }
0x50: {  	s0 =	sadd.s32 $0x100, s0  }
0x51: {  	v4 =	vld [tilespmem:s0+$0xFFFFFF80]  }
0x52: {  	s8 =	spop (v2sf)  }
0x53: {  	v5 =	vld [tilespmem:s8+$0x0]  }
0x54: {  	v6 =	vbroadcast v3, $0x0;
	_ =	sdelay $0x1  }
0x55: {  	v4 =	vmul.f32 v4, v6  }
0x56: {  	(v2sf) =	vpush v2, $0x2  }
0x57: {  	v4 =	vadd.f32 v4, v5;
	_ =	sdelay $0x1  }
0x58: {  	[tilespmem:s8+$0x0] =	vst v4  }
0x59: {  	v4 =	vld [tilespmem:s0+$0xFFFFFF90]  }
0x5a: {  	s9 =	spop (v2sf)  }
0x5b: {  	v35 =	vld [tilespmem:s9+$0x0]  }
0x5c: {  	v36 =	vbroadcast v3, $0x1;
	_ =	sdelay $0x1  }
0x5d: {  	v4 =	vmul.f32 v4, v36  }
0x5e: {  	(v2sf) =	vpush v2, $0x3  }
0x5f: {  	v4 =	vadd.f32 v4, v35;
	_ =	sdelay $0x1  }
0x60: {  	[tilespmem:s9+$0x0] =	vst v4  }
0x61: {  	v4 =	vld [tilespmem:s0+$0xFFFFFFA0]  }
0x62: {  	s11 =	spop (v2sf)  }
0x63: {  	v37 =	vld [tilespmem:s11+$0x0]  }
0x64: {  	v38 =	vbroadcast v3, $0x2;
	_ =	sdelay $0x1  }
0x65: {  	v4 =	vmul.f32 v4, v38  }
0x66: {  	(v2sf) =	vpush v2, $0x4  }
0x67: {  	v4 =	vadd.f32 v4, v37;
	_ =	sdelay $0x1  }
0x68: {  	[tilespmem:s11+$0x0] =	vst v4  }
0x69: {  	v4 =	vld [tilespmem:s0+$0xFFFFFFB0]  }
0x6a: {  	s30 =	spop (v2sf)  }
0x6b: {  	v39 =	vld [tilespmem:s30+$0x0]  }
0x6c: {  	v40 =	vbroadcast v3, $0x3;
	_ =	sdelay $0x1  }
0x6d: {  	v4 =	vmul.f32 v4, v40  }
0x6e: {  	(v2sf) =	vpush v2, $0x5  }
0x6f: {  	v4 =	vadd.f32 v4, v39;
	_ =	sdelay $0x1  }
0x70: {  	[tilespmem:s30+$0x0] =	vst v4  }
0x71: {  	v4 =	vld [tilespmem:s0+$0xFFFFFFC0]  }
0x72: {  	s8 =	spop (v2sf)  }
0x73: {  	v41 =	vld [tilespmem:s8+$0x0]  }
0x74: {  	v42 =	vbroadcast v3, $0x4;
	_ =	sdelay $0x1  }
0x75: {  	v4 =	vmul.f32 v4, v42  }
0x76: {  	(v2sf) =	vpush v2, $0x6  }
0x77: {  	v4 =	vadd.f32 v4, v41;
	_ =	sdelay $0x1  }
0x78: {  	[tilespmem:s8+$0x0] =	vst v4  }
0x79: {  	v4 =	vld [tilespmem:s0+$0xFFFFFFD0]  }
0x7a: {  	s9 =	spop (v2sf)  }
0x7b: {  	v43 =	vld [tilespmem:s9+$0x0]  }
0x7c: {  	v44 =	vbroadcast v3, $0x5;
	_ =	sdelay $0x1  }
0x7d: {  	v4 =	vmul.f32 v4, v44  }
0x7e: {  	(v2sf) =	vpush v2, $0x7  }
0x7f: {  	v4 =	vadd.f32 v4, v43;
	_ =	sdelay $0x1  }
0x80: {  	[tilespmem:s9+$0x0] =	vst v4  }
0x81: {  	v4 =	vld [tilespmem:s0+$0xFFFFFFE0]  }
0x82: {  	s11 =	spop (v2sf)  }
0x83: {  	v45 =	vld [tilespmem:s11+$0x0]  }
0x84: {  	v46 =	vbroadcast v3, $0x6;
	_ =	sdelay $0x1  }
0x85: {  	v4 =	vmul.f32 v4, v46  }
0x86: {  	(v2sf) =	vpush v2, $0x8  }
0x87: {  	v4 =	vadd.f32 v4, v45;
	_ =	sdelay $0x1  }
0x88: {  	[tilespmem:s11+$0x0] =	vst v4  }
0x89: {  	v4 =	vld [tilespmem:s0+$0xFFFFFFF0]  }
0x8a: {  	s30 =	spop (v2sf)  }
0x8b: {  	v47 =	vld [tilespmem:s30+$0x0]  }
0x8c: {  	v48 =	vbroadcast v3, $0x7;
	_ =	sdelay $0x1  }
0x8d: {  	v4 =	vmul.f32 v4, v48  }
0x8e: {  	(v2sf) =	vpush v2, $0x9  }
0x8f: {  	v4 =	vadd.f32 v4, v47;
	_ =	sdelay $0x1  }
0x90: {  	[tilespmem:s30+$0x0] =	vst v4  }
0x91: {  	v4 =	vld [tilespmem:s0+$0x0]  }
0x92: {  	s8 =	spop (v2sf)  }
0x93: {  	v49 =	vld [tilespmem:s8+$0x0]  }
0x94: {  	v50 =	vbroadcast v3, $0x8;
	_ =	sdelay $0x1  }
0x95: {  	v4 =	vmul.f32 v4, v50  }
0x96: {  	(v2sf) =	vpush v2, $0xA  }
0x97: {  	v4 =	vadd.f32 v4, v49;
	_ =	sdelay $0x1  }
0x98: {  	[tilespmem:s8+$0x0] =	vst v4  }
0x99: {  	v4 =	vld [tilespmem:s0+$0x10]  }
0x9a: {  	s9 =	spop (v2sf)  }
0x9b: {  	v51 =	vld [tilespmem:s9+$0x0]  }
0x9c: {  	v52 =	vbroadcast v3, $0x9;
	_ =	sdelay $0x1  }
0x9d: {  	v4 =	vmul.f32 v4, v52  }
0x9e: {  	(v2sf) =	vpush v2, $0xB  }
0x9f: {  	v4 =	vadd.f32 v4, v51;
	_ =	sdelay $0x1  }
0xa0: {  	[tilespmem:s9+$0x0] =	vst v4  }
0xa1: {  	v4 =	vld [tilespmem:s0+$0x20]  }
0xa2: {  	s11 =	spop (v2sf)  }
0xa3: {  	v53 =	vld [tilespmem:s11+$0x0]  }
0xa4: {  	v54 =	vbroadcast v3, $0xA;
	_ =	sdelay $0x1  }
0xa5: {  	v4 =	vmul.f32 v4, v54  }
0xa6: {  	(v2sf) =	vpush v2, $0xC  }
0xa7: {  	v4 =	vadd.f32 v4, v53;
	_ =	sdelay $0x1  }
0xa8: {  	[tilespmem:s11+$0x0] =	vst v4  }
0xa9: {  	v4 =	vld [tilespmem:s0+$0x30]  }
0xaa: {  	s30 =	spop (v2sf)  }
0xab: {  	v55 =	vld [tilespmem:s30+$0x0]  }
0xac: {  	v56 =	vbroadcast v3, $0xB;
	_ =	sdelay $0x1  }
0xad: {  	v4 =	vmul.f32 v4, v56  }
0xae: {  	(v2sf) =	vpush v2, $0xD  }
0xaf: {  	v4 =	vadd.f32 v4, v55;
	_ =	sdelay $0x1  }
0xb0: {  	[tilespmem:s30+$0x0] =	vst v4  }
0xb1: {  	v4 =	vld [tilespmem:s0+$0x40]  }
0xb2: {  	s8 =	spop (v2sf)  }
0xb3: {  	v57 =	vld [tilespmem:s8+$0x0]  }
0xb4: {  	v58 =	vbroadcast v3, $0xC;
	_ =	sdelay $0x1  }
0xb5: {  	v4 =	vmul.f32 v4, v58  }
0xb6: {  	(v2sf) =	vpush v2, $0xE  }
0xb7: {  	v4 =	vadd.f32 v4, v57;
	_ =	sdelay $0x1  }
0xb8: {  	[tilespmem:s8+$0x0] =	vst v4  }
0xb9: {  	v4 =	vld [tilespmem:s0+$0x50]  }
0xba: {  	s9 =	spop (v2sf)  }
0xbb: {  	v59 =	vld [tilespmem:s9+$0x0]  }
0xbc: {  	v60 =	vbroadcast v3, $0xD;
	_ =	sdelay $0x1  }
0xbd: {  	v4 =	vmul.f32 v4, v60  }
0xbe: {  	(v2sf) =	vpush v2, $0xF  }
0xbf: {  	v2 =	vadd.f32 v4, v59;
	_ =	sdelay $0x1  }
0xc0: {  	[tilespmem:s9+$0x0] =	vst v2  }
0xc1: {  	v2 =	vld [tilespmem:s0+$0x60]  }
0xc2: {  	s11 =	spop (v2sf)  }
0xc3: {  	v61 =	vld [tilespmem:s11+$0x0]  }
0xc4: {  	v62 =	vbroadcast v3, $0xE;
	_ =	sdelay $0x1  }
0xc5: {  	v2 =	vmul.f32 v2, v62;
	_ =	sdelay $0x1  }
0xc6: {  	v2 =	vadd.f32 v2, v61;
	_ =	sdelay $0x1  }
0xc7: {  	[tilespmem:s11+$0x0] =	vst v2  }
0xc8: {  	v2 =	vld [tilespmem:s0+$0x70]  }
0xc9: {  	s30 =	spop (v2sf)  }
0xca: {  	v63 =	vld [tilespmem:s30+$0x0]  }
0xcb: {  	v3 =	vbroadcast v3, $0xF;
	_ =	sdelay $0x1  }
0xcc: {  	v2 =	vmul.f32 v2, v3;
	_ =	sdelay $0x1  }
0xcd: {  	v2 =	vadd.f32 v2, v63;
	_ =	sdelay $0x1  }
0xce: {  	[tilespmem:s30+$0x0] =	vst v2  }
.LBB2_19:
0xcf: {  	s31 =	sadd.s32 $0x1, s31  }
0xd0: {  	p0 =	sne.s32 s31, $0x8  }
.Ltmp5:
0xd1: {  	_ = 	snop;
	(pc) =	sbr.rel @!p0 .LBB2_20-.Ltmp5, $1  }
0xd2: {  	_ =	sdelay $0x3  }
.LBB2_6:
0xd3: {  	s0 =	sand.u32 $0x1, s31  }
0xd4: {  	p0 =	seq.s32 s0, $0x1  }
.Ltmp6:
0xd5: {  	_ = 	snop;
	(pc) =	sbr.rel @!p0 .LBB2_7-.Ltmp6, $1  }
0xd6: {  	_ =	sdelay $0x3  }
0xd7: {  	p0 =	seq.s32 s31, $0x7  }
.Ltmp7:
0xd8: {  	_ = 	snop;
	(pc) =	sbr.rel @p0 .LBB2_16-.Ltmp7, $1  }
0xd9: {  	_ =	sdelay $0x3  }
0xda: {  	s0 =	sshll.u32 s31, $0xA  }
0xdb: {  	s0 =	sadd.s32 s0, s10  }
0xdc: {  	s0 =	sshrl.u32 s0, $0x3  }
0xdd: {  	s8 =	simm.s32 $0x0;
	s3 =	sadd.s32 s6, s0  }
0xde: {  	[tilespmem:s8], [sflag:$0x3] =	stream.linear.gather [hbm4b:s3+s8], $0x400, $0x38;
	[tilespmem:$0x9C00] =	vst v63  }
0xdf: {  	_ =	swait.ge [sflag:s13], $0x400  }
0xe0: {  	[sflag:s13] =	ssyncset.done $0x0  }
0xe1: {  	s11 =	sadd.s32 s1, s0;
	[sflag:s13] =	ssyncadd.s32 $0xFFFFFC00  }
0xe2: {  	[tilespmem:s14], [sflag:$0x3] =	stream.linear.gather [hbm4b:s11+s8], $0x400, $0x38;
	[tilespmem:$0x9C00] =	vst v63  }
0xe3: {  	_ =	swait.ge [sflag:s13], $0x400  }
0xe4: {  	[sflag:s13] =	ssyncset.done $0x0  }
0xe5: {  	s30 =	simm.s32 $0x1000;
	s0 =	sadd.s32 s2, s0;
	[sflag:s13] =	ssyncadd.s32 $0xFFFFFC00  }
0xe6: {  	[tilespmem:s30], [sflag:$0x3] =	stream.linear.gather [hbm4b:s0+s8], $0x400, $0x38;
	[tilespmem:$0x9C00] =	vst v63  }
0xe7: {  	_ =	swait.ge [sflag:s13], $0x400  }
0xe8: {  	[sflag:s13] =	ssyncset.done $0x0  }
0xe9: {  	s3 =	simm.s32 $0x40;
	s0 =	simm.s32 $0x0;
	[sflag:s13] =	ssyncadd.s32 $0xFFFFFC00  }
.LBB2_14:
0xea: {  	p0 =	sne.s32 s3, $0xFC0;
	v2 =	vld [tilespmem:s0+$0x800];
	_ =	sdelay $0x1  }
.Ltmp8:
0xeb: {  	(pc) =	sbr.rel @p0 .LBB2_14-.Ltmp8, $3  }
0xec: {  	_ =	sdelay $0x1  }
0xed: {  	v2 =	vadd.s32 v0, v2  }
0xee: {  	[tilespmem:s0+$0x800] =	vst v2;
	s0 =	sshra.s32 s3, $0x2;
	s3 =	sadd.s32 $0x40, s3  }
0xef: {  	v2 =	vld [tilespmem:s0+$0x800];
	_ =	sdelay $0x4  }
0xf0: {  	v2 =	vadd.s32 v0, v2  }
0xf1: {  	s11 =	simm.s32 $0x1800;
	[tilespmem:s0+$0x800] =	vst v2  }
0xf2: {  	[tilespmem:s11], [sflag:$0x1] =	stream.indirect.gather [hbm4b:s5+s16], $0x10, s14, s16, $0xb8;
	[tilespmem:$0x9C00] =	vst v63  }
0xf3: {  	s30 =	simm.s32 $0x880;
	s3 =	simm.s32 $0x2000  }
0xf4: {  	[tilespmem:s3], [sflag:$0x1] =	stream.indirect.gather [hbm4b:s5+s16], $0x10, s30, s16, $0xb8;
	[tilespmem:$0x9C00] =	vst v63  }
0xf5: {  	s8 =	simm.s32 $0x900;
	s9 =	simm.s32 $0x2800  }
0xf6: {  	[tilespmem:s9], [sflag:$0x1] =	stream.indirect.gather [hbm4b:s5+s16], $0x10, s8, s16, $0xb8;
	[tilespmem:$0x9C00] =	vst v63  }
0xf7: {  	s11 =	simm.s32 $0x980;
	s30 =	simm.s32 $0x3000  }
0xf8: {  	[tilespmem:s30], [sflag:$0x1] =	stream.indirect.gather [hbm4b:s5+s16], $0x10, s11, s16, $0xb8;
	[tilespmem:$0x9C00] =	vst v63  }
0xf9: {  	s8 =	simm.s32 $0xA00;
	s9 =	simm.s32 $0x3800  }
0xfa: {  	[tilespmem:s9], [sflag:$0x1] =	stream.indirect.gather [hbm4b:s5+s16], $0x10, s8, s16, $0xb8;
	[tilespmem:$0x9C00] =	vst v63  }
0xfb: {  	s11 =	simm.s32 $0xA80;
	s30 =	simm.s32 $0x4000  }
0xfc: {  	[tilespmem:s30], [sflag:$0x1] =	stream.indirect.gather [hbm4b:s5+s16], $0x10, s11, s16, $0xb8;
	[tilespmem:$0x9C00] =	vst v63  }
0xfd: {  	s8 =	simm.s32 $0xB00;
	s9 =	simm.s32 $0x4800  }
0xfe: {  	[tilespmem:s9], [sflag:$0x1] =	stream.indirect.gather [hbm4b:s5+s16], $0x10, s8, s16, $0xb8;
	[tilespmem:$0x9C00] =	vst v63  }
0xff: {  	s11 =	simm.s32 $0xB80;
	s30 =	simm.s32 $0x5000  }
0x100: {  	[tilespmem:s30], [sflag:$0x1] =	stream.indirect.gather [hbm4b:s5+s16], $0x10, s11, s16, $0xb8;
	[tilespmem:$0x9C00] =	vst v63  }
.LBB2_16:
0x101: {  	_ =	swait.ge [sflag:s4], $0x800  }
0x102: {  	[sflag:s4] =	ssyncset.done $0x0  }
0x103: {  	[sflag:s4] =	ssyncadd.s32 $0xFFFFF800  }
0x104: {  	_ =	swait.ge [sflag:s4], $0x800  }
0x105: {  	[sflag:s4] =	ssyncset.done $0x0  }
0x106: {  	[sflag:s4] =	ssyncadd.s32 $0xFFFFF800  }
0x107: {  	_ =	swait.ge [sflag:s4], $0x800  }
0x108: {  	[sflag:s4] =	ssyncset.done $0x0  }
0x109: {  	[sflag:s4] =	ssyncadd.s32 $0xFFFFF800  }
0x10a: {  	_ =	swait.ge [sflag:s4], $0x800  }
0x10b: {  	[sflag:s4] =	ssyncset.done $0x0  }
0x10c: {  	[sflag:s4] =	ssyncadd.s32 $0xFFFFF800  }
0x10d: {  	_ =	swait.ge [sflag:s4], $0x800  }
0x10e: {  	[sflag:s4] =	ssyncset.done $0x0  }
0x10f: {  	[sflag:s4] =	ssyncadd.s32 $0xFFFFF800  }
0x110: {  	_ =	swait.ge [sflag:s4], $0x800  }
0x111: {  	[sflag:s4] =	ssyncset.done $0x0  }
0x112: {  	[sflag:s4] =	ssyncadd.s32 $0xFFFFF800  }
0x113: {  	_ =	swait.ge [sflag:s4], $0x800  }
0x114: {  	[sflag:s4] =	ssyncset.done $0x0  }
0x115: {  	[sflag:s4] =	ssyncadd.s32 $0xFFFFF800  }
0x116: {  	_ =	swait.ge [sflag:s4], $0x800  }
0x117: {  	[sflag:s4] =	ssyncset.done $0x0  }
0x118: {  	s0 =	simm.s32 $0x400;
	[sflag:s4] =	ssyncadd.s32 $0xFFFFF800  }
0x119: {  	v2 =	vld [tilespmem:s0+$0x0];
	_ =	sdelay $0x4  }
0x11a: {  	v2 =	vshll.u32 v2, $0x6  }
0x11b: {  	v2 =	vshra.s32 v2, $0x2  }
0x11c: {  	v2 =	vadd.s32 $0x9800, v2  }
0x11d: {  	(v2sf) =	vpush v2, $0x0;
	_ =	sdelay $0x9  }
0x11e: {  	(v2sf) =	vpush v2, $0x1  }
0x11f: {  	s30 =	simm.s32 $0x1400  }
0x120: {  	v3 =	vld [tilespmem:s30+$0x0]  }
0x121: {  	s3 =	simm.s32 $0x0  }
0x122: {  	v4 =	vld [tilespmem:s3+$0x5800]  }
0x123: {  	s8 =	spop (v2sf)  }
0x124: {  	v5 =	vld [tilespmem:s8+$0x0]  }
0x125: {  	v6 =	vbroadcast v3, $0x0;
	_ =	sdelay $0x1  }
0x126: {  	v4 =	vmul.f32 v4, v6  }
0x127: {  	(v2sf) =	vpush v2, $0x2  }
0x128: {  	v4 =	vadd.f32 v4, v5;
	_ =	sdelay $0x1  }
0x129: {  	[tilespmem:s8+$0x0] =	vst v4  }
0x12a: {  	v4 =	vld [tilespmem:s3+$0x5810]  }
0x12b: {  	s9 =	spop (v2sf)  }
0x12c: {  	v35 =	vld [tilespmem:s9+$0x0]  }
0x12d: {  	v36 =	vbroadcast v3, $0x1;
	_ =	sdelay $0x1  }
0x12e: {  	v4 =	vmul.f32 v4, v36  }
0x12f: {  	(v2sf) =	vpush v2, $0x3  }
0x130: {  	v4 =	vadd.f32 v4, v35;
	_ =	sdelay $0x1  }
0x131: {  	[tilespmem:s9+$0x0] =	vst v4  }
0x132: {  	v4 =	vld [tilespmem:s3+$0x5820]  }
0x133: {  	s11 =	spop (v2sf)  }
0x134: {  	v37 =	vld [tilespmem:s11+$0x0]  }
0x135: {  	v38 =	vbroadcast v3, $0x2;
	_ =	sdelay $0x1  }
0x136: {  	v4 =	vmul.f32 v4, v38  }
0x137: {  	(v2sf) =	vpush v2, $0x4  }
0x138: {  	v4 =	vadd.f32 v4, v37;
	_ =	sdelay $0x1  }
0x139: {  	[tilespmem:s11+$0x0] =	vst v4  }
0x13a: {  	v4 =	vld [tilespmem:s3+$0x5830]  }
0x13b: {  	s9 =	spop (v2sf)  }
0x13c: {  	v39 =	vld [tilespmem:s9+$0x0]  }
0x13d: {  	v40 =	vbroadcast v3, $0x3;
	_ =	sdelay $0x1  }
0x13e: {  	v4 =	vmul.f32 v4, v40  }
0x13f: {  	(v2sf) =	vpush v2, $0x5  }
0x140: {  	v4 =	vadd.f32 v4, v39;
	_ =	sdelay $0x1  }
0x141: {  	[tilespmem:s9+$0x0] =	vst v4  }
0x142: {  	v4 =	vld [tilespmem:s3+$0x5840]  }
0x143: {  	s11 =	spop (v2sf)  }
0x144: {  	v41 =	vld [tilespmem:s11+$0x0]  }
0x145: {  	v42 =	vbroadcast v3, $0x4;
	_ =	sdelay $0x1  }
0x146: {  	v4 =	vmul.f32 v4, v42  }
0x147: {  	(v2sf) =	vpush v2, $0x6  }
0x148: {  	v4 =	vadd.f32 v4, v41;
	_ =	sdelay $0x1  }
0x149: {  	[tilespmem:s11+$0x0] =	vst v4  }
0x14a: {  	v4 =	vld [tilespmem:s3+$0x5850]  }
0x14b: {  	s9 =	spop (v2sf)  }
0x14c: {  	v43 =	vld [tilespmem:s9+$0x0]  }
0x14d: {  	v44 =	vbroadcast v3, $0x5;
	_ =	sdelay $0x1  }
0x14e: {  	v4 =	vmul.f32 v4, v44  }
0x14f: {  	(v2sf) =	vpush v2, $0x7  }
0x150: {  	v4 =	vadd.f32 v4, v43;
	_ =	sdelay $0x1  }
0x151: {  	[tilespmem:s9+$0x0] =	vst v4  }
0x152: {  	v4 =	vld [tilespmem:s3+$0x5860]  }
0x153: {  	s11 =	spop (v2sf)  }
0x154: {  	v45 =	vld [tilespmem:s11+$0x0]  }
0x155: {  	v46 =	vbroadcast v3, $0x6;
	_ =	sdelay $0x1  }
0x156: {  	v4 =	vmul.f32 v4, v46  }
0x157: {  	(v2sf) =	vpush v2, $0x8  }
0x158: {  	v4 =	vadd.f32 v4, v45;
	_ =	sdelay $0x1  }
0x159: {  	[tilespmem:s11+$0x0] =	vst v4  }
0x15a: {  	v4 =	vld [tilespmem:s3+$0x5870]  }
0x15b: {  	s9 =	spop (v2sf)  }
0x15c: {  	v47 =	vld [tilespmem:s9+$0x0]  }
0x15d: {  	v48 =	vbroadcast v3, $0x7;
	_ =	sdelay $0x1  }
0x15e: {  	v4 =	vmul.f32 v4, v48  }
0x15f: {  	(v2sf) =	vpush v2, $0x9  }
0x160: {  	v4 =	vadd.f32 v4, v47;
	_ =	sdelay $0x1  }
0x161: {  	[tilespmem:s9+$0x0] =	vst v4  }
0x162: {  	v4 =	vld [tilespmem:s3+$0x5880]  }
0x163: {  	s11 =	spop (v2sf)  }
0x164: {  	v49 =	vld [tilespmem:s11+$0x0]  }
0x165: {  	v50 =	vbroadcast v3, $0x8;
	_ =	sdelay $0x1  }
0x166: {  	v4 =	vmul.f32 v4, v50  }
0x167: {  	(v2sf) =	vpush v2, $0xA  }
0x168: {  	v4 =	vadd.f32 v4, v49;
	_ =	sdelay $0x1  }
0x169: {  	[tilespmem:s11+$0x0] =	vst v4  }
0x16a: {  	v4 =	vld [tilespmem:s3+$0x5890]  }
0x16b: {  	s9 =	spop (v2sf)  }
0x16c: {  	v51 =	vld [tilespmem:s9+$0x0]  }
0x16d: {  	v52 =	vbroadcast v3, $0x9;
	_ =	sdelay $0x1  }
0x16e: {  	v4 =	vmul.f32 v4, v52  }
0x16f: {  	(v2sf) =	vpush v2, $0xB  }
0x170: {  	v4 =	vadd.f32 v4, v51;
	_ =	sdelay $0x1  }
0x171: {  	[tilespmem:s9+$0x0] =	vst v4  }
0x172: {  	v4 =	vld [tilespmem:s3+$0x58A0]  }
0x173: {  	s11 =	spop (v2sf)  }
0x174: {  	v53 =	vld [tilespmem:s11+$0x0]  }
0x175: {  	v54 =	vbroadcast v3, $0xA;
	_ =	sdelay $0x1  }
0x176: {  	v4 =	vmul.f32 v4, v54  }
0x177: {  	(v2sf) =	vpush v2, $0xC  }
0x178: {  	v4 =	vadd.f32 v4, v53;
	_ =	sdelay $0x1  }
0x179: {  	[tilespmem:s11+$0x0] =	vst v4  }
0x17a: {  	v4 =	vld [tilespmem:s3+$0x58B0]  }
0x17b: {  	s9 =	spop (v2sf)  }
0x17c: {  	v55 =	vld [tilespmem:s9+$0x0]  }
0x17d: {  	v56 =	vbroadcast v3, $0xB;
	_ =	sdelay $0x1  }
0x17e: {  	v4 =	vmul.f32 v4, v56  }
0x17f: {  	(v2sf) =	vpush v2, $0xD  }
0x180: {  	v4 =	vadd.f32 v4, v55;
	_ =	sdelay $0x1  }
0x181: {  	[tilespmem:s9+$0x0] =	vst v4  }
0x182: {  	v4 =	vld [tilespmem:s3+$0x58C0]  }
0x183: {  	s11 =	spop (v2sf)  }
0x184: {  	v57 =	vld [tilespmem:s11+$0x0]  }
0x185: {  	v58 =	vbroadcast v3, $0xC;
	_ =	sdelay $0x1  }
0x186: {  	v4 =	vmul.f32 v4, v58  }
0x187: {  	(v2sf) =	vpush v2, $0xE  }
0x188: {  	v4 =	vadd.f32 v4, v57;
	_ =	sdelay $0x1  }
0x189: {  	[tilespmem:s11+$0x0] =	vst v4  }
0x18a: {  	v4 =	vld [tilespmem:s3+$0x58D0]  }
0x18b: {  	s9 =	spop (v2sf)  }
0x18c: {  	v59 =	vld [tilespmem:s9+$0x0]  }
0x18d: {  	v60 =	vbroadcast v3, $0xD;
	_ =	sdelay $0x1  }
0x18e: {  	v4 =	vmul.f32 v4, v60  }
0x18f: {  	(v2sf) =	vpush v2, $0xF  }
0x190: {  	v2 =	vadd.f32 v4, v59;
	_ =	sdelay $0x1  }
0x191: {  	[tilespmem:s9+$0x0] =	vst v2  }
0x192: {  	v2 =	vld [tilespmem:s3+$0x58E0]  }
0x193: {  	s11 =	spop (v2sf)  }
0x194: {  	v61 =	vld [tilespmem:s11+$0x0]  }
0x195: {  	v62 =	vbroadcast v3, $0xE;
	_ =	sdelay $0x1  }
0x196: {  	v2 =	vmul.f32 v2, v62;
	_ =	sdelay $0x1  }
0x197: {  	v2 =	vadd.f32 v2, v61;
	_ =	sdelay $0x1  }
0x198: {  	[tilespmem:s11+$0x0] =	vst v2  }
0x199: {  	v2 =	vld [tilespmem:s3+$0x58F0]  }
0x19a: {  	s8 =	spop (v2sf)  }
0x19b: {  	v63 =	vld [tilespmem:s8+$0x0]  }
0x19c: {  	v3 =	vbroadcast v3, $0xF;
	_ =	sdelay $0x1  }
0x19d: {  	v2 =	vmul.f32 v2, v3;
	_ =	sdelay $0x1  }
0x19e: {  	s3 =	simm.s32 $0x400;
	v2 =	vadd.f32 v2, v63  }
.LBB2_17:
0x19f: {  	_ = 	snop  }
0x1a0: {  	p0 =	sne.s32 s3, $0xFC00;
	s0 =	sadd.s32 $0x10, s0;
	s30 =	sadd.s32 $0x10, s30;
	[tilespmem:s8+$0x0] =	vst v2  }
0x1a1: {  	s8 =	smov.u32 s3;
	s3 =	sadd.s32 $0x400, s3;
	v2 =	vld [tilespmem:s0+$0x0];
	_ =	sdelay $0x4  }
0x1a2: {  	v2 =	vshll.u32 v2, $0x6  }
0x1a3: {  	v2 =	vshra.s32 v2, $0x2  }
0x1a4: {  	v3 =	vadd.s32 $0x9800, v2  }
0x1a5: {  	(v2sf) =	vpush v3, $0x0;
	_ =	sdelay $0x9  }
0x1a6: {  	(v2sf) =	vpush v3, $0x1;
	_ =	sdelay $0x1  }
0x1a7: {  	v2 =	vld [tilespmem:s30+$0x0]  }
0x1a8: {  	s8 =	sshra.s32 s8, $0x2  }
0x1a9: {  	v4 =	vld [tilespmem:s8+$0x5800]  }
0x1aa: {  	s9 =	spop (v2sf)  }
0x1ab: {  	v5 =	vld [tilespmem:s9+$0x0]  }
0x1ac: {  	v6 =	vbroadcast v2, $0x0;
	_ =	sdelay $0x1  }
0x1ad: {  	v4 =	vmul.f32 v4, v6  }
0x1ae: {  	(v2sf) =	vpush v3, $0x2  }
0x1af: {  	v4 =	vadd.f32 v4, v5;
	_ =	sdelay $0x1  }
0x1b0: {  	[tilespmem:s9+$0x0] =	vst v4  }
0x1b1: {  	v4 =	vld [tilespmem:s8+$0x5810]  }
0x1b2: {  	s9 =	spop (v2sf)  }
0x1b3: {  	v5 =	vld [tilespmem:s9+$0x0]  }
0x1b4: {  	v6 =	vbroadcast v2, $0x1;
	_ =	sdelay $0x1  }
0x1b5: {  	v4 =	vmul.f32 v4, v6  }
0x1b6: {  	(v2sf) =	vpush v3, $0x3  }
0x1b7: {  	v4 =	vadd.f32 v4, v5;
	_ =	sdelay $0x1  }
0x1b8: {  	[tilespmem:s9+$0x0] =	vst v4  }
0x1b9: {  	v4 =	vld [tilespmem:s8+$0x5820]  }
0x1ba: {  	s9 =	spop (v2sf)  }
0x1bb: {  	v5 =	vld [tilespmem:s9+$0x0]  }
0x1bc: {  	v6 =	vbroadcast v2, $0x2;
	_ =	sdelay $0x1  }
0x1bd: {  	v4 =	vmul.f32 v4, v6  }
0x1be: {  	(v2sf) =	vpush v3, $0x4  }
0x1bf: {  	v4 =	vadd.f32 v4, v5;
	_ =	sdelay $0x1  }
0x1c0: {  	[tilespmem:s9+$0x0] =	vst v4  }
0x1c1: {  	v4 =	vld [tilespmem:s8+$0x5830]  }
0x1c2: {  	s9 =	spop (v2sf)  }
0x1c3: {  	v5 =	vld [tilespmem:s9+$0x0]  }
0x1c4: {  	v6 =	vbroadcast v2, $0x3;
	_ =	sdelay $0x1  }
0x1c5: {  	v4 =	vmul.f32 v4, v6  }
0x1c6: {  	(v2sf) =	vpush v3, $0x5  }
0x1c7: {  	v4 =	vadd.f32 v4, v5;
	_ =	sdelay $0x1  }
0x1c8: {  	[tilespmem:s9+$0x0] =	vst v4  }
0x1c9: {  	v4 =	vld [tilespmem:s8+$0x5840]  }
0x1ca: {  	s9 =	spop (v2sf)  }
0x1cb: {  	v5 =	vld [tilespmem:s9+$0x0]  }
0x1cc: {  	v6 =	vbroadcast v2, $0x4;
	_ =	sdelay $0x1  }
0x1cd: {  	v4 =	vmul.f32 v4, v6  }
0x1ce: {  	(v2sf) =	vpush v3, $0x6  }
0x1cf: {  	v4 =	vadd.f32 v4, v5;
	_ =	sdelay $0x1  }
0x1d0: {  	[tilespmem:s9+$0x0] =	vst v4  }
0x1d1: {  	v4 =	vld [tilespmem:s8+$0x5850]  }
0x1d2: {  	s9 =	spop (v2sf)  }
0x1d3: {  	v5 =	vld [tilespmem:s9+$0x0]  }
0x1d4: {  	v6 =	vbroadcast v2, $0x5;
	_ =	sdelay $0x1  }
0x1d5: {  	v4 =	vmul.f32 v4, v6  }
0x1d6: {  	(v2sf) =	vpush v3, $0x7  }
0x1d7: {  	v4 =	vadd.f32 v4, v5;
	_ =	sdelay $0x1  }
0x1d8: {  	[tilespmem:s9+$0x0] =	vst v4  }
0x1d9: {  	v4 =	vld [tilespmem:s8+$0x5860]  }
0x1da: {  	s9 =	spop (v2sf)  }
0x1db: {  	v5 =	vld [tilespmem:s9+$0x0]  }
0x1dc: {  	v6 =	vbroadcast v2, $0x6;
	_ =	sdelay $0x1  }
0x1dd: {  	v4 =	vmul.f32 v4, v6  }
0x1de: {  	(v2sf) =	vpush v3, $0x8  }
0x1df: {  	v4 =	vadd.f32 v4, v5;
	_ =	sdelay $0x1  }
0x1e0: {  	[tilespmem:s9+$0x0] =	vst v4  }
0x1e1: {  	v4 =	vld [tilespmem:s8+$0x5870]  }
0x1e2: {  	s9 =	spop (v2sf)  }
0x1e3: {  	v5 =	vld [tilespmem:s9+$0x0]  }
0x1e4: {  	v6 =	vbroadcast v2, $0x7;
	_ =	sdelay $0x1  }
0x1e5: {  	v4 =	vmul.f32 v4, v6;
	(v2sf) =	vpush v3, $0x9;
	_ =	sdelay $0x1  }
0x1e6: {  	v4 =	vadd.f32 v4, v5;
	_ =	sdelay $0x1  }
0x1e7: {  	[tilespmem:s9+$0x0] =	vst v4  }
0x1e8: {  	v4 =	vld [tilespmem:s8+$0x5880]  }
0x1e9: {  	s9 =	spop (v2sf)  }
0x1ea: {  	v5 =	vld [tilespmem:s9+$0x0]  }
0x1eb: {  	v6 =	vbroadcast v2, $0x8;
	_ =	sdelay $0x1  }
0x1ec: {  	v4 =	vmul.f32 v4, v6;
	(v2sf) =	vpush v3, $0xA;
	_ =	sdelay $0x1  }
0x1ed: {  	v4 =	vadd.f32 v4, v5;
	_ =	sdelay $0x1  }
0x1ee: {  	[tilespmem:s9+$0x0] =	vst v4  }
0x1ef: {  	v4 =	vld [tilespmem:s8+$0x5890];
	s9 =	spop (v2sf)  }
0x1f0: {  	v5 =	vld [tilespmem:s9+$0x0];
	_ =	sdelay $0x1  }
0x1f1: {  	v6 =	vbroadcast v2, $0x9;
	_ =	sdelay $0x1  }
0x1f2: {  	v4 =	vmul.f32 v4, v6;
	(v2sf) =	vpush v3, $0xB;
	_ =	sdelay $0x1  }
0x1f3: {  	v4 =	vadd.f32 v4, v5;
	_ =	sdelay $0x1  }
0x1f4: {  	[tilespmem:s9+$0x0] =	vst v4  }
0x1f5: {  	v4 =	vld [tilespmem:s8+$0x58A0];
	s9 =	spop (v2sf)  }
0x1f6: {  	v5 =	vld [tilespmem:s9+$0x0];
	_ =	sdelay $0x1  }
0x1f7: {  	v6 =	vbroadcast v2, $0xA;
	_ =	sdelay $0x1  }
0x1f8: {  	v4 =	vmul.f32 v4, v6;
	(v2sf) =	vpush v3, $0xC;
	_ =	sdelay $0x1  }
0x1f9: {  	v4 =	vadd.f32 v4, v5;
	_ =	sdelay $0x1  }
0x1fa: {  	[tilespmem:s9+$0x0] =	vst v4  }
0x1fb: {  	v4 =	vld [tilespmem:s8+$0x58B0];
	s9 =	spop (v2sf)  }
0x1fc: {  	v5 =	vld [tilespmem:s9+$0x0];
	_ =	sdelay $0x1  }
0x1fd: {  	v6 =	vbroadcast v2, $0xB;
	_ =	sdelay $0x1  }
0x1fe: {  	v4 =	vmul.f32 v4, v6;
	(v2sf) =	vpush v3, $0xD;
	_ =	sdelay $0x1  }
0x1ff: {  	v4 =	vadd.f32 v4, v5;
	_ =	sdelay $0x1  }
0x200: {  	[tilespmem:s9+$0x0] =	vst v4  }
0x201: {  	v4 =	vld [tilespmem:s8+$0x58C0];
	s9 =	spop (v2sf)  }
0x202: {  	v5 =	vld [tilespmem:s9+$0x0];
	_ =	sdelay $0x1  }
0x203: {  	v6 =	vbroadcast v2, $0xC;
	_ =	sdelay $0x1  }
0x204: {  	v4 =	vmul.f32 v4, v6;
	(v2sf) =	vpush v3, $0xE;
	_ =	sdelay $0x1  }
0x205: {  	v4 =	vadd.f32 v4, v5;
	_ =	sdelay $0x1  }
0x206: {  	[tilespmem:s9+$0x0] =	vst v4  }
0x207: {  	v4 =	vld [tilespmem:s8+$0x58D0];
	s9 =	spop (v2sf)  }
0x208: {  	v5 =	vld [tilespmem:s9+$0x0];
	_ =	sdelay $0x1  }
0x209: {  	v6 =	vbroadcast v2, $0xD;
	_ =	sdelay $0x1  }
0x20a: {  	v4 =	vmul.f32 v4, v6;
	(v2sf) =	vpush v3, $0xF;
	_ =	sdelay $0x1  }
0x20b: {  	v3 =	vadd.f32 v4, v5;
	_ =	sdelay $0x1  }
0x20c: {  	[tilespmem:s9+$0x0] =	vst v3  }
0x20d: {  	v3 =	vld [tilespmem:s8+$0x58E0];
	s9 =	spop (v2sf)  }
0x20e: {  	v4 =	vld [tilespmem:s9+$0x0];
	_ =	sdelay $0x1  }
0x20f: {  	v5 =	vbroadcast v2, $0xE;
	_ =	sdelay $0x1  }
0x210: {  	v3 =	vmul.f32 v3, v5;
	_ =	sdelay $0x1  }
0x211: {  	v3 =	vadd.f32 v3, v4;
	_ =	sdelay $0x1  }
0x212: {  	[tilespmem:s9+$0x0] =	vst v3  }
0x213: {  	v3 =	vld [tilespmem:s8+$0x58F0];
	s8 =	spop (v2sf)  }
0x214: {  	v4 =	vld [tilespmem:s8+$0x0];
	_ =	sdelay $0x1  }
.Ltmp9:
0x215: {  	v2 =	vbroadcast v2, $0xF;
	(pc) =	sbr.rel @p0 .LBB2_17-.Ltmp9, $3  }
0x216: {  	_ = 	snop  }
0x217: {  	v2 =	vmul.f32 v3, v2;
	_ =	sdelay $0x1  }
0x218: {  	v2 =	vadd.f32 v2, v4  }
.Ltmp10:
0x219: {  	(pc) =	sbr.rel .LBB2_19-.Ltmp10, $2  }
0x21a: {  	_ =	sdelay $0x2  }
0x21b: {  	[tilespmem:s8+$0x0] =	vst v2  }
.LBB2_7:
0x21c: {  	s0 =	sshll.u32 s31, $0xA  }
0x21d: {  	s0 =	sadd.s32 s10, s0  }
0x21e: {  	s0 =	sshrl.u32 s0, $0x3  }
0x21f: {  	s8 =	simm.s32 $0x0;
	s9 =	simm.s32 $0x400;
	s3 =	sadd.s32 s6, s0  }
0x220: {  	[tilespmem:s9], [sflag:$0x3] =	stream.linear.gather [hbm4b:s3+s8], $0x400, $0x38;
	[tilespmem:$0x9C00] =	vst v63  }
0x221: {  	_ =	swait.ge [sflag:s13], $0x400  }
0x222: {  	[sflag:s13] =	ssyncset.done $0x0  }
0x223: {  	s11 =	sadd.s32 s1, s0;
	[sflag:s13] =	ssyncadd.s32 $0xFFFFFC00  }
0x224: {  	[tilespmem:s7], [sflag:$0x3] =	stream.linear.gather [hbm4b:s11+s8], $0x400, $0x38;
	[tilespmem:$0x9C00] =	vst v63  }
0x225: {  	_ =	swait.ge [sflag:s13], $0x400  }
0x226: {  	[sflag:s13] =	ssyncset.done $0x0  }
0x227: {  	s30 =	simm.s32 $0x1400;
	s0 =	sadd.s32 s2, s0;
	[sflag:s13] =	ssyncadd.s32 $0xFFFFFC00  }
0x228: {  	[tilespmem:s30], [sflag:$0x3] =	stream.linear.gather [hbm4b:s0+s8], $0x400, $0x38;
	[tilespmem:$0x9C00] =	vst v63  }
0x229: {  	_ =	swait.ge [sflag:s13], $0x400  }
0x22a: {  	[sflag:s13] =	ssyncset.done $0x0  }
0x22b: {  	s3 =	simm.s32 $0x40;
	s0 =	simm.s32 $0x0;
	[sflag:s13] =	ssyncadd.s32 $0xFFFFFC00  }
.LBB2_8:
0x22c: {  	p0 =	sne.s32 s3, $0xFC0;
	v2 =	vld [tilespmem:s0+$0xC00];
	_ =	sdelay $0x1  }
.Ltmp11:
0x22d: {  	(pc) =	sbr.rel @p0 .LBB2_8-.Ltmp11, $3  }
0x22e: {  	_ =	sdelay $0x1  }
0x22f: {  	v2 =	vadd.s32 v0, v2  }
0x230: {  	[tilespmem:s0+$0xC00] =	vst v2;
	s0 =	sshra.s32 s3, $0x2;
	s3 =	sadd.s32 $0x40, s3  }
0x231: {  	v2 =	vld [tilespmem:s0+$0xC00];
	_ =	sdelay $0x4  }
0x232: {  	v2 =	vadd.s32 v0, v2  }
0x233: {  	s11 =	simm.s32 $0x5800;
	[tilespmem:s0+$0xC00] =	vst v2  }
0x234: {  	[tilespmem:s11], [sflag:$0x2] =	stream.indirect.gather [hbm4b:s5+s16], $0x10, s7, s16, $0xb8;
	[tilespmem:$0x9C00] =	vst v63  }
0x235: {  	s3 =	simm.s32 $0xC80  }
0x236: {  	[tilespmem:s12], [sflag:$0x2] =	stream.indirect.gather [hbm4b:s5+s16], $0x10, s3, s16, $0xb8;
	[tilespmem:$0x9C00] =	vst v63  }
0x237: {  	_ = 	snop  }
0x238: {  	[tilespmem:s17], [sflag:$0x2] =	stream.indirect.gather [hbm4b:s5+s16], $0x10, s15, s16, $0xb8;
	[tilespmem:$0x9C00] =	vst v63  }
0x239: {  	_ = 	snop  }
0x23a: {  	[tilespmem:s19], [sflag:$0x2] =	stream.indirect.gather [hbm4b:s5+s16], $0x10, s18, s16, $0xb8;
	[tilespmem:$0x9C00] =	vst v63  }
0x23b: {  	_ = 	snop  }
0x23c: {  	[tilespmem:s21], [sflag:$0x2] =	stream.indirect.gather [hbm4b:s5+s16], $0x10, s20, s16, $0xb8;
	[tilespmem:$0x9C00] =	vst v63  }
0x23d: {  	_ = 	snop  }
0x23e: {  	[tilespmem:s23], [sflag:$0x2] =	stream.indirect.gather [hbm4b:s5+s16], $0x10, s22, s16, $0xb8;
	[tilespmem:$0x9C00] =	vst v63  }
0x23f: {  	_ = 	snop  }
0x240: {  	[tilespmem:s25], [sflag:$0x2] =	stream.indirect.gather [hbm4b:s5+s16], $0x10, s24, s16, $0xb8;
	[tilespmem:$0x9C00] =	vst v63  }
0x241: {  	_ = 	snop  }
0x242: {  	[tilespmem:s28], [sflag:$0x2] =	stream.indirect.gather [hbm4b:s5+s16], $0x10, s26, s16, $0xb8;
	[tilespmem:$0x9C00] =	vst v63  }
0x243: {  	_ =	swait.ge [sflag:s29], $0x800  }
0x244: {  	[sflag:s29] =	ssyncset.done $0x0  }
0x245: {  	[sflag:s29] =	ssyncadd.s32 $0xFFFFF800  }
0x246: {  	_ =	swait.ge [sflag:s29], $0x800  }
0x247: {  	[sflag:s29] =	ssyncset.done $0x0  }
0x248: {  	[sflag:s29] =	ssyncadd.s32 $0xFFFFF800  }
0x249: {  	_ =	swait.ge [sflag:s29], $0x800  }
0x24a: {  	[sflag:s29] =	ssyncset.done $0x0  }
0x24b: {  	[sflag:s29] =	ssyncadd.s32 $0xFFFFF800  }
0x24c: {  	_ =	swait.ge [sflag:s29], $0x800  }
0x24d: {  	[sflag:s29] =	ssyncset.done $0x0  }
0x24e: {  	[sflag:s29] =	ssyncadd.s32 $0xFFFFF800  }
0x24f: {  	_ =	swait.ge [sflag:s29], $0x800  }
0x250: {  	[sflag:s29] =	ssyncset.done $0x0  }
0x251: {  	[sflag:s29] =	ssyncadd.s32 $0xFFFFF800  }
0x252: {  	_ =	swait.ge [sflag:s29], $0x800  }
0x253: {  	[sflag:s29] =	ssyncset.done $0x0  }
0x254: {  	[sflag:s29] =	ssyncadd.s32 $0xFFFFF800  }
0x255: {  	_ =	swait.ge [sflag:s29], $0x800  }
0x256: {  	[sflag:s29] =	ssyncset.done $0x0  }
0x257: {  	[sflag:s29] =	ssyncadd.s32 $0xFFFFF800  }
0x258: {  	_ =	swait.ge [sflag:s29], $0x800  }
0x259: {  	[sflag:s29] =	ssyncset.done $0x0  }
0x25a: {  	s8 =	simm.s32 $0x0;
	[sflag:s29] =	ssyncadd.s32 $0xFFFFF800  }
0x25b: {  	v2 =	vld [tilespmem:s8+$0x0];
	_ =	sdelay $0x4  }
0x25c: {  	v2 =	vshll.u32 v2, $0x6  }
0x25d: {  	v2 =	vshra.s32 v2, $0x2  }
0x25e: {  	v2 =	vadd.s32 $0x9800, v2  }
0x25f: {  	(v2sf) =	vpush v2, $0x0;
	_ =	sdelay $0x9  }
0x260: {  	(v2sf) =	vpush v2, $0x1;
	_ =	sdelay $0x1  }
0x261: {  	v3 =	vld [tilespmem:s8+$0x1000]  }
0x262: {  	s0 =	simm.s32 $0x1880  }
0x263: {  	v4 =	vld [tilespmem:s0+$0xFFFFFF80]  }
0x264: {  	s3 =	spop (v2sf)  }
0x265: {  	v5 =	vld [tilespmem:s3+$0x0]  }
0x266: {  	v6 =	vbroadcast v3, $0x0;
	_ =	sdelay $0x1  }
0x267: {  	v4 =	vmul.f32 v4, v6  }
0x268: {  	(v2sf) =	vpush v2, $0x2  }
0x269: {  	v4 =	vadd.f32 v4, v5;
	_ =	sdelay $0x1  }
0x26a: {  	[tilespmem:s3+$0x0] =	vst v4  }
0x26b: {  	v4 =	vld [tilespmem:s0+$0xFFFFFF90]  }
0x26c: {  	s9 =	spop (v2sf)  }
0x26d: {  	v35 =	vld [tilespmem:s9+$0x0]  }
0x26e: {  	v36 =	vbroadcast v3, $0x1;
	_ =	sdelay $0x1  }
0x26f: {  	v4 =	vmul.f32 v4, v36  }
0x270: {  	(v2sf) =	vpush v2, $0x3  }
0x271: {  	v4 =	vadd.f32 v4, v35;
	_ =	sdelay $0x1  }
0x272: {  	[tilespmem:s9+$0x0] =	vst v4  }
0x273: {  	v4 =	vld [tilespmem:s0+$0xFFFFFFA0]  }
0x274: {  	s11 =	spop (v2sf)  }
0x275: {  	v37 =	vld [tilespmem:s11+$0x0]  }
0x276: {  	v38 =	vbroadcast v3, $0x2;
	_ =	sdelay $0x1  }
0x277: {  	v4 =	vmul.f32 v4, v38  }
0x278: {  	(v2sf) =	vpush v2, $0x4  }
0x279: {  	v4 =	vadd.f32 v4, v37;
	_ =	sdelay $0x1  }
0x27a: {  	[tilespmem:s11+$0x0] =	vst v4  }
0x27b: {  	v4 =	vld [tilespmem:s0+$0xFFFFFFB0]  }
0x27c: {  	s8 =	spop (v2sf)  }
0x27d: {  	v39 =	vld [tilespmem:s8+$0x0]  }
0x27e: {  	v40 =	vbroadcast v3, $0x3;
	_ =	sdelay $0x1  }
0x27f: {  	v4 =	vmul.f32 v4, v40  }
0x280: {  	(v2sf) =	vpush v2, $0x5  }
0x281: {  	v4 =	vadd.f32 v4, v39;
	_ =	sdelay $0x1  }
0x282: {  	[tilespmem:s8+$0x0] =	vst v4  }
0x283: {  	v4 =	vld [tilespmem:s0+$0xFFFFFFC0]  }
0x284: {  	s9 =	spop (v2sf)  }
0x285: {  	v41 =	vld [tilespmem:s9+$0x0]  }
0x286: {  	v42 =	vbroadcast v3, $0x4;
	_ =	sdelay $0x1  }
0x287: {  	v4 =	vmul.f32 v4, v42  }
0x288: {  	(v2sf) =	vpush v2, $0x6  }
0x289: {  	v4 =	vadd.f32 v4, v41;
	_ =	sdelay $0x1  }
0x28a: {  	[tilespmem:s9+$0x0] =	vst v4  }
0x28b: {  	v4 =	vld [tilespmem:s0+$0xFFFFFFD0]  }
0x28c: {  	s11 =	spop (v2sf)  }
0x28d: {  	v43 =	vld [tilespmem:s11+$0x0]  }
0x28e: {  	v44 =	vbroadcast v3, $0x5;
	_ =	sdelay $0x1  }
0x28f: {  	v4 =	vmul.f32 v4, v44  }
0x290: {  	(v2sf) =	vpush v2, $0x7  }
0x291: {  	v4 =	vadd.f32 v4, v43;
	_ =	sdelay $0x1  }
0x292: {  	[tilespmem:s11+$0x0] =	vst v4  }
0x293: {  	v4 =	vld [tilespmem:s0+$0xFFFFFFE0]  }
0x294: {  	s8 =	spop (v2sf)  }
0x295: {  	v45 =	vld [tilespmem:s8+$0x0]  }
0x296: {  	v46 =	vbroadcast v3, $0x6;
	_ =	sdelay $0x1  }
0x297: {  	v4 =	vmul.f32 v4, v46  }
0x298: {  	(v2sf) =	vpush v2, $0x8  }
0x299: {  	v4 =	vadd.f32 v4, v45;
	_ =	sdelay $0x1  }
0x29a: {  	[tilespmem:s8+$0x0] =	vst v4  }
0x29b: {  	v4 =	vld [tilespmem:s0+$0xFFFFFFF0]  }
0x29c: {  	s9 =	spop (v2sf)  }
0x29d: {  	v47 =	vld [tilespmem:s9+$0x0]  }
0x29e: {  	v48 =	vbroadcast v3, $0x7;
	_ =	sdelay $0x1  }
0x29f: {  	v4 =	vmul.f32 v4, v48  }
0x2a0: {  	(v2sf) =	vpush v2, $0x9  }
0x2a1: {  	v4 =	vadd.f32 v4, v47;
	_ =	sdelay $0x1  }
0x2a2: {  	[tilespmem:s9+$0x0] =	vst v4  }
0x2a3: {  	v4 =	vld [tilespmem:s0+$0x0]  }
0x2a4: {  	s11 =	spop (v2sf)  }
0x2a5: {  	v49 =	vld [tilespmem:s11+$0x0]  }
0x2a6: {  	v50 =	vbroadcast v3, $0x8;
	_ =	sdelay $0x1  }
0x2a7: {  	v4 =	vmul.f32 v4, v50  }
0x2a8: {  	(v2sf) =	vpush v2, $0xA  }
0x2a9: {  	v4 =	vadd.f32 v4, v49;
	_ =	sdelay $0x1  }
0x2aa: {  	[tilespmem:s11+$0x0] =	vst v4  }
0x2ab: {  	v4 =	vld [tilespmem:s0+$0x10]  }
0x2ac: {  	s8 =	spop (v2sf)  }
0x2ad: {  	v51 =	vld [tilespmem:s8+$0x0]  }
0x2ae: {  	v52 =	vbroadcast v3, $0x9;
	_ =	sdelay $0x1  }
0x2af: {  	v4 =	vmul.f32 v4, v52  }
0x2b0: {  	(v2sf) =	vpush v2, $0xB  }
0x2b1: {  	v4 =	vadd.f32 v4, v51;
	_ =	sdelay $0x1  }
0x2b2: {  	[tilespmem:s8+$0x0] =	vst v4  }
0x2b3: {  	v4 =	vld [tilespmem:s0+$0x20]  }
0x2b4: {  	s9 =	spop (v2sf)  }
0x2b5: {  	v53 =	vld [tilespmem:s9+$0x0]  }
0x2b6: {  	v54 =	vbroadcast v3, $0xA;
	_ =	sdelay $0x1  }
0x2b7: {  	v4 =	vmul.f32 v4, v54  }
0x2b8: {  	(v2sf) =	vpush v2, $0xC  }
0x2b9: {  	v4 =	vadd.f32 v4, v53;
	_ =	sdelay $0x1  }
0x2ba: {  	[tilespmem:s9+$0x0] =	vst v4  }
0x2bb: {  	v4 =	vld [tilespmem:s0+$0x30]  }
0x2bc: {  	s11 =	spop (v2sf)  }
0x2bd: {  	v55 =	vld [tilespmem:s11+$0x0]  }
0x2be: {  	v56 =	vbroadcast v3, $0xB;
	_ =	sdelay $0x1  }
0x2bf: {  	v4 =	vmul.f32 v4, v56  }
0x2c0: {  	(v2sf) =	vpush v2, $0xD  }
0x2c1: {  	v4 =	vadd.f32 v4, v55;
	_ =	sdelay $0x1  }
0x2c2: {  	[tilespmem:s11+$0x0] =	vst v4  }
0x2c3: {  	v4 =	vld [tilespmem:s0+$0x40]  }
0x2c4: {  	s8 =	spop (v2sf)  }
0x2c5: {  	v57 =	vld [tilespmem:s8+$0x0]  }
0x2c6: {  	v58 =	vbroadcast v3, $0xC;
	_ =	sdelay $0x1  }
0x2c7: {  	v4 =	vmul.f32 v4, v58  }
0x2c8: {  	(v2sf) =	vpush v2, $0xE  }
0x2c9: {  	v4 =	vadd.f32 v4, v57;
	_ =	sdelay $0x1  }
0x2ca: {  	[tilespmem:s8+$0x0] =	vst v4  }
0x2cb: {  	v4 =	vld [tilespmem:s0+$0x50]  }
0x2cc: {  	s9 =	spop (v2sf)  }
0x2cd: {  	v59 =	vld [tilespmem:s9+$0x0]  }
0x2ce: {  	v60 =	vbroadcast v3, $0xD;
	_ =	sdelay $0x1  }
0x2cf: {  	v4 =	vmul.f32 v4, v60  }
0x2d0: {  	(v2sf) =	vpush v2, $0xF  }
0x2d1: {  	v2 =	vadd.f32 v4, v59;
	_ =	sdelay $0x1  }
0x2d2: {  	[tilespmem:s9+$0x0] =	vst v2  }
0x2d3: {  	v2 =	vld [tilespmem:s0+$0x60]  }
0x2d4: {  	s11 =	spop (v2sf)  }
0x2d5: {  	v61 =	vld [tilespmem:s11+$0x0]  }
0x2d6: {  	v62 =	vbroadcast v3, $0xE;
	_ =	sdelay $0x1  }
0x2d7: {  	v2 =	vmul.f32 v2, v62;
	_ =	sdelay $0x1  }
0x2d8: {  	v2 =	vadd.f32 v2, v61;
	_ =	sdelay $0x1  }
0x2d9: {  	[tilespmem:s11+$0x0] =	vst v2  }
0x2da: {  	v2 =	vld [tilespmem:s0+$0x70]  }
0x2db: {  	s8 =	spop (v2sf)  }
0x2dc: {  	v63 =	vld [tilespmem:s8+$0x0]  }
0x2dd: {  	v3 =	vbroadcast v3, $0xF;
	_ =	sdelay $0x1  }
0x2de: {  	v2 =	vmul.f32 v2, v3;
	_ =	sdelay $0x1  }
0x2df: {  	s30 =	simm.s32 $0x80;
	s3 =	simm.s32 $0x40;
	v2 =	vadd.f32 v2, v63  }
.LBB2_10:
0x2e0: {  	s11 =	sshra.s32 s3, $0x2  }
0x2e1: {  	[tilespmem:s8+$0x0] =	vst v2;
	s0 =	sadd.s32 $0x100, s0;
	s3 =	smov.u32 s30;
	s9 =	sadd.s32 $0x40, s30  }
0x2e2: {  	p0 =	seq.s32 s30, $0xFC0;
	v2 =	vld [tilespmem:s11+$0x0];
	_ =	sdelay $0x4  }
0x2e3: {  	v2 =	vshll.u32 v2, $0x6  }
0x2e4: {  	v2 =	vshra.s32 v2, $0x2  }
0x2e5: {  	v3 =	vadd.s32 $0x9800, v2  }
0x2e6: {  	(v2sf) =	vpush v3, $0x0;
	_ =	sdelay $0x9  }
0x2e7: {  	(v2sf) =	vpush v3, $0x1;
	_ =	sdelay $0x1  }
0x2e8: {  	v2 =	vld [tilespmem:s11+$0x1000];
	_ =	sdelay $0x1  }
0x2e9: {  	v4 =	vld [tilespmem:s0+$0xFFFFFF80]  }
0x2ea: {  	s8 =	spop (v2sf)  }
0x2eb: {  	v5 =	vld [tilespmem:s8+$0x0]  }
0x2ec: {  	v6 =	vbroadcast v2, $0x0;
	_ =	sdelay $0x1  }
0x2ed: {  	v4 =	vmul.f32 v4, v6  }
0x2ee: {  	(v2sf) =	vpush v3, $0x2  }
0x2ef: {  	v4 =	vadd.f32 v4, v5;
	_ =	sdelay $0x1  }
0x2f0: {  	[tilespmem:s8+$0x0] =	vst v4  }
0x2f1: {  	v4 =	vld [tilespmem:s0+$0xFFFFFF90]  }
0x2f2: {  	s8 =	spop (v2sf)  }
0x2f3: {  	v5 =	vld [tilespmem:s8+$0x0]  }
0x2f4: {  	v6 =	vbroadcast v2, $0x1;
	_ =	sdelay $0x1  }
0x2f5: {  	v4 =	vmul.f32 v4, v6  }
0x2f6: {  	(v2sf) =	vpush v3, $0x3  }
0x2f7: {  	v4 =	vadd.f32 v4, v5;
	_ =	sdelay $0x1  }
0x2f8: {  	[tilespmem:s8+$0x0] =	vst v4  }
0x2f9: {  	v4 =	vld [tilespmem:s0+$0xFFFFFFA0]  }
0x2fa: {  	s8 =	spop (v2sf)  }
0x2fb: {  	v5 =	vld [tilespmem:s8+$0x0]  }
0x2fc: {  	v6 =	vbroadcast v2, $0x2;
	_ =	sdelay $0x1  }
0x2fd: {  	v4 =	vmul.f32 v4, v6  }
0x2fe: {  	(v2sf) =	vpush v3, $0x4  }
0x2ff: {  	v4 =	vadd.f32 v4, v5;
	_ =	sdelay $0x1  }
0x300: {  	[tilespmem:s8+$0x0] =	vst v4  }
0x301: {  	v4 =	vld [tilespmem:s0+$0xFFFFFFB0]  }
0x302: {  	s8 =	spop (v2sf)  }
0x303: {  	v5 =	vld [tilespmem:s8+$0x0]  }
0x304: {  	v6 =	vbroadcast v2, $0x3;
	_ =	sdelay $0x1  }
0x305: {  	v4 =	vmul.f32 v4, v6  }
0x306: {  	(v2sf) =	vpush v3, $0x5  }
0x307: {  	v4 =	vadd.f32 v4, v5;
	_ =	sdelay $0x1  }
0x308: {  	[tilespmem:s8+$0x0] =	vst v4  }
0x309: {  	v4 =	vld [tilespmem:s0+$0xFFFFFFC0]  }
0x30a: {  	s8 =	spop (v2sf)  }
0x30b: {  	v5 =	vld [tilespmem:s8+$0x0]  }
0x30c: {  	v6 =	vbroadcast v2, $0x4;
	_ =	sdelay $0x1  }
0x30d: {  	v4 =	vmul.f32 v4, v6  }
0x30e: {  	(v2sf) =	vpush v3, $0x6  }
0x30f: {  	v4 =	vadd.f32 v4, v5;
	_ =	sdelay $0x1  }
0x310: {  	[tilespmem:s8+$0x0] =	vst v4  }
0x311: {  	v4 =	vld [tilespmem:s0+$0xFFFFFFD0]  }
0x312: {  	s8 =	spop (v2sf)  }
0x313: {  	v5 =	vld [tilespmem:s8+$0x0]  }
0x314: {  	v6 =	vbroadcast v2, $0x5;
	_ =	sdelay $0x1  }
0x315: {  	v4 =	vmul.f32 v4, v6  }
0x316: {  	(v2sf) =	vpush v3, $0x7  }
0x317: {  	v4 =	vadd.f32 v4, v5;
	_ =	sdelay $0x1  }
0x318: {  	[tilespmem:s8+$0x0] =	vst v4  }
0x319: {  	v4 =	vld [tilespmem:s0+$0xFFFFFFE0]  }
0x31a: {  	s8 =	spop (v2sf)  }
0x31b: {  	v5 =	vld [tilespmem:s8+$0x0]  }
0x31c: {  	v6 =	vbroadcast v2, $0x6;
	_ =	sdelay $0x1  }
0x31d: {  	v4 =	vmul.f32 v4, v6  }
0x31e: {  	(v2sf) =	vpush v3, $0x8  }
0x31f: {  	v4 =	vadd.f32 v4, v5;
	_ =	sdelay $0x1  }
0x320: {  	[tilespmem:s8+$0x0] =	vst v4  }
0x321: {  	v4 =	vld [tilespmem:s0+$0xFFFFFFF0]  }
0x322: {  	s8 =	spop (v2sf)  }
0x323: {  	v5 =	vld [tilespmem:s8+$0x0]  }
0x324: {  	v6 =	vbroadcast v2, $0x7;
	_ =	sdelay $0x1  }
0x325: {  	v4 =	vmul.f32 v4, v6;
	(v2sf) =	vpush v3, $0x9;
	_ =	sdelay $0x1  }
0x326: {  	v4 =	vadd.f32 v4, v5;
	_ =	sdelay $0x1  }
0x327: {  	[tilespmem:s8+$0x0] =	vst v4  }
0x328: {  	v4 =	vld [tilespmem:s0+$0x0]  }
0x329: {  	s8 =	spop (v2sf)  }
0x32a: {  	v5 =	vld [tilespmem:s8+$0x0]  }
0x32b: {  	v6 =	vbroadcast v2, $0x8;
	_ =	sdelay $0x1  }
0x32c: {  	v4 =	vmul.f32 v4, v6;
	(v2sf) =	vpush v3, $0xA;
	_ =	sdelay $0x1  }
0x32d: {  	v4 =	vadd.f32 v4, v5;
	_ =	sdelay $0x1  }
0x32e: {  	[tilespmem:s8+$0x0] =	vst v4  }
0x32f: {  	v4 =	vld [tilespmem:s0+$0x10];
	s8 =	spop (v2sf)  }
0x330: {  	v5 =	vld [tilespmem:s8+$0x0];
	_ =	sdelay $0x1  }
0x331: {  	v6 =	vbroadcast v2, $0x9;
	_ =	sdelay $0x1  }
0x332: {  	v4 =	vmul.f32 v4, v6;
	(v2sf) =	vpush v3, $0xB;
	_ =	sdelay $0x1  }
0x333: {  	v4 =	vadd.f32 v4, v5;
	_ =	sdelay $0x1  }
0x334: {  	[tilespmem:s8+$0x0] =	vst v4  }
0x335: {  	v4 =	vld [tilespmem:s0+$0x20];
	s8 =	spop (v2sf)  }
0x336: {  	v5 =	vld [tilespmem:s8+$0x0];
	_ =	sdelay $0x1  }
0x337: {  	v6 =	vbroadcast v2, $0xA;
	_ =	sdelay $0x1  }
0x338: {  	v4 =	vmul.f32 v4, v6;
	(v2sf) =	vpush v3, $0xC;
	_ =	sdelay $0x1  }
0x339: {  	v4 =	vadd.f32 v4, v5;
	_ =	sdelay $0x1  }
0x33a: {  	[tilespmem:s8+$0x0] =	vst v4  }
0x33b: {  	v4 =	vld [tilespmem:s0+$0x30];
	s8 =	spop (v2sf)  }
0x33c: {  	v5 =	vld [tilespmem:s8+$0x0];
	_ =	sdelay $0x1  }
0x33d: {  	v6 =	vbroadcast v2, $0xB;
	_ =	sdelay $0x1  }
0x33e: {  	v4 =	vmul.f32 v4, v6;
	(v2sf) =	vpush v3, $0xD;
	_ =	sdelay $0x1  }
0x33f: {  	v4 =	vadd.f32 v4, v5;
	_ =	sdelay $0x1  }
0x340: {  	[tilespmem:s8+$0x0] =	vst v4  }
0x341: {  	v4 =	vld [tilespmem:s0+$0x40];
	s8 =	spop (v2sf)  }
0x342: {  	v5 =	vld [tilespmem:s8+$0x0];
	_ =	sdelay $0x1  }
0x343: {  	v6 =	vbroadcast v2, $0xC;
	_ =	sdelay $0x1  }
0x344: {  	v4 =	vmul.f32 v4, v6;
	(v2sf) =	vpush v3, $0xE;
	_ =	sdelay $0x1  }
0x345: {  	v4 =	vadd.f32 v4, v5;
	_ =	sdelay $0x1  }
0x346: {  	[tilespmem:s8+$0x0] =	vst v4  }
0x347: {  	v4 =	vld [tilespmem:s0+$0x50];
	s8 =	spop (v2sf)  }
0x348: {  	v5 =	vld [tilespmem:s8+$0x0];
	_ =	sdelay $0x1  }
0x349: {  	v6 =	vbroadcast v2, $0xD;
	_ =	sdelay $0x1  }
0x34a: {  	v4 =	vmul.f32 v4, v6;
	(v2sf) =	vpush v3, $0xF;
	_ =	sdelay $0x1  }
0x34b: {  	v3 =	vadd.f32 v4, v5;
	_ =	sdelay $0x1  }
0x34c: {  	[tilespmem:s8+$0x0] =	vst v3  }
0x34d: {  	v3 =	vld [tilespmem:s0+$0x60];
	s8 =	spop (v2sf)  }
0x34e: {  	v4 =	vld [tilespmem:s8+$0x0];
	_ =	sdelay $0x1  }
0x34f: {  	v5 =	vbroadcast v2, $0xE;
	_ =	sdelay $0x1  }
0x350: {  	v3 =	vmul.f32 v3, v5;
	_ =	sdelay $0x1  }
0x351: {  	v3 =	vadd.f32 v3, v4;
	_ =	sdelay $0x1  }
0x352: {  	[tilespmem:s8+$0x0] =	vst v3  }
0x353: {  	v3 =	vld [tilespmem:s0+$0x70];
	s8 =	spop (v2sf)  }
0x354: {  	v4 =	vld [tilespmem:s8+$0x0];
	_ =	sdelay $0x1  }
.Ltmp12:
0x355: {  	v2 =	vbroadcast v2, $0xF;
	(pc) =	sbr.rel @!p0 .LBB2_10-.Ltmp12, $3  }
0x356: {  	_ = 	snop  }
0x357: {  	v2 =	vmul.f32 v3, v2;
	_ =	sdelay $0x1  }
0x358: {  	s30 =	smov.u32 s9;
	v2 =	vadd.f32 v2, v4  }
.Ltmp13:
0x359: {  	_ = 	snop;
	(pc) =	sbr.rel .LBB2_11-.Ltmp13, $1  }
0x35a: {  	_ =	sdelay $0x3  }
.LBB2_21:
0x35b: {  	_ =	sfence.sel $0x180000  }
0x35c: {  	[bflag:$0x0] =	sbarrier.arrive $0xFFFF  }
0x35d: {  	_ =	strace $0x9000004A  }
0x35e: {  	s0 =	stileid.u32;
	[bflag:$0x2] =	sbarrier.arrive $0xFFFF  }
0x35f: {  	p0 =	sne.s32 s0, $0x0;
	s0 =	rddreg [dreg:$0x3]  }
0x360: {  	s0 =	sadd.s32 @!p0 $0x100000, s0  }
0x361: {  	[sflag:s0] =	ssyncadd.tile.s32 @!p0 $0x1;
	_ =	shalt  }
.Lfunc_end2:
_tile_overlayer_lowered:
.L_overlay_start_2:
0x362: {  	(tag) =	ssettag $0x2  }
0x363: {  	s0 =	rddreg [dreg:$0x0];
	s2 =	stileid.u32  }
0x364: {  	s1 =	rddreg [dreg:$0x1];
	p0 =	sne.s32 s2, $0x0  }
0x365: {  	s3 =	rddreg [dreg:$0x2];
	[bflag:$0x3] =	sbarrier.arrive $0xFFFF;
	s2 =	simm.s32 @!p0 $0x1C03  }
0x366: {  	[timem:s3], [sflag:s2] =	dma.local @!p0 [hbm:s0], s1  }
0x367: {  	s0 =	simm.s32 @!p0 $0x3  }
0x368: {  	_ =	swait.ge @!p0 [sflag:s0], s1  }
0x369: {  	s1 =	ssub.s32 @!p0 $0x0, s1;
	[sflag:s0] =	ssyncset.done @!p0 $0x0  }
0x36a: {  	[sflag:s0] =	ssyncadd.s32 @!p0 s1  }
0x36b: {  	[bflag:$0x3] =	sbarrier.arrive $0xFFFF  }
0x36c: {  	_ =	shalt  }

</sc_bundles>
